<compile_context>
chip_gen: v7x
topology: tpu7x:2x2x1
jax: 0.10.2.dev20260603
libtpu: 0.0.44.dev20260713+nightly
codegen_flags: <defaults>
</compile_context>

<pallas_src>
import jax
import jax.numpy as jnp
from jax import lax
from jax.experimental import pallas as pl
from jax.experimental.pallas import tpu as pltpu
from jax.experimental.pallas import tpu_sc as plsc

N = 10000
E = 320000
E2 = 160000
ENH = 80000
ET = E + ENH
IN_F = 128
OUT_F = 128
NREL = 16
ALPHA = 0.2

NC, NS, LANES = 2, 16, 16
NW = NC * NS
FPT = OUT_F // NW
CH = 4000
WCH = 2000
UNROLL = 5
WUNROLL = 5
NB = 1000

_SC_PARAMS = pltpu.CompilerParams(needs_layout_passes=False)


def _prep_body(x_ref, A1T, A2T, B1T, B2T, a2T, na2T,
               u_ref, v_ref, u2_ref, v2_ref, p_ref, q_ref, p2_ref, q2_ref):
    xb = x_ref[...]
    u = jnp.dot(xb, A1T[...], preferred_element_type=jnp.float32)
    v = jnp.dot(xb, A2T[...], preferred_element_type=jnp.float32)
    u2 = jnp.dot(xb, B1T[...], preferred_element_type=jnp.float32)
    v2 = jnp.dot(xb, B2T[...], preferred_element_type=jnp.float32)
    u_ref[...] = u
    v_ref[...] = v
    u2_ref[...] = u2
    v2_ref[...] = v2
    p_ref[...] = jnp.dot(u, a2T[...], preferred_element_type=jnp.float32)
    q_ref[...] = jnp.dot(v, a2T[...], preferred_element_type=jnp.float32)
    p2_ref[...] = jnp.dot(u2, na2T[...], preferred_element_type=jnp.float32)
    q2_ref[...] = jnp.dot(v2, na2T[...], preferred_element_type=jnp.float32)


def _node_prep(x, A1T, A2T, B1T, B2T, a2T, na2T):
    nblk = N // NB
    big = jax.ShapeDtypeStruct((N, OUT_F), jnp.float32)
    small = jax.ShapeDtypeStruct((N, 1), jnp.float32)
    wspec = pl.BlockSpec((IN_F, OUT_F), lambda i: (0, 0))
    vspec = pl.BlockSpec((IN_F, 1), lambda i: (0, 0))
    return pl.pallas_call(
        _prep_body,
        grid=(nblk,),
        in_specs=[pl.BlockSpec((NB, IN_F), lambda i: (i, 0)),
                  wspec, wspec, wspec, wspec, vspec, vspec],
        out_specs=[pl.BlockSpec((NB, OUT_F), lambda i: (i, 0))] * 4
                  + [pl.BlockSpec((NB, 1), lambda i: (i, 0))] * 4,
        out_shape=[big, big, big, big, small, small, small, small],
    )(x, A1T, A2T, B1T, B2T, a2T, na2T)


def _r1_body(eeT_ref, A3_ref, a2_ref, r_ref):
    w3 = jnp.dot(a2_ref[...], A3_ref[...], preferred_element_type=jnp.float32)
    r_ref[...] = jnp.dot(w3, eeT_ref[...], preferred_element_type=jnp.float32)


def _edge_r1(eeT, A3, a2):
    BE = 16000
    return pl.pallas_call(
        _r1_body,
        grid=(ET // BE,),
        in_specs=[pl.BlockSpec((NREL, BE), lambda i: (0, i)),
                  pl.BlockSpec((OUT_F, NREL), lambda i: (0, 0)),
                  pl.BlockSpec((1, OUT_F), lambda i: (0, 0))],
        out_specs=pl.BlockSpec((1, BE), lambda i: (0, i)),
        out_shape=jax.ShapeDtypeStruct((1, ET), jnp.float32),
    )(eeT, A3, a2)


def _r2_body(neeT_ref, oth_ref, B3_ref, B4_ref, na2_ref, r_ref):
    w3 = jnp.dot(na2_ref[...], B3_ref[...], preferred_element_type=jnp.float32)
    w4 = jnp.dot(na2_ref[...], B4_ref[...], preferred_element_type=jnp.float32)
    r_ref[...] = (jnp.dot(w3, neeT_ref[...], preferred_element_type=jnp.float32)
                  + jnp.dot(w4, oth_ref[...], preferred_element_type=jnp.float32))


def _edge_r2(neeT, otherM, B3, B4, na2):
    BE = 16000
    return pl.pallas_call(
        _r2_body,
        grid=(E2 // BE,),
        in_specs=[pl.BlockSpec((NREL, BE), lambda i: (0, i)),
                  pl.BlockSpec((4, BE), lambda i: (0, i)),
                  pl.BlockSpec((OUT_F, NREL), lambda i: (0, 0)),
                  pl.BlockSpec((OUT_F, 4), lambda i: (0, 0)),
                  pl.BlockSpec((1, OUT_F), lambda i: (0, 0))],
        out_specs=pl.BlockSpec((1, BE), lambda i: (0, i)),
        out_shape=jax.ShapeDtypeStruct((1, E2), jnp.float32),
    )(neeT, otherM, B3, B4, na2)


def _sc_weights_body(src1, dst1, r1, p1, q1, src2, dst2, r2, p2, q2,
                     w1_out, w2_out, p_v, q_v, sb, db, rb, wb):
    wid = lax.axis_index("s") * NC + lax.axis_index("c")

    def do_branch(nE, src_h, dst_h, r_h, p_h, q_h, w_out):
        nchunks = nE // WCH
        count = jnp.where(wid < nchunks % NW, nchunks // NW + 1, nchunks // NW)
        pltpu.sync_copy(p_h, p_v)
        pltpu.sync_copy(q_h, q_v)

        def chunk_body(k, _):
            base = (wid + NW * k) * WCH
            pltpu.sync_copy(src_h.at[pl.ds(base, WCH)], sb)
            pltpu.sync_copy(dst_h.at[pl.ds(base, WCH)], db)
            pltpu.sync_copy(r_h.at[pl.ds(base, WCH)], rb)

            def body(i, _):
                for k2 in range(WUNROLL):
                    off = i * (WUNROLL * LANES) + k2 * LANES
                    sidx = sb[pl.ds(off, LANES)]
                    didx = db[pl.ds(off, LANES)]
                    rv = rb[pl.ds(off, LANES)]
                    s = (plsc.load_gather(p_v, [sidx])
                         + plsc.load_gather(q_v, [didx]) + rv)
                    wb[pl.ds(off, LANES)] = jnp.exp(
                        -jnp.where(s > 0, s, ALPHA * s))
                return 0

            lax.fori_loop(0, WCH // (WUNROLL * LANES), body, 0)
            pltpu.sync_copy(wb, w_out.at[pl.ds(base, WCH)])
            return 0

        lax.fori_loop(0, count, chunk_body, 0)

    do_branch(ET, src1, dst1, r1, p1, q1, w1_out)
    do_branch(E2, src2, dst2, r2, p2, q2, w2_out)


def _sc_weights(src1, dst1, r1, p1, q1, src2, dst2, r2, p2, q2):
    mesh = plsc.VectorSubcoreMesh(core_axis_name="c", subcore_axis_name="s",
                                  num_cores=NC, num_subcores=NS)
    out_type = (jax.ShapeDtypeStruct((ET,), jnp.float32),
                jax.ShapeDtypeStruct((E2,), jnp.float32))
    scratch = [
        pltpu.VMEM((N,), jnp.float32),
        pltpu.VMEM((N,), jnp.float32),
        pltpu.VMEM((WCH,), jnp.int32),
        pltpu.VMEM((WCH,), jnp.int32),
        pltpu.VMEM((WCH,), jnp.float32),
        pltpu.VMEM((WCH,), jnp.float32),
    ]
    return pl.kernel(
        _sc_weights_body,
        out_type=out_type,
        mesh=mesh,
        scratch_types=scratch,
        compiler_params=_SC_PARAMS,
    )(src1, dst1, r1, p1, q1, src2, dst2, r2, p2, q2)


def _zero_vmem(ref, nwords):
    z = jnp.zeros((LANES,), jnp.float32)

    def body(i, _):
        ref[pl.ds(i * LANES, LANES)] = z
        return 0

    lax.fori_loop(0, nwords // LANES, body, 0)


def _sc_branch(wid, nE, src_h, dst_h, w_h, extra_h, extra_base,
               vS_h, S2_out, t16_out, t4_out, rs_out, rs_row,
               n_t4, v_v, acc4, acc1, sbuf, dbuf, wbuf, ebuf, sems):
    has_ee = wid < 16
    is_rs = wid == 16
    has_t4 = jnp.logical_and(wid >= 17, wid < 17 + n_t4)
    has_extra = jnp.logical_or(has_ee, jnp.logical_or(is_rs, has_t4))
    has_stream = jnp.logical_and(has_extra, jnp.logical_not(is_rs))
    erow_off = jnp.where(has_ee, wid * nE,
                         jnp.where(has_t4, extra_base + (wid - 17) * nE, 0))

    pltpu.sync_copy(vS_h.at[wid], v_v)
    _zero_vmem(acc4, N * FPT)
    _zero_vmem(acc1, N)

    nchunks = nE // CH

    def _copies(c, slot):
        base = c * CH
        boff = slot * CH
        cps = [pltpu.make_async_copy(src_h.at[pl.ds(base, CH)],
                                     sbuf.at[pl.ds(boff, CH)], sems.at[0, slot]),
               pltpu.make_async_copy(dst_h.at[pl.ds(base, CH)],
                                     dbuf.at[pl.ds(boff, CH)], sems.at[1, slot]),
               pltpu.make_async_copy(w_h.at[pl.ds(base, CH)],
                                     wbuf.at[pl.ds(boff, CH)], sems.at[2, slot])]
        ecp = pltpu.make_async_copy(extra_h.at[pl.ds(erow_off + base, CH)],
                                    ebuf.at[pl.ds(boff, CH)], sems.at[3, slot])
        return cps, ecp

    def _start(c, slot):
        cps, ecp = _copies(c, slot)
        for cp in cps:
            cp.start()

        @pl.when(has_stream)
        def _():
            ecp.start()

    def _wait(c, slot):
        cps, ecp = _copies(c, slot)
        for cp in cps:
            cp.wait()

        @pl.when(has_stream)
        def _():
            ecp.wait()

    is_rs_b = lax.broadcast(is_rs, (LANES,))
    has_extra_b = lax.broadcast(has_extra, (LANES,))
    ones = jnp.ones((LANES,), jnp.float32)

    def _process(slot):
        boff = slot * CH

        def body(i, _):
            for k in range(UNROLL):
                off = boff + i * (UNROLL * LANES) + k * LANES
                sidx = sbuf[pl.ds(off, LANES)]
                didx = dbuf[pl.ds(off, LANES)]
                w = wbuf[pl.ds(off, LANES)]
                for fp in range(FPT // 2):
                    pw = plsc.load_gather(v_v, [didx + fp * N])
                    c0, c1 = plsc.unpack(plsc.bitcast(pw, jnp.bfloat16),
                                         format=plsc.PackFormat.INTERLEAVED)
                    plsc.addupdate_scatter(acc4, [sidx + (2 * fp) * N],
                                           w * c0)
                    plsc.addupdate_scatter(acc4, [sidx + (2 * fp + 1) * N],
                                           w * c1)
                ev = ebuf[pl.ds(off, LANES)]
                em = jnp.where(is_rs_b, ones, ev)
                plsc.addupdate_scatter(acc1, [sidx], w * em, mask=has_extra_b)
            return 0

        lax.fori_loop(0, CH // (UNROLL * LANES), body, 0)

    _start(0, 0)

    def outer(c2, _):
        ca = 2 * c2
        _wait(ca, 0)
        _start(ca + 1, 1)
        _process(0)
        _wait(ca + 1, 1)

        @pl.when(ca + 2 < nchunks)
        def _():
            _start(ca + 2, 0)

        _process(1)
        return 0

    lax.fori_loop(0, nchunks // 2, outer, 0)

    pltpu.sync_copy(acc4, S2_out.at[wid])

    @pl.when(has_ee)
    def _():
        pltpu.sync_copy(acc1, t16_out.at[wid])

    @pl.when(is_rs)
    def _():
        pltpu.sync_copy(acc1, rs_out.at[rs_row])

    @pl.when(has_t4)
    def _():
        pltpu.sync_copy(acc1, t4_out.at[wid - 17])


def _sc_kernel_body(src1, dst1, w1, ee_s, vS1,
                    src2, dst2, w2, nee_s, vS2,
                    S2a, S2b, t16a, t16b, t4, rs,
                    v_v, acc4, acc1, sbuf, dbuf, wbuf, ebuf, sems):
    wid = lax.axis_index("s") * NC + lax.axis_index("c")
    _sc_branch(wid, ET, src1, dst1, w1, ee_s, 0,
               vS1, S2a, t16a, t4, rs, 0,
               0, v_v, acc4, acc1, sbuf, dbuf, wbuf, ebuf, sems)
    _sc_branch(wid, E2, src2, dst2, w2, nee_s, 16 * E2,
               vS2, S2b, t16b, t4, rs, 1,
               4, v_v, acc4, acc1, sbuf, dbuf, wbuf, ebuf, sems)


def _sc_aggregate(src1, dst1, w1, ee_s, vS1,
                  src2, dst2, w2, nee_s, vS2):
    mesh = plsc.VectorSubcoreMesh(core_axis_name="c", subcore_axis_name="s",
                                  num_cores=NC, num_subcores=NS)
    out_type = (
        jax.ShapeDtypeStruct((NW, N * FPT), jnp.float32),
        jax.ShapeDtypeStruct((NW, N * FPT), jnp.float32),
        jax.ShapeDtypeStruct((16, N), jnp.float32),
        jax.ShapeDtypeStruct((16, N), jnp.float32),
        jax.ShapeDtypeStruct((4, N), jnp.float32),
        jax.ShapeDtypeStruct((2, N), jnp.float32),
    )
    scratch = [
        pltpu.VMEM((N * FPT // 2,), jnp.int32),
        pltpu.VMEM((N * FPT,), jnp.float32),
        pltpu.VMEM((N,), jnp.float32),
        pltpu.VMEM((2 * CH,), jnp.int32),
        pltpu.VMEM((2 * CH,), jnp.int32),
        pltpu.VMEM((2 * CH,), jnp.float32),
        pltpu.VMEM((2 * CH,), jnp.float32),
        pltpu.SemaphoreType.DMA((4, 2)),
    ]
    return pl.kernel(
        _sc_kernel_body,
        out_type=out_type,
        mesh=mesh,
        scratch_types=scratch,
        compiler_params=_SC_PARAMS,
    )(src1, dst1, w1, ee_s, vS1,
      src2, dst2, w2, nee_s, vS2)


def _final_body(u_ref, S2_ref, t16_ref, rs_ref, A3T_ref,
                u2_ref, S2b_ref, t16b_ref, t4_ref, rs2_ref, B3T_ref, B4T_ref,
                o1_ref, o2_ref):
    rs = rs_ref[...]
    h = (rs * u_ref[...] + S2_ref[...]
         + jnp.dot(t16_ref[...], A3T_ref[...], preferred_element_type=jnp.float32))
    h = h / jnp.where(rs == 0.0, 1e-12, rs)
    o1_ref[...] = jnp.where(h > 0, h, jnp.exp(h) - 1.0)
    rs2 = rs2_ref[...]
    h2 = (rs2 * u2_ref[...] + S2b_ref[...]
          + jnp.dot(t16b_ref[...], B3T_ref[...], preferred_element_type=jnp.float32)
          + jnp.dot(t4_ref[...], B4T_ref[...], preferred_element_type=jnp.float32))
    h2 = h2 / jnp.where(rs2 == 0.0, 1e-12, rs2)
    o2_ref[...] = jnp.where(h2 > 0, h2, jnp.exp(h2) - 1.0)


def _finalize(u, S2, t16, rs1, A3T, u2, S2b, t16b, t4, rs2, B3T, B4T):
    nblk = N // NB
    blk = lambda w: pl.BlockSpec((NB, w), lambda i: (i, 0))
    full = lambda s0, s1: pl.BlockSpec((s0, s1), lambda i: (0, 0))
    out = jax.ShapeDtypeStruct((N, OUT_F), jnp.float32)
    return pl.pallas_call(
        _final_body,
        grid=(nblk,),
        in_specs=[blk(OUT_F), blk(OUT_F), blk(NREL), blk(1), full(NREL, OUT_F),
                  blk(OUT_F), blk(OUT_F), blk(NREL), blk(4), blk(1),
                  full(NREL, OUT_F), full(4, OUT_F)],
        out_specs=[blk(OUT_F), blk(OUT_F)],
        out_shape=[out, out],
    )(u, S2, t16, rs1, A3T, u2, S2b, t16b, t4, rs2, B3T, B4T)


def kernel(input, edge, new_edge, edge_embed, new_edge_embed, new_edge_other,
           edge_list_nhop, edge_embed_nhop, a, new_a, a_2, new_a_2):
    x = input
    A1T = a[:, :IN_F].T
    A2T = a[:, IN_F:2 * IN_F].T
    A3 = a[:, 2 * IN_F:]
    B1T = new_a[:, :IN_F].T
    B2T = new_a[:, IN_F:2 * IN_F].T
    B3 = new_a[:, 2 * IN_F:2 * IN_F + NREL]
    B4 = new_a[:, 2 * IN_F + NREL:]
    a2T = a_2.T
    na2T = new_a_2.T

    src1 = jnp.concatenate([edge[0], edge_list_nhop[0]])
    dst1 = jnp.concatenate([edge[1], edge_list_nhop[1]])
    src2, dst2 = new_edge[0], new_edge[1]
    eeT = jnp.concatenate([edge_embed, edge_embed_nhop], axis=0).T
    neeT = new_edge_embed.T
    otherM = new_edge_other

    u, v, u2, v2, p1, q1, p2, q2 = _node_prep(x, A1T, A2T, B1T, B2T, a2T, na2T)

    r1 = _edge_r1(eeT, A3, a_2).reshape(ET)
    r2 = _edge_r2(neeT, otherM, B3, B4, new_a_2).reshape(E2)

    w1, w2 = _sc_weights(src1, dst1, r1, p1.reshape(N), q1.reshape(N),
                         src2, dst2, r2, p2.reshape(N), q2.reshape(N))

    def _pack_pairs(vm):
        vt = vm.T.astype(jnp.bfloat16)
        vpair = jnp.swapaxes(vt.reshape(OUT_F // 2, 2, N), 1, 2)
        vwords = jax.lax.bitcast_convert_type(vpair, jnp.int32)
        return vwords.reshape(NW, (FPT // 2) * N)

    vS1 = _pack_pairs(v)
    vS2 = _pack_pairs(v2)

    ee_s = eeT.reshape(16 * ET)
    nee_s = jnp.concatenate([neeT.reshape(16 * E2), otherM.reshape(4 * E2)])

    S2a, S2b, t16a, t16b, t4, rs = _sc_aggregate(
        src1, dst1, w1, ee_s, vS1,
        src2, dst2, w2, nee_s, vS2)

    S2a_r = S2a.reshape(OUT_F, N).T
    S2b_r = S2b.reshape(OUT_F, N).T
    t16a_r = t16a.T
    t16b_r = t16b.T
    t4_r = t4.T
    rs1 = rs[0].reshape(N, 1)
    rs2 = rs[1].reshape(N, 1)

    out1, out2 = _finalize(u, S2a_r, t16a_r, rs1, A3.T,
                           u2, S2b_r, t16b_r, t4_r, rs2, B3.T, B4.T)
    return (out1, out2)

# --- scband reference (transcript-rebuilt; emitter-appended) ---
"""Pipeline reference for scband-sp-graph-attention-layer-53807350284813 (READ-ONLY COPY).

The authoritative reference and input builder live on the scoring server;
editing this copy changes nothing except your own understanding.
"""

import jax, jax.numpy as jnp
import numpy as np

N = 10000
E = 320000
E2 = 160000
ENH = 80000
IN_F = 128
OUT_F = 128
NREL = 16
ALPHA = 0.2


def setup_inputs(seed: int = 0) -> dict:
    key = jax.random.key(seed)
    ks = jax.random.split(key, 12)
    inp = {}
    inp["input"] = jax.random.normal(ks[0], (N, IN_F), dtype=jnp.float32)
    inp["edge"] = jax.random.randint(ks[1], (2, E), 0, N, dtype=jnp.int32)
    inp["new_edge"] = jax.random.randint(ks[2], (2, E2), 0, N, dtype=jnp.int32)
    inp["edge_embed"] = jax.random.normal(ks[3], (E, NREL), dtype=jnp.float32)
    inp["new_edge_embed"] = jax.random.normal(ks[4], (E2, NREL), dtype=jnp.float32)
    inp["new_edge_other"] = jax.random.normal(ks[5], (4, E2), dtype=jnp.float32)
    inp["edge_list_nhop"] = jax.random.randint(ks[6], (2, ENH), 0, N, dtype=jnp.int32)
    inp["edge_embed_nhop"] = jax.random.normal(ks[7], (ENH, NREL), dtype=jnp.float32)
    # learned parameters (xavier-ish scaled)
    inp["a"] = jax.random.normal(ks[8], (OUT_F, 2 * IN_F + NREL), dtype=jnp.float32) * 0.1
    inp["new_a"] = jax.random.normal(ks[9], (OUT_F, 2 * IN_F + NREL + 4), dtype=jnp.float32) * 0.1
    inp["a_2"] = jax.random.normal(ks[10], (1, OUT_F), dtype=jnp.float32) * 0.01
    inp["new_a_2"] = jax.random.normal(ks[11], (1, OUT_F), dtype=jnp.float32) * 0.01
    return inp


def reference(input, edge, new_edge, edge_embed, new_edge_embed, new_edge_other,
              edge_list_nhop, edge_embed_nhop, a, new_a, a_2, new_a_2):
    Nn = input.shape[0]
    # edge_list_nhop has leading dim 2 (non-empty), so the torch branch concatenates
    edge_all = jnp.concatenate([edge, edge_list_nhop], axis=1)
    ee_all = jnp.concatenate([edge_embed, edge_embed_nhop], axis=0)

    edge_h = jnp.concatenate([input[edge_all[0], :], input[edge_all[1], :], ee_all], axis=1).T
    new_edge_h = jnp.concatenate([input[new_edge[0], :], input[new_edge[1], :],
                                  new_edge_embed, new_edge_other.T], axis=1).T

    edge_m = a @ edge_h                    # [OUT_F, E_tot]
    new_edge_m = new_a @ new_edge_h        # [OUT_F, E2]

    powers = -jax.nn.leaky_relu((a_2 @ edge_m).squeeze(), negative_slope=ALPHA)
    new_powers = -jax.nn.leaky_relu((new_a_2 @ new_edge_m).squeeze(), negative_slope=ALPHA)

    edge_e = jnp.exp(powers)               # [E_tot]
    new_edge_e = jnp.exp(new_powers)       # [E2]

    # SpecialSpmmFinal == scatter-add (segment_sum) over source node edge[0]
    e_rowsum = jax.ops.segment_sum(edge_e[:, None], edge_all[0], num_segments=Nn)
    new_e_rowsum = jax.ops.segment_sum(new_edge_e[:, None], new_edge[0], num_segments=Nn)
    e_rowsum = jnp.where(e_rowsum == 0.0, 1e-12, e_rowsum)
    new_e_rowsum = jnp.where(new_e_rowsum == 0.0, 1e-12, new_e_rowsum)

    # dropout(p=0.0) is identity
    edge_w = (edge_e * edge_m).T           # [E_tot, OUT_F]
    new_edge_w = (new_edge_e * new_edge_m).T

    h_prime = jax.ops.segment_sum(edge_w, edge_all[0], num_segments=Nn)
    new_h_prime = jax.ops.segment_sum(new_edge_w, new_edge[0], num_segments=Nn)

    h_prime = h_prime / e_rowsum
    new_h_prime = new_h_prime / new_e_rowsum

    # concat=True -> ELU
    return (jax.nn.elu(h_prime), jax.nn.elu(new_h_prime))

if __name__ == "__main__":
    import jax
    _d = setup_inputs()
    print(jax.jit(kernel)(*tuple(_d.values())))

</pallas_src>

<mosaic_0001>
#map = affine_map<(d0, d1) -> (0)>
module attributes {stable_mosaic.version = 14 : i64} {
  func.func @_sc_weights_body(%arg0: i32, %arg1: i32, %arg2: memref<400000xi32, #tpu.memory_space<hbm>>, %arg3: memref<400000xi32, #tpu.memory_space<hbm>>, %arg4: memref<400000xf32, #tpu.memory_space<hbm>>, %arg5: memref<10000xf32, #tpu.memory_space<hbm>>, %arg6: memref<10000xf32, #tpu.memory_space<hbm>>, %arg7: memref<160000xi32, #tpu.memory_space<hbm>>, %arg8: memref<160000xi32, #tpu.memory_space<hbm>>, %arg9: memref<160000xf32, #tpu.memory_space<hbm>>, %arg10: memref<10000xf32, #tpu.memory_space<hbm>>, %arg11: memref<10000xf32, #tpu.memory_space<hbm>>, %arg12: memref<400000xf32, #tpu.memory_space<hbm>>, %arg13: memref<160000xf32, #tpu.memory_space<hbm>>, %arg14: memref<10000xf32, #tpu.memory_space<vmem>>, %arg15: memref<10000xf32, #tpu.memory_space<vmem>>, %arg16: memref<2000xi32, #tpu.memory_space<vmem>>, %arg17: memref<2000xi32, #tpu.memory_space<vmem>>, %arg18: memref<2000xf32, #tpu.memory_space<vmem>>, %arg19: memref<2000xf32, #tpu.memory_space<vmem>>) attributes {dimension_semantics = [#tpu.dimension_semantics<core_parallel>, #tpu.dimension_semantics<subcore_parallel>], iteration_bounds = array<i64: 2, 16>, scalar_prefetch = 0 : i64, scratch_operands = 6 : i64, tpu.core_type = #tpu.core_type<sc_vector_subcore>, window_params = [{transform_indices = #map}, {transform_indices = #map}, {transform_indices = #map}, {transform_indices = #map}, {transform_indices = #map}, {transform_indices = #map}, {transform_indices = #map}, {transform_indices = #map}, {transform_indices = #map}, {transform_indices = #map}, {transform_indices = #map}, {transform_indices = #map}]} {
    %mul3A = arith.constant 2 : i32
    %mul3A_0 = arith.muli %arg1, %mul3A : i32
    %add3A = arith.addi %mul3A_0, %arg0 : i32
    %lt3A = arith.constant 8 : i32
    %lt3A_1 = arith.cmpi slt, %add3A, %lt3A : i32
    %jit3A = arith.constant 7 : i32
    %jit3A_2 = arith.constant 6 : i32
    %select_n3A = arith.select %lt3A_1, %jit3A, %jit3A_2 : i32
    "tpu.region"() ({
      %run_scoped3A = tpu.sem_alloc : memref<!tpu.dma_semaphore, #tpu.memory_space<semaphore_mem>>
      tpu.enqueue_dma source(%arg5 : memref<10000xf32, #tpu.memory_space<hbm>>) target(%arg14 : memref<10000xf32, #tpu.memory_space<vmem>>) target_semaphore(%run_scoped3A : memref<!tpu.dma_semaphore, #tpu.memory_space<semaphore_mem>>)
      tpu.wait_dma2 semaphore(%run_scoped3A : memref<!tpu.dma_semaphore, #tpu.memory_space<semaphore_mem>>) src(%arg5 : memref<10000xf32, #tpu.memory_space<hbm>>) dst(%arg14 : memref<10000xf32, #tpu.memory_space<vmem>>)
      tpu.yield
    }) : () -> ()
    "tpu.region"() ({
      %run_scoped3A = tpu.sem_alloc : memref<!tpu.dma_semaphore, #tpu.memory_space<semaphore_mem>>
      tpu.enqueue_dma source(%arg6 : memref<10000xf32, #tpu.memory_space<hbm>>) target(%arg15 : memref<10000xf32, #tpu.memory_space<vmem>>) target_semaphore(%run_scoped3A : memref<!tpu.dma_semaphore, #tpu.memory_space<semaphore_mem>>)
      tpu.wait_dma2 semaphore(%run_scoped3A : memref<!tpu.dma_semaphore, #tpu.memory_space<semaphore_mem>>) src(%arg6 : memref<10000xf32, #tpu.memory_space<hbm>>) dst(%arg15 : memref<10000xf32, #tpu.memory_space<vmem>>)
      tpu.yield
    }) : () -> ()
    %while3A = arith.constant 0 : i32
    %while3A_3 = arith.constant 0 : i32
    %while3A_4 = arith.subi %select_n3A, %while3A : i32
    %while3A_5 = arith.addi %while3A, %while3A_4 : i32
    %while3A_6 = arith.constant 1 : i32
    %while3A_7 = arith.divsi %while3A_4, %while3A_6 : i32
    %while3A_8 = arith.muli %while3A_7, %while3A_6 : i32
    %while3A_9 = arith.addi %while3A, %while3A_8 : i32
    %while3A_10 = arith.constant 1 : i32
    %while3A_11 = scf.for %while3A_31 = %while3A to %while3A_9 step %while3A_10 iter_args(%while3A_32 = %while3A_3) -> (i32)  : i32 {
      %mul3A_33 = arith.constant 32 : i32
      %mul3A_34 = arith.muli %mul3A_33, %while3A_31 : i32
      %add3A_35 = arith.addi %add3A, %mul3A_34 : i32
      %mul3A_36 = arith.constant 2000 : i32
      %mul3A_37 = arith.muli %add3A_35, %mul3A_36 : i32
      "tpu.region"() ({
        %run_scoped3A = tpu.sem_alloc : memref<!tpu.dma_semaphore, #tpu.memory_space<semaphore_mem>>
        %dma_start3A = tpu.memref_slice %arg2[%mul3A_37] : memref<400000xi32, #tpu.memory_space<hbm>> -> memref<2000xi32, #tpu.memory_space<hbm>>
        %dma_start3A_45 = tpu.memref_slice %arg2[%mul3A_37] : memref<400000xi32, #tpu.memory_space<hbm>> -> memref<2000xi32, #tpu.memory_space<hbm>>
        tpu.enqueue_dma source(%dma_start3A_45 : memref<2000xi32, #tpu.memory_space<hbm>>) target(%arg16 : memref<2000xi32, #tpu.memory_space<vmem>>) target_semaphore(%run_scoped3A : memref<!tpu.dma_semaphore, #tpu.memory_space<semaphore_mem>>)
        %dma_wait3A = tpu.memref_slice %arg2[%mul3A_37] : memref<400000xi32, #tpu.memory_space<hbm>> -> memref<2000xi32, #tpu.memory_space<hbm>>
        %dma_wait3A_46 = tpu.memref_slice %arg2[%mul3A_37] : memref<400000xi32, #tpu.memory_space<hbm>> -> memref<2000xi32, #tpu.memory_space<hbm>>
        tpu.wait_dma2 semaphore(%run_scoped3A : memref<!tpu.dma_semaphore, #tpu.memory_space<semaphore_mem>>) src(%dma_wait3A_46 : memref<2000xi32, #tpu.memory_space<hbm>>) dst(%arg16 : memref<2000xi32, #tpu.memory_space<vmem>>)
        tpu.yield
      }) : () -> ()
      "tpu.region"() ({
        %run_scoped3A = tpu.sem_alloc : memref<!tpu.dma_semaphore, #tpu.memory_space<semaphore_mem>>
        %dma_start3A = tpu.memref_slice %arg3[%mul3A_37] : memref<400000xi32, #tpu.memory_space<hbm>> -> memref<2000xi32, #tpu.memory_space<hbm>>
        %dma_start3A_45 = tpu.memref_slice %arg3[%mul3A_37] : memref<400000xi32, #tpu.memory_space<hbm>> -> memref<2000xi32, #tpu.memory_space<hbm>>
        tpu.enqueue_dma source(%dma_start3A_45 : memref<2000xi32, #tpu.memory_space<hbm>>) target(%arg17 : memref<2000xi32, #tpu.memory_space<vmem>>) target_semaphore(%run_scoped3A : memref<!tpu.dma_semaphore, #tpu.memory_space<semaphore_mem>>)
        %dma_wait3A = tpu.memref_slice %arg3[%mul3A_37] : memref<400000xi32, #tpu.memory_space<hbm>> -> memref<2000xi32, #tpu.memory_space<hbm>>
        %dma_wait3A_46 = tpu.memref_slice %arg3[%mul3A_37] : memref<400000xi32, #tpu.memory_space<hbm>> -> memref<2000xi32, #tpu.memory_space<hbm>>
        tpu.wait_dma2 semaphore(%run_scoped3A : memref<!tpu.dma_semaphore, #tpu.memory_space<semaphore_mem>>) src(%dma_wait3A_46 : memref<2000xi32, #tpu.memory_space<hbm>>) dst(%arg17 : memref<2000xi32, #tpu.memory_space<vmem>>)
        tpu.yield
      }) : () -> ()
      "tpu.region"() ({
        %run_scoped3A = tpu.sem_alloc : memref<!tpu.dma_semaphore, #tpu.memory_space<semaphore_mem>>
        %dma_start3A = tpu.memref_slice %arg4[%mul3A_37] : memref<400000xf32, #tpu.memory_space<hbm>> -> memref<2000xf32, #tpu.memory_space<hbm>>
        %dma_start3A_45 = tpu.memref_slice %arg4[%mul3A_37] : memref<400000xf32, #tpu.memory_space<hbm>> -> memref<2000xf32, #tpu.memory_space<hbm>>
        tpu.enqueue_dma source(%dma_start3A_45 : memref<2000xf32, #tpu.memory_space<hbm>>) target(%arg18 : memref<2000xf32, #tpu.memory_space<vmem>>) target_semaphore(%run_scoped3A : memref<!tpu.dma_semaphore, #tpu.memory_space<semaphore_mem>>)
        %dma_wait3A = tpu.memref_slice %arg4[%mul3A_37] : memref<400000xf32, #tpu.memory_space<hbm>> -> memref<2000xf32, #tpu.memory_space<hbm>>
        %dma_wait3A_46 = tpu.memref_slice %arg4[%mul3A_37] : memref<400000xf32, #tpu.memory_space<hbm>> -> memref<2000xf32, #tpu.memory_space<hbm>>
        tpu.wait_dma2 semaphore(%run_scoped3A : memref<!tpu.dma_semaphore, #tpu.memory_space<semaphore_mem>>) src(%dma_wait3A_46 : memref<2000xf32, #tpu.memory_space<hbm>>) dst(%arg18 : memref<2000xf32, #tpu.memory_space<vmem>>)
        tpu.yield
      }) : () -> ()
      %scan3A = arith.constant 0 : i32
      %scan3A_38 = arith.constant 0 : i32
      %scan3A_39 = arith.constant 25 : i32
      %scan3A_40 = arith.addi %scan3A_38, %scan3A_39 : i32
      %scan3A_41 = arith.constant 1 : i32
      %scan3A_42 = scf.for %scan3A_45 = %scan3A_38 to %scan3A_40 step %scan3A_41 iter_args(%scan3A_46 = %scan3A) -> (i32)  : i32 {
        %mul3A_47 = arith.constant 80 : i32
        %mul3A_48 = arith.muli %scan3A_45, %mul3A_47 : i32
        %add3A_49 = arith.constant 0 : i32
        %add3A_50 = arith.addi %mul3A_48, %add3A_49 : i32
        %get3A = arith.index_cast %add3A_50 : i32 to index
        %get3A_51 = tpu.vector_load %arg16[%get3A] {strides = array<i32>} : memref<2000xi32, #tpu.memory_space<vmem>>, vector<16xi32>,
        %get3A_52 = arith.index_cast %add3A_50 : i32 to index
        %get3A_53 = tpu.vector_load %arg17[%get3A_52] {strides = array<i32>} : memref<2000xi32, #tpu.memory_space<vmem>>, vector<16xi32>,
        %get3A_54 = arith.index_cast %add3A_50 : i32 to index
        %get3A_55 = tpu.vector_load %arg18[%get3A_54] {strides = array<i32>} : memref<2000xf32, #tpu.memory_space<vmem>>, vector<16xf32>,
        %gather3A = tpu.vector_load_idx %arg14[%get3A_51] : memref<10000xf32, #tpu.memory_space<vmem>>[vector<16xi32>], vector<16xf32>,
        %gather3A_56 = tpu.vector_load_idx %arg15[%get3A_53] : memref<10000xf32, #tpu.memory_space<vmem>>[vector<16xi32>], vector<16xf32>,
        %add3A_57 = arith.addf %gather3A, %gather3A_56 : vector<16xf32>
        %add3A_58 = arith.addf %add3A_57, %get3A_55 : vector<16xf32>
        %gt3A = arith.constant 0.000000e+00 : f32
        %gt3A_59 = vector.broadcast %gt3A : f32 to vector<16xf32>
        %gt3A_60 = arith.cmpf ogt, %add3A_58, %gt3A_59 : vector<16xf32>
        %mul3A_61 = arith.constant 2.000000e-01 : f32
        %mul3A_62 = vector.broadcast %mul3A_61 : f32 to vector<16xf32>
        %mul3A_63 = arith.mulf %mul3A_62, %add3A_58 : vector<16xf32>
        %select_n3A_64 = arith.select %gt3A_60, %add3A_58, %mul3A_63 : vector<16xi1>, vector<16xf32>
        %neg3A = arith.constant 0.000000e+00 : f32
        %neg3A_65 = vector.broadcast %neg3A : f32 to vector<16xf32>
        %neg3A_66 = arith.subf %neg3A_65, %select_n3A_64 : vector<16xf32>
        %exp3A = math.exp %neg3A_66 : vector<16xf32>
        %swap3A = arith.index_cast %add3A_50 : i32 to index
        %swap3A_67 = tpu.vector_load %arg19[%swap3A] {strides = array<i32>} : memref<2000xf32, #tpu.memory_space<vmem>>, vector<16xf32>,
        tpu.vector_store %arg19[%swap3A], %exp3A {strides = array<i32>} : memref<2000xf32, #tpu.memory_space<vmem>>, vector<16xf32>,
        %mul3A_68 = arith.constant 80 : i32
        %mul3A_69 = arith.muli %scan3A_45, %mul3A_68 : i32
        %add3A_70 = arith.constant 16 : i32
        %add3A_71 = arith.addi %mul3A_69, %add3A_70 : i32
        %get3A_72 = arith.index_cast %add3A_71 : i32 to index
        %get3A_73 = tpu.vector_load %arg16[%get3A_72] {strides = array<i32>} : memref<2000xi32, #tpu.memory_space<vmem>>, vector<16xi32>,
        %get3A_74 = arith.index_cast %add3A_71 : i32 to index
        %get3A_75 = tpu.vector_load %arg17[%get3A_74] {strides = array<i32>} : memref<2000xi32, #tpu.memory_space<vmem>>, vector<16xi32>,
        %get3A_76 = arith.index_cast %add3A_71 : i32 to index
        %get3A_77 = tpu.vector_load %arg18[%get3A_76] {strides = array<i32>} : memref<2000xf32, #tpu.memory_space<vmem>>, vector<16xf32>,
        %gather3A_78 = tpu.vector_load_idx %arg14[%get3A_73] : memref<10000xf32, #tpu.memory_space<vmem>>[vector<16xi32>], vector<16xf32>,
        %gather3A_79 = tpu.vector_load_idx %arg15[%get3A_75] : memref<10000xf32, #tpu.memory_space<vmem>>[vector<16xi32>], vector<16xf32>,
        %add3A_80 = arith.addf %gather3A_78, %gather3A_79 : vector<16xf32>
        %add3A_81 = arith.addf %add3A_80, %get3A_77 : vector<16xf32>
        %gt3A_82 = arith.constant 0.000000e+00 : f32
        %gt3A_83 = vector.broadcast %gt3A_82 : f32 to vector<16xf32>
        %gt3A_84 = arith.cmpf ogt, %add3A_81, %gt3A_83 : vector<16xf32>
        %mul3A_85 = arith.constant 2.000000e-01 : f32
        %mul3A_86 = vector.broadcast %mul3A_85 : f32 to vector<16xf32>
        %mul3A_87 = arith.mulf %mul3A_86, %add3A_81 : vector<16xf32>
        %select_n3A_88 = arith.select %gt3A_84, %add3A_81, %mul3A_87 : vector<16xi1>, vector<16xf32>
        %neg3A_89 = arith.constant 0.000000e+00 : f32
        %neg3A_90 = vector.broadcast %neg3A_89 : f32 to vector<16xf32>
        %neg3A_91 = arith.subf %neg3A_90, %select_n3A_88 : vector<16xf32>
        %exp3A_92 = math.exp %neg3A_91 : vector<16xf32>
        %swap3A_93 = arith.index_cast %add3A_71 : i32 to index
        %swap3A_94 = tpu.vector_load %arg19[%swap3A_93] {strides = array<i32>} : memref<2000xf32, #tpu.memory_space<vmem>>, vector<16xf32>,
        tpu.vector_store %arg19[%swap3A_93], %exp3A_92 {strides = array<i32>} : memref<2000xf32, #tpu.memory_space<vmem>>, vector<16xf32>,
        %mul3A_95 = arith.constant 80 : i32
        %mul3A_96 = arith.muli %scan3A_45, %mul3A_95 : i32
        %add3A_97 = arith.constant 32 : i32
        %add3A_98 = arith.addi %mul3A_96, %add3A_97 : i32
        %get3A_99 = arith.index_cast %add3A_98 : i32 to index
        %get3A_100 = tpu.vector_load %arg16[%get3A_99] {strides = array<i32>} : memref<2000xi32, #tpu.memory_space<vmem>>, vector<16xi32>,
        %get3A_101 = arith.index_cast %add3A_98 : i32 to index
        %get3A_102 = tpu.vector_load %arg17[%get3A_101] {strides = array<i32>} : memref<2000xi32, #tpu.memory_space<vmem>>, vector<16xi32>,
        %get3A_103 = arith.index_cast %add3A_98 : i32 to index
        %get3A_104 = tpu.vector_load %arg18[%get3A_103] {strides = array<i32>} : memref<2000xf32, #tpu.memory_space<vmem>>, vector<16xf32>,
        %gather3A_105 = tpu.vector_load_idx %arg14[%get3A_100] : memref<10000xf32, #tpu.memory_space<vmem>>[vector<16xi32>], vector<16xf32>,
        %gather3A_106 = tpu.vector_load_idx %arg15[%get3A_102] : memref<10000xf32, #tpu.memory_space<vmem>>[vector<16xi32>], vector<16xf32>,
        %add3A_107 = arith.addf %gather3A_105, %gather3A_106 : vector<16xf32>
        %add3A_108 = arith.addf %add3A_107, %get3A_104 : vector<16xf32>
        %gt3A_109 = arith.constant 0.000000e+00 : f32
        %gt3A_110 = vector.broadcast %gt3A_109 : f32 to vector<16xf32>
        %gt3A_111 = arith.cmpf ogt, %add3A_108, %gt3A_110 : vector<16xf32>
        %mul3A_112 = arith.constant 2.000000e-01 : f32
        %mul3A_113 = vector.broadcast %mul3A_112 : f32 to vector<16xf32>
        %mul3A_114 = arith.mulf %mul3A_113, %add3A_108 : vector<16xf32>
        %select_n3A_115 = arith.select %gt3A_111, %add3A_108, %mul3A_114 : vector<16xi1>, vector<16xf32>
        %neg3A_116 = arith.constant 0.000000e+00 : f32
        %neg3A_117 = vector.broadcast %neg3A_116 : f32 to vector<16xf32>
        %neg3A_118 = arith.subf %neg3A_117, %select_n3A_115 : vector<16xf32>
        %exp3A_119 = math.exp %neg3A_118 : vector<16xf32>
        %swap3A_120 = arith.index_cast %add3A_98 : i32 to index
        %swap3A_121 = tpu.vector_load %arg19[%swap3A_120] {strides = array<i32>} : memref<2000xf32, #tpu.memory_space<vmem>>, vector<16xf32>,
        tpu.vector_store %arg19[%swap3A_120], %exp3A_119 {strides = array<i32>} : memref<2000xf32, #tpu.memory_space<vmem>>, vector<16xf32>,
        %mul3A_122 = arith.constant 80 : i32
        %mul3A_123 = arith.muli %scan3A_45, %mul3A_122 : i32
        %add3A_124 = arith.constant 48 : i32
        %add3A_125 = arith.addi %mul3A_123, %add3A_124 : i32
        %get3A_126 = arith.index_cast %add3A_125 : i32 to index
        %get3A_127 = tpu.vector_load %arg16[%get3A_126] {strides = array<i32>} : memref<2000xi32, #tpu.memory_space<vmem>>, vector<16xi32>,
        %get3A_128 = arith.index_cast %add3A_125 : i32 to index
        %get3A_129 = tpu.vector_load %arg17[%get3A_128] {strides = array<i32>} : memref<2000xi32, #tpu.memory_space<vmem>>, vector<16xi32>,
        %get3A_130 = arith.index_cast %add3A_125 : i32 to index
        %get3A_131 = tpu.vector_load %arg18[%get3A_130] {strides = array<i32>} : memref<2000xf32, #tpu.memory_space<vmem>>, vector<16xf32>,
        %gather3A_132 = tpu.vector_load_idx %arg14[%get3A_127] : memref<10000xf32, #tpu.memory_space<vmem>>[vector<16xi32>], vector<16xf32>,
        %gather3A_133 = tpu.vector_load_idx %arg15[%get3A_129] : memref<10000xf32, #tpu.memory_space<vmem>>[vector<16xi32>], vector<16xf32>,
        %add3A_134 = arith.addf %gather3A_132, %gather3A_133 : vector<16xf32>
        %add3A_135 = arith.addf %add3A_134, %get3A_131 : vector<16xf32>
        %gt3A_136 = arith.constant 0.000000e+00 : f32
        %gt3A_137 = vector.broadcast %gt3A_136 : f32 to vector<16xf32>
        %gt3A_138 = arith.cmpf ogt, %add3A_135, %gt3A_137 : vector<16xf32>
        %mul3A_139 = arith.constant 2.000000e-01 : f32
        %mul3A_140 = vector.broadcast %mul3A_139 : f32 to vector<16xf32>
        %mul3A_141 = arith.mulf %mul3A_140, %add3A_135 : vector<16xf32>
        %select_n3A_142 = arith.select %gt3A_138, %add3A_135, %mul3A_141 : vector<16xi1>, vector<16xf32>
        %neg3A_143 = arith.constant 0.000000e+00 : f32
        %neg3A_144 = vector.broadcast %neg3A_143 : f32 to vector<16xf32>
        %neg3A_145 = arith.subf %neg3A_144, %select_n3A_142 : vector<16xf32>
        %exp3A_146 = math.exp %neg3A_145 : vector<16xf32>
        %swap3A_147 = arith.index_cast %add3A_125 : i32 to index
        %swap3A_148 = tpu.vector_load %arg19[%swap3A_147] {strides = array<i32>} : memref<2000xf32, #tpu.memory_space<vmem>>, vector<16xf32>,
        tpu.vector_store %arg19[%swap3A_147], %exp3A_146 {strides = array<i32>} : memref<2000xf32, #tpu.memory_space<vmem>>, vector<16xf32>,
        %mul3A_149 = arith.constant 80 : i32
        %mul3A_150 = arith.muli %scan3A_45, %mul3A_149 : i32
        %add3A_151 = arith.constant 64 : i32
        %add3A_152 = arith.addi %mul3A_150, %add3A_151 : i32
        %get3A_153 = arith.index_cast %add3A_152 : i32 to index
        %get3A_154 = tpu.vector_load %arg16[%get3A_153] {strides = array<i32>} : memref<2000xi32, #tpu.memory_space<vmem>>, vector<16xi32>,
        %get3A_155 = arith.index_cast %add3A_152 : i32 to index
        %get3A_156 = tpu.vector_load %arg17[%get3A_155] {strides = array<i32>} : memref<2000xi32, #tpu.memory_space<vmem>>, vector<16xi32>,
        %get3A_157 = arith.index_cast %add3A_152 : i32 to index
        %get3A_158 = tpu.vector_load %arg18[%get3A_157] {strides = array<i32>} : memref<2000xf32, #tpu.memory_space<vmem>>, vector<16xf32>,
        %gather3A_159 = tpu.vector_load_idx %arg14[%get3A_154] : memref<10000xf32, #tpu.memory_space<vmem>>[vector<16xi32>], vector<16xf32>,
        %gather3A_160 = tpu.vector_load_idx %arg15[%get3A_156] : memref<10000xf32, #tpu.memory_space<vmem>>[vector<16xi32>], vector<16xf32>,
        %add3A_161 = arith.addf %gather3A_159, %gather3A_160 : vector<16xf32>
        %add3A_162 = arith.addf %add3A_161, %get3A_158 : vector<16xf32>
        %gt3A_163 = arith.constant 0.000000e+00 : f32
        %gt3A_164 = vector.broadcast %gt3A_163 : f32 to vector<16xf32>
        %gt3A_165 = arith.cmpf ogt, %add3A_162, %gt3A_164 : vector<16xf32>
        %mul3A_166 = arith.constant 2.000000e-01 : f32
        %mul3A_167 = vector.broadcast %mul3A_166 : f32 to vector<16xf32>
        %mul3A_168 = arith.mulf %mul3A_167, %add3A_162 : vector<16xf32>
        %select_n3A_169 = arith.select %gt3A_165, %add3A_162, %mul3A_168 : vector<16xi1>, vector<16xf32>
        %neg3A_170 = arith.constant 0.000000e+00 : f32
        %neg3A_171 = vector.broadcast %neg3A_170 : f32 to vector<16xf32>
        %neg3A_172 = arith.subf %neg3A_171, %select_n3A_169 : vector<16xf32>
        %exp3A_173 = math.exp %neg3A_172 : vector<16xf32>
        %swap3A_174 = arith.index_cast %add3A_152 : i32 to index
        %swap3A_175 = tpu.vector_load %arg19[%swap3A_174] {strides = array<i32>} : memref<2000xf32, #tpu.memory_space<vmem>>, vector<16xf32>,
        tpu.vector_store %arg19[%swap3A_174], %exp3A_173 {strides = array<i32>} : memref<2000xf32, #tpu.memory_space<vmem>>, vector<16xf32>,
        %scan3A_176 = arith.constant 0 : i32
        scf.yield %scan3A_176 : i32
      }
      %scan3A_43 = arith.constant 25 : i32
      "tpu.region"() ({
        %run_scoped3A = tpu.sem_alloc : memref<!tpu.dma_semaphore, #tpu.memory_space<semaphore_mem>>
        %dma_start3A = tpu.memref_slice %arg12[%mul3A_37] : memref<400000xf32, #tpu.memory_space<hbm>> -> memref<2000xf32, #tpu.memory_space<hbm>>
        %dma_start3A_45 = tpu.memref_slice %arg12[%mul3A_37] : memref<400000xf32, #tpu.memory_space<hbm>> -> memref<2000xf32, #tpu.memory_space<hbm>>
        tpu.enqueue_dma source(%arg19 : memref<2000xf32, #tpu.memory_space<vmem>>) target(%dma_start3A_45 : memref<2000xf32, #tpu.memory_space<hbm>>) target_semaphore(%run_scoped3A : memref<!tpu.dma_semaphore, #tpu.memory_space<semaphore_mem>>)
        %dma_wait3A = tpu.memref_slice %arg12[%mul3A_37] : memref<400000xf32, #tpu.memory_space<hbm>> -> memref<2000xf32, #tpu.memory_space<hbm>>
        %dma_wait3A_46 = tpu.memref_slice %arg12[%mul3A_37] : memref<400000xf32, #tpu.memory_space<hbm>> -> memref<2000xf32, #tpu.memory_space<hbm>>
        tpu.wait_dma2 semaphore(%run_scoped3A : memref<!tpu.dma_semaphore, #tpu.memory_space<semaphore_mem>>) src(%arg19 : memref<2000xf32, #tpu.memory_space<vmem>>) dst(%dma_wait3A_46 : memref<2000xf32, #tpu.memory_space<hbm>>)
        tpu.yield
      }) : () -> ()
      %while3A_44 = arith.constant 0 : i32
      scf.yield %while3A_44 : i32
    }
    %while3A_12 = arith.constant 1 : i32
    %while3A_13 = scf.for %while3A_31 = %while3A_9 to %while3A_5 step %while3A_12 iter_args(%while3A_32 = %while3A_11) -> (i32)  : i32 {
      %mul3A_33 = arith.constant 32 : i32
      %mul3A_34 = arith.muli %mul3A_33, %while3A_31 : i32
      %add3A_35 = arith.addi %add3A, %mul3A_34 : i32
      %mul3A_36 = arith.constant 2000 : i32
      %mul3A_37 = arith.muli %add3A_35, %mul3A_36 : i32
      "tpu.region"() ({
        %run_scoped3A = tpu.sem_alloc : memref<!tpu.dma_semaphore, #tpu.memory_space<semaphore_mem>>
        %dma_start3A = tpu.memref_slice %arg2[%mul3A_37] : memref<400000xi32, #tpu.memory_space<hbm>> -> memref<2000xi32, #tpu.memory_space<hbm>>
        %dma_start3A_45 = tpu.memref_slice %arg2[%mul3A_37] : memref<400000xi32, #tpu.memory_space<hbm>> -> memref<2000xi32, #tpu.memory_space<hbm>>
        tpu.enqueue_dma source(%dma_start3A_45 : memref<2000xi32, #tpu.memory_space<hbm>>) target(%arg16 : memref<2000xi32, #tpu.memory_space<vmem>>) target_semaphore(%run_scoped3A : memref<!tpu.dma_semaphore, #tpu.memory_space<semaphore_mem>>)
        %dma_wait3A = tpu.memref_slice %arg2[%mul3A_37] : memref<400000xi32, #tpu.memory_space<hbm>> -> memref<2000xi32, #tpu.memory_space<hbm>>
        %dma_wait3A_46 = tpu.memref_slice %arg2[%mul3A_37] : memref<400000xi32, #tpu.memory_space<hbm>> -> memref<2000xi32, #tpu.memory_space<hbm>>
        tpu.wait_dma2 semaphore(%run_scoped3A : memref<!tpu.dma_semaphore, #tpu.memory_space<semaphore_mem>>) src(%dma_wait3A_46 : memref<2000xi32, #tpu.memory_space<hbm>>) dst(%arg16 : memref<2000xi32, #tpu.memory_space<vmem>>)
        tpu.yield
      }) : () -> ()
      "tpu.region"() ({
        %run_scoped3A = tpu.sem_alloc : memref<!tpu.dma_semaphore, #tpu.memory_space<semaphore_mem>>
        %dma_start3A = tpu.memref_slice %arg3[%mul3A_37] : memref<400000xi32, #tpu.memory_space<hbm>> -> memref<2000xi32, #tpu.memory_space<hbm>>
        %dma_start3A_45 = tpu.memref_slice %arg3[%mul3A_37] : memref<400000xi32, #tpu.memory_space<hbm>> -> memref<2000xi32, #tpu.memory_space<hbm>>
        tpu.enqueue_dma source(%dma_start3A_45 : memref<2000xi32, #tpu.memory_space<hbm>>) target(%arg17 : memref<2000xi32, #tpu.memory_space<vmem>>) target_semaphore(%run_scoped3A : memref<!tpu.dma_semaphore, #tpu.memory_space<semaphore_mem>>)
        %dma_wait3A = tpu.memref_slice %arg3[%mul3A_37] : memref<400000xi32, #tpu.memory_space<hbm>> -> memref<2000xi32, #tpu.memory_space<hbm>>
        %dma_wait3A_46 = tpu.memref_slice %arg3[%mul3A_37] : memref<400000xi32, #tpu.memory_space<hbm>> -> memref<2000xi32, #tpu.memory_space<hbm>>
        tpu.wait_dma2 semaphore(%run_scoped3A : memref<!tpu.dma_semaphore, #tpu.memory_space<semaphore_mem>>) src(%dma_wait3A_46 : memref<2000xi32, #tpu.memory_space<hbm>>) dst(%arg17 : memref<2000xi32, #tpu.memory_space<vmem>>)
        tpu.yield
      }) : () -> ()
      "tpu.region"() ({
        %run_scoped3A = tpu.sem_alloc : memref<!tpu.dma_semaphore, #tpu.memory_space<semaphore_mem>>
        %dma_start3A = tpu.memref_slice %arg4[%mul3A_37] : memref<400000xf32, #tpu.memory_space<hbm>> -> memref<2000xf32, #tpu.memory_space<hbm>>
        %dma_start3A_45 = tpu.memref_slice %arg4[%mul3A_37] : memref<400000xf32, #tpu.memory_space<hbm>> -> memref<2000xf32, #tpu.memory_space<hbm>>
        tpu.enqueue_dma source(%dma_start3A_45 : memref<2000xf32, #tpu.memory_space<hbm>>) target(%arg18 : memref<2000xf32, #tpu.memory_space<vmem>>) target_semaphore(%run_scoped3A : memref<!tpu.dma_semaphore, #tpu.memory_space<semaphore_mem>>)
        %dma_wait3A = tpu.memref_slice %arg4[%mul3A_37] : memref<400000xf32, #tpu.memory_space<hbm>> -> memref<2000xf32, #tpu.memory_space<hbm>>
        %dma_wait3A_46 = tpu.memref_slice %arg4[%mul3A_37] : memref<400000xf32, #tpu.memory_space<hbm>> -> memref<2000xf32, #tpu.memory_space<hbm>>
        tpu.wait_dma2 semaphore(%run_scoped3A : memref<!tpu.dma_semaphore, #tpu.memory_space<semaphore_mem>>) src(%dma_wait3A_46 : memref<2000xf32, #tpu.memory_space<hbm>>) dst(%arg18 : memref<2000xf32, #tpu.memory_space<vmem>>)
        tpu.yield
      }) : () -> ()
      %scan3A = arith.constant 0 : i32
      %scan3A_38 = arith.constant 0 : i32
      %scan3A_39 = arith.constant 25 : i32
      %scan3A_40 = arith.addi %scan3A_38, %scan3A_39 : i32
      %scan3A_41 = arith.constant 1 : i32
      %scan3A_42 = scf.for %scan3A_45 = %scan3A_38 to %scan3A_40 step %scan3A_41 iter_args(%scan3A_46 = %scan3A) -> (i32)  : i32 {
        %mul3A_47 = arith.constant 80 : i32
        %mul3A_48 = arith.muli %scan3A_45, %mul3A_47 : i32
        %add3A_49 = arith.constant 0 : i32
        %add3A_50 = arith.addi %mul3A_48, %add3A_49 : i32
        %get3A = arith.index_cast %add3A_50 : i32 to index
        %get3A_51 = tpu.vector_load %arg16[%get3A] {strides = array<i32>} : memref<2000xi32, #tpu.memory_space<vmem>>, vector<16xi32>,
        %get3A_52 = arith.index_cast %add3A_50 : i32 to index
        %get3A_53 = tpu.vector_load %arg17[%get3A_52] {strides = array<i32>} : memref<2000xi32, #tpu.memory_space<vmem>>, vector<16xi32>,
        %get3A_54 = arith.index_cast %add3A_50 : i32 to index
        %get3A_55 = tpu.vector_load %arg18[%get3A_54] {strides = array<i32>} : memref<2000xf32, #tpu.memory_space<vmem>>, vector<16xf32>,
        %gather3A = tpu.vector_load_idx %arg14[%get3A_51] : memref<10000xf32, #tpu.memory_space<vmem>>[vector<16xi32>], vector<16xf32>,
        %gather3A_56 = tpu.vector_load_idx %arg15[%get3A_53] : memref<10000xf32, #tpu.memory_space<vmem>>[vector<16xi32>], vector<16xf32>,
        %add3A_57 = arith.addf %gather3A, %gather3A_56 : vector<16xf32>
        %add3A_58 = arith.addf %add3A_57, %get3A_55 : vector<16xf32>
        %gt3A = arith.constant 0.000000e+00 : f32
        %gt3A_59 = vector.broadcast %gt3A : f32 to vector<16xf32>
        %gt3A_60 = arith.cmpf ogt, %add3A_58, %gt3A_59 : vector<16xf32>
        %mul3A_61 = arith.constant 2.000000e-01 : f32
        %mul3A_62 = vector.broadcast %mul3A_61 : f32 to vector<16xf32>
        %mul3A_63 = arith.mulf %mul3A_62, %add3A_58 : vector<16xf32>
        %select_n3A_64 = arith.select %gt3A_60, %add3A_58, %mul3A_63 : vector<16xi1>, vector<16xf32>
        %neg3A = arith.constant 0.000000e+00 : f32
        %neg3A_65 = vector.broadcast %neg3A : f32 to vector<16xf32>
        %neg3A_66 = arith.subf %neg3A_65, %select_n3A_64 : vector<16xf32>
        %exp3A = math.exp %neg3A_66 : vector<16xf32>
        %swap3A = arith.index_cast %add3A_50 : i32 to index
        %swap3A_67 = tpu.vector_load %arg19[%swap3A] {strides = array<i32>} : memref<2000xf32, #tpu.memory_space<vmem>>, vector<16xf32>,
        tpu.vector_store %arg19[%swap3A], %exp3A {strides = array<i32>} : memref<2000xf32, #tpu.memory_space<vmem>>, vector<16xf32>,
        %mul3A_68 = arith.constant 80 : i32
        %mul3A_69 = arith.muli %scan3A_45, %mul3A_68 : i32
        %add3A_70 = arith.constant 16 : i32
        %add3A_71 = arith.addi %mul3A_69, %add3A_70 : i32
        %get3A_72 = arith.index_cast %add3A_71 : i32 to index
        %get3A_73 = tpu.vector_load %arg16[%get3A_72] {strides = array<i32>} : memref<2000xi32, #tpu.memory_space<vmem>>, vector<16xi32>,
        %get3A_74 = arith.index_cast %add3A_71 : i32 to index
        %get3A_75 = tpu.vector_load %arg17[%get3A_74] {strides = array<i32>} : memref<2000xi32, #tpu.memory_space<vmem>>, vector<16xi32>,
        %get3A_76 = arith.index_cast %add3A_71 : i32 to index
        %get3A_77 = tpu.vector_load %arg18[%get3A_76] {strides = array<i32>} : memref<2000xf32, #tpu.memory_space<vmem>>, vector<16xf32>,
        %gather3A_78 = tpu.vector_load_idx %arg14[%get3A_73] : memref<10000xf32, #tpu.memory_space<vmem>>[vector<16xi32>], vector<16xf32>,
        %gather3A_79 = tpu.vector_load_idx %arg15[%get3A_75] : memref<10000xf32, #tpu.memory_space<vmem>>[vector<16xi32>], vector<16xf32>,
        %add3A_80 = arith.addf %gather3A_78, %gather3A_79 : vector<16xf32>
        %add3A_81 = arith.addf %add3A_80, %get3A_77 : vector<16xf32>
        %gt3A_82 = arith.constant 0.000000e+00 : f32
        %gt3A_83 = vector.broadcast %gt3A_82 : f32 to vector<16xf32>
        %gt3A_84 = arith.cmpf ogt, %add3A_81, %gt3A_83 : vector<16xf32>
        %mul3A_85 = arith.constant 2.000000e-01 : f32
        %mul3A_86 = vector.broadcast %mul3A_85 : f32 to vector<16xf32>
        %mul3A_87 = arith.mulf %mul3A_86, %add3A_81 : vector<16xf32>
        %select_n3A_88 = arith.select %gt3A_84, %add3A_81, %mul3A_87 : vector<16xi1>, vector<16xf32>
        %neg3A_89 = arith.constant 0.000000e+00 : f32
        %neg3A_90 = vector.broadcast %neg3A_89 : f32 to vector<16xf32>
        %neg3A_91 = arith.subf %neg3A_90, %select_n3A_88 : vector<16xf32>
        %exp3A_92 = math.exp %neg3A_91 : vector<16xf32>
        %swap3A_93 = arith.index_cast %add3A_71 : i32 to index
        %swap3A_94 = tpu.vector_load %arg19[%swap3A_93] {strides = array<i32>} : memref<2000xf32, #tpu.memory_space<vmem>>, vector<16xf32>,
        tpu.vector_store %arg19[%swap3A_93], %exp3A_92 {strides = array<i32>} : memref<2000xf32, #tpu.memory_space<vmem>>, vector<16xf32>,
        %mul3A_95 = arith.constant 80 : i32
        %mul3A_96 = arith.muli %scan3A_45, %mul3A_95 : i32
        %add3A_97 = arith.constant 32 : i32
        %add3A_98 = arith.addi %mul3A_96, %add3A_97 : i32
        %get3A_99 = arith.index_cast %add3A_98 : i32 to index
        %get3A_100 = tpu.vector_load %arg16[%get3A_99] {strides = array<i32>} : memref<2000xi32, #tpu.memory_space<vmem>>, vector<16xi32>,
        %get3A_101 = arith.index_cast %add3A_98 : i32 to index
        %get3A_102 = tpu.vector_load %arg17[%get3A_101] {strides = array<i32>} : memref<2000xi32, #tpu.memory_space<vmem>>, vector<16xi32>,
        %get3A_103 = arith.index_cast %add3A_98 : i32 to index
        %get3A_104 = tpu.vector_load %arg18[%get3A_103] {strides = array<i32>} : memref<2000xf32, #tpu.memory_space<vmem>>, vector<16xf32>,
        %gather3A_105 = tpu.vector_load_idx %arg14[%get3A_100] : memref<10000xf32, #tpu.memory_space<vmem>>[vector<16xi32>], vector<16xf32>,
        %gather3A_106 = tpu.vector_load_idx %arg15[%get3A_102] : memref<10000xf32, #tpu.memory_space<vmem>>[vector<16xi32>], vector<16xf32>,
        %add3A_107 = arith.addf %gather3A_105, %gather3A_106 : vector<16xf32>
        %add3A_108 = arith.addf %add3A_107, %get3A_104 : vector<16xf32>
        %gt3A_109 = arith.constant 0.000000e+00 : f32
        %gt3A_110 = vector.broadcast %gt3A_109 : f32 to vector<16xf32>
        %gt3A_111 = arith.cmpf ogt, %add3A_108, %gt3A_110 : vector<16xf32>
        %mul3A_112 = arith.constant 2.000000e-01 : f32
        %mul3A_113 = vector.broadcast %mul3A_112 : f32 to vector<16xf32>
        %mul3A_114 = arith.mulf %mul3A_113, %add3A_108 : vector<16xf32>
        %select_n3A_115 = arith.select %gt3A_111, %add3A_108, %mul3A_114 : vector<16xi1>, vector<16xf32>
        %neg3A_116 = arith.constant 0.000000e+00 : f32
        %neg3A_117 = vector.broadcast %neg3A_116 : f32 to vector<16xf32>
        %neg3A_118 = arith.subf %neg3A_117, %select_n3A_115 : vector<16xf32>
        %exp3A_119 = math.exp %neg3A_118 : vector<16xf32>
        %swap3A_120 = arith.index_cast %add3A_98 : i32 to index
        %swap3A_121 = tpu.vector_load %arg19[%swap3A_120] {strides = array<i32>} : memref<2000xf32, #tpu.memory_space<vmem>>, vector<16xf32>,
        tpu.vector_store %arg19[%swap3A_120], %exp3A_119 {strides = array<i32>} : memref<2000xf32, #tpu.memory_space<vmem>>, vector<16xf32>,
        %mul3A_122 = arith.constant 80 : i32
        %mul3A_123 = arith.muli %scan3A_45, %mul3A_122 : i32
        %add3A_124 = arith.constant 48 : i32
        %add3A_125 = arith.addi %mul3A_123, %add3A_124 : i32
        %get3A_126 = arith.index_cast %add3A_125 : i32 to index
        %get3A_127 = tpu.vector_load %arg16[%get3A_126] {strides = array<i32>} : memref<2000xi32, #tpu.memory_space<vmem>>, vector<16xi32>,
        %get3A_128 = arith.index_cast %add3A_125 : i32 to index
        %get3A_129 = tpu.vector_load %arg17[%get3A_128] {strides = array<i32>} : memref<2000xi32, #tpu.memory_space<vmem>>, vector<16xi32>,
        %get3A_130 = arith.index_cast %add3A_125 : i32 to index
        %get3A_131 = tpu.vector_load %arg18[%get3A_130] {strides = array<i32>} : memref<2000xf32, #tpu.memory_space<vmem>>, vector<16xf32>,
        %gather3A_132 = tpu.vector_load_idx %arg14[%get3A_127] : memref<10000xf32, #tpu.memory_space<vmem>>[vector<16xi32>], vector<16xf32>,
        %gather3A_133 = tpu.vector_load_idx %arg15[%get3A_129] : memref<10000xf32, #tpu.memory_space<vmem>>[vector<16xi32>], vector<16xf32>,
        %add3A_134 = arith.addf %gather3A_132, %gather3A_133 : vector<16xf32>
        %add3A_135 = arith.addf %add3A_134, %get3A_131 : vector<16xf32>
        %gt3A_136 = arith.constant 0.000000e+00 : f32
        %gt3A_137 = vector.broadcast %gt3A_136 : f32 to vector<16xf32>
        %gt3A_138 = arith.cmpf ogt, %add3A_135, %gt3A_137 : vector<16xf32>
        %mul3A_139 = arith.constant 2.000000e-01 : f32
        %mul3A_140 = vector.broadcast %mul3A_139 : f32 to vector<16xf32>
        %mul3A_141 = arith.mulf %mul3A_140, %add3A_135 : vector<16xf32>
        %select_n3A_142 = arith.select %gt3A_138, %add3A_135, %mul3A_141 : vector<16xi1>, vector<16xf32>
        %neg3A_143 = arith.constant 0.000000e+00 : f32
        %neg3A_144 = vector.broadcast %neg3A_143 : f32 to vector<16xf32>
        %neg3A_145 = arith.subf %neg3A_144, %select_n3A_142 : vector<16xf32>
        %exp3A_146 = math.exp %neg3A_145 : vector<16xf32>
        %swap3A_147 = arith.index_cast %add3A_125 : i32 to index
        %swap3A_148 = tpu.vector_load %arg19[%swap3A_147] {strides = array<i32>} : memref<2000xf32, #tpu.memory_space<vmem>>, vector<16xf32>,
        tpu.vector_store %arg19[%swap3A_147], %exp3A_146 {strides = array<i32>} : memref<2000xf32, #tpu.memory_space<vmem>>, vector<16xf32>,
        %mul3A_149 = arith.constant 80 : i32
        %mul3A_150 = arith.muli %scan3A_45, %mul3A_149 : i32
        %add3A_151 = arith.constant 64 : i32
        %add3A_152 = arith.addi %mul3A_150, %add3A_151 : i32
        %get3A_153 = arith.index_cast %add3A_152 : i32 to index
        %get3A_154 = tpu.vector_load %arg16[%get3A_153] {strides = array<i32>} : memref<2000xi32, #tpu.memory_space<vmem>>, vector<16xi32>,
        %get3A_155 = arith.index_cast %add3A_152 : i32 to index
        %get3A_156 = tpu.vector_load %arg17[%get3A_155] {strides = array<i32>} : memref<2000xi32, #tpu.memory_space<vmem>>, vector<16xi32>,
        %get3A_157 = arith.index_cast %add3A_152 : i32 to index
        %get3A_158 = tpu.vector_load %arg18[%get3A_157] {strides = array<i32>} : memref<2000xf32, #tpu.memory_space<vmem>>, vector<16xf32>,
        %gather3A_159 = tpu.vector_load_idx %arg14[%get3A_154] : memref<10000xf32, #tpu.memory_space<vmem>>[vector<16xi32>], vector<16xf32>,
        %gather3A_160 = tpu.vector_load_idx %arg15[%get3A_156] : memref<10000xf32, #tpu.memory_space<vmem>>[vector<16xi32>], vector<16xf32>,
        %add3A_161 = arith.addf %gather3A_159, %gather3A_160 : vector<16xf32>
        %add3A_162 = arith.addf %add3A_161, %get3A_158 : vector<16xf32>
        %gt3A_163 = arith.constant 0.000000e+00 : f32
        %gt3A_164 = vector.broadcast %gt3A_163 : f32 to vector<16xf32>
        %gt3A_165 = arith.cmpf ogt, %add3A_162, %gt3A_164 : vector<16xf32>
        %mul3A_166 = arith.constant 2.000000e-01 : f32
        %mul3A_167 = vector.broadcast %mul3A_166 : f32 to vector<16xf32>
        %mul3A_168 = arith.mulf %mul3A_167, %add3A_162 : vector<16xf32>
        %select_n3A_169 = arith.select %gt3A_165, %add3A_162, %mul3A_168 : vector<16xi1>, vector<16xf32>
        %neg3A_170 = arith.constant 0.000000e+00 : f32
        %neg3A_171 = vector.broadcast %neg3A_170 : f32 to vector<16xf32>
        %neg3A_172 = arith.subf %neg3A_171, %select_n3A_169 : vector<16xf32>
        %exp3A_173 = math.exp %neg3A_172 : vector<16xf32>
        %swap3A_174 = arith.index_cast %add3A_152 : i32 to index
        %swap3A_175 = tpu.vector_load %arg19[%swap3A_174] {strides = array<i32>} : memref<2000xf32, #tpu.memory_space<vmem>>, vector<16xf32>,
        tpu.vector_store %arg19[%swap3A_174], %exp3A_173 {strides = array<i32>} : memref<2000xf32, #tpu.memory_space<vmem>>, vector<16xf32>,
        %scan3A_176 = arith.constant 0 : i32
        scf.yield %scan3A_176 : i32
      }
      %scan3A_43 = arith.constant 25 : i32
      "tpu.region"() ({
        %run_scoped3A = tpu.sem_alloc : memref<!tpu.dma_semaphore, #tpu.memory_space<semaphore_mem>>
        %dma_start3A = tpu.memref_slice %arg12[%mul3A_37] : memref<400000xf32, #tpu.memory_space<hbm>> -> memref<2000xf32, #tpu.memory_space<hbm>>
        %dma_start3A_45 = tpu.memref_slice %arg12[%mul3A_37] : memref<400000xf32, #tpu.memory_space<hbm>> -> memref<2000xf32, #tpu.memory_space<hbm>>
        tpu.enqueue_dma source(%arg19 : memref<2000xf32, #tpu.memory_space<vmem>>) target(%dma_start3A_45 : memref<2000xf32, #tpu.memory_space<hbm>>) target_semaphore(%run_scoped3A : memref<!tpu.dma_semaphore, #tpu.memory_space<semaphore_mem>>)
        %dma_wait3A = tpu.memref_slice %arg12[%mul3A_37] : memref<400000xf32, #tpu.memory_space<hbm>> -> memref<2000xf32, #tpu.memory_space<hbm>>
        %dma_wait3A_46 = tpu.memref_slice %arg12[%mul3A_37] : memref<400000xf32, #tpu.memory_space<hbm>> -> memref<2000xf32, #tpu.memory_space<hbm>>
        tpu.wait_dma2 semaphore(%run_scoped3A : memref<!tpu.dma_semaphore, #tpu.memory_space<semaphore_mem>>) src(%arg19 : memref<2000xf32, #tpu.memory_space<vmem>>) dst(%dma_wait3A_46 : memref<2000xf32, #tpu.memory_space<hbm>>)
        tpu.yield
      }) : () -> ()
      %while3A_44 = arith.constant 0 : i32
      scf.yield %while3A_44 : i32
    }
    %lt3A_14 = arith.constant 16 : i32
    %lt3A_15 = arith.cmpi slt, %add3A, %lt3A_14 : i32
    %jit3A_16 = arith.constant 3 : i32
    %jit3A_17 = arith.constant 2 : i32
    %select_n3A_18 = arith.select %lt3A_15, %jit3A_16, %jit3A_17 : i32
    "tpu.region"() ({
      %run_scoped3A = tpu.sem_alloc : memref<!tpu.dma_semaphore, #tpu.memory_space<semaphore_mem>>
      tpu.enqueue_dma source(%arg10 : memref<10000xf32, #tpu.memory_space<hbm>>) target(%arg14 : memref<10000xf32, #tpu.memory_space<vmem>>) target_semaphore(%run_scoped3A : memref<!tpu.dma_semaphore, #tpu.memory_space<semaphore_mem>>)
      tpu.wait_dma2 semaphore(%run_scoped3A : memref<!tpu.dma_semaphore, #tpu.memory_space<semaphore_mem>>) src(%arg10 : memref<10000xf32, #tpu.memory_space<hbm>>) dst(%arg14 : memref<10000xf32, #tpu.memory_space<vmem>>)
      tpu.yield
    }) : () -> ()
    "tpu.region"() ({
      %run_scoped3A = tpu.sem_alloc : memref<!tpu.dma_semaphore, #tpu.memory_space<semaphore_mem>>
      tpu.enqueue_dma source(%arg11 : memref<10000xf32, #tpu.memory_space<hbm>>) target(%arg15 : memref<10000xf32, #tpu.memory_space<vmem>>) target_semaphore(%run_scoped3A : memref<!tpu.dma_semaphore, #tpu.memory_space<semaphore_mem>>)
      tpu.wait_dma2 semaphore(%run_scoped3A : memref<!tpu.dma_semaphore, #tpu.memory_space<semaphore_mem>>) src(%arg11 : memref<10000xf32, #tpu.memory_space<hbm>>) dst(%arg15 : memref<10000xf32, #tpu.memory_space<vmem>>)
      tpu.yield
    }) : () -> ()
    %while3A_19 = arith.constant 0 : i32
    %while3A_20 = arith.constant 0 : i32
    %while3A_21 = arith.subi %select_n3A_18, %while3A_19 : i32
    %while3A_22 = arith.addi %while3A_19, %while3A_21 : i32
    %while3A_23 = arith.constant 1 : i32
    %while3A_24 = arith.divsi %while3A_21, %while3A_23 : i32
    %while3A_25 = arith.muli %while3A_24, %while3A_23 : i32
    %while3A_26 = arith.addi %while3A_19, %while3A_25 : i32
    %while3A_27 = arith.constant 1 : i32
    %while3A_28 = scf.for %while3A_31 = %while3A_19 to %while3A_26 step %while3A_27 iter_args(%while3A_32 = %while3A_20) -> (i32)  : i32 {
      %mul3A_33 = arith.constant 32 : i32
      %mul3A_34 = arith.muli %mul3A_33, %while3A_31 : i32
      %add3A_35 = arith.addi %add3A, %mul3A_34 : i32
      %mul3A_36 = arith.constant 2000 : i32
      %mul3A_37 = arith.muli %add3A_35, %mul3A_36 : i32
      "tpu.region"() ({
        %run_scoped3A = tpu.sem_alloc : memref<!tpu.dma_semaphore, #tpu.memory_space<semaphore_mem>>
        %dma_start3A = tpu.memref_slice %arg7[%mul3A_37] : memref<160000xi32, #tpu.memory_space<hbm>> -> memref<2000xi32, #tpu.memory_space<hbm>>
        %dma_start3A_45 = tpu.memref_slice %arg7[%mul3A_37] : memref<160000xi32, #tpu.memory_space<hbm>> -> memref<2000xi32, #tpu.memory_space<hbm>>
        tpu.enqueue_dma source(%dma_start3A_45 : memref<2000xi32, #tpu.memory_space<hbm>>) target(%arg16 : memref<2000xi32, #tpu.memory_space<vmem>>) target_semaphore(%run_scoped3A : memref<!tpu.dma_semaphore, #tpu.memory_space<semaphore_mem>>)
        %dma_wait3A = tpu.memref_slice %arg7[%mul3A_37] : memref<160000xi32, #tpu.memory_space<hbm>> -> memref<2000xi32, #tpu.memory_space<hbm>>
        %dma_wait3A_46 = tpu.memref_slice %arg7[%mul3A_37] : memref<160000xi32, #tpu.memory_space<hbm>> -> memref<2000xi32, #tpu.memory_space<hbm>>
        tpu.wait_dma2 semaphore(%run_scoped3A : memref<!tpu.dma_semaphore, #tpu.memory_space<semaphore_mem>>) src(%dma_wait3A_46 : memref<2000xi32, #tpu.memory_space<hbm>>) dst(%arg16 : memref<2000xi32, #tpu.memory_space<vmem>>)
        tpu.yield
      }) : () -> ()
      "tpu.region"() ({
        %run_scoped3A = tpu.sem_alloc : memref<!tpu.dma_semaphore, #tpu.memory_space<semaphore_mem>>
        %dma_start3A = tpu.memref_slice %arg8[%mul3A_37] : memref<160000xi32, #tpu.memory_space<hbm>> -> memref<2000xi32, #tpu.memory_space<hbm>>
        %dma_start3A_45 = tpu.memref_slice %arg8[%mul3A_37] : memref<160000xi32, #tpu.memory_space<hbm>> -> memref<2000xi32, #tpu.memory_space<hbm>>
        tpu.enqueue_dma source(%dma_start3A_45 : memref<2000xi32, #tpu.memory_space<hbm>>) target(%arg17 : memref<2000xi32, #tpu.memory_space<vmem>>) target_semaphore(%run_scoped3A : memref<!tpu.dma_semaphore, #tpu.memory_space<semaphore_mem>>)
        %dma_wait3A = tpu.memref_slice %arg8[%mul3A_37] : memref<160000xi32, #tpu.memory_space<hbm>> -> memref<2000xi32, #tpu.memory_space<hbm>>
        %dma_wait3A_46 = tpu.memref_slice %arg8[%mul3A_37] : memref<160000xi32, #tpu.memory_space<hbm>> -> memref<2000xi32, #tpu.memory_space<hbm>>
        tpu.wait_dma2 semaphore(%run_scoped3A : memref<!tpu.dma_semaphore, #tpu.memory_space<semaphore_mem>>) src(%dma_wait3A_46 : memref<2000xi32, #tpu.memory_space<hbm>>) dst(%arg17 : memref<2000xi32, #tpu.memory_space<vmem>>)
        tpu.yield
      }) : () -> ()
      "tpu.region"() ({
        %run_scoped3A = tpu.sem_alloc : memref<!tpu.dma_semaphore, #tpu.memory_space<semaphore_mem>>
        %dma_start3A = tpu.memref_slice %arg9[%mul3A_37] : memref<160000xf32, #tpu.memory_space<hbm>> -> memref<2000xf32, #tpu.memory_space<hbm>>
        %dma_start3A_45 = tpu.memref_slice %arg9[%mul3A_37] : memref<160000xf32, #tpu.memory_space<hbm>> -> memref<2000xf32, #tpu.memory_space<hbm>>
        tpu.enqueue_dma source(%dma_start3A_45 : memref<2000xf32, #tpu.memory_space<hbm>>) target(%arg18 : memref<2000xf32, #tpu.memory_space<vmem>>) target_semaphore(%run_scoped3A : memref<!tpu.dma_semaphore, #tpu.memory_space<semaphore_mem>>)
        %dma_wait3A = tpu.memref_slice %arg9[%mul3A_37] : memref<160000xf32, #tpu.memory_space<hbm>> -> memref<2000xf32, #tpu.memory_space<hbm>>
        %dma_wait3A_46 = tpu.memref_slice %arg9[%mul3A_37] : memref<160000xf32, #tpu.memory_space<hbm>> -> memref<2000xf32, #tpu.memory_space<hbm>>
        tpu.wait_dma2 semaphore(%run_scoped3A : memref<!tpu.dma_semaphore, #tpu.memory_space<semaphore_mem>>) src(%dma_wait3A_46 : memref<2000xf32, #tpu.memory_space<hbm>>) dst(%arg18 : memref<2000xf32, #tpu.memory_space<vmem>>)
        tpu.yield
      }) : () -> ()
      %scan3A = arith.constant 0 : i32
      %scan3A_38 = arith.constant 0 : i32
      %scan3A_39 = arith.constant 25 : i32
      %scan3A_40 = arith.addi %scan3A_38, %scan3A_39 : i32
      %scan3A_41 = arith.constant 1 : i32
      %scan3A_42 = scf.for %scan3A_45 = %scan3A_38 to %scan3A_40 step %scan3A_41 iter_args(%scan3A_46 = %scan3A) -> (i32)  : i32 {
        %mul3A_47 = arith.constant 80 : i32
        %mul3A_48 = arith.muli %scan3A_45, %mul3A_47 : i32
        %add3A_49 = arith.constant 0 : i32
        %add3A_50 = arith.addi %mul3A_48, %add3A_49 : i32
        %get3A = arith.index_cast %add3A_50 : i32 to index
        %get3A_51 = tpu.vector_load %arg16[%get3A] {strides = array<i32>} : memref<2000xi32, #tpu.memory_space<vmem>>, vector<16xi32>,
        %get3A_52 = arith.index_cast %add3A_50 : i32 to index
        %get3A_53 = tpu.vector_load %arg17[%get3A_52] {strides = array<i32>} : memref<2000xi32, #tpu.memory_space<vmem>>, vector<16xi32>,
        %get3A_54 = arith.index_cast %add3A_50 : i32 to index
        %get3A_55 = tpu.vector_load %arg18[%get3A_54] {strides = array<i32>} : memref<2000xf32, #tpu.memory_space<vmem>>, vector<16xf32>,
        %gather3A = tpu.vector_load_idx %arg14[%get3A_51] : memref<10000xf32, #tpu.memory_space<vmem>>[vector<16xi32>], vector<16xf32>,
        %gather3A_56 = tpu.vector_load_idx %arg15[%get3A_53] : memref<10000xf32, #tpu.memory_space<vmem>>[vector<16xi32>], vector<16xf32>,
        %add3A_57 = arith.addf %gather3A, %gather3A_56 : vector<16xf32>
        %add3A_58 = arith.addf %add3A_57, %get3A_55 : vector<16xf32>
        %gt3A = arith.constant 0.000000e+00 : f32
        %gt3A_59 = vector.broadcast %gt3A : f32 to vector<16xf32>
        %gt3A_60 = arith.cmpf ogt, %add3A_58, %gt3A_59 : vector<16xf32>
        %mul3A_61 = arith.constant 2.000000e-01 : f32
        %mul3A_62 = vector.broadcast %mul3A_61 : f32 to vector<16xf32>
        %mul3A_63 = arith.mulf %mul3A_62, %add3A_58 : vector<16xf32>
        %select_n3A_64 = arith.select %gt3A_60, %add3A_58, %mul3A_63 : vector<16xi1>, vector<16xf32>
        %neg3A = arith.constant 0.000000e+00 : f32
        %neg3A_65 = vector.broadcast %neg3A : f32 to vector<16xf32>
        %neg3A_66 = arith.subf %neg3A_65, %select_n3A_64 : vector<16xf32>
        %exp3A = math.exp %neg3A_66 : vector<16xf32>
        %swap3A = arith.index_cast %add3A_50 : i32 to index
        %swap3A_67 = tpu.vector_load %arg19[%swap3A] {strides = array<i32>} : memref<2000xf32, #tpu.memory_space<vmem>>, vector<16xf32>,
        tpu.vector_store %arg19[%swap3A], %exp3A {strides = array<i32>} : memref<2000xf32, #tpu.memory_space<vmem>>, vector<16xf32>,
        %mul3A_68 = arith.constant 80 : i32
        %mul3A_69 = arith.muli %scan3A_45, %mul3A_68 : i32
        %add3A_70 = arith.constant 16 : i32
        %add3A_71 = arith.addi %mul3A_69, %add3A_70 : i32
        %get3A_72 = arith.index_cast %add3A_71 : i32 to index
        %get3A_73 = tpu.vector_load %arg16[%get3A_72] {strides = array<i32>} : memref<2000xi32, #tpu.memory_space<vmem>>, vector<16xi32>,
        %get3A_74 = arith.index_cast %add3A_71 : i32 to index
        %get3A_75 = tpu.vector_load %arg17[%get3A_74] {strides = array<i32>} : memref<2000xi32, #tpu.memory_space<vmem>>, vector<16xi32>,
        %get3A_76 = arith.index_cast %add3A_71 : i32 to index
        %get3A_77 = tpu.vector_load %arg18[%get3A_76] {strides = array<i32>} : memref<2000xf32, #tpu.memory_space<vmem>>, vector<16xf32>,
        %gather3A_78 = tpu.vector_load_idx %arg14[%get3A_73] : memref<10000xf32, #tpu.memory_space<vmem>>[vector<16xi32>], vector<16xf32>,
        %gather3A_79 = tpu.vector_load_idx %arg15[%get3A_75] : memref<10000xf32, #tpu.memory_space<vmem>>[vector<16xi32>], vector<16xf32>,
        %add3A_80 = arith.addf %gather3A_78, %gather3A_79 : vector<16xf32>
        %add3A_81 = arith.addf %add3A_80, %get3A_77 : vector<16xf32>
        %gt3A_82 = arith.constant 0.000000e+00 : f32
        %gt3A_83 = vector.broadcast %gt3A_82 : f32 to vector<16xf32>
        %gt3A_84 = arith.cmpf ogt, %add3A_81, %gt3A_83 : vector<16xf32>
        %mul3A_85 = arith.constant 2.000000e-01 : f32
        %mul3A_86 = vector.broadcast %mul3A_85 : f32 to vector<16xf32>
        %mul3A_87 = arith.mulf %mul3A_86, %add3A_81 : vector<16xf32>
        %select_n3A_88 = arith.select %gt3A_84, %add3A_81, %mul3A_87 : vector<16xi1>, vector<16xf32>
        %neg3A_89 = arith.constant 0.000000e+00 : f32
        %neg3A_90 = vector.broadcast %neg3A_89 : f32 to vector<16xf32>
        %neg3A_91 = arith.subf %neg3A_90, %select_n3A_88 : vector<16xf32>
        %exp3A_92 = math.exp %neg3A_91 : vector<16xf32>
        %swap3A_93 = arith.index_cast %add3A_71 : i32 to index
        %swap3A_94 = tpu.vector_load %arg19[%swap3A_93] {strides = array<i32>} : memref<2000xf32, #tpu.memory_space<vmem>>, vector<16xf32>,
        tpu.vector_store %arg19[%swap3A_93], %exp3A_92 {strides = array<i32>} : memref<2000xf32, #tpu.memory_space<vmem>>, vector<16xf32>,
        %mul3A_95 = arith.constant 80 : i32
        %mul3A_96 = arith.muli %scan3A_45, %mul3A_95 : i32
        %add3A_97 = arith.constant 32 : i32
        %add3A_98 = arith.addi %mul3A_96, %add3A_97 : i32
        %get3A_99 = arith.index_cast %add3A_98 : i32 to index
        %get3A_100 = tpu.vector_load %arg16[%get3A_99] {strides = array<i32>} : memref<2000xi32, #tpu.memory_space<vmem>>, vector<16xi32>,
        %get3A_101 = arith.index_cast %add3A_98 : i32 to index
        %get3A_102 = tpu.vector_load %arg17[%get3A_101] {strides = array<i32>} : memref<2000xi32, #tpu.memory_space<vmem>>, vector<16xi32>,
        %get3A_103 = arith.index_cast %add3A_98 : i32 to index
        %get3A_104 = tpu.vector_load %arg18[%get3A_103] {strides = array<i32>} : memref<2000xf32, #tpu.memory_space<vmem>>, vector<16xf32>,
        %gather3A_105 = tpu.vector_load_idx %arg14[%get3A_100] : memref<10000xf32, #tpu.memory_space<vmem>>[vector<16xi32>], vector<16xf32>,
        %gather3A_106 = tpu.vector_load_idx %arg15[%get3A_102] : memref<10000xf32, #tpu.memory_space<vmem>>[vector<16xi32>], vector<16xf32>,
        %add3A_107 = arith.addf %gather3A_105, %gather3A_106 : vector<16xf32>
        %add3A_108 = arith.addf %add3A_107, %get3A_104 : vector<16xf32>
        %gt3A_109 = arith.constant 0.000000e+00 : f32
        %gt3A_110 = vector.broadcast %gt3A_109 : f32 to vector<16xf32>
        %gt3A_111 = arith.cmpf ogt, %add3A_108, %gt3A_110 : vector<16xf32>
        %mul3A_112 = arith.constant 2.000000e-01 : f32
        %mul3A_113 = vector.broadcast %mul3A_112 : f32 to vector<16xf32>
        %mul3A_114 = arith.mulf %mul3A_113, %add3A_108 : vector<16xf32>
        %select_n3A_115 = arith.select %gt3A_111, %add3A_108, %mul3A_114 : vector<16xi1>, vector<16xf32>
        %neg3A_116 = arith.constant 0.000000e+00 : f32
        %neg3A_117 = vector.broadcast %neg3A_116 : f32 to vector<16xf32>
        %neg3A_118 = arith.subf %neg3A_117, %select_n3A_115 : vector<16xf32>
        %exp3A_119 = math.exp %neg3A_118 : vector<16xf32>
        %swap3A_120 = arith.index_cast %add3A_98 : i32 to index
        %swap3A_121 = tpu.vector_load %arg19[%swap3A_120] {strides = array<i32>} : memref<2000xf32, #tpu.memory_space<vmem>>, vector<16xf32>,
        tpu.vector_store %arg19[%swap3A_120], %exp3A_119 {strides = array<i32>} : memref<2000xf32, #tpu.memory_space<vmem>>, vector<16xf32>,
        %mul3A_122 = arith.constant 80 : i32
        %mul3A_123 = arith.muli %scan3A_45, %mul3A_122 : i32
        %add3A_124 = arith.constant 48 : i32
        %add3A_125 = arith.addi %mul3A_123, %add3A_124 : i32
        %get3A_126 = arith.index_cast %add3A_125 : i32 to index
        %get3A_127 = tpu.vector_load %arg16[%get3A_126] {strides = array<i32>} : memref<2000xi32, #tpu.memory_space<vmem>>, vector<16xi32>,
        %get3A_128 = arith.index_cast %add3A_125 : i32 to index
        %get3A_129 = tpu.vector_load %arg17[%get3A_128] {strides = array<i32>} : memref<2000xi32, #tpu.memory_space<vmem>>, vector<16xi32>,
        %get3A_130 = arith.index_cast %add3A_125 : i32 to index
        %get3A_131 = tpu.vector_load %arg18[%get3A_130] {strides = array<i32>} : memref<2000xf32, #tpu.memory_space<vmem>>, vector<16xf32>,
        %gather3A_132 = tpu.vector_load_idx %arg14[%get3A_127] : memref<10000xf32, #tpu.memory_space<vmem>>[vector<16xi32>], vector<16xf32>,
        %gather3A_133 = tpu.vector_load_idx %arg15[%get3A_129] : memref<10000xf32, #tpu.memory_space<vmem>>[vector<16xi32>], vector<16xf32>,
        %add3A_134 = arith.addf %gather3A_132, %gather3A_133 : vector<16xf32>
        %add3A_135 = arith.addf %add3A_134, %get3A_131 : vector<16xf32>
        %gt3A_136 = arith.constant 0.000000e+00 : f32
        %gt3A_137 = vector.broadcast %gt3A_136 : f32 to vector<16xf32>
        %gt3A_138 = arith.cmpf ogt, %add3A_135, %gt3A_137 : vector<16xf32>
        %mul3A_139 = arith.constant 2.000000e-01 : f32
        %mul3A_140 = vector.broadcast %mul3A_139 : f32 to vector<16xf32>
        %mul3A_141 = arith.mulf %mul3A_140, %add3A_135 : vector<16xf32>
        %select_n3A_142 = arith.select %gt3A_138, %add3A_135, %mul3A_141 : vector<16xi1>, vector<16xf32>
        %neg3A_143 = arith.constant 0.000000e+00 : f32
        %neg3A_144 = vector.broadcast %neg3A_143 : f32 to vector<16xf32>
        %neg3A_145 = arith.subf %neg3A_144, %select_n3A_142 : vector<16xf32>
        %exp3A_146 = math.exp %neg3A_145 : vector<16xf32>
        %swap3A_147 = arith.index_cast %add3A_125 : i32 to index
        %swap3A_148 = tpu.vector_load %arg19[%swap3A_147] {strides = array<i32>} : memref<2000xf32, #tpu.memory_space<vmem>>, vector<16xf32>,
        tpu.vector_store %arg19[%swap3A_147], %exp3A_146 {strides = array<i32>} : memref<2000xf32, #tpu.memory_space<vmem>>, vector<16xf32>,
        %mul3A_149 = arith.constant 80 : i32
        %mul3A_150 = arith.muli %scan3A_45, %mul3A_149 : i32
        %add3A_151 = arith.constant 64 : i32
        %add3A_152 = arith.addi %mul3A_150, %add3A_151 : i32
        %get3A_153 = arith.index_cast %add3A_152 : i32 to index
        %get3A_154 = tpu.vector_load %arg16[%get3A_153] {strides = array<i32>} : memref<2000xi32, #tpu.memory_space<vmem>>, vector<16xi32>,
        %get3A_155 = arith.index_cast %add3A_152 : i32 to index
        %get3A_156 = tpu.vector_load %arg17[%get3A_155] {strides = array<i32>} : memref<2000xi32, #tpu.memory_space<vmem>>, vector<16xi32>,
        %get3A_157 = arith.index_cast %add3A_152 : i32 to index
        %get3A_158 = tpu.vector_load %arg18[%get3A_157] {strides = array<i32>} : memref<2000xf32, #tpu.memory_space<vmem>>, vector<16xf32>,
        %gather3A_159 = tpu.vector_load_idx %arg14[%get3A_154] : memref<10000xf32, #tpu.memory_space<vmem>>[vector<16xi32>], vector<16xf32>,
        %gather3A_160 = tpu.vector_load_idx %arg15[%get3A_156] : memref<10000xf32, #tpu.memory_space<vmem>>[vector<16xi32>], vector<16xf32>,
        %add3A_161 = arith.addf %gather3A_159, %gather3A_160 : vector<16xf32>
        %add3A_162 = arith.addf %add3A_161, %get3A_158 : vector<16xf32>
        %gt3A_163 = arith.constant 0.000000e+00 : f32
        %gt3A_164 = vector.broadcast %gt3A_163 : f32 to vector<16xf32>
        %gt3A_165 = arith.cmpf ogt, %add3A_162, %gt3A_164 : vector<16xf32>
        %mul3A_166 = arith.constant 2.000000e-01 : f32
        %mul3A_167 = vector.broadcast %mul3A_166 : f32 to vector<16xf32>
        %mul3A_168 = arith.mulf %mul3A_167, %add3A_162 : vector<16xf32>
        %select_n3A_169 = arith.select %gt3A_165, %add3A_162, %mul3A_168 : vector<16xi1>, vector<16xf32>
        %neg3A_170 = arith.constant 0.000000e+00 : f32
        %neg3A_171 = vector.broadcast %neg3A_170 : f32 to vector<16xf32>
        %neg3A_172 = arith.subf %neg3A_171, %select_n3A_169 : vector<16xf32>
        %exp3A_173 = math.exp %neg3A_172 : vector<16xf32>
        %swap3A_174 = arith.index_cast %add3A_152 : i32 to index
        %swap3A_175 = tpu.vector_load %arg19[%swap3A_174] {strides = array<i32>} : memref<2000xf32, #tpu.memory_space<vmem>>, vector<16xf32>,
        tpu.vector_store %arg19[%swap3A_174], %exp3A_173 {strides = array<i32>} : memref<2000xf32, #tpu.memory_space<vmem>>, vector<16xf32>,
        %scan3A_176 = arith.constant 0 : i32
        scf.yield %scan3A_176 : i32
      }
      %scan3A_43 = arith.constant 25 : i32
      "tpu.region"() ({
        %run_scoped3A = tpu.sem_alloc : memref<!tpu.dma_semaphore, #tpu.memory_space<semaphore_mem>>
        %dma_start3A = tpu.memref_slice %arg13[%mul3A_37] : memref<160000xf32, #tpu.memory_space<hbm>> -> memref<2000xf32, #tpu.memory_space<hbm>>
        %dma_start3A_45 = tpu.memref_slice %arg13[%mul3A_37] : memref<160000xf32, #tpu.memory_space<hbm>> -> memref<2000xf32, #tpu.memory_space<hbm>>
        tpu.enqueue_dma source(%arg19 : memref<2000xf32, #tpu.memory_space<vmem>>) target(%dma_start3A_45 : memref<2000xf32, #tpu.memory_space<hbm>>) target_semaphore(%run_scoped3A : memref<!tpu.dma_semaphore, #tpu.memory_space<semaphore_mem>>)
        %dma_wait3A = tpu.memref_slice %arg13[%mul3A_37] : memref<160000xf32, #tpu.memory_space<hbm>> -> memref<2000xf32, #tpu.memory_space<hbm>>
        %dma_wait3A_46 = tpu.memref_slice %arg13[%mul3A_37] : memref<160000xf32, #tpu.memory_space<hbm>> -> memref<2000xf32, #tpu.memory_space<hbm>>
        tpu.wait_dma2 semaphore(%run_scoped3A : memref<!tpu.dma_semaphore, #tpu.memory_space<semaphore_mem>>) src(%arg19 : memref<2000xf32, #tpu.memory_space<vmem>>) dst(%dma_wait3A_46 : memref<2000xf32, #tpu.memory_space<hbm>>)
        tpu.yield
      }) : () -> ()
      %while3A_44 = arith.constant 0 : i32
      scf.yield %while3A_44 : i32
    }
    %while3A_29 = arith.constant 1 : i32
    %while3A_30 = scf.for %while3A_31 = %while3A_26 to %while3A_22 step %while3A_29 iter_args(%while3A_32 = %while3A_28) -> (i32)  : i32 {
      %mul3A_33 = arith.constant 32 : i32
      %mul3A_34 = arith.muli %mul3A_33, %while3A_31 : i32
      %add3A_35 = arith.addi %add3A, %mul3A_34 : i32
      %mul3A_36 = arith.constant 2000 : i32
      %mul3A_37 = arith.muli %add3A_35, %mul3A_36 : i32
      "tpu.region"() ({
        %run_scoped3A = tpu.sem_alloc : memref<!tpu.dma_semaphore, #tpu.memory_space<semaphore_mem>>
        %dma_start3A = tpu.memref_slice %arg7[%mul3A_37] : memref<160000xi32, #tpu.memory_space<hbm>> -> memref<2000xi32, #tpu.memory_space<hbm>>
        %dma_start3A_45 = tpu.memref_slice %arg7[%mul3A_37] : memref<160000xi32, #tpu.memory_space<hbm>> -> memref<2000xi32, #tpu.memory_space<hbm>>
        tpu.enqueue_dma source(%dma_start3A_45 : memref<2000xi32, #tpu.memory_space<hbm>>) target(%arg16 : memref<2000xi32, #tpu.memory_space<vmem>>) target_semaphore(%run_scoped3A : memref<!tpu.dma_semaphore, #tpu.memory_space<semaphore_mem>>)
        %dma_wait3A = tpu.memref_slice %arg7[%mul3A_37] : memref<160000xi32, #tpu.memory_space<hbm>> -> memref<2000xi32, #tpu.memory_space<hbm>>
        %dma_wait3A_46 = tpu.memref_slice %arg7[%mul3A_37] : memref<160000xi32, #tpu.memory_space<hbm>> -> memref<2000xi32, #tpu.memory_space<hbm>>
        tpu.wait_dma2 semaphore(%run_scoped3A : memref<!tpu.dma_semaphore, #tpu.memory_space<semaphore_mem>>) src(%dma_wait3A_46 : memref<2000xi32, #tpu.memory_space<hbm>>) dst(%arg16 : memref<2000xi32, #tpu.memory_space<vmem>>)
        tpu.yield
      }) : () -> ()
      "tpu.region"() ({
        %run_scoped3A = tpu.sem_alloc : memref<!tpu.dma_semaphore, #tpu.memory_space<semaphore_mem>>
        %dma_start3A = tpu.memref_slice %arg8[%mul3A_37] : memref<160000xi32, #tpu.memory_space<hbm>> -> memref<2000xi32, #tpu.memory_space<hbm>>
        %dma_start3A_45 = tpu.memref_slice %arg8[%mul3A_37] : memref<160000xi32, #tpu.memory_space<hbm>> -> memref<2000xi32, #tpu.memory_space<hbm>>
        tpu.enqueue_dma source(%dma_start3A_45 : memref<2000xi32, #tpu.memory_space<hbm>>) target(%arg17 : memref<2000xi32, #tpu.memory_space<vmem>>) target_semaphore(%run_scoped3A : memref<!tpu.dma_semaphore, #tpu.memory_space<semaphore_mem>>)
        %dma_wait3A = tpu.memref_slice %arg8[%mul3A_37] : memref<160000xi32, #tpu.memory_space<hbm>> -> memref<2000xi32, #tpu.memory_space<hbm>>
        %dma_wait3A_46 = tpu.memref_slice %arg8[%mul3A_37] : memref<160000xi32, #tpu.memory_space<hbm>> -> memref<2000xi32, #tpu.memory_space<hbm>>
        tpu.wait_dma2 semaphore(%run_scoped3A : memref<!tpu.dma_semaphore, #tpu.memory_space<semaphore_mem>>) src(%dma_wait3A_46 : memref<2000xi32, #tpu.memory_space<hbm>>) dst(%arg17 : memref<2000xi32, #tpu.memory_space<vmem>>)
        tpu.yield
      }) : () -> ()
      "tpu.region"() ({
        %run_scoped3A = tpu.sem_alloc : memref<!tpu.dma_semaphore, #tpu.memory_space<semaphore_mem>>
        %dma_start3A = tpu.memref_slice %arg9[%mul3A_37] : memref<160000xf32, #tpu.memory_space<hbm>> -> memref<2000xf32, #tpu.memory_space<hbm>>
        %dma_start3A_45 = tpu.memref_slice %arg9[%mul3A_37] : memref<160000xf32, #tpu.memory_space<hbm>> -> memref<2000xf32, #tpu.memory_space<hbm>>
        tpu.enqueue_dma source(%dma_start3A_45 : memref<2000xf32, #tpu.memory_space<hbm>>) target(%arg18 : memref<2000xf32, #tpu.memory_space<vmem>>) target_semaphore(%run_scoped3A : memref<!tpu.dma_semaphore, #tpu.memory_space<semaphore_mem>>)
        %dma_wait3A = tpu.memref_slice %arg9[%mul3A_37] : memref<160000xf32, #tpu.memory_space<hbm>> -> memref<2000xf32, #tpu.memory_space<hbm>>
        %dma_wait3A_46 = tpu.memref_slice %arg9[%mul3A_37] : memref<160000xf32, #tpu.memory_space<hbm>> -> memref<2000xf32, #tpu.memory_space<hbm>>
        tpu.wait_dma2 semaphore(%run_scoped3A : memref<!tpu.dma_semaphore, #tpu.memory_space<semaphore_mem>>) src(%dma_wait3A_46 : memref<2000xf32, #tpu.memory_space<hbm>>) dst(%arg18 : memref<2000xf32, #tpu.memory_space<vmem>>)
        tpu.yield
      }) : () -> ()
      %scan3A = arith.constant 0 : i32
      %scan3A_38 = arith.constant 0 : i32
      %scan3A_39 = arith.constant 25 : i32
      %scan3A_40 = arith.addi %scan3A_38, %scan3A_39 : i32
      %scan3A_41 = arith.constant 1 : i32
      %scan3A_42 = scf.for %scan3A_45 = %scan3A_38 to %scan3A_40 step %scan3A_41 iter_args(%scan3A_46 = %scan3A) -> (i32)  : i32 {
        %mul3A_47 = arith.constant 80 : i32
        %mul3A_48 = arith.muli %scan3A_45, %mul3A_47 : i32
        %add3A_49 = arith.constant 0 : i32
        %add3A_50 = arith.addi %mul3A_48, %add3A_49 : i32
        %get3A = arith.index_cast %add3A_50 : i32 to index
        %get3A_51 = tpu.vector_load %arg16[%get3A] {strides = array<i32>} : memref<2000xi32, #tpu.memory_space<vmem>>, vector<16xi32>,
        %get3A_52 = arith.index_cast %add3A_50 : i32 to index
        %get3A_53 = tpu.vector_load %arg17[%get3A_52] {strides = array<i32>} : memref<2000xi32, #tpu.memory_space<vmem>>, vector<16xi32>,
        %get3A_54 = arith.index_cast %add3A_50 : i32 to index
        %get3A_55 = tpu.vector_load %arg18[%get3A_54] {strides = array<i32>} : memref<2000xf32, #tpu.memory_space<vmem>>, vector<16xf32>,
        %gather3A = tpu.vector_load_idx %arg14[%get3A_51] : memref<10000xf32, #tpu.memory_space<vmem>>[vector<16xi32>], vector<16xf32>,
        %gather3A_56 = tpu.vector_load_idx %arg15[%get3A_53] : memref<10000xf32, #tpu.memory_space<vmem>>[vector<16xi32>], vector<16xf32>,
        %add3A_57 = arith.addf %gather3A, %gather3A_56 : vector<16xf32>
        %add3A_58 = arith.addf %add3A_57, %get3A_55 : vector<16xf32>
        %gt3A = arith.constant 0.000000e+00 : f32
        %gt3A_59 = vector.broadcast %gt3A : f32 to vector<16xf32>
        %gt3A_60 = arith.cmpf ogt, %add3A_58, %gt3A_59 : vector<16xf32>
        %mul3A_61 = arith.constant 2.000000e-01 : f32
        %mul3A_62 = vector.broadcast %mul3A_61 : f32 to vector<16xf32>
        %mul3A_63 = arith.mulf %mul3A_62, %add3A_58 : vector<16xf32>
        %select_n3A_64 = arith.select %gt3A_60, %add3A_58, %mul3A_63 : vector<16xi1>, vector<16xf32>
        %neg3A = arith.constant 0.000000e+00 : f32
        %neg3A_65 = vector.broadcast %neg3A : f32 to vector<16xf32>
        %neg3A_66 = arith.subf %neg3A_65, %select_n3A_64 : vector<16xf32>
        %exp3A = math.exp %neg3A_66 : vector<16xf32>
        %swap3A = arith.index_cast %add3A_50 : i32 to index
        %swap3A_67 = tpu.vector_load %arg19[%swap3A] {strides = array<i32>} : memref<2000xf32, #tpu.memory_space<vmem>>, vector<16xf32>,
        tpu.vector_store %arg19[%swap3A], %exp3A {strides = array<i32>} : memref<2000xf32, #tpu.memory_space<vmem>>, vector<16xf32>,
        %mul3A_68 = arith.constant 80 : i32
        %mul3A_69 = arith.muli %scan3A_45, %mul3A_68 : i32
        %add3A_70 = arith.constant 16 : i32
        %add3A_71 = arith.addi %mul3A_69, %add3A_70 : i32
        %get3A_72 = arith.index_cast %add3A_71 : i32 to index
        %get3A_73 = tpu.vector_load %arg16[%get3A_72] {strides = array<i32>} : memref<2000xi32, #tpu.memory_space<vmem>>, vector<16xi32>,
        %get3A_74 = arith.index_cast %add3A_71 : i32 to index
        %get3A_75 = tpu.vector_load %arg17[%get3A_74] {strides = array<i32>} : memref<2000xi32, #tpu.memory_space<vmem>>, vector<16xi32>,
        %get3A_76 = arith.index_cast %add3A_71 : i32 to index
        %get3A_77 = tpu.vector_load %arg18[%get3A_76] {strides = array<i32>} : memref<2000xf32, #tpu.memory_space<vmem>>, vector<16xf32>,
        %gather3A_78 = tpu.vector_load_idx %arg14[%get3A_73] : memref<10000xf32, #tpu.memory_space<vmem>>[vector<16xi32>], vector<16xf32>,
        %gather3A_79 = tpu.vector_load_idx %arg15[%get3A_75] : memref<10000xf32, #tpu.memory_space<vmem>>[vector<16xi32>], vector<16xf32>,
        %add3A_80 = arith.addf %gather3A_78, %gather3A_79 : vector<16xf32>
        %add3A_81 = arith.addf %add3A_80, %get3A_77 : vector<16xf32>
        %gt3A_82 = arith.constant 0.000000e+00 : f32
        %gt3A_83 = vector.broadcast %gt3A_82 : f32 to vector<16xf32>
        %gt3A_84 = arith.cmpf ogt, %add3A_81, %gt3A_83 : vector<16xf32>
        %mul3A_85 = arith.constant 2.000000e-01 : f32
        %mul3A_86 = vector.broadcast %mul3A_85 : f32 to vector<16xf32>
        %mul3A_87 = arith.mulf %mul3A_86, %add3A_81 : vector<16xf32>
        %select_n3A_88 = arith.select %gt3A_84, %add3A_81, %mul3A_87 : vector<16xi1>, vector<16xf32>
        %neg3A_89 = arith.constant 0.000000e+00 : f32
        %neg3A_90 = vector.broadcast %neg3A_89 : f32 to vector<16xf32>
        %neg3A_91 = arith.subf %neg3A_90, %select_n3A_88 : vector<16xf32>
        %exp3A_92 = math.exp %neg3A_91 : vector<16xf32>
        %swap3A_93 = arith.index_cast %add3A_71 : i32 to index
        %swap3A_94 = tpu.vector_load %arg19[%swap3A_93] {strides = array<i32>} : memref<2000xf32, #tpu.memory_space<vmem>>, vector<16xf32>,
        tpu.vector_store %arg19[%swap3A_93], %exp3A_92 {strides = array<i32>} : memref<2000xf32, #tpu.memory_space<vmem>>, vector<16xf32>,
        %mul3A_95 = arith.constant 80 : i32
        %mul3A_96 = arith.muli %scan3A_45, %mul3A_95 : i32
        %add3A_97 = arith.constant 32 : i32
        %add3A_98 = arith.addi %mul3A_96, %add3A_97 : i32
        %get3A_99 = arith.index_cast %add3A_98 : i32 to index
        %get3A_100 = tpu.vector_load %arg16[%get3A_99] {strides = array<i32>} : memref<2000xi32, #tpu.memory_space<vmem>>, vector<16xi32>,
        %get3A_101 = arith.index_cast %add3A_98 : i32 to index
        %get3A_102 = tpu.vector_load %arg17[%get3A_101] {strides = array<i32>} : memref<2000xi32, #tpu.memory_space<vmem>>, vector<16xi32>,
        %get3A_103 = arith.index_cast %add3A_98 : i32 to index
        %get3A_104 = tpu.vector_load %arg18[%get3A_103] {strides = array<i32>} : memref<2000xf32, #tpu.memory_space<vmem>>, vector<16xf32>,
        %gather3A_105 = tpu.vector_load_idx %arg14[%get3A_100] : memref<10000xf32, #tpu.memory_space<vmem>>[vector<16xi32>], vector<16xf32>,
        %gather3A_106 = tpu.vector_load_idx %arg15[%get3A_102] : memref<10000xf32, #tpu.memory_space<vmem>>[vector<16xi32>], vector<16xf32>,
        %add3A_107 = arith.addf %gather3A_105, %gather3A_106 : vector<16xf32>
        %add3A_108 = arith.addf %add3A_107, %get3A_104 : vector<16xf32>
        %gt3A_109 = arith.constant 0.000000e+00 : f32
        %gt3A_110 = vector.broadcast %gt3A_109 : f32 to vector<16xf32>
        %gt3A_111 = arith.cmpf ogt, %add3A_108, %gt3A_110 : vector<16xf32>
        %mul3A_112 = arith.constant 2.000000e-01 : f32
        %mul3A_113 = vector.broadcast %mul3A_112 : f32 to vector<16xf32>
        %mul3A_114 = arith.mulf %mul3A_113, %add3A_108 : vector<16xf32>
        %select_n3A_115 = arith.select %gt3A_111, %add3A_108, %mul3A_114 : vector<16xi1>, vector<16xf32>
        %neg3A_116 = arith.constant 0.000000e+00 : f32
        %neg3A_117 = vector.broadcast %neg3A_116 : f32 to vector<16xf32>
        %neg3A_118 = arith.subf %neg3A_117, %select_n3A_115 : vector<16xf32>
        %exp3A_119 = math.exp %neg3A_118 : vector<16xf32>
        %swap3A_120 = arith.index_cast %add3A_98 : i32 to index
        %swap3A_121 = tpu.vector_load %arg19[%swap3A_120] {strides = array<i32>} : memref<2000xf32, #tpu.memory_space<vmem>>, vector<16xf32>,
        tpu.vector_store %arg19[%swap3A_120], %exp3A_119 {strides = array<i32>} : memref<2000xf32, #tpu.memory_space<vmem>>, vector<16xf32>,
        %mul3A_122 = arith.constant 80 : i32
        %mul3A_123 = arith.muli %scan3A_45, %mul3A_122 : i32
        %add3A_124 = arith.constant 48 : i32
        %add3A_125 = arith.addi %mul3A_123, %add3A_124 : i32
        %get3A_126 = arith.index_cast %add3A_125 : i32 to index
        %get3A_127 = tpu.vector_load %arg16[%get3A_126] {strides = array<i32>} : memref<2000xi32, #tpu.memory_space<vmem>>, vector<16xi32>,
        %get3A_128 = arith.index_cast %add3A_125 : i32 to index
        %get3A_129 = tpu.vector_load %arg17[%get3A_128] {strides = array<i32>} : memref<2000xi32, #tpu.memory_space<vmem>>, vector<16xi32>,
        %get3A_130 = arith.index_cast %add3A_125 : i32 to index
        %get3A_131 = tpu.vector_load %arg18[%get3A_130] {strides = array<i32>} : memref<2000xf32, #tpu.memory_space<vmem>>, vector<16xf32>,
        %gather3A_132 = tpu.vector_load_idx %arg14[%get3A_127] : memref<10000xf32, #tpu.memory_space<vmem>>[vector<16xi32>], vector<16xf32>,
        %gather3A_133 = tpu.vector_load_idx %arg15[%get3A_129] : memref<10000xf32, #tpu.memory_space<vmem>>[vector<16xi32>], vector<16xf32>,
        %add3A_134 = arith.addf %gather3A_132, %gather3A_133 : vector<16xf32>
        %add3A_135 = arith.addf %add3A_134, %get3A_131 : vector<16xf32>
        %gt3A_136 = arith.constant 0.000000e+00 : f32
        %gt3A_137 = vector.broadcast %gt3A_136 : f32 to vector<16xf32>
        %gt3A_138 = arith.cmpf ogt, %add3A_135, %gt3A_137 : vector<16xf32>
        %mul3A_139 = arith.constant 2.000000e-01 : f32
        %mul3A_140 = vector.broadcast %mul3A_139 : f32 to vector<16xf32>
        %mul3A_141 = arith.mulf %mul3A_140, %add3A_135 : vector<16xf32>
        %select_n3A_142 = arith.select %gt3A_138, %add3A_135, %mul3A_141 : vector<16xi1>, vector<16xf32>
        %neg3A_143 = arith.constant 0.000000e+00 : f32
        %neg3A_144 = vector.broadcast %neg3A_143 : f32 to vector<16xf32>
        %neg3A_145 = arith.subf %neg3A_144, %select_n3A_142 : vector<16xf32>
        %exp3A_146 = math.exp %neg3A_145 : vector<16xf32>
        %swap3A_147 = arith.index_cast %add3A_125 : i32 to index
        %swap3A_148 = tpu.vector_load %arg19[%swap3A_147] {strides = array<i32>} : memref<2000xf32, #tpu.memory_space<vmem>>, vector<16xf32>,
        tpu.vector_store %arg19[%swap3A_147], %exp3A_146 {strides = array<i32>} : memref<2000xf32, #tpu.memory_space<vmem>>, vector<16xf32>,
        %mul3A_149 = arith.constant 80 : i32
        %mul3A_150 = arith.muli %scan3A_45, %mul3A_149 : i32
        %add3A_151 = arith.constant 64 : i32
        %add3A_152 = arith.addi %mul3A_150, %add3A_151 : i32
        %get3A_153 = arith.index_cast %add3A_152 : i32 to index
        %get3A_154 = tpu.vector_load %arg16[%get3A_153] {strides = array<i32>} : memref<2000xi32, #tpu.memory_space<vmem>>, vector<16xi32>,
        %get3A_155 = arith.index_cast %add3A_152 : i32 to index
        %get3A_156 = tpu.vector_load %arg17[%get3A_155] {strides = array<i32>} : memref<2000xi32, #tpu.memory_space<vmem>>, vector<16xi32>,
        %get3A_157 = arith.index_cast %add3A_152 : i32 to index
        %get3A_158 = tpu.vector_load %arg18[%get3A_157] {strides = array<i32>} : memref<2000xf32, #tpu.memory_space<vmem>>, vector<16xf32>,
        %gather3A_159 = tpu.vector_load_idx %arg14[%get3A_154] : memref<10000xf32, #tpu.memory_space<vmem>>[vector<16xi32>], vector<16xf32>,
        %gather3A_160 = tpu.vector_load_idx %arg15[%get3A_156] : memref<10000xf32, #tpu.memory_space<vmem>>[vector<16xi32>], vector<16xf32>,
        %add3A_161 = arith.addf %gather3A_159, %gather3A_160 : vector<16xf32>
        %add3A_162 = arith.addf %add3A_161, %get3A_158 : vector<16xf32>
        %gt3A_163 = arith.constant 0.000000e+00 : f32
        %gt3A_164 = vector.broadcast %gt3A_163 : f32 to vector<16xf32>
        %gt3A_165 = arith.cmpf ogt, %add3A_162, %gt3A_164 : vector<16xf32>
        %mul3A_166 = arith.constant 2.000000e-01 : f32
        %mul3A_167 = vector.broadcast %mul3A_166 : f32 to vector<16xf32>
        %mul3A_168 = arith.mulf %mul3A_167, %add3A_162 : vector<16xf32>
        %select_n3A_169 = arith.select %gt3A_165, %add3A_162, %mul3A_168 : vector<16xi1>, vector<16xf32>
        %neg3A_170 = arith.constant 0.000000e+00 : f32
        %neg3A_171 = vector.broadcast %neg3A_170 : f32 to vector<16xf32>
        %neg3A_172 = arith.subf %neg3A_171, %select_n3A_169 : vector<16xf32>
        %exp3A_173 = math.exp %neg3A_172 : vector<16xf32>
        %swap3A_174 = arith.index_cast %add3A_152 : i32 to index
        %swap3A_175 = tpu.vector_load %arg19[%swap3A_174] {strides = array<i32>} : memref<2000xf32, #tpu.memory_space<vmem>>, vector<16xf32>,
        tpu.vector_store %arg19[%swap3A_174], %exp3A_173 {strides = array<i32>} : memref<2000xf32, #tpu.memory_space<vmem>>, vector<16xf32>,
        %scan3A_176 = arith.constant 0 : i32
        scf.yield %scan3A_176 : i32
      }
      %scan3A_43 = arith.constant 25 : i32
      "tpu.region"() ({
        %run_scoped3A = tpu.sem_alloc : memref<!tpu.dma_semaphore, #tpu.memory_space<semaphore_mem>>
        %dma_start3A = tpu.memref_slice %arg13[%mul3A_37] : memref<160000xf32, #tpu.memory_space<hbm>> -> memref<2000xf32, #tpu.memory_space<hbm>>
        %dma_start3A_45 = tpu.memref_slice %arg13[%mul3A_37] : memref<160000xf32, #tpu.memory_space<hbm>> -> memref<2000xf32, #tpu.memory_space<hbm>>
        tpu.enqueue_dma source(%arg19 : memref<2000xf32, #tpu.memory_space<vmem>>) target(%dma_start3A_45 : memref<2000xf32, #tpu.memory_space<hbm>>) target_semaphore(%run_scoped3A : memref<!tpu.dma_semaphore, #tpu.memory_space<semaphore_mem>>)
        %dma_wait3A = tpu.memref_slice %arg13[%mul3A_37] : memref<160000xf32, #tpu.memory_space<hbm>> -> memref<2000xf32, #tpu.memory_space<hbm>>
        %dma_wait3A_46 = tpu.memref_slice %arg13[%mul3A_37] : memref<160000xf32, #tpu.memory_space<hbm>> -> memref<2000xf32, #tpu.memory_space<hbm>>
        tpu.wait_dma2 semaphore(%run_scoped3A : memref<!tpu.dma_semaphore, #tpu.memory_space<semaphore_mem>>) src(%arg19 : memref<2000xf32, #tpu.memory_space<vmem>>) dst(%dma_wait3A_46 : memref<2000xf32, #tpu.memory_space<hbm>>)
        tpu.yield
      }) : () -> ()
      %while3A_44 = arith.constant 0 : i32
      scf.yield %while3A_44 : i32
    }
    return
  }
}

#map = affine_map<(d0, d1) -> (0)>
#map1 = affine_map<(d0, d1) -> (0, 0)>
module attributes {stable_mosaic.version = 14 : i64} {
  func.func @_sc_kernel_body(%arg0: i32, %arg1: i32, %arg2: memref<400000xi32, #tpu.memory_space<hbm>>, %arg3: memref<400000xi32, #tpu.memory_space<hbm>>, %arg4: memref<400000xf32, #tpu.memory_space<hbm>>, %arg5: memref<6400000xf32, #tpu.memory_space<hbm>>, %arg6: memref<32x20000xi32, #tpu.memory_space<hbm>>, %arg7: memref<160000xi32, #tpu.memory_space<hbm>>, %arg8: memref<160000xi32, #tpu.memory_space<hbm>>, %arg9: memref<160000xf32, #tpu.memory_space<hbm>>, %arg10: memref<3200000xf32, #tpu.memory_space<hbm>>, %arg11: memref<32x20000xi32, #tpu.memory_space<hbm>>, %arg12: memref<32x40000xf32, #tpu.memory_space<hbm>>, %arg13: memref<32x40000xf32, #tpu.memory_space<hbm>>, %arg14: memref<16x10000xf32, #tpu.memory_space<hbm>>, %arg15: memref<16x10000xf32, #tpu.memory_space<hbm>>, %arg16: memref<4x10000xf32, #tpu.memory_space<hbm>>, %arg17: memref<2x10000xf32, #tpu.memory_space<hbm>>, %arg18: memref<20000xi32, #tpu.memory_space<vmem>>, %arg19: memref<40000xf32, #tpu.memory_space<vmem>>, %arg20: memref<10000xf32, #tpu.memory_space<vmem>>, %arg21: memref<8000xi32, #tpu.memory_space<vmem>>, %arg22: memref<8000xi32, #tpu.memory_space<vmem>>, %arg23: memref<8000xf32, #tpu.memory_space<vmem>>, %arg24: memref<8000xf32, #tpu.memory_space<vmem>>, %arg25: memref<4x2x!tpu.dma_semaphore, #tpu.memory_space<semaphore_mem>>) attributes {dimension_semantics = [#tpu.dimension_semantics<core_parallel>, #tpu.dimension_semantics<subcore_parallel>], iteration_bounds = array<i64: 2, 16>, scalar_prefetch = 0 : i64, scratch_operands = 8 : i64, tpu.core_type = #tpu.core_type<sc_vector_subcore>, window_params = [{transform_indices = #map}, {transform_indices = #map}, {transform_indices = #map}, {transform_indices = #map}, {transform_indices = #map1}, {transform_indices = #map}, {transform_indices = #map}, {transform_indices = #map}, {transform_indices = #map}, {transform_indices = #map1}, {transform_indices = #map1}, {transform_indices = #map1}, {transform_indices = #map1}, {transform_indices = #map1}, {transform_indices = #map1}, {transform_indices = #map1}]} {
    %mul3A = arith.constant 2 : i32
    %mul3A_0 = arith.muli %arg1, %mul3A : i32
    %add3A = arith.addi %mul3A_0, %arg0 : i32
    %lt3A = arith.constant 16 : i32
    %lt3A_1 = arith.cmpi slt, %add3A, %lt3A : i32
    %eq3A = arith.constant 16 : i32
    %eq3A_2 = arith.cmpi eq, %add3A, %eq3A : i32
    %ge3A = arith.constant 17 : i32
    %ge3A_3 = arith.cmpi sge, %add3A, %ge3A : i32
    %lt3A_4 = arith.constant 17 : i32
    %lt3A_5 = arith.cmpi slt, %add3A, %lt3A_4 : i32
    %and3A = arith.andi %ge3A_3, %lt3A_5 : i1
    %or3A = arith.ori %eq3A_2, %and3A : i1
    %or3A_6 = arith.ori %lt3A_1, %or3A : i1
    %not3A = arith.constant true
    %not3A_7 = arith.xori %eq3A_2, %not3A : i1
    %and3A_8 = arith.andi %or3A_6, %not3A_7 : i1
    %mul3A_9 = arith.constant 400000 : i32
    %mul3A_10 = arith.muli %add3A, %mul3A_9 : i32
    %sub3A = arith.constant 17 : i32
    %sub3A_11 = arith.subi %add3A, %sub3A : i32
    %mul3A_12 = arith.constant 400000 : i32
    %mul3A_13 = arith.muli %sub3A_11, %mul3A_12 : i32
    %add3A_14 = arith.constant 0 : i32
    %add3A_15 = arith.addi %add3A_14, %mul3A_13 : i32
    %jit3A = arith.constant 0 : i32
    %select_n3A = arith.select %and3A, %add3A_15, %jit3A : i32
    %select_n3A_16 = arith.select %lt3A_1, %mul3A_10, %select_n3A : i32
    "tpu.region"() ({
      %run_scoped3A = tpu.sem_alloc : memref<!tpu.dma_semaphore, #tpu.memory_space<semaphore_mem>>
      %dma_start3A_199 = arith.constant 0 : i32
      %dma_start3A_200 = tpu.memref_slice %arg6[%add3A, %dma_start3A_199] : memref<32x20000xi32, #tpu.memory_space<hbm>> -> memref<1x20000xi32, #tpu.memory_space<hbm>>
      %dma_start3A_201 = tpu.memref_squeeze %dma_start3A_200 : memref<1x20000xi32, #tpu.memory_space<hbm>> -> memref<20000xi32, #tpu.memory_space<hbm>>
      %dma_start3A_202 = arith.constant 0 : i32
      %dma_start3A_203 = tpu.memref_slice %arg6[%add3A, %dma_start3A_202] : memref<32x20000xi32, #tpu.memory_space<hbm>> -> memref<1x20000xi32, #tpu.memory_space<hbm>>
      %dma_start3A_204 = tpu.memref_squeeze %dma_start3A_203 : memref<1x20000xi32, #tpu.memory_space<hbm>> -> memref<20000xi32, #tpu.memory_space<hbm>>
      tpu.enqueue_dma source(%dma_start3A_204 : memref<20000xi32, #tpu.memory_space<hbm>>) target(%arg18 : memref<20000xi32, #tpu.memory_space<vmem>>) target_semaphore(%run_scoped3A : memref<!tpu.dma_semaphore, #tpu.memory_space<semaphore_mem>>)
      %dma_wait3A = arith.constant 0 : i32
      %dma_wait3A_205 = tpu.memref_slice %arg6[%add3A, %dma_wait3A] : memref<32x20000xi32, #tpu.memory_space<hbm>> -> memref<1x20000xi32, #tpu.memory_space<hbm>>
      %dma_wait3A_206 = tpu.memref_squeeze %dma_wait3A_205 : memref<1x20000xi32, #tpu.memory_space<hbm>> -> memref<20000xi32, #tpu.memory_space<hbm>>
      %dma_wait3A_207 = arith.constant 0 : i32
      %dma_wait3A_208 = tpu.memref_slice %arg6[%add3A, %dma_wait3A_207] : memref<32x20000xi32, #tpu.memory_space<hbm>> -> memref<1x20000xi32, #tpu.memory_space<hbm>>
      %dma_wait3A_209 = tpu.memref_squeeze %dma_wait3A_208 : memref<1x20000xi32, #tpu.memory_space<hbm>> -> memref<20000xi32, #tpu.memory_space<hbm>>
      tpu.wait_dma2 semaphore(%run_scoped3A : memref<!tpu.dma_semaphore, #tpu.memory_space<semaphore_mem>>) src(%dma_wait3A_209 : memref<20000xi32, #tpu.memory_space<hbm>>) dst(%arg18 : memref<20000xi32, #tpu.memory_space<vmem>>)
      tpu.yield
    }) : () -> ()
    %broadcast_in_dim3A = arith.constant 0.000000e+00 : f32
    %broadcast_in_dim3A_17 = vector.broadcast %broadcast_in_dim3A : f32 to vector<16xf32>
    %scan3A = arith.constant 0 : i32
    %scan3A_18 = arith.constant 0 : i32
    %scan3A_19 = arith.constant 2500 : i32
    %scan3A_20 = arith.addi %scan3A_18, %scan3A_19 : i32
    %scan3A_21 = arith.constant 1 : i32
    %scan3A_22 = scf.for %scan3A_199 = %scan3A_18 to %scan3A_20 step %scan3A_21 iter_args(%scan3A_200 = %scan3A) -> (i32)  : i32 {
      %mul3A_201 = arith.constant 16 : i32
      %mul3A_202 = arith.muli %scan3A_199, %mul3A_201 : i32
      %swap3A = arith.index_cast %mul3A_202 : i32 to index
      %swap3A_203 = tpu.vector_load %arg19[%swap3A] {strides = array<i32>} : memref<40000xf32, #tpu.memory_space<vmem>>, vector<16xf32>,
      tpu.vector_store %arg19[%swap3A], %broadcast_in_dim3A_17 {strides = array<i32>} : memref<40000xf32, #tpu.memory_space<vmem>>, vector<16xf32>,
      %scan3A_204 = arith.constant 0 : i32
      scf.yield %scan3A_204 : i32
    }
    %scan3A_23 = arith.constant 2500 : i32
    %broadcast_in_dim3A_24 = arith.constant 0.000000e+00 : f32
    %broadcast_in_dim3A_25 = vector.broadcast %broadcast_in_dim3A_24 : f32 to vector<16xf32>
    %scan3A_26 = arith.constant 0 : i32
    %scan3A_27 = arith.constant 0 : i32
    %scan3A_28 = arith.constant 625 : i32
    %scan3A_29 = arith.addi %scan3A_27, %scan3A_28 : i32
    %scan3A_30 = arith.constant 1 : i32
    %scan3A_31 = scf.for %scan3A_199 = %scan3A_27 to %scan3A_29 step %scan3A_30 iter_args(%scan3A_200 = %scan3A_26) -> (i32)  : i32 {
      %mul3A_201 = arith.constant 16 : i32
      %mul3A_202 = arith.muli %scan3A_199, %mul3A_201 : i32
      %swap3A = arith.index_cast %mul3A_202 : i32 to index
      %swap3A_203 = tpu.vector_load %arg20[%swap3A] {strides = array<i32>} : memref<10000xf32, #tpu.memory_space<vmem>>, vector<16xf32>,
      tpu.vector_store %arg20[%swap3A], %broadcast_in_dim3A_25 {strides = array<i32>} : memref<10000xf32, #tpu.memory_space<vmem>>, vector<16xf32>,
      %scan3A_204 = arith.constant 0 : i32
      scf.yield %scan3A_204 : i32
    }
    %scan3A_32 = arith.constant 625 : i32
    %broadcast_in_dim3A_33 = vector.broadcast %eq3A_2 : i1 to vector<16xi1>
    %broadcast_in_dim3A_34 = vector.broadcast %or3A_6 : i1 to vector<16xi1>
    %broadcast_in_dim3A_35 = arith.constant 1.000000e+00 : f32
    %broadcast_in_dim3A_36 = vector.broadcast %broadcast_in_dim3A_35 : f32 to vector<16xf32>
    %add3A_37 = arith.constant 0 : i32
    %add3A_38 = arith.addi %select_n3A_16, %add3A_37 : i32
    %dma_start3A = arith.constant 0 : i32
    %dma_start3A_39 = arith.constant 0 : i32
    %dma_start3A_40 = arith.constant 0 : i32
    %dma_start3A_41 = tpu.memref_slice %arg21[%dma_start3A_40] : memref<8000xi32, #tpu.memory_space<vmem>> -> memref<4000xi32, #tpu.memory_space<vmem>>
    %dma_start3A_42 = arith.constant 0 : i32
    %dma_start3A_43 = tpu.memref_slice %arg2[%dma_start3A_42] : memref<400000xi32, #tpu.memory_space<hbm>> -> memref<4000xi32, #tpu.memory_space<hbm>>
    %dma_start3A_44 = tpu.memref_slice %arg25[%dma_start3A, %dma_start3A_39] : memref<4x2x!tpu.dma_semaphore, #tpu.memory_space<semaphore_mem>> -> memref<1x1x!tpu.dma_semaphore, #tpu.memory_space<semaphore_mem>>
    %dma_start3A_45 = tpu.memref_squeeze %dma_start3A_44 : memref<1x1x!tpu.dma_semaphore, #tpu.memory_space<semaphore_mem>> -> memref<!tpu.dma_semaphore, #tpu.memory_space<semaphore_mem>>
    %dma_start3A_46 = arith.constant 0 : i32
    %dma_start3A_47 = tpu.memref_slice %arg21[%dma_start3A_46] : memref<8000xi32, #tpu.memory_space<vmem>> -> memref<4000xi32, #tpu.memory_space<vmem>>
    %dma_start3A_48 = arith.constant 0 : i32
    %dma_start3A_49 = tpu.memref_slice %arg2[%dma_start3A_48] : memref<400000xi32, #tpu.memory_space<hbm>> -> memref<4000xi32, #tpu.memory_space<hbm>>
    tpu.enqueue_dma source(%dma_start3A_49 : memref<4000xi32, #tpu.memory_space<hbm>>) target(%dma_start3A_47 : memref<4000xi32, #tpu.memory_space<vmem>>) target_semaphore(%dma_start3A_45 : memref<!tpu.dma_semaphore, #tpu.memory_space<semaphore_mem>>)
    %dma_start3A_50 = arith.constant 1 : i32
    %dma_start3A_51 = arith.constant 0 : i32
    %dma_start3A_52 = arith.constant 0 : i32
    %dma_start3A_53 = tpu.memref_slice %arg22[%dma_start3A_52] : memref<8000xi32, #tpu.memory_space<vmem>> -> memref<4000xi32, #tpu.memory_space<vmem>>
    %dma_start3A_54 = arith.constant 0 : i32
    %dma_start3A_55 = tpu.memref_slice %arg3[%dma_start3A_54] : memref<400000xi32, #tpu.memory_space<hbm>> -> memref<4000xi32, #tpu.memory_space<hbm>>
    %dma_start3A_56 = tpu.memref_slice %arg25[%dma_start3A_50, %dma_start3A_51] : memref<4x2x!tpu.dma_semaphore, #tpu.memory_space<semaphore_mem>> -> memref<1x1x!tpu.dma_semaphore, #tpu.memory_space<semaphore_mem>>
    %dma_start3A_57 = tpu.memref_squeeze %dma_start3A_56 : memref<1x1x!tpu.dma_semaphore, #tpu.memory_space<semaphore_mem>> -> memref<!tpu.dma_semaphore, #tpu.memory_space<semaphore_mem>>
    %dma_start3A_58 = arith.constant 0 : i32
    %dma_start3A_59 = tpu.memref_slice %arg22[%dma_start3A_58] : memref<8000xi32, #tpu.memory_space<vmem>> -> memref<4000xi32, #tpu.memory_space<vmem>>
    %dma_start3A_60 = arith.constant 0 : i32
    %dma_start3A_61 = tpu.memref_slice %arg3[%dma_start3A_60] : memref<400000xi32, #tpu.memory_space<hbm>> -> memref<4000xi32, #tpu.memory_space<hbm>>
    tpu.enqueue_dma source(%dma_start3A_61 : memref<4000xi32, #tpu.memory_space<hbm>>) target(%dma_start3A_59 : memref<4000xi32, #tpu.memory_space<vmem>>) target_semaphore(%dma_start3A_57 : memref<!tpu.dma_semaphore, #tpu.memory_space<semaphore_mem>>)
    %dma_start3A_62 = arith.constant 2 : i32
    %dma_start3A_63 = arith.constant 0 : i32
    %dma_start3A_64 = arith.constant 0 : i32
    %dma_start3A_65 = tpu.memref_slice %arg23[%dma_start3A_64] : memref<8000xf32, #tpu.memory_space<vmem>> -> memref<4000xf32, #tpu.memory_space<vmem>>
    %dma_start3A_66 = arith.constant 0 : i32
    %dma_start3A_67 = tpu.memref_slice %arg4[%dma_start3A_66] : memref<400000xf32, #tpu.memory_space<hbm>> -> memref<4000xf32, #tpu.memory_space<hbm>>
    %dma_start3A_68 = tpu.memref_slice %arg25[%dma_start3A_62, %dma_start3A_63] : memref<4x2x!tpu.dma_semaphore, #tpu.memory_space<semaphore_mem>> -> memref<1x1x!tpu.dma_semaphore, #tpu.memory_space<semaphore_mem>>
    %dma_start3A_69 = tpu.memref_squeeze %dma_start3A_68 : memref<1x1x!tpu.dma_semaphore, #tpu.memory_space<semaphore_mem>> -> memref<!tpu.dma_semaphore, #tpu.memory_space<semaphore_mem>>
    %dma_start3A_70 = arith.constant 0 : i32
    %dma_start3A_71 = tpu.memref_slice %arg23[%dma_start3A_70] : memref<8000xf32, #tpu.memory_space<vmem>> -> memref<4000xf32, #tpu.memory_space<vmem>>
    %dma_start3A_72 = arith.constant 0 : i32
    %dma_start3A_73 = tpu.memref_slice %arg4[%dma_start3A_72] : memref<400000xf32, #tpu.memory_space<hbm>> -> memref<4000xf32, #tpu.memory_space<hbm>>
    tpu.enqueue_dma source(%dma_start3A_73 : memref<4000xf32, #tpu.memory_space<hbm>>) target(%dma_start3A_71 : memref<4000xf32, #tpu.memory_space<vmem>>) target_semaphore(%dma_start3A_69 : memref<!tpu.dma_semaphore, #tpu.memory_space<semaphore_mem>>)
    %convert_element_type3A = arith.extui %and3A_8 : i1 to i32
    %cond3A = arith.constant 3 : i32
    %cond3A_74 = arith.constant 0 : i32
    %cond3A_75 = arith.constant 0 : i32
    %cond3A_76 = arith.cmpi ne, %convert_element_type3A, %cond3A_75 : i32
    scf.if %cond3A_76 {
      %dma_start3A_199 = arith.constant 0 : i32
      %dma_start3A_200 = tpu.memref_slice %arg24[%dma_start3A_199] : memref<8000xf32, #tpu.memory_space<vmem>> -> memref<4000xf32, #tpu.memory_space<vmem>>
      %dma_start3A_201 = tpu.memref_slice %arg5[%add3A_38] : memref<6400000xf32, #tpu.memory_space<hbm>> -> memref<4000xf32, #tpu.memory_space<hbm>>
      %dma_start3A_202 = tpu.memref_slice %arg25[%cond3A, %cond3A_74] : memref<4x2x!tpu.dma_semaphore, #tpu.memory_space<semaphore_mem>> -> memref<1x1x!tpu.dma_semaphore, #tpu.memory_space<semaphore_mem>>
      %dma_start3A_203 = tpu.memref_squeeze %dma_start3A_202 : memref<1x1x!tpu.dma_semaphore, #tpu.memory_space<semaphore_mem>> -> memref<!tpu.dma_semaphore, #tpu.memory_space<semaphore_mem>>
      %dma_start3A_204 = arith.constant 0 : i32
      %dma_start3A_205 = tpu.memref_slice %arg24[%dma_start3A_204] : memref<8000xf32, #tpu.memory_space<vmem>> -> memref<4000xf32, #tpu.memory_space<vmem>>
      %dma_start3A_206 = tpu.memref_slice %arg5[%add3A_38] : memref<6400000xf32, #tpu.memory_space<hbm>> -> memref<4000xf32, #tpu.memory_space<hbm>>
      tpu.enqueue_dma source(%dma_start3A_206 : memref<4000xf32, #tpu.memory_space<hbm>>) target(%dma_start3A_205 : memref<4000xf32, #tpu.memory_space<vmem>>) target_semaphore(%dma_start3A_203 : memref<!tpu.dma_semaphore, #tpu.memory_space<semaphore_mem>>)
    } else {
    }
    %scan3A_77 = arith.constant 0 : i32
    %scan3A_78 = arith.constant 0 : i32
    %scan3A_79 = arith.constant 50 : i32
    %scan3A_80 = arith.addi %scan3A_78, %scan3A_79 : i32
    %scan3A_81 = arith.constant 1 : i32
    %scan3A_82 = scf.for %scan3A_199 = %scan3A_78 to %scan3A_80 step %scan3A_81 iter_args(%scan3A_200 = %scan3A_77) -> (i32)  : i32 {
      %mul3A_201 = arith.constant 2 : i32
      %mul3A_202 = arith.muli %mul3A_201, %scan3A_199 : i32
      %mul3A_203 = arith.constant 4000 : i32
      %mul3A_204 = arith.muli %mul3A_202, %mul3A_203 : i32
      %add3A_205 = arith.addi %select_n3A_16, %mul3A_204 : i32
      %dma_wait3A = arith.constant 0 : i32
      %dma_wait3A_206 = arith.constant 0 : i32
      %dma_wait3A_207 = arith.constant 0 : i32
      %dma_wait3A_208 = tpu.memref_slice %arg21[%dma_wait3A_207] : memref<8000xi32, #tpu.memory_space<vmem>> -> memref<4000xi32, #tpu.memory_space<vmem>>
      %dma_wait3A_209 = tpu.memref_slice %arg2[%mul3A_204] : memref<400000xi32, #tpu.memory_space<hbm>> -> memref<4000xi32, #tpu.memory_space<hbm>>
      %dma_wait3A_210 = tpu.memref_slice %arg25[%dma_wait3A, %dma_wait3A_206] : memref<4x2x!tpu.dma_semaphore, #tpu.memory_space<semaphore_mem>> -> memref<1x1x!tpu.dma_semaphore, #tpu.memory_space<semaphore_mem>>
      %dma_wait3A_211 = tpu.memref_squeeze %dma_wait3A_210 : memref<1x1x!tpu.dma_semaphore, #tpu.memory_space<semaphore_mem>> -> memref<!tpu.dma_semaphore, #tpu.memory_space<semaphore_mem>>
      %dma_wait3A_212 = arith.constant 0 : i32
      %dma_wait3A_213 = tpu.memref_slice %arg21[%dma_wait3A_212] : memref<8000xi32, #tpu.memory_space<vmem>> -> memref<4000xi32, #tpu.memory_space<vmem>>
      %dma_wait3A_214 = tpu.memref_slice %arg2[%mul3A_204] : memref<400000xi32, #tpu.memory_space<hbm>> -> memref<4000xi32, #tpu.memory_space<hbm>>
      tpu.wait_dma2 semaphore(%dma_wait3A_211 : memref<!tpu.dma_semaphore, #tpu.memory_space<semaphore_mem>>) src(%dma_wait3A_214 : memref<4000xi32, #tpu.memory_space<hbm>>) dst(%dma_wait3A_213 : memref<4000xi32, #tpu.memory_space<vmem>>)
      %dma_wait3A_215 = arith.constant 1 : i32
      %dma_wait3A_216 = arith.constant 0 : i32
      %dma_wait3A_217 = arith.constant 0 : i32
      %dma_wait3A_218 = tpu.memref_slice %arg22[%dma_wait3A_217] : memref<8000xi32, #tpu.memory_space<vmem>> -> memref<4000xi32, #tpu.memory_space<vmem>>
      %dma_wait3A_219 = tpu.memref_slice %arg3[%mul3A_204] : memref<400000xi32, #tpu.memory_space<hbm>> -> memref<4000xi32, #tpu.memory_space<hbm>>
      %dma_wait3A_220 = tpu.memref_slice %arg25[%dma_wait3A_215, %dma_wait3A_216] : memref<4x2x!tpu.dma_semaphore, #tpu.memory_space<semaphore_mem>> -> memref<1x1x!tpu.dma_semaphore, #tpu.memory_space<semaphore_mem>>
      %dma_wait3A_221 = tpu.memref_squeeze %dma_wait3A_220 : memref<1x1x!tpu.dma_semaphore, #tpu.memory_space<semaphore_mem>> -> memref<!tpu.dma_semaphore, #tpu.memory_space<semaphore_mem>>
      %dma_wait3A_222 = arith.constant 0 : i32
      %dma_wait3A_223 = tpu.memref_slice %arg22[%dma_wait3A_222] : memref<8000xi32, #tpu.memory_space<vmem>> -> memref<4000xi32, #tpu.memory_space<vmem>>
      %dma_wait3A_224 = tpu.memref_slice %arg3[%mul3A_204] : memref<400000xi32, #tpu.memory_space<hbm>> -> memref<4000xi32, #tpu.memory_space<hbm>>
      tpu.wait_dma2 semaphore(%dma_wait3A_221 : memref<!tpu.dma_semaphore, #tpu.memory_space<semaphore_mem>>) src(%dma_wait3A_224 : memref<4000xi32, #tpu.memory_space<hbm>>) dst(%dma_wait3A_223 : memref<4000xi32, #tpu.memory_space<vmem>>)
      %dma_wait3A_225 = arith.constant 2 : i32
      %dma_wait3A_226 = arith.constant 0 : i32
      %dma_wait3A_227 = arith.constant 0 : i32
      %dma_wait3A_228 = tpu.memref_slice %arg23[%dma_wait3A_227] : memref<8000xf32, #tpu.memory_space<vmem>> -> memref<4000xf32, #tpu.memory_space<vmem>>
      %dma_wait3A_229 = tpu.memref_slice %arg4[%mul3A_204] : memref<400000xf32, #tpu.memory_space<hbm>> -> memref<4000xf32, #tpu.memory_space<hbm>>
      %dma_wait3A_230 = tpu.memref_slice %arg25[%dma_wait3A_225, %dma_wait3A_226] : memref<4x2x!tpu.dma_semaphore, #tpu.memory_space<semaphore_mem>> -> memref<1x1x!tpu.dma_semaphore, #tpu.memory_space<semaphore_mem>>
      %dma_wait3A_231 = tpu.memref_squeeze %dma_wait3A_230 : memref<1x1x!tpu.dma_semaphore, #tpu.memory_space<semaphore_mem>> -> memref<!tpu.dma_semaphore, #tpu.memory_space<semaphore_mem>>
      %dma_wait3A_232 = arith.constant 0 : i32
      %dma_wait3A_233 = tpu.memref_slice %arg23[%dma_wait3A_232] : memref<8000xf32, #tpu.memory_space<vmem>> -> memref<4000xf32, #tpu.memory_space<vmem>>
      %dma_wait3A_234 = tpu.memref_slice %arg4[%mul3A_204] : memref<400000xf32, #tpu.memory_space<hbm>> -> memref<4000xf32, #tpu.memory_space<hbm>>
      tpu.wait_dma2 semaphore(%dma_wait3A_231 : memref<!tpu.dma_semaphore, #tpu.memory_space<semaphore_mem>>) src(%dma_wait3A_234 : memref<4000xf32, #tpu.memory_space<hbm>>) dst(%dma_wait3A_233 : memref<4000xf32, #tpu.memory_space<vmem>>)
      %convert_element_type3A_235 = arith.extui %and3A_8 : i1 to i32
      %cond3A_236 = arith.constant 3 : i32
      %cond3A_237 = arith.constant 0 : i32
      %cond3A_238 = arith.constant 0 : i32
      %cond3A_239 = arith.cmpi ne, %convert_element_type3A_235, %cond3A_238 : i32
      scf.if %cond3A_239 {
        %dma_wait3A_342 = arith.constant 0 : i32
        %dma_wait3A_343 = tpu.memref_slice %arg24[%dma_wait3A_342] : memref<8000xf32, #tpu.memory_space<vmem>> -> memref<4000xf32, #tpu.memory_space<vmem>>
        %dma_wait3A_344 = tpu.memref_slice %arg5[%add3A_205] : memref<6400000xf32, #tpu.memory_space<hbm>> -> memref<4000xf32, #tpu.memory_space<hbm>>
        %dma_wait3A_345 = tpu.memref_slice %arg25[%cond3A_236, %cond3A_237] : memref<4x2x!tpu.dma_semaphore, #tpu.memory_space<semaphore_mem>> -> memref<1x1x!tpu.dma_semaphore, #tpu.memory_space<semaphore_mem>>
        %dma_wait3A_346 = tpu.memref_squeeze %dma_wait3A_345 : memref<1x1x!tpu.dma_semaphore, #tpu.memory_space<semaphore_mem>> -> memref<!tpu.dma_semaphore, #tpu.memory_space<semaphore_mem>>
        %dma_wait3A_347 = arith.constant 0 : i32
        %dma_wait3A_348 = tpu.memref_slice %arg24[%dma_wait3A_347] : memref<8000xf32, #tpu.memory_space<vmem>> -> memref<4000xf32, #tpu.memory_space<vmem>>
        %dma_wait3A_349 = tpu.memref_slice %arg5[%add3A_205] : memref<6400000xf32, #tpu.memory_space<hbm>> -> memref<4000xf32, #tpu.memory_space<hbm>>
        tpu.wait_dma2 semaphore(%dma_wait3A_346 : memref<!tpu.dma_semaphore, #tpu.memory_space<semaphore_mem>>) src(%dma_wait3A_349 : memref<4000xf32, #tpu.memory_space<hbm>>) dst(%dma_wait3A_348 : memref<4000xf32, #tpu.memory_space<vmem>>)
      } else {
      }
      %add3A_240 = arith.constant 1 : i32
      %add3A_241 = arith.addi %mul3A_202, %add3A_240 : i32
      %mul3A_242 = arith.constant 4000 : i32
      %mul3A_243 = arith.muli %add3A_241, %mul3A_242 : i32
      %add3A_244 = arith.addi %select_n3A_16, %mul3A_243 : i32
      %dma_start3A_245 = arith.constant 0 : i32
      %dma_start3A_246 = arith.constant 1 : i32
      %dma_start3A_247 = arith.constant 4000 : i32
      %dma_start3A_248 = tpu.memref_slice %arg21[%dma_start3A_247] : memref<8000xi32, #tpu.memory_space<vmem>> -> memref<4000xi32, #tpu.memory_space<vmem>>
      %dma_start3A_249 = tpu.memref_slice %arg2[%mul3A_243] : memref<400000xi32, #tpu.memory_space<hbm>> -> memref<4000xi32, #tpu.memory_space<hbm>>
      %dma_start3A_250 = tpu.memref_slice %arg25[%dma_start3A_245, %dma_start3A_246] : memref<4x2x!tpu.dma_semaphore, #tpu.memory_space<semaphore_mem>> -> memref<1x1x!tpu.dma_semaphore, #tpu.memory_space<semaphore_mem>>
      %dma_start3A_251 = tpu.memref_squeeze %dma_start3A_250 : memref<1x1x!tpu.dma_semaphore, #tpu.memory_space<semaphore_mem>> -> memref<!tpu.dma_semaphore, #tpu.memory_space<semaphore_mem>>
      %dma_start3A_252 = arith.constant 4000 : i32
      %dma_start3A_253 = tpu.memref_slice %arg21[%dma_start3A_252] : memref<8000xi32, #tpu.memory_space<vmem>> -> memref<4000xi32, #tpu.memory_space<vmem>>
      %dma_start3A_254 = tpu.memref_slice %arg2[%mul3A_243] : memref<400000xi32, #tpu.memory_space<hbm>> -> memref<4000xi32, #tpu.memory_space<hbm>>
      tpu.enqueue_dma source(%dma_start3A_254 : memref<4000xi32, #tpu.memory_space<hbm>>) target(%dma_start3A_253 : memref<4000xi32, #tpu.memory_space<vmem>>) target_semaphore(%dma_start3A_251 : memref<!tpu.dma_semaphore, #tpu.memory_space<semaphore_mem>>)
      %dma_start3A_255 = arith.constant 1 : i32
      %dma_start3A_256 = arith.constant 1 : i32
      %dma_start3A_257 = arith.constant 4000 : i32
      %dma_start3A_258 = tpu.memref_slice %arg22[%dma_start3A_257] : memref<8000xi32, #tpu.memory_space<vmem>> -> memref<4000xi32, #tpu.memory_space<vmem>>
      %dma_start3A_259 = tpu.memref_slice %arg3[%mul3A_243] : memref<400000xi32, #tpu.memory_space<hbm>> -> memref<4000xi32, #tpu.memory_space<hbm>>
      %dma_start3A_260 = tpu.memref_slice %arg25[%dma_start3A_255, %dma_start3A_256] : memref<4x2x!tpu.dma_semaphore, #tpu.memory_space<semaphore_mem>> -> memref<1x1x!tpu.dma_semaphore, #tpu.memory_space<semaphore_mem>>
      %dma_start3A_261 = tpu.memref_squeeze %dma_start3A_260 : memref<1x1x!tpu.dma_semaphore, #tpu.memory_space<semaphore_mem>> -> memref<!tpu.dma_semaphore, #tpu.memory_space<semaphore_mem>>
      %dma_start3A_262 = arith.constant 4000 : i32
      %dma_start3A_263 = tpu.memref_slice %arg22[%dma_start3A_262] : memref<8000xi32, #tpu.memory_space<vmem>> -> memref<4000xi32, #tpu.memory_space<vmem>>
      %dma_start3A_264 = tpu.memref_slice %arg3[%mul3A_243] : memref<400000xi32, #tpu.memory_space<hbm>> -> memref<4000xi32, #tpu.memory_space<hbm>>
      tpu.enqueue_dma source(%dma_start3A_264 : memref<4000xi32, #tpu.memory_space<hbm>>) target(%dma_start3A_263 : memref<4000xi32, #tpu.memory_space<vmem>>) target_semaphore(%dma_start3A_261 : memref<!tpu.dma_semaphore, #tpu.memory_space<semaphore_mem>>)
      %dma_start3A_265 = arith.constant 2 : i32
      %dma_start3A_266 = arith.constant 1 : i32
      %dma_start3A_267 = arith.constant 4000 : i32
      %dma_start3A_268 = tpu.memref_slice %arg23[%dma_start3A_267] : memref<8000xf32, #tpu.memory_space<vmem>> -> memref<4000xf32, #tpu.memory_space<vmem>>
      %dma_start3A_269 = tpu.memref_slice %arg4[%mul3A_243] : memref<400000xf32, #tpu.memory_space<hbm>> -> memref<4000xf32, #tpu.memory_space<hbm>>
      %dma_start3A_270 = tpu.memref_slice %arg25[%dma_start3A_265, %dma_start3A_266] : memref<4x2x!tpu.dma_semaphore, #tpu.memory_space<semaphore_mem>> -> memref<1x1x!tpu.dma_semaphore, #tpu.memory_space<semaphore_mem>>
      %dma_start3A_271 = tpu.memref_squeeze %dma_start3A_270 : memref<1x1x!tpu.dma_semaphore, #tpu.memory_space<semaphore_mem>> -> memref<!tpu.dma_semaphore, #tpu.memory_space<semaphore_mem>>
      %dma_start3A_272 = arith.constant 4000 : i32
      %dma_start3A_273 = tpu.memref_slice %arg23[%dma_start3A_272] : memref<8000xf32, #tpu.memory_space<vmem>> -> memref<4000xf32, #tpu.memory_space<vmem>>
      %dma_start3A_274 = tpu.memref_slice %arg4[%mul3A_243] : memref<400000xf32, #tpu.memory_space<hbm>> -> memref<4000xf32, #tpu.memory_space<hbm>>
      tpu.enqueue_dma source(%dma_start3A_274 : memref<4000xf32, #tpu.memory_space<hbm>>) target(%dma_start3A_273 : memref<4000xf32, #tpu.memory_space<vmem>>) target_semaphore(%dma_start3A_271 : memref<!tpu.dma_semaphore, #tpu.memory_space<semaphore_mem>>)
      %convert_element_type3A_275 = arith.extui %and3A_8 : i1 to i32
      %cond3A_276 = arith.constant 3 : i32
      %cond3A_277 = arith.constant 1 : i32
      %cond3A_278 = arith.constant 0 : i32
      %cond3A_279 = arith.cmpi ne, %convert_element_type3A_275, %cond3A_278 : i32
      scf.if %cond3A_279 {
        %dma_start3A_342 = arith.constant 4000 : i32
        %dma_start3A_343 = tpu.memref_slice %arg24[%dma_start3A_342] : memref<8000xf32, #tpu.memory_space<vmem>> -> memref<4000xf32, #tpu.memory_space<vmem>>
        %dma_start3A_344 = tpu.memref_slice %arg5[%add3A_244] : memref<6400000xf32, #tpu.memory_space<hbm>> -> memref<4000xf32, #tpu.memory_space<hbm>>
        %dma_start3A_345 = tpu.memref_slice %arg25[%cond3A_276, %cond3A_277] : memref<4x2x!tpu.dma_semaphore, #tpu.memory_space<semaphore_mem>> -> memref<1x1x!tpu.dma_semaphore, #tpu.memory_space<semaphore_mem>>
        %dma_start3A_346 = tpu.memref_squeeze %dma_start3A_345 : memref<1x1x!tpu.dma_semaphore, #tpu.memory_space<semaphore_mem>> -> memref<!tpu.dma_semaphore, #tpu.memory_space<semaphore_mem>>
        %dma_start3A_347 = arith.constant 4000 : i32
        %dma_start3A_348 = tpu.memref_slice %arg24[%dma_start3A_347] : memref<8000xf32, #tpu.memory_space<vmem>> -> memref<4000xf32, #tpu.memory_space<vmem>>
        %dma_start3A_349 = tpu.memref_slice %arg5[%add3A_244] : memref<6400000xf32, #tpu.memory_space<hbm>> -> memref<4000xf32, #tpu.memory_space<hbm>>
        tpu.enqueue_dma source(%dma_start3A_349 : memref<4000xf32, #tpu.memory_space<hbm>>) target(%dma_start3A_348 : memref<4000xf32, #tpu.memory_space<vmem>>) target_semaphore(%dma_start3A_346 : memref<!tpu.dma_semaphore, #tpu.memory_space<semaphore_mem>>)
      } else {
      }
      %scan3A_280 = arith.constant 0 : i32
      %scan3A_281 = arith.constant 0 : i32
      %scan3A_282 = arith.constant 50 : i32
      %scan3A_283 = arith.addi %scan3A_281, %scan3A_282 : i32
      %scan3A_284 = arith.constant 1 : i32
      %scan3A_285 = scf.for %scan3A_342 = %scan3A_281 to %scan3A_283 step %scan3A_284 iter_args(%scan3A_343 = %scan3A_280) -> (i32)  : i32 {
        %mul3A_344 = arith.constant 80 : i32
        %mul3A_345 = arith.muli %scan3A_342, %mul3A_344 : i32
        %add3A_346 = arith.constant 0 : i32
        %add3A_347 = arith.addi %add3A_346, %mul3A_345 : i32
        %add3A_348 = arith.constant 0 : i32
        %add3A_349 = arith.addi %add3A_347, %add3A_348 : i32
        %get3A = arith.index_cast %add3A_349 : i32 to index
        %get3A_350 = tpu.vector_load %arg21[%get3A] {strides = array<i32>} : memref<8000xi32, #tpu.memory_space<vmem>>, vector<16xi32>,
        %get3A_351 = arith.index_cast %add3A_349 : i32 to index
        %get3A_352 = tpu.vector_load %arg22[%get3A_351] {strides = array<i32>} : memref<8000xi32, #tpu.memory_space<vmem>>, vector<16xi32>,
        %get3A_353 = arith.index_cast %add3A_349 : i32 to index
        %get3A_354 = tpu.vector_load %arg23[%get3A_353] {strides = array<i32>} : memref<8000xf32, #tpu.memory_space<vmem>>, vector<16xf32>,
        %add3A_355 = arith.constant 0 : i32
        %add3A_356 = vector.broadcast %add3A_355 : i32 to vector<16xi32>
        %add3A_357 = arith.addi %get3A_352, %add3A_356 : vector<16xi32>
        %gather3A = tpu.vector_load_idx %arg18[%add3A_357] : memref<20000xi32, #tpu.memory_space<vmem>>[vector<16xi32>], vector<16xi32>,
        %bitcast3A = vector.bitcast %gather3A : vector<16xi32> to vector<32xbf16>
        %unpack3A = tpu.unpack_subelements %bitcast3A, 0 {pack_format = #tpu.pack_format<interleaved>} : vector<32xbf16> -> vector<16xf32>
        %unpack3A_358 = tpu.unpack_subelements %bitcast3A, 1 {pack_format = #tpu.pack_format<interleaved>} : vector<32xbf16> -> vector<16xf32>
        %add3A_359 = arith.constant 0 : i32
        %add3A_360 = vector.broadcast %add3A_359 : i32 to vector<16xi32>
        %add3A_361 = arith.addi %get3A_350, %add3A_360 : vector<16xi32>
        %mul3A_362 = arith.mulf %get3A_354, %unpack3A : vector<16xf32>
        tpu.vector_store_idx %arg19[%add3A_361], %mul3A_362 {add = true} : memref<40000xf32, #tpu.memory_space<vmem>>[vector<16xi32>], vector<16xf32>,
        %add3A_363 = arith.constant 10000 : i32
        %add3A_364 = vector.broadcast %add3A_363 : i32 to vector<16xi32>
        %add3A_365 = arith.addi %get3A_350, %add3A_364 : vector<16xi32>
        %mul3A_366 = arith.mulf %get3A_354, %unpack3A_358 : vector<16xf32>
        tpu.vector_store_idx %arg19[%add3A_365], %mul3A_366 {add = true} : memref<40000xf32, #tpu.memory_space<vmem>>[vector<16xi32>], vector<16xf32>,
        %add3A_367 = arith.constant 10000 : i32
        %add3A_368 = vector.broadcast %add3A_367 : i32 to vector<16xi32>
        %add3A_369 = arith.addi %get3A_352, %add3A_368 : vector<16xi32>
        %gather3A_370 = tpu.vector_load_idx %arg18[%add3A_369] : memref<20000xi32, #tpu.memory_space<vmem>>[vector<16xi32>], vector<16xi32>,
        %bitcast3A_371 = vector.bitcast %gather3A_370 : vector<16xi32> to vector<32xbf16>
        %unpack3A_372 = tpu.unpack_subelements %bitcast3A_371, 0 {pack_format = #tpu.pack_format<interleaved>} : vector<32xbf16> -> vector<16xf32>
        %unpack3A_373 = tpu.unpack_subelements %bitcast3A_371, 1 {pack_format = #tpu.pack_format<interleaved>} : vector<32xbf16> -> vector<16xf32>
        %add3A_374 = arith.constant 20000 : i32
        %add3A_375 = vector.broadcast %add3A_374 : i32 to vector<16xi32>
        %add3A_376 = arith.addi %get3A_350, %add3A_375 : vector<16xi32>
        %mul3A_377 = arith.mulf %get3A_354, %unpack3A_372 : vector<16xf32>
        tpu.vector_store_idx %arg19[%add3A_376], %mul3A_377 {add = true} : memref<40000xf32, #tpu.memory_space<vmem>>[vector<16xi32>], vector<16xf32>,
        %add3A_378 = arith.constant 30000 : i32
        %add3A_379 = vector.broadcast %add3A_378 : i32 to vector<16xi32>
        %add3A_380 = arith.addi %get3A_350, %add3A_379 : vector<16xi32>
        %mul3A_381 = arith.mulf %get3A_354, %unpack3A_373 : vector<16xf32>
        tpu.vector_store_idx %arg19[%add3A_380], %mul3A_381 {add = true} : memref<40000xf32, #tpu.memory_space<vmem>>[vector<16xi32>], vector<16xf32>,
        %get3A_382 = arith.index_cast %add3A_349 : i32 to index
        %get3A_383 = tpu.vector_load %arg24[%get3A_382] {strides = array<i32>} : memref<8000xf32, #tpu.memory_space<vmem>>, vector<16xf32>,
        %select_n3A_384 = arith.select %broadcast_in_dim3A_33, %broadcast_in_dim3A_36, %get3A_383 : vector<16xi1>, vector<16xf32>
        %mul3A_385 = arith.mulf %get3A_354, %select_n3A_384 : vector<16xf32>
        tpu.vector_store_idx %arg20[%get3A_350], %mul3A_385 masked %broadcast_in_dim3A_34 {add = true} : memref<10000xf32, #tpu.memory_space<vmem>>[vector<16xi32>], vector<16xf32>, vector<16xi1>
        %mul3A_386 = arith.constant 80 : i32
        %mul3A_387 = arith.muli %scan3A_342, %mul3A_386 : i32
        %add3A_388 = arith.constant 0 : i32
        %add3A_389 = arith.addi %add3A_388, %mul3A_387 : i32
        %add3A_390 = arith.constant 16 : i32
        %add3A_391 = arith.addi %add3A_389, %add3A_390 : i32
        %get3A_392 = arith.index_cast %add3A_391 : i32 to index
        %get3A_393 = tpu.vector_load %arg21[%get3A_392] {strides = array<i32>} : memref<8000xi32, #tpu.memory_space<vmem>>, vector<16xi32>,
        %get3A_394 = arith.index_cast %add3A_391 : i32 to index
        %get3A_395 = tpu.vector_load %arg22[%get3A_394] {strides = array<i32>} : memref<8000xi32, #tpu.memory_space<vmem>>, vector<16xi32>,
        %get3A_396 = arith.index_cast %add3A_391 : i32 to index
        %get3A_397 = tpu.vector_load %arg23[%get3A_396] {strides = array<i32>} : memref<8000xf32, #tpu.memory_space<vmem>>, vector<16xf32>,
        %add3A_398 = arith.constant 0 : i32
        %add3A_399 = vector.broadcast %add3A_398 : i32 to vector<16xi32>
        %add3A_400 = arith.addi %get3A_395, %add3A_399 : vector<16xi32>
        %gather3A_401 = tpu.vector_load_idx %arg18[%add3A_400] : memref<20000xi32, #tpu.memory_space<vmem>>[vector<16xi32>], vector<16xi32>,
        %bitcast3A_402 = vector.bitcast %gather3A_401 : vector<16xi32> to vector<32xbf16>
        %unpack3A_403 = tpu.unpack_subelements %bitcast3A_402, 0 {pack_format = #tpu.pack_format<interleaved>} : vector<32xbf16> -> vector<16xf32>
        %unpack3A_404 = tpu.unpack_subelements %bitcast3A_402, 1 {pack_format = #tpu.pack_format<interleaved>} : vector<32xbf16> -> vector<16xf32>
        %add3A_405 = arith.constant 0 : i32
        %add3A_406 = vector.broadcast %add3A_405 : i32 to vector<16xi32>
        %add3A_407 = arith.addi %get3A_393, %add3A_406 : vector<16xi32>
        %mul3A_408 = arith.mulf %get3A_397, %unpack3A_403 : vector<16xf32>
        tpu.vector_store_idx %arg19[%add3A_407], %mul3A_408 {add = true} : memref<40000xf32, #tpu.memory_space<vmem>>[vector<16xi32>], vector<16xf32>,
        %add3A_409 = arith.constant 10000 : i32
        %add3A_410 = vector.broadcast %add3A_409 : i32 to vector<16xi32>
        %add3A_411 = arith.addi %get3A_393, %add3A_410 : vector<16xi32>
        %mul3A_412 = arith.mulf %get3A_397, %unpack3A_404 : vector<16xf32>
        tpu.vector_store_idx %arg19[%add3A_411], %mul3A_412 {add = true} : memref<40000xf32, #tpu.memory_space<vmem>>[vector<16xi32>], vector<16xf32>,
        %add3A_413 = arith.constant 10000 : i32
        %add3A_414 = vector.broadcast %add3A_413 : i32 to vector<16xi32>
        %add3A_415 = arith.addi %get3A_395, %add3A_414 : vector<16xi32>
        %gather3A_416 = tpu.vector_load_idx %arg18[%add3A_415] : memref<20000xi32, #tpu.memory_space<vmem>>[vector<16xi32>], vector<16xi32>,
        %bitcast3A_417 = vector.bitcast %gather3A_416 : vector<16xi32> to vector<32xbf16>
        %unpack3A_418 = tpu.unpack_subelements %bitcast3A_417, 0 {pack_format = #tpu.pack_format<interleaved>} : vector<32xbf16> -> vector<16xf32>
        %unpack3A_419 = tpu.unpack_subelements %bitcast3A_417, 1 {pack_format = #tpu.pack_format<interleaved>} : vector<32xbf16> -> vector<16xf32>
        %add3A_420 = arith.constant 20000 : i32
        %add3A_421 = vector.broadcast %add3A_420 : i32 to vector<16xi32>
        %add3A_422 = arith.addi %get3A_393, %add3A_421 : vector<16xi32>
        %mul3A_423 = arith.mulf %get3A_397, %unpack3A_418 : vector<16xf32>
        tpu.vector_store_idx %arg19[%add3A_422], %mul3A_423 {add = true} : memref<40000xf32, #tpu.memory_space<vmem>>[vector<16xi32>], vector<16xf32>,
        %add3A_424 = arith.constant 30000 : i32
        %add3A_425 = vector.broadcast %add3A_424 : i32 to vector<16xi32>
        %add3A_426 = arith.addi %get3A_393, %add3A_425 : vector<16xi32>
        %mul3A_427 = arith.mulf %get3A_397, %unpack3A_419 : vector<16xf32>
        tpu.vector_store_idx %arg19[%add3A_426], %mul3A_427 {add = true} : memref<40000xf32, #tpu.memory_space<vmem>>[vector<16xi32>], vector<16xf32>,
        %get3A_428 = arith.index_cast %add3A_391 : i32 to index
        %get3A_429 = tpu.vector_load %arg24[%get3A_428] {strides = array<i32>} : memref<8000xf32, #tpu.memory_space<vmem>>, vector<16xf32>,
        %select_n3A_430 = arith.select %broadcast_in_dim3A_33, %broadcast_in_dim3A_36, %get3A_429 : vector<16xi1>, vector<16xf32>
        %mul3A_431 = arith.mulf %get3A_397, %select_n3A_430 : vector<16xf32>
        tpu.vector_store_idx %arg20[%get3A_393], %mul3A_431 masked %broadcast_in_dim3A_34 {add = true} : memref<10000xf32, #tpu.memory_space<vmem>>[vector<16xi32>], vector<16xf32>, vector<16xi1>
        %mul3A_432 = arith.constant 80 : i32
        %mul3A_433 = arith.muli %scan3A_342, %mul3A_432 : i32
        %add3A_434 = arith.constant 0 : i32
        %add3A_435 = arith.addi %add3A_434, %mul3A_433 : i32
        %add3A_436 = arith.constant 32 : i32
        %add3A_437 = arith.addi %add3A_435, %add3A_436 : i32
        %get3A_438 = arith.index_cast %add3A_437 : i32 to index
        %get3A_439 = tpu.vector_load %arg21[%get3A_438] {strides = array<i32>} : memref<8000xi32, #tpu.memory_space<vmem>>, vector<16xi32>,
        %get3A_440 = arith.index_cast %add3A_437 : i32 to index
        %get3A_441 = tpu.vector_load %arg22[%get3A_440] {strides = array<i32>} : memref<8000xi32, #tpu.memory_space<vmem>>, vector<16xi32>,
        %get3A_442 = arith.index_cast %add3A_437 : i32 to index
        %get3A_443 = tpu.vector_load %arg23[%get3A_442] {strides = array<i32>} : memref<8000xf32, #tpu.memory_space<vmem>>, vector<16xf32>,
        %add3A_444 = arith.constant 0 : i32
        %add3A_445 = vector.broadcast %add3A_444 : i32 to vector<16xi32>
        %add3A_446 = arith.addi %get3A_441, %add3A_445 : vector<16xi32>
        %gather3A_447 = tpu.vector_load_idx %arg18[%add3A_446] : memref<20000xi32, #tpu.memory_space<vmem>>[vector<16xi32>], vector<16xi32>,
        %bitcast3A_448 = vector.bitcast %gather3A_447 : vector<16xi32> to vector<32xbf16>
        %unpack3A_449 = tpu.unpack_subelements %bitcast3A_448, 0 {pack_format = #tpu.pack_format<interleaved>} : vector<32xbf16> -> vector<16xf32>
        %unpack3A_450 = tpu.unpack_subelements %bitcast3A_448, 1 {pack_format = #tpu.pack_format<interleaved>} : vector<32xbf16> -> vector<16xf32>
        %add3A_451 = arith.constant 0 : i32
        %add3A_452 = vector.broadcast %add3A_451 : i32 to vector<16xi32>
        %add3A_453 = arith.addi %get3A_439, %add3A_452 : vector<16xi32>
        %mul3A_454 = arith.mulf %get3A_443, %unpack3A_449 : vector<16xf32>
        tpu.vector_store_idx %arg19[%add3A_453], %mul3A_454 {add = true} : memref<40000xf32, #tpu.memory_space<vmem>>[vector<16xi32>], vector<16xf32>,
        %add3A_455 = arith.constant 10000 : i32
        %add3A_456 = vector.broadcast %add3A_455 : i32 to vector<16xi32>
        %add3A_457 = arith.addi %get3A_439, %add3A_456 : vector<16xi32>
        %mul3A_458 = arith.mulf %get3A_443, %unpack3A_450 : vector<16xf32>
        tpu.vector_store_idx %arg19[%add3A_457], %mul3A_458 {add = true} : memref<40000xf32, #tpu.memory_space<vmem>>[vector<16xi32>], vector<16xf32>,
        %add3A_459 = arith.constant 10000 : i32
        %add3A_460 = vector.broadcast %add3A_459 : i32 to vector<16xi32>
        %add3A_461 = arith.addi %get3A_441, %add3A_460 : vector<16xi32>
        %gather3A_462 = tpu.vector_load_idx %arg18[%add3A_461] : memref<20000xi32, #tpu.memory_space<vmem>>[vector<16xi32>], vector<16xi32>,
        %bitcast3A_463 = vector.bitcast %gather3A_462 : vector<16xi32> to vector<32xbf16>
        %unpack3A_464 = tpu.unpack_subelements %bitcast3A_463, 0 {pack_format = #tpu.pack_format<interleaved>} : vector<32xbf16> -> vector<16xf32>
        %unpack3A_465 = tpu.unpack_subelements %bitcast3A_463, 1 {pack_format = #tpu.pack_format<interleaved>} : vector<32xbf16> -> vector<16xf32>
        %add3A_466 = arith.constant 20000 : i32
        %add3A_467 = vector.broadcast %add3A_466 : i32 to vector<16xi32>
        %add3A_468 = arith.addi %get3A_439, %add3A_467 : vector<16xi32>
        %mul3A_469 = arith.mulf %get3A_443, %unpack3A_464 : vector<16xf32>
        tpu.vector_store_idx %arg19[%add3A_468], %mul3A_469 {add = true} : memref<40000xf32, #tpu.memory_space<vmem>>[vector<16xi32>], vector<16xf32>,
        %add3A_470 = arith.constant 30000 : i32
        %add3A_471 = vector.broadcast %add3A_470 : i32 to vector<16xi32>
        %add3A_472 = arith.addi %get3A_439, %add3A_471 : vector<16xi32>
        %mul3A_473 = arith.mulf %get3A_443, %unpack3A_465 : vector<16xf32>
        tpu.vector_store_idx %arg19[%add3A_472], %mul3A_473 {add = true} : memref<40000xf32, #tpu.memory_space<vmem>>[vector<16xi32>], vector<16xf32>,
        %get3A_474 = arith.index_cast %add3A_437 : i32 to index
        %get3A_475 = tpu.vector_load %arg24[%get3A_474] {strides = array<i32>} : memref<8000xf32, #tpu.memory_space<vmem>>, vector<16xf32>,
        %select_n3A_476 = arith.select %broadcast_in_dim3A_33, %broadcast_in_dim3A_36, %get3A_475 : vector<16xi1>, vector<16xf32>
        %mul3A_477 = arith.mulf %get3A_443, %select_n3A_476 : vector<16xf32>
        tpu.vector_store_idx %arg20[%get3A_439], %mul3A_477 masked %broadcast_in_dim3A_34 {add = true} : memref<10000xf32, #tpu.memory_space<vmem>>[vector<16xi32>], vector<16xf32>, vector<16xi1>
        %mul3A_478 = arith.constant 80 : i32
        %mul3A_479 = arith.muli %scan3A_342, %mul3A_478 : i32
        %add3A_480 = arith.constant 0 : i32
        %add3A_481 = arith.addi %add3A_480, %mul3A_479 : i32
        %add3A_482 = arith.constant 48 : i32
        %add3A_483 = arith.addi %add3A_481, %add3A_482 : i32
        %get3A_484 = arith.index_cast %add3A_483 : i32 to index
        %get3A_485 = tpu.vector_load %arg21[%get3A_484] {strides = array<i32>} : memref<8000xi32, #tpu.memory_space<vmem>>, vector<16xi32>,
        %get3A_486 = arith.index_cast %add3A_483 : i32 to index
        %get3A_487 = tpu.vector_load %arg22[%get3A_486] {strides = array<i32>} : memref<8000xi32, #tpu.memory_space<vmem>>, vector<16xi32>,
        %get3A_488 = arith.index_cast %add3A_483 : i32 to index
        %get3A_489 = tpu.vector_load %arg23[%get3A_488] {strides = array<i32>} : memref<8000xf32, #tpu.memory_space<vmem>>, vector<16xf32>,
        %add3A_490 = arith.constant 0 : i32
        %add3A_491 = vector.broadcast %add3A_490 : i32 to vector<16xi32>
        %add3A_492 = arith.addi %get3A_487, %add3A_491 : vector<16xi32>
        %gather3A_493 = tpu.vector_load_idx %arg18[%add3A_492] : memref<20000xi32, #tpu.memory_space<vmem>>[vector<16xi32>], vector<16xi32>,
        %bitcast3A_494 = vector.bitcast %gather3A_493 : vector<16xi32> to vector<32xbf16>
        %unpack3A_495 = tpu.unpack_subelements %bitcast3A_494, 0 {pack_format = #tpu.pack_format<interleaved>} : vector<32xbf16> -> vector<16xf32>
        %unpack3A_496 = tpu.unpack_subelements %bitcast3A_494, 1 {pack_format = #tpu.pack_format<interleaved>} : vector<32xbf16> -> vector<16xf32>
        %add3A_497 = arith.constant 0 : i32
        %add3A_498 = vector.broadcast %add3A_497 : i32 to vector<16xi32>
        %add3A_499 = arith.addi %get3A_485, %add3A_498 : vector<16xi32>
        %mul3A_500 = arith.mulf %get3A_489, %unpack3A_495 : vector<16xf32>
        tpu.vector_store_idx %arg19[%add3A_499], %mul3A_500 {add = true} : memref<40000xf32, #tpu.memory_space<vmem>>[vector<16xi32>], vector<16xf32>,
        %add3A_501 = arith.constant 10000 : i32
        %add3A_502 = vector.broadcast %add3A_501 : i32 to vector<16xi32>
        %add3A_503 = arith.addi %get3A_485, %add3A_502 : vector<16xi32>
        %mul3A_504 = arith.mulf %get3A_489, %unpack3A_496 : vector<16xf32>
        tpu.vector_store_idx %arg19[%add3A_503], %mul3A_504 {add = true} : memref<40000xf32, #tpu.memory_space<vmem>>[vector<16xi32>], vector<16xf32>,
        %add3A_505 = arith.constant 10000 : i32
        %add3A_506 = vector.broadcast %add3A_505 : i32 to vector<16xi32>
        %add3A_507 = arith.addi %get3A_487, %add3A_506 : vector<16xi32>
        %gather3A_508 = tpu.vector_load_idx %arg18[%add3A_507] : memref<20000xi32, #tpu.memory_space<vmem>>[vector<16xi32>], vector<16xi32>,
        %bitcast3A_509 = vector.bitcast %gather3A_508 : vector<16xi32> to vector<32xbf16>
        %unpack3A_510 = tpu.unpack_subelements %bitcast3A_509, 0 {pack_format = #tpu.pack_format<interleaved>} : vector<32xbf16> -> vector<16xf32>
        %unpack3A_511 = tpu.unpack_subelements %bitcast3A_509, 1 {pack_format = #tpu.pack_format<interleaved>} : vector<32xbf16> -> vector<16xf32>
        %add3A_512 = arith.constant 20000 : i32
        %add3A_513 = vector.broadcast %add3A_512 : i32 to vector<16xi32>
        %add3A_514 = arith.addi %get3A_485, %add3A_513 : vector<16xi32>
        %mul3A_515 = arith.mulf %get3A_489, %unpack3A_510 : vector<16xf32>
        tpu.vector_store_idx %arg19[%add3A_514], %mul3A_515 {add = true} : memref<40000xf32, #tpu.memory_space<vmem>>[vector<16xi32>], vector<16xf32>,
        %add3A_516 = arith.constant 30000 : i32
        %add3A_517 = vector.broadcast %add3A_516 : i32 to vector<16xi32>
        %add3A_518 = arith.addi %get3A_485, %add3A_517 : vector<16xi32>
        %mul3A_519 = arith.mulf %get3A_489, %unpack3A_511 : vector<16xf32>
        tpu.vector_store_idx %arg19[%add3A_518], %mul3A_519 {add = true} : memref<40000xf32, #tpu.memory_space<vmem>>[vector<16xi32>], vector<16xf32>,
        %get3A_520 = arith.index_cast %add3A_483 : i32 to index
        %get3A_521 = tpu.vector_load %arg24[%get3A_520] {strides = array<i32>} : memref<8000xf32, #tpu.memory_space<vmem>>, vector<16xf32>,
        %select_n3A_522 = arith.select %broadcast_in_dim3A_33, %broadcast_in_dim3A_36, %get3A_521 : vector<16xi1>, vector<16xf32>
        %mul3A_523 = arith.mulf %get3A_489, %select_n3A_522 : vector<16xf32>
        tpu.vector_store_idx %arg20[%get3A_485], %mul3A_523 masked %broadcast_in_dim3A_34 {add = true} : memref<10000xf32, #tpu.memory_space<vmem>>[vector<16xi32>], vector<16xf32>, vector<16xi1>
        %mul3A_524 = arith.constant 80 : i32
        %mul3A_525 = arith.muli %scan3A_342, %mul3A_524 : i32
        %add3A_526 = arith.constant 0 : i32
        %add3A_527 = arith.addi %add3A_526, %mul3A_525 : i32
        %add3A_528 = arith.constant 64 : i32
        %add3A_529 = arith.addi %add3A_527, %add3A_528 : i32
        %get3A_530 = arith.index_cast %add3A_529 : i32 to index
        %get3A_531 = tpu.vector_load %arg21[%get3A_530] {strides = array<i32>} : memref<8000xi32, #tpu.memory_space<vmem>>, vector<16xi32>,
        %get3A_532 = arith.index_cast %add3A_529 : i32 to index
        %get3A_533 = tpu.vector_load %arg22[%get3A_532] {strides = array<i32>} : memref<8000xi32, #tpu.memory_space<vmem>>, vector<16xi32>,
        %get3A_534 = arith.index_cast %add3A_529 : i32 to index
        %get3A_535 = tpu.vector_load %arg23[%get3A_534] {strides = array<i32>} : memref<8000xf32, #tpu.memory_space<vmem>>, vector<16xf32>,
        %add3A_536 = arith.constant 0 : i32
        %add3A_537 = vector.broadcast %add3A_536 : i32 to vector<16xi32>
        %add3A_538 = arith.addi %get3A_533, %add3A_537 : vector<16xi32>
        %gather3A_539 = tpu.vector_load_idx %arg18[%add3A_538] : memref<20000xi32, #tpu.memory_space<vmem>>[vector<16xi32>], vector<16xi32>,
        %bitcast3A_540 = vector.bitcast %gather3A_539 : vector<16xi32> to vector<32xbf16>
        %unpack3A_541 = tpu.unpack_subelements %bitcast3A_540, 0 {pack_format = #tpu.pack_format<interleaved>} : vector<32xbf16> -> vector<16xf32>
        %unpack3A_542 = tpu.unpack_subelements %bitcast3A_540, 1 {pack_format = #tpu.pack_format<interleaved>} : vector<32xbf16> -> vector<16xf32>
        %add3A_543 = arith.constant 0 : i32
        %add3A_544 = vector.broadcast %add3A_543 : i32 to vector<16xi32>
        %add3A_545 = arith.addi %get3A_531, %add3A_544 : vector<16xi32>
        %mul3A_546 = arith.mulf %get3A_535, %unpack3A_541 : vector<16xf32>
        tpu.vector_store_idx %arg19[%add3A_545], %mul3A_546 {add = true} : memref<40000xf32, #tpu.memory_space<vmem>>[vector<16xi32>], vector<16xf32>,
        %add3A_547 = arith.constant 10000 : i32
        %add3A_548 = vector.broadcast %add3A_547 : i32 to vector<16xi32>
        %add3A_549 = arith.addi %get3A_531, %add3A_548 : vector<16xi32>
        %mul3A_550 = arith.mulf %get3A_535, %unpack3A_542 : vector<16xf32>
        tpu.vector_store_idx %arg19[%add3A_549], %mul3A_550 {add = true} : memref<40000xf32, #tpu.memory_space<vmem>>[vector<16xi32>], vector<16xf32>,
        %add3A_551 = arith.constant 10000 : i32
        %add3A_552 = vector.broadcast %add3A_551 : i32 to vector<16xi32>
        %add3A_553 = arith.addi %get3A_533, %add3A_552 : vector<16xi32>
        %gather3A_554 = tpu.vector_load_idx %arg18[%add3A_553] : memref<20000xi32, #tpu.memory_space<vmem>>[vector<16xi32>], vector<16xi32>,
        %bitcast3A_555 = vector.bitcast %gather3A_554 : vector<16xi32> to vector<32xbf16>
        %unpack3A_556 = tpu.unpack_subelements %bitcast3A_555, 0 {pack_format = #tpu.pack_format<interleaved>} : vector<32xbf16> -> vector<16xf32>
        %unpack3A_557 = tpu.unpack_subelements %bitcast3A_555, 1 {pack_format = #tpu.pack_format<interleaved>} : vector<32xbf16> -> vector<16xf32>
        %add3A_558 = arith.constant 20000 : i32
        %add3A_559 = vector.broadcast %add3A_558 : i32 to vector<16xi32>
        %add3A_560 = arith.addi %get3A_531, %add3A_559 : vector<16xi32>
        %mul3A_561 = arith.mulf %get3A_535, %unpack3A_556 : vector<16xf32>
        tpu.vector_store_idx %arg19[%add3A_560], %mul3A_561 {add = true} : memref<40000xf32, #tpu.memory_space<vmem>>[vector<16xi32>], vector<16xf32>,
        %add3A_562 = arith.constant 30000 : i32
        %add3A_563 = vector.broadcast %add3A_562 : i32 to vector<16xi32>
        %add3A_564 = arith.addi %get3A_531, %add3A_563 : vector<16xi32>
        %mul3A_565 = arith.mulf %get3A_535, %unpack3A_557 : vector<16xf32>
        tpu.vector_store_idx %arg19[%add3A_564], %mul3A_565 {add = true} : memref<40000xf32, #tpu.memory_space<vmem>>[vector<16xi32>], vector<16xf32>,
        %get3A_566 = arith.index_cast %add3A_529 : i32 to index
        %get3A_567 = tpu.vector_load %arg24[%get3A_566] {strides = array<i32>} : memref<8000xf32, #tpu.memory_space<vmem>>, vector<16xf32>,
        %select_n3A_568 = arith.select %broadcast_in_dim3A_33, %broadcast_in_dim3A_36, %get3A_567 : vector<16xi1>, vector<16xf32>
        %mul3A_569 = arith.mulf %get3A_535, %select_n3A_568 : vector<16xf32>
        tpu.vector_store_idx %arg20[%get3A_531], %mul3A_569 masked %broadcast_in_dim3A_34 {add = true} : memref<10000xf32, #tpu.memory_space<vmem>>[vector<16xi32>], vector<16xf32>, vector<16xi1>
        %scan3A_570 = arith.constant 0 : i32
        scf.yield %scan3A_570 : i32
      }
      %scan3A_286 = arith.constant 50 : i32
      %add3A_287 = arith.constant 1 : i32
      %add3A_288 = arith.addi %mul3A_202, %add3A_287 : i32
      %mul3A_289 = arith.constant 4000 : i32
      %mul3A_290 = arith.muli %add3A_288, %mul3A_289 : i32
      %add3A_291 = arith.addi %select_n3A_16, %mul3A_290 : i32
      %dma_wait3A_292 = arith.constant 0 : i32
      %dma_wait3A_293 = arith.constant 1 : i32
      %dma_wait3A_294 = arith.constant 4000 : i32
      %dma_wait3A_295 = tpu.memref_slice %arg21[%dma_wait3A_294] : memref<8000xi32, #tpu.memory_space<vmem>> -> memref<4000xi32, #tpu.memory_space<vmem>>
      %dma_wait3A_296 = tpu.memref_slice %arg2[%mul3A_290] : memref<400000xi32, #tpu.memory_space<hbm>> -> memref<4000xi32, #tpu.memory_space<hbm>>
      %dma_wait3A_297 = tpu.memref_slice %arg25[%dma_wait3A_292, %dma_wait3A_293] : memref<4x2x!tpu.dma_semaphore, #tpu.memory_space<semaphore_mem>> -> memref<1x1x!tpu.dma_semaphore, #tpu.memory_space<semaphore_mem>>
      %dma_wait3A_298 = tpu.memref_squeeze %dma_wait3A_297 : memref<1x1x!tpu.dma_semaphore, #tpu.memory_space<semaphore_mem>> -> memref<!tpu.dma_semaphore, #tpu.memory_space<semaphore_mem>>
      %dma_wait3A_299 = arith.constant 4000 : i32
      %dma_wait3A_300 = tpu.memref_slice %arg21[%dma_wait3A_299] : memref<8000xi32, #tpu.memory_space<vmem>> -> memref<4000xi32, #tpu.memory_space<vmem>>
      %dma_wait3A_301 = tpu.memref_slice %arg2[%mul3A_290] : memref<400000xi32, #tpu.memory_space<hbm>> -> memref<4000xi32, #tpu.memory_space<hbm>>
      tpu.wait_dma2 semaphore(%dma_wait3A_298 : memref<!tpu.dma_semaphore, #tpu.memory_space<semaphore_mem>>) src(%dma_wait3A_301 : memref<4000xi32, #tpu.memory_space<hbm>>) dst(%dma_wait3A_300 : memref<4000xi32, #tpu.memory_space<vmem>>)
      %dma_wait3A_302 = arith.constant 1 : i32
      %dma_wait3A_303 = arith.constant 1 : i32
      %dma_wait3A_304 = arith.constant 4000 : i32
      %dma_wait3A_305 = tpu.memref_slice %arg22[%dma_wait3A_304] : memref<8000xi32, #tpu.memory_space<vmem>> -> memref<4000xi32, #tpu.memory_space<vmem>>
      %dma_wait3A_306 = tpu.memref_slice %arg3[%mul3A_290] : memref<400000xi32, #tpu.memory_space<hbm>> -> memref<4000xi32, #tpu.memory_space<hbm>>
      %dma_wait3A_307 = tpu.memref_slice %arg25[%dma_wait3A_302, %dma_wait3A_303] : memref<4x2x!tpu.dma_semaphore, #tpu.memory_space<semaphore_mem>> -> memref<1x1x!tpu.dma_semaphore, #tpu.memory_space<semaphore_mem>>
      %dma_wait3A_308 = tpu.memref_squeeze %dma_wait3A_307 : memref<1x1x!tpu.dma_semaphore, #tpu.memory_space<semaphore_mem>> -> memref<!tpu.dma_semaphore, #tpu.memory_space<semaphore_mem>>
      %dma_wait3A_309 = arith.constant 4000 : i32
      %dma_wait3A_310 = tpu.memref_slice %arg22[%dma_wait3A_309] : memref<8000xi32, #tpu.memory_space<vmem>> -> memref<4000xi32, #tpu.memory_space<vmem>>
      %dma_wait3A_311 = tpu.memref_slice %arg3[%mul3A_290] : memref<400000xi32, #tpu.memory_space<hbm>> -> memref<4000xi32, #tpu.memory_space<hbm>>
      tpu.wait_dma2 semaphore(%dma_wait3A_308 : memref<!tpu.dma_semaphore, #tpu.memory_space<semaphore_mem>>) src(%dma_wait3A_311 : memref<4000xi32, #tpu.memory_space<hbm>>) dst(%dma_wait3A_310 : memref<4000xi32, #tpu.memory_space<vmem>>)
      %dma_wait3A_312 = arith.constant 2 : i32
      %dma_wait3A_313 = arith.constant 1 : i32
      %dma_wait3A_314 = arith.constant 4000 : i32
      %dma_wait3A_315 = tpu.memref_slice %arg23[%dma_wait3A_314] : memref<8000xf32, #tpu.memory_space<vmem>> -> memref<4000xf32, #tpu.memory_space<vmem>>
      %dma_wait3A_316 = tpu.memref_slice %arg4[%mul3A_290] : memref<400000xf32, #tpu.memory_space<hbm>> -> memref<4000xf32, #tpu.memory_space<hbm>>
      %dma_wait3A_317 = tpu.memref_slice %arg25[%dma_wait3A_312, %dma_wait3A_313] : memref<4x2x!tpu.dma_semaphore, #tpu.memory_space<semaphore_mem>> -> memref<1x1x!tpu.dma_semaphore, #tpu.memory_space<semaphore_mem>>
      %dma_wait3A_318 = tpu.memref_squeeze %dma_wait3A_317 : memref<1x1x!tpu.dma_semaphore, #tpu.memory_space<semaphore_mem>> -> memref<!tpu.dma_semaphore, #tpu.memory_space<semaphore_mem>>
      %dma_wait3A_319 = arith.constant 4000 : i32
      %dma_wait3A_320 = tpu.memref_slice %arg23[%dma_wait3A_319] : memref<8000xf32, #tpu.memory_space<vmem>> -> memref<4000xf32, #tpu.memory_space<vmem>>
      %dma_wait3A_321 = tpu.memref_slice %arg4[%mul3A_290] : memref<400000xf32, #tpu.memory_space<hbm>> -> memref<4000xf32, #tpu.memory_space<hbm>>
      tpu.wait_dma2 semaphore(%dma_wait3A_318 : memref<!tpu.dma_semaphore, #tpu.memory_space<semaphore_mem>>) src(%dma_wait3A_321 : memref<4000xf32, #tpu.memory_space<hbm>>) dst(%dma_wait3A_320 : memref<4000xf32, #tpu.memory_space<vmem>>)
      %convert_element_type3A_322 = arith.extui %and3A_8 : i1 to i32
      %cond3A_323 = arith.constant 3 : i32
      %cond3A_324 = arith.constant 1 : i32
      %cond3A_325 = arith.constant 0 : i32
      %cond3A_326 = arith.cmpi ne, %convert_element_type3A_322, %cond3A_325 : i32
      scf.if %cond3A_326 {
        %dma_wait3A_342 = arith.constant 4000 : i32
        %dma_wait3A_343 = tpu.memref_slice %arg24[%dma_wait3A_342] : memref<8000xf32, #tpu.memory_space<vmem>> -> memref<4000xf32, #tpu.memory_space<vmem>>
        %dma_wait3A_344 = tpu.memref_slice %arg5[%add3A_291] : memref<6400000xf32, #tpu.memory_space<hbm>> -> memref<4000xf32, #tpu.memory_space<hbm>>
        %dma_wait3A_345 = tpu.memref_slice %arg25[%cond3A_323, %cond3A_324] : memref<4x2x!tpu.dma_semaphore, #tpu.memory_space<semaphore_mem>> -> memref<1x1x!tpu.dma_semaphore, #tpu.memory_space<semaphore_mem>>
        %dma_wait3A_346 = tpu.memref_squeeze %dma_wait3A_345 : memref<1x1x!tpu.dma_semaphore, #tpu.memory_space<semaphore_mem>> -> memref<!tpu.dma_semaphore, #tpu.memory_space<semaphore_mem>>
        %dma_wait3A_347 = arith.constant 4000 : i32
        %dma_wait3A_348 = tpu.memref_slice %arg24[%dma_wait3A_347] : memref<8000xf32, #tpu.memory_space<vmem>> -> memref<4000xf32, #tpu.memory_space<vmem>>
        %dma_wait3A_349 = tpu.memref_slice %arg5[%add3A_291] : memref<6400000xf32, #tpu.memory_space<hbm>> -> memref<4000xf32, #tpu.memory_space<hbm>>
        tpu.wait_dma2 semaphore(%dma_wait3A_346 : memref<!tpu.dma_semaphore, #tpu.memory_space<semaphore_mem>>) src(%dma_wait3A_349 : memref<4000xf32, #tpu.memory_space<hbm>>) dst(%dma_wait3A_348 : memref<4000xf32, #tpu.memory_space<vmem>>)
      } else {
      }
      %add3A_327 = arith.constant 2 : i32
      %add3A_328 = arith.addi %mul3A_202, %add3A_327 : i32
      %lt3A_329 = arith.constant 100 : i32
      %lt3A_330 = arith.cmpi slt, %add3A_328, %lt3A_329 : i32
      %convert_element_type3A_331 = arith.extui %lt3A_330 : i1 to i32
      %cond3A_332 = arith.constant 0 : i32
      %cond3A_333 = arith.cmpi ne, %convert_element_type3A_331, %cond3A_332 : i32
      scf.if %cond3A_333 {
        %add3A_342 = arith.constant 2 : i32
        %add3A_343 = arith.addi %mul3A_202, %add3A_342 : i32
        %mul3A_344 = arith.constant 4000 : i32
        %mul3A_345 = arith.muli %add3A_343, %mul3A_344 : i32
        %add3A_346 = arith.addi %select_n3A_16, %mul3A_345 : i32
        %dma_start3A_347 = arith.constant 0 : i32
        %dma_start3A_348 = arith.constant 0 : i32
        %dma_start3A_349 = arith.constant 0 : i32
        %dma_start3A_350 = tpu.memref_slice %arg21[%dma_start3A_349] : memref<8000xi32, #tpu.memory_space<vmem>> -> memref<4000xi32, #tpu.memory_space<vmem>>
        %dma_start3A_351 = tpu.memref_slice %arg2[%mul3A_345] : memref<400000xi32, #tpu.memory_space<hbm>> -> memref<4000xi32, #tpu.memory_space<hbm>>
        %dma_start3A_352 = tpu.memref_slice %arg25[%dma_start3A_347, %dma_start3A_348] : memref<4x2x!tpu.dma_semaphore, #tpu.memory_space<semaphore_mem>> -> memref<1x1x!tpu.dma_semaphore, #tpu.memory_space<semaphore_mem>>
        %dma_start3A_353 = tpu.memref_squeeze %dma_start3A_352 : memref<1x1x!tpu.dma_semaphore, #tpu.memory_space<semaphore_mem>> -> memref<!tpu.dma_semaphore, #tpu.memory_space<semaphore_mem>>
        %dma_start3A_354 = arith.constant 0 : i32
        %dma_start3A_355 = tpu.memref_slice %arg21[%dma_start3A_354] : memref<8000xi32, #tpu.memory_space<vmem>> -> memref<4000xi32, #tpu.memory_space<vmem>>
        %dma_start3A_356 = tpu.memref_slice %arg2[%mul3A_345] : memref<400000xi32, #tpu.memory_space<hbm>> -> memref<4000xi32, #tpu.memory_space<hbm>>
        tpu.enqueue_dma source(%dma_start3A_356 : memref<4000xi32, #tpu.memory_space<hbm>>) target(%dma_start3A_355 : memref<4000xi32, #tpu.memory_space<vmem>>) target_semaphore(%dma_start3A_353 : memref<!tpu.dma_semaphore, #tpu.memory_space<semaphore_mem>>)
        %dma_start3A_357 = arith.constant 1 : i32
        %dma_start3A_358 = arith.constant 0 : i32
        %dma_start3A_359 = arith.constant 0 : i32
        %dma_start3A_360 = tpu.memref_slice %arg22[%dma_start3A_359] : memref<8000xi32, #tpu.memory_space<vmem>> -> memref<4000xi32, #tpu.memory_space<vmem>>
        %dma_start3A_361 = tpu.memref_slice %arg3[%mul3A_345] : memref<400000xi32, #tpu.memory_space<hbm>> -> memref<4000xi32, #tpu.memory_space<hbm>>
        %dma_start3A_362 = tpu.memref_slice %arg25[%dma_start3A_357, %dma_start3A_358] : memref<4x2x!tpu.dma_semaphore, #tpu.memory_space<semaphore_mem>> -> memref<1x1x!tpu.dma_semaphore, #tpu.memory_space<semaphore_mem>>
        %dma_start3A_363 = tpu.memref_squeeze %dma_start3A_362 : memref<1x1x!tpu.dma_semaphore, #tpu.memory_space<semaphore_mem>> -> memref<!tpu.dma_semaphore, #tpu.memory_space<semaphore_mem>>
        %dma_start3A_364 = arith.constant 0 : i32
        %dma_start3A_365 = tpu.memref_slice %arg22[%dma_start3A_364] : memref<8000xi32, #tpu.memory_space<vmem>> -> memref<4000xi32, #tpu.memory_space<vmem>>
        %dma_start3A_366 = tpu.memref_slice %arg3[%mul3A_345] : memref<400000xi32, #tpu.memory_space<hbm>> -> memref<4000xi32, #tpu.memory_space<hbm>>
        tpu.enqueue_dma source(%dma_start3A_366 : memref<4000xi32, #tpu.memory_space<hbm>>) target(%dma_start3A_365 : memref<4000xi32, #tpu.memory_space<vmem>>) target_semaphore(%dma_start3A_363 : memref<!tpu.dma_semaphore, #tpu.memory_space<semaphore_mem>>)
        %dma_start3A_367 = arith.constant 2 : i32
        %dma_start3A_368 = arith.constant 0 : i32
        %dma_start3A_369 = arith.constant 0 : i32
        %dma_start3A_370 = tpu.memref_slice %arg23[%dma_start3A_369] : memref<8000xf32, #tpu.memory_space<vmem>> -> memref<4000xf32, #tpu.memory_space<vmem>>
        %dma_start3A_371 = tpu.memref_slice %arg4[%mul3A_345] : memref<400000xf32, #tpu.memory_space<hbm>> -> memref<4000xf32, #tpu.memory_space<hbm>>
        %dma_start3A_372 = tpu.memref_slice %arg25[%dma_start3A_367, %dma_start3A_368] : memref<4x2x!tpu.dma_semaphore, #tpu.memory_space<semaphore_mem>> -> memref<1x1x!tpu.dma_semaphore, #tpu.memory_space<semaphore_mem>>
        %dma_start3A_373 = tpu.memref_squeeze %dma_start3A_372 : memref<1x1x!tpu.dma_semaphore, #tpu.memory_space<semaphore_mem>> -> memref<!tpu.dma_semaphore, #tpu.memory_space<semaphore_mem>>
        %dma_start3A_374 = arith.constant 0 : i32
        %dma_start3A_375 = tpu.memref_slice %arg23[%dma_start3A_374] : memref<8000xf32, #tpu.memory_space<vmem>> -> memref<4000xf32, #tpu.memory_space<vmem>>
        %dma_start3A_376 = tpu.memref_slice %arg4[%mul3A_345] : memref<400000xf32, #tpu.memory_space<hbm>> -> memref<4000xf32, #tpu.memory_space<hbm>>
        tpu.enqueue_dma source(%dma_start3A_376 : memref<4000xf32, #tpu.memory_space<hbm>>) target(%dma_start3A_375 : memref<4000xf32, #tpu.memory_space<vmem>>) target_semaphore(%dma_start3A_373 : memref<!tpu.dma_semaphore, #tpu.memory_space<semaphore_mem>>)
        %convert_element_type3A_377 = arith.extui %and3A_8 : i1 to i32
        %cond3A_378 = arith.constant 3 : i32
        %cond3A_379 = arith.constant 0 : i32
        %cond3A_380 = arith.constant 0 : i32
        %cond3A_381 = arith.cmpi ne, %convert_element_type3A_377, %cond3A_380 : i32
        scf.if %cond3A_381 {
          %dma_start3A_382 = arith.constant 0 : i32
          %dma_start3A_383 = tpu.memref_slice %arg24[%dma_start3A_382] : memref<8000xf32, #tpu.memory_space<vmem>> -> memref<4000xf32, #tpu.memory_space<vmem>>
          %dma_start3A_384 = tpu.memref_slice %arg5[%add3A_346] : memref<6400000xf32, #tpu.memory_space<hbm>> -> memref<4000xf32, #tpu.memory_space<hbm>>
          %dma_start3A_385 = tpu.memref_slice %arg25[%cond3A_378, %cond3A_379] : memref<4x2x!tpu.dma_semaphore, #tpu.memory_space<semaphore_mem>> -> memref<1x1x!tpu.dma_semaphore, #tpu.memory_space<semaphore_mem>>
          %dma_start3A_386 = tpu.memref_squeeze %dma_start3A_385 : memref<1x1x!tpu.dma_semaphore, #tpu.memory_space<semaphore_mem>> -> memref<!tpu.dma_semaphore, #tpu.memory_space<semaphore_mem>>
          %dma_start3A_387 = arith.constant 0 : i32
          %dma_start3A_388 = tpu.memref_slice %arg24[%dma_start3A_387] : memref<8000xf32, #tpu.memory_space<vmem>> -> memref<4000xf32, #tpu.memory_space<vmem>>
          %dma_start3A_389 = tpu.memref_slice %arg5[%add3A_346] : memref<6400000xf32, #tpu.memory_space<hbm>> -> memref<4000xf32, #tpu.memory_space<hbm>>
          tpu.enqueue_dma source(%dma_start3A_389 : memref<4000xf32, #tpu.memory_space<hbm>>) target(%dma_start3A_388 : memref<4000xf32, #tpu.memory_space<vmem>>) target_semaphore(%dma_start3A_386 : memref<!tpu.dma_semaphore, #tpu.memory_space<semaphore_mem>>)
        } else {
        }
      } else {
      }
      %scan3A_334 = arith.constant 0 : i32
      %scan3A_335 = arith.constant 0 : i32
      %scan3A_336 = arith.constant 50 : i32
      %scan3A_337 = arith.addi %scan3A_335, %scan3A_336 : i32
      %scan3A_338 = arith.constant 1 : i32
      %scan3A_339 = scf.for %scan3A_342 = %scan3A_335 to %scan3A_337 step %scan3A_338 iter_args(%scan3A_343 = %scan3A_334) -> (i32)  : i32 {
        %mul3A_344 = arith.constant 80 : i32
        %mul3A_345 = arith.muli %scan3A_342, %mul3A_344 : i32
        %add3A_346 = arith.constant 4000 : i32
        %add3A_347 = arith.addi %add3A_346, %mul3A_345 : i32
        %add3A_348 = arith.constant 0 : i32
        %add3A_349 = arith.addi %add3A_347, %add3A_348 : i32
        %get3A = arith.index_cast %add3A_349 : i32 to index
        %get3A_350 = tpu.vector_load %arg21[%get3A] {strides = array<i32>} : memref<8000xi32, #tpu.memory_space<vmem>>, vector<16xi32>,
        %get3A_351 = arith.index_cast %add3A_349 : i32 to index
        %get3A_352 = tpu.vector_load %arg22[%get3A_351] {strides = array<i32>} : memref<8000xi32, #tpu.memory_space<vmem>>, vector<16xi32>,
        %get3A_353 = arith.index_cast %add3A_349 : i32 to index
        %get3A_354 = tpu.vector_load %arg23[%get3A_353] {strides = array<i32>} : memref<8000xf32, #tpu.memory_space<vmem>>, vector<16xf32>,
        %add3A_355 = arith.constant 0 : i32
        %add3A_356 = vector.broadcast %add3A_355 : i32 to vector<16xi32>
        %add3A_357 = arith.addi %get3A_352, %add3A_356 : vector<16xi32>
        %gather3A = tpu.vector_load_idx %arg18[%add3A_357] : memref<20000xi32, #tpu.memory_space<vmem>>[vector<16xi32>], vector<16xi32>,
        %bitcast3A = vector.bitcast %gather3A : vector<16xi32> to vector<32xbf16>
        %unpack3A = tpu.unpack_subelements %bitcast3A, 0 {pack_format = #tpu.pack_format<interleaved>} : vector<32xbf16> -> vector<16xf32>
        %unpack3A_358 = tpu.unpack_subelements %bitcast3A, 1 {pack_format = #tpu.pack_format<interleaved>} : vector<32xbf16> -> vector<16xf32>
        %add3A_359 = arith.constant 0 : i32
        %add3A_360 = vector.broadcast %add3A_359 : i32 to vector<16xi32>
        %add3A_361 = arith.addi %get3A_350, %add3A_360 : vector<16xi32>
        %mul3A_362 = arith.mulf %get3A_354, %unpack3A : vector<16xf32>
        tpu.vector_store_idx %arg19[%add3A_361], %mul3A_362 {add = true} : memref<40000xf32, #tpu.memory_space<vmem>>[vector<16xi32>], vector<16xf32>,
        %add3A_363 = arith.constant 10000 : i32
        %add3A_364 = vector.broadcast %add3A_363 : i32 to vector<16xi32>
        %add3A_365 = arith.addi %get3A_350, %add3A_364 : vector<16xi32>
        %mul3A_366 = arith.mulf %get3A_354, %unpack3A_358 : vector<16xf32>
        tpu.vector_store_idx %arg19[%add3A_365], %mul3A_366 {add = true} : memref<40000xf32, #tpu.memory_space<vmem>>[vector<16xi32>], vector<16xf32>,
        %add3A_367 = arith.constant 10000 : i32
        %add3A_368 = vector.broadcast %add3A_367 : i32 to vector<16xi32>
        %add3A_369 = arith.addi %get3A_352, %add3A_368 : vector<16xi32>
        %gather3A_370 = tpu.vector_load_idx %arg18[%add3A_369] : memref<20000xi32, #tpu.memory_space<vmem>>[vector<16xi32>], vector<16xi32>,
        %bitcast3A_371 = vector.bitcast %gather3A_370 : vector<16xi32> to vector<32xbf16>
        %unpack3A_372 = tpu.unpack_subelements %bitcast3A_371, 0 {pack_format = #tpu.pack_format<interleaved>} : vector<32xbf16> -> vector<16xf32>
        %unpack3A_373 = tpu.unpack_subelements %bitcast3A_371, 1 {pack_format = #tpu.pack_format<interleaved>} : vector<32xbf16> -> vector<16xf32>
        %add3A_374 = arith.constant 20000 : i32
        %add3A_375 = vector.broadcast %add3A_374 : i32 to vector<16xi32>
        %add3A_376 = arith.addi %get3A_350, %add3A_375 : vector<16xi32>
        %mul3A_377 = arith.mulf %get3A_354, %unpack3A_372 : vector<16xf32>
        tpu.vector_store_idx %arg19[%add3A_376], %mul3A_377 {add = true} : memref<40000xf32, #tpu.memory_space<vmem>>[vector<16xi32>], vector<16xf32>,
        %add3A_378 = arith.constant 30000 : i32
        %add3A_379 = vector.broadcast %add3A_378 : i32 to vector<16xi32>
        %add3A_380 = arith.addi %get3A_350, %add3A_379 : vector<16xi32>
        %mul3A_381 = arith.mulf %get3A_354, %unpack3A_373 : vector<16xf32>
        tpu.vector_store_idx %arg19[%add3A_380], %mul3A_381 {add = true} : memref<40000xf32, #tpu.memory_space<vmem>>[vector<16xi32>], vector<16xf32>,
        %get3A_382 = arith.index_cast %add3A_349 : i32 to index
        %get3A_383 = tpu.vector_load %arg24[%get3A_382] {strides = array<i32>} : memref<8000xf32, #tpu.memory_space<vmem>>, vector<16xf32>,
        %select_n3A_384 = arith.select %broadcast_in_dim3A_33, %broadcast_in_dim3A_36, %get3A_383 : vector<16xi1>, vector<16xf32>
        %mul3A_385 = arith.mulf %get3A_354, %select_n3A_384 : vector<16xf32>
        tpu.vector_store_idx %arg20[%get3A_350], %mul3A_385 masked %broadcast_in_dim3A_34 {add = true} : memref<10000xf32, #tpu.memory_space<vmem>>[vector<16xi32>], vector<16xf32>, vector<16xi1>
        %mul3A_386 = arith.constant 80 : i32
        %mul3A_387 = arith.muli %scan3A_342, %mul3A_386 : i32
        %add3A_388 = arith.constant 4000 : i32
        %add3A_389 = arith.addi %add3A_388, %mul3A_387 : i32
        %add3A_390 = arith.constant 16 : i32
        %add3A_391 = arith.addi %add3A_389, %add3A_390 : i32
        %get3A_392 = arith.index_cast %add3A_391 : i32 to index
        %get3A_393 = tpu.vector_load %arg21[%get3A_392] {strides = array<i32>} : memref<8000xi32, #tpu.memory_space<vmem>>, vector<16xi32>,
        %get3A_394 = arith.index_cast %add3A_391 : i32 to index
        %get3A_395 = tpu.vector_load %arg22[%get3A_394] {strides = array<i32>} : memref<8000xi32, #tpu.memory_space<vmem>>, vector<16xi32>,
        %get3A_396 = arith.index_cast %add3A_391 : i32 to index
        %get3A_397 = tpu.vector_load %arg23[%get3A_396] {strides = array<i32>} : memref<8000xf32, #tpu.memory_space<vmem>>, vector<16xf32>,
        %add3A_398 = arith.constant 0 : i32
        %add3A_399 = vector.broadcast %add3A_398 : i32 to vector<16xi32>
        %add3A_400 = arith.addi %get3A_395, %add3A_399 : vector<16xi32>
        %gather3A_401 = tpu.vector_load_idx %arg18[%add3A_400] : memref<20000xi32, #tpu.memory_space<vmem>>[vector<16xi32>], vector<16xi32>,
        %bitcast3A_402 = vector.bitcast %gather3A_401 : vector<16xi32> to vector<32xbf16>
        %unpack3A_403 = tpu.unpack_subelements %bitcast3A_402, 0 {pack_format = #tpu.pack_format<interleaved>} : vector<32xbf16> -> vector<16xf32>
        %unpack3A_404 = tpu.unpack_subelements %bitcast3A_402, 1 {pack_format = #tpu.pack_format<interleaved>} : vector<32xbf16> -> vector<16xf32>
        %add3A_405 = arith.constant 0 : i32
        %add3A_406 = vector.broadcast %add3A_405 : i32 to vector<16xi32>
        %add3A_407 = arith.addi %get3A_393, %add3A_406 : vector<16xi32>
        %mul3A_408 = arith.mulf %get3A_397, %unpack3A_403 : vector<16xf32>
        tpu.vector_store_idx %arg19[%add3A_407], %mul3A_408 {add = true} : memref<40000xf32, #tpu.memory_space<vmem>>[vector<16xi32>], vector<16xf32>,
        %add3A_409 = arith.constant 10000 : i32
        %add3A_410 = vector.broadcast %add3A_409 : i32 to vector<16xi32>
        %add3A_411 = arith.addi %get3A_393, %add3A_410 : vector<16xi32>
        %mul3A_412 = arith.mulf %get3A_397, %unpack3A_404 : vector<16xf32>
        tpu.vector_store_idx %arg19[%add3A_411], %mul3A_412 {add = true} : memref<40000xf32, #tpu.memory_space<vmem>>[vector<16xi32>], vector<16xf32>,
        %add3A_413 = arith.constant 10000 : i32
        %add3A_414 = vector.broadcast %add3A_413 : i32 to vector<16xi32>
        %add3A_415 = arith.addi %get3A_395, %add3A_414 : vector<16xi32>
        %gather3A_416 = tpu.vector_load_idx %arg18[%add3A_415] : memref<20000xi32, #tpu.memory_space<vmem>>[vector<16xi32>], vector<16xi32>,
        %bitcast3A_417 = vector.bitcast %gather3A_416 : vector<16xi32> to vector<32xbf16>
        %unpack3A_418 = tpu.unpack_subelements %bitcast3A_417, 0 {pack_format = #tpu.pack_format<interleaved>} : vector<32xbf16> -> vector<16xf32>
        %unpack3A_419 = tpu.unpack_subelements %bitcast3A_417, 1 {pack_format = #tpu.pack_format<interleaved>} : vector<32xbf16> -> vector<16xf32>
        %add3A_420 = arith.constant 20000 : i32
        %add3A_421 = vector.broadcast %add3A_420 : i32 to vector<16xi32>
        %add3A_422 = arith.addi %get3A_393, %add3A_421 : vector<16xi32>
        %mul3A_423 = arith.mulf %get3A_397, %unpack3A_418 : vector<16xf32>
        tpu.vector_store_idx %arg19[%add3A_422], %mul3A_423 {add = true} : memref<40000xf32, #tpu.memory_space<vmem>>[vector<16xi32>], vector<16xf32>,
        %add3A_424 = arith.constant 30000 : i32
        %add3A_425 = vector.broadcast %add3A_424 : i32 to vector<16xi32>
        %add3A_426 = arith.addi %get3A_393, %add3A_425 : vector<16xi32>
        %mul3A_427 = arith.mulf %get3A_397, %unpack3A_419 : vector<16xf32>
        tpu.vector_store_idx %arg19[%add3A_426], %mul3A_427 {add = true} : memref<40000xf32, #tpu.memory_space<vmem>>[vector<16xi32>], vector<16xf32>,
        %get3A_428 = arith.index_cast %add3A_391 : i32 to index
        %get3A_429 = tpu.vector_load %arg24[%get3A_428] {strides = array<i32>} : memref<8000xf32, #tpu.memory_space<vmem>>, vector<16xf32>,
        %select_n3A_430 = arith.select %broadcast_in_dim3A_33, %broadcast_in_dim3A_36, %get3A_429 : vector<16xi1>, vector<16xf32>
        %mul3A_431 = arith.mulf %get3A_397, %select_n3A_430 : vector<16xf32>
        tpu.vector_store_idx %arg20[%get3A_393], %mul3A_431 masked %broadcast_in_dim3A_34 {add = true} : memref<10000xf32, #tpu.memory_space<vmem>>[vector<16xi32>], vector<16xf32>, vector<16xi1>
        %mul3A_432 = arith.constant 80 : i32
        %mul3A_433 = arith.muli %scan3A_342, %mul3A_432 : i32
        %add3A_434 = arith.constant 4000 : i32
        %add3A_435 = arith.addi %add3A_434, %mul3A_433 : i32
        %add3A_436 = arith.constant 32 : i32
        %add3A_437 = arith.addi %add3A_435, %add3A_436 : i32
        %get3A_438 = arith.index_cast %add3A_437 : i32 to index
        %get3A_439 = tpu.vector_load %arg21[%get3A_438] {strides = array<i32>} : memref<8000xi32, #tpu.memory_space<vmem>>, vector<16xi32>,
        %get3A_440 = arith.index_cast %add3A_437 : i32 to index
        %get3A_441 = tpu.vector_load %arg22[%get3A_440] {strides = array<i32>} : memref<8000xi32, #tpu.memory_space<vmem>>, vector<16xi32>,
        %get3A_442 = arith.index_cast %add3A_437 : i32 to index
        %get3A_443 = tpu.vector_load %arg23[%get3A_442] {strides = array<i32>} : memref<8000xf32, #tpu.memory_space<vmem>>, vector<16xf32>,
        %add3A_444 = arith.constant 0 : i32
        %add3A_445 = vector.broadcast %add3A_444 : i32 to vector<16xi32>
        %add3A_446 = arith.addi %get3A_441, %add3A_445 : vector<16xi32>
        %gather3A_447 = tpu.vector_load_idx %arg18[%add3A_446] : memref<20000xi32, #tpu.memory_space<vmem>>[vector<16xi32>], vector<16xi32>,
        %bitcast3A_448 = vector.bitcast %gather3A_447 : vector<16xi32> to vector<32xbf16>
        %unpack3A_449 = tpu.unpack_subelements %bitcast3A_448, 0 {pack_format = #tpu.pack_format<interleaved>} : vector<32xbf16> -> vector<16xf32>
        %unpack3A_450 = tpu.unpack_subelements %bitcast3A_448, 1 {pack_format = #tpu.pack_format<interleaved>} : vector<32xbf16> -> vector<16xf32>
        %add3A_451 = arith.constant 0 : i32
        %add3A_452 = vector.broadcast %add3A_451 : i32 to vector<16xi32>
        %add3A_453 = arith.addi %get3A_439, %add3A_452 : vector<16xi32>
        %mul3A_454 = arith.mulf %get3A_443, %unpack3A_449 : vector<16xf32>
        tpu.vector_store_idx %arg19[%add3A_453], %mul3A_454 {add = true} : memref<40000xf32, #tpu.memory_space<vmem>>[vector<16xi32>], vector<16xf32>,
        %add3A_455 = arith.constant 10000 : i32
        %add3A_456 = vector.broadcast %add3A_455 : i32 to vector<16xi32>
        %add3A_457 = arith.addi %get3A_439, %add3A_456 : vector<16xi32>
        %mul3A_458 = arith.mulf %get3A_443, %unpack3A_450 : vector<16xf32>
        tpu.vector_store_idx %arg19[%add3A_457], %mul3A_458 {add = true} : memref<40000xf32, #tpu.memory_space<vmem>>[vector<16xi32>], vector<16xf32>,
        %add3A_459 = arith.constant 10000 : i32
        %add3A_460 = vector.broadcast %add3A_459 : i32 to vector<16xi32>
        %add3A_461 = arith.addi %get3A_441, %add3A_460 : vector<16xi32>
        %gather3A_462 = tpu.vector_load_idx %arg18[%add3A_461] : memref<20000xi32, #tpu.memory_space<vmem>>[vector<16xi32>], vector<16xi32>,
        %bitcast3A_463 = vector.bitcast %gather3A_462 : vector<16xi32> to vector<32xbf16>
        %unpack3A_464 = tpu.unpack_subelements %bitcast3A_463, 0 {pack_format = #tpu.pack_format<interleaved>} : vector<32xbf16> -> vector<16xf32>
        %unpack3A_465 = tpu.unpack_subelements %bitcast3A_463, 1 {pack_format = #tpu.pack_format<interleaved>} : vector<32xbf16> -> vector<16xf32>
        %add3A_466 = arith.constant 20000 : i32
        %add3A_467 = vector.broadcast %add3A_466 : i32 to vector<16xi32>
        %add3A_468 = arith.addi %get3A_439, %add3A_467 : vector<16xi32>
        %mul3A_469 = arith.mulf %get3A_443, %unpack3A_464 : vector<16xf32>
        tpu.vector_store_idx %arg19[%add3A_468], %mul3A_469 {add = true} : memref<40000xf32, #tpu.memory_space<vmem>>[vector<16xi32>], vector<16xf32>,
        %add3A_470 = arith.constant 30000 : i32
        %add3A_471 = vector.broadcast %add3A_470 : i32 to vector<16xi32>
        %add3A_472 = arith.addi %get3A_439, %add3A_471 : vector<16xi32>
        %mul3A_473 = arith.mulf %get3A_443, %unpack3A_465 : vector<16xf32>
        tpu.vector_store_idx %arg19[%add3A_472], %mul3A_473 {add = true} : memref<40000xf32, #tpu.memory_space<vmem>>[vector<16xi32>], vector<16xf32>,
        %get3A_474 = arith.index_cast %add3A_437 : i32 to index
        %get3A_475 = tpu.vector_load %arg24[%get3A_474] {strides = array<i32>} : memref<8000xf32, #tpu.memory_space<vmem>>, vector<16xf32>,
        %select_n3A_476 = arith.select %broadcast_in_dim3A_33, %broadcast_in_dim3A_36, %get3A_475 : vector<16xi1>, vector<16xf32>
        %mul3A_477 = arith.mulf %get3A_443, %select_n3A_476 : vector<16xf32>
        tpu.vector_store_idx %arg20[%get3A_439], %mul3A_477 masked %broadcast_in_dim3A_34 {add = true} : memref<10000xf32, #tpu.memory_space<vmem>>[vector<16xi32>], vector<16xf32>, vector<16xi1>
        %mul3A_478 = arith.constant 80 : i32
        %mul3A_479 = arith.muli %scan3A_342, %mul3A_478 : i32
        %add3A_480 = arith.constant 4000 : i32
        %add3A_481 = arith.addi %add3A_480, %mul3A_479 : i32
        %add3A_482 = arith.constant 48 : i32
        %add3A_483 = arith.addi %add3A_481, %add3A_482 : i32
        %get3A_484 = arith.index_cast %add3A_483 : i32 to index
        %get3A_485 = tpu.vector_load %arg21[%get3A_484] {strides = array<i32>} : memref<8000xi32, #tpu.memory_space<vmem>>, vector<16xi32>,
        %get3A_486 = arith.index_cast %add3A_483 : i32 to index
        %get3A_487 = tpu.vector_load %arg22[%get3A_486] {strides = array<i32>} : memref<8000xi32, #tpu.memory_space<vmem>>, vector<16xi32>,
        %get3A_488 = arith.index_cast %add3A_483 : i32 to index
        %get3A_489 = tpu.vector_load %arg23[%get3A_488] {strides = array<i32>} : memref<8000xf32, #tpu.memory_space<vmem>>, vector<16xf32>,
        %add3A_490 = arith.constant 0 : i32
        %add3A_491 = vector.broadcast %add3A_490 : i32 to vector<16xi32>
        %add3A_492 = arith.addi %get3A_487, %add3A_491 : vector<16xi32>
        %gather3A_493 = tpu.vector_load_idx %arg18[%add3A_492] : memref<20000xi32, #tpu.memory_space<vmem>>[vector<16xi32>], vector<16xi32>,
        %bitcast3A_494 = vector.bitcast %gather3A_493 : vector<16xi32> to vector<32xbf16>
        %unpack3A_495 = tpu.unpack_subelements %bitcast3A_494, 0 {pack_format = #tpu.pack_format<interleaved>} : vector<32xbf16> -> vector<16xf32>
        %unpack3A_496 = tpu.unpack_subelements %bitcast3A_494, 1 {pack_format = #tpu.pack_format<interleaved>} : vector<32xbf16> -> vector<16xf32>
        %add3A_497 = arith.constant 0 : i32
        %add3A_498 = vector.broadcast %add3A_497 : i32 to vector<16xi32>
        %add3A_499 = arith.addi %get3A_485, %add3A_498 : vector<16xi32>
        %mul3A_500 = arith.mulf %get3A_489, %unpack3A_495 : vector<16xf32>
        tpu.vector_store_idx %arg19[%add3A_499], %mul3A_500 {add = true} : memref<40000xf32, #tpu.memory_space<vmem>>[vector<16xi32>], vector<16xf32>,
        %add3A_501 = arith.constant 10000 : i32
        %add3A_502 = vector.broadcast %add3A_501 : i32 to vector<16xi32>
        %add3A_503 = arith.addi %get3A_485, %add3A_502 : vector<16xi32>
        %mul3A_504 = arith.mulf %get3A_489, %unpack3A_496 : vector<16xf32>
        tpu.vector_store_idx %arg19[%add3A_503], %mul3A_504 {add = true} : memref<40000xf32, #tpu.memory_space<vmem>>[vector<16xi32>], vector<16xf32>,
        %add3A_505 = arith.constant 10000 : i32
        %add3A_506 = vector.broadcast %add3A_505 : i32 to vector<16xi32>
        %add3A_507 = arith.addi %get3A_487, %add3A_506 : vector<16xi32>
        %gather3A_508 = tpu.vector_load_idx %arg18[%add3A_507] : memref<20000xi32, #tpu.memory_space<vmem>>[vector<16xi32>], vector<16xi32>,
        %bitcast3A_509 = vector.bitcast %gather3A_508 : vector<16xi32> to vector<32xbf16>
        %unpack3A_510 = tpu.unpack_subelements %bitcast3A_509, 0 {pack_format = #tpu.pack_format<interleaved>} : vector<32xbf16> -> vector<16xf32>
        %unpack3A_511 = tpu.unpack_subelements %bitcast3A_509, 1 {pack_format = #tpu.pack_format<interleaved>} : vector<32xbf16> -> vector<16xf32>
        %add3A_512 = arith.constant 20000 : i32
        %add3A_513 = vector.broadcast %add3A_512 : i32 to vector<16xi32>
        %add3A_514 = arith.addi %get3A_485, %add3A_513 : vector<16xi32>
        %mul3A_515 = arith.mulf %get3A_489, %unpack3A_510 : vector<16xf32>
        tpu.vector_store_idx %arg19[%add3A_514], %mul3A_515 {add = true} : memref<40000xf32, #tpu.memory_space<vmem>>[vector<16xi32>], vector<16xf32>,
        %add3A_516 = arith.constant 30000 : i32
        %add3A_517 = vector.broadcast %add3A_516 : i32 to vector<16xi32>
        %add3A_518 = arith.addi %get3A_485, %add3A_517 : vector<16xi32>
        %mul3A_519 = arith.mulf %get3A_489, %unpack3A_511 : vector<16xf32>
        tpu.vector_store_idx %arg19[%add3A_518], %mul3A_519 {add = true} : memref<40000xf32, #tpu.memory_space<vmem>>[vector<16xi32>], vector<16xf32>,
        %get3A_520 = arith.index_cast %add3A_483 : i32 to index
        %get3A_521 = tpu.vector_load %arg24[%get3A_520] {strides = array<i32>} : memref<8000xf32, #tpu.memory_space<vmem>>, vector<16xf32>,
        %select_n3A_522 = arith.select %broadcast_in_dim3A_33, %broadcast_in_dim3A_36, %get3A_521 : vector<16xi1>, vector<16xf32>
        %mul3A_523 = arith.mulf %get3A_489, %select_n3A_522 : vector<16xf32>
        tpu.vector_store_idx %arg20[%get3A_485], %mul3A_523 masked %broadcast_in_dim3A_34 {add = true} : memref<10000xf32, #tpu.memory_space<vmem>>[vector<16xi32>], vector<16xf32>, vector<16xi1>
        %mul3A_524 = arith.constant 80 : i32
        %mul3A_525 = arith.muli %scan3A_342, %mul3A_524 : i32
        %add3A_526 = arith.constant 4000 : i32
        %add3A_527 = arith.addi %add3A_526, %mul3A_525 : i32
        %add3A_528 = arith.constant 64 : i32
        %add3A_529 = arith.addi %add3A_527, %add3A_528 : i32
        %get3A_530 = arith.index_cast %add3A_529 : i32 to index
        %get3A_531 = tpu.vector_load %arg21[%get3A_530] {strides = array<i32>} : memref<8000xi32, #tpu.memory_space<vmem>>, vector<16xi32>,
        %get3A_532 = arith.index_cast %add3A_529 : i32 to index
        %get3A_533 = tpu.vector_load %arg22[%get3A_532] {strides = array<i32>} : memref<8000xi32, #tpu.memory_space<vmem>>, vector<16xi32>,
        %get3A_534 = arith.index_cast %add3A_529 : i32 to index
        %get3A_535 = tpu.vector_load %arg23[%get3A_534] {strides = array<i32>} : memref<8000xf32, #tpu.memory_space<vmem>>, vector<16xf32>,
        %add3A_536 = arith.constant 0 : i32
        %add3A_537 = vector.broadcast %add3A_536 : i32 to vector<16xi32>
        %add3A_538 = arith.addi %get3A_533, %add3A_537 : vector<16xi32>
        %gather3A_539 = tpu.vector_load_idx %arg18[%add3A_538] : memref<20000xi32, #tpu.memory_space<vmem>>[vector<16xi32>], vector<16xi32>,
        %bitcast3A_540 = vector.bitcast %gather3A_539 : vector<16xi32> to vector<32xbf16>
        %unpack3A_541 = tpu.unpack_subelements %bitcast3A_540, 0 {pack_format = #tpu.pack_format<interleaved>} : vector<32xbf16> -> vector<16xf32>
        %unpack3A_542 = tpu.unpack_subelements %bitcast3A_540, 1 {pack_format = #tpu.pack_format<interleaved>} : vector<32xbf16> -> vector<16xf32>
        %add3A_543 = arith.constant 0 : i32
        %add3A_544 = vector.broadcast %add3A_543 : i32 to vector<16xi32>
        %add3A_545 = arith.addi %get3A_531, %add3A_544 : vector<16xi32>
        %mul3A_546 = arith.mulf %get3A_535, %unpack3A_541 : vector<16xf32>
        tpu.vector_store_idx %arg19[%add3A_545], %mul3A_546 {add = true} : memref<40000xf32, #tpu.memory_space<vmem>>[vector<16xi32>], vector<16xf32>,
        %add3A_547 = arith.constant 10000 : i32
        %add3A_548 = vector.broadcast %add3A_547 : i32 to vector<16xi32>
        %add3A_549 = arith.addi %get3A_531, %add3A_548 : vector<16xi32>
        %mul3A_550 = arith.mulf %get3A_535, %unpack3A_542 : vector<16xf32>
        tpu.vector_store_idx %arg19[%add3A_549], %mul3A_550 {add = true} : memref<40000xf32, #tpu.memory_space<vmem>>[vector<16xi32>], vector<16xf32>,
        %add3A_551 = arith.constant 10000 : i32
        %add3A_552 = vector.broadcast %add3A_551 : i32 to vector<16xi32>
        %add3A_553 = arith.addi %get3A_533, %add3A_552 : vector<16xi32>
        %gather3A_554 = tpu.vector_load_idx %arg18[%add3A_553] : memref<20000xi32, #tpu.memory_space<vmem>>[vector<16xi32>], vector<16xi32>,
        %bitcast3A_555 = vector.bitcast %gather3A_554 : vector<16xi32> to vector<32xbf16>
        %unpack3A_556 = tpu.unpack_subelements %bitcast3A_555, 0 {pack_format = #tpu.pack_format<interleaved>} : vector<32xbf16> -> vector<16xf32>
        %unpack3A_557 = tpu.unpack_subelements %bitcast3A_555, 1 {pack_format = #tpu.pack_format<interleaved>} : vector<32xbf16> -> vector<16xf32>
        %add3A_558 = arith.constant 20000 : i32
        %add3A_559 = vector.broadcast %add3A_558 : i32 to vector<16xi32>
        %add3A_560 = arith.addi %get3A_531, %add3A_559 : vector<16xi32>
        %mul3A_561 = arith.mulf %get3A_535, %unpack3A_556 : vector<16xf32>
        tpu.vector_store_idx %arg19[%add3A_560], %mul3A_561 {add = true} : memref<40000xf32, #tpu.memory_space<vmem>>[vector<16xi32>], vector<16xf32>,
        %add3A_562 = arith.constant 30000 : i32
        %add3A_563 = vector.broadcast %add3A_562 : i32 to vector<16xi32>
        %add3A_564 = arith.addi %get3A_531, %add3A_563 : vector<16xi32>
        %mul3A_565 = arith.mulf %get3A_535, %unpack3A_557 : vector<16xf32>
        tpu.vector_store_idx %arg19[%add3A_564], %mul3A_565 {add = true} : memref<40000xf32, #tpu.memory_space<vmem>>[vector<16xi32>], vector<16xf32>,
        %get3A_566 = arith.index_cast %add3A_529 : i32 to index
        %get3A_567 = tpu.vector_load %arg24[%get3A_566] {strides = array<i32>} : memref<8000xf32, #tpu.memory_space<vmem>>, vector<16xf32>,
        %select_n3A_568 = arith.select %broadcast_in_dim3A_33, %broadcast_in_dim3A_36, %get3A_567 : vector<16xi1>, vector<16xf32>
        %mul3A_569 = arith.mulf %get3A_535, %select_n3A_568 : vector<16xf32>
        tpu.vector_store_idx %arg20[%get3A_531], %mul3A_569 masked %broadcast_in_dim3A_34 {add = true} : memref<10000xf32, #tpu.memory_space<vmem>>[vector<16xi32>], vector<16xf32>, vector<16xi1>
        %scan3A_570 = arith.constant 0 : i32
        scf.yield %scan3A_570 : i32
      }
      %scan3A_340 = arith.constant 50 : i32
      %scan3A_341 = arith.constant 0 : i32
      scf.yield %scan3A_341 : i32
    }
    %scan3A_83 = arith.constant 50 : i32
    "tpu.region"() ({
      %run_scoped3A = tpu.sem_alloc : memref<!tpu.dma_semaphore, #tpu.memory_space<semaphore_mem>>
      %dma_start3A_199 = arith.constant 0 : i32
      %dma_start3A_200 = tpu.memref_slice %arg12[%add3A, %dma_start3A_199] : memref<32x40000xf32, #tpu.memory_space<hbm>> -> memref<1x40000xf32, #tpu.memory_space<hbm>>
      %dma_start3A_201 = tpu.memref_squeeze %dma_start3A_200 : memref<1x40000xf32, #tpu.memory_space<hbm>> -> memref<40000xf32, #tpu.memory_space<hbm>>
      %dma_start3A_202 = arith.constant 0 : i32
      %dma_start3A_203 = tpu.memref_slice %arg12[%add3A, %dma_start3A_202] : memref<32x40000xf32, #tpu.memory_space<hbm>> -> memref<1x40000xf32, #tpu.memory_space<hbm>>
      %dma_start3A_204 = tpu.memref_squeeze %dma_start3A_203 : memref<1x40000xf32, #tpu.memory_space<hbm>> -> memref<40000xf32, #tpu.memory_space<hbm>>
      tpu.enqueue_dma source(%arg19 : memref<40000xf32, #tpu.memory_space<vmem>>) target(%dma_start3A_204 : memref<40000xf32, #tpu.memory_space<hbm>>) target_semaphore(%run_scoped3A : memref<!tpu.dma_semaphore, #tpu.memory_space<semaphore_mem>>)
      %dma_wait3A = arith.constant 0 : i32
      %dma_wait3A_205 = tpu.memref_slice %arg12[%add3A, %dma_wait3A] : memref<32x40000xf32, #tpu.memory_space<hbm>> -> memref<1x40000xf32, #tpu.memory_space<hbm>>
      %dma_wait3A_206 = tpu.memref_squeeze %dma_wait3A_205 : memref<1x40000xf32, #tpu.memory_space<hbm>> -> memref<40000xf32, #tpu.memory_space<hbm>>
      %dma_wait3A_207 = arith.constant 0 : i32
      %dma_wait3A_208 = tpu.memref_slice %arg12[%add3A, %dma_wait3A_207] : memref<32x40000xf32, #tpu.memory_space<hbm>> -> memref<1x40000xf32, #tpu.memory_space<hbm>>
      %dma_wait3A_209 = tpu.memref_squeeze %dma_wait3A_208 : memref<1x40000xf32, #tpu.memory_space<hbm>> -> memref<40000xf32, #tpu.memory_space<hbm>>
      tpu.wait_dma2 semaphore(%run_scoped3A : memref<!tpu.dma_semaphore, #tpu.memory_space<semaphore_mem>>) src(%arg19 : memref<40000xf32, #tpu.memory_space<vmem>>) dst(%dma_wait3A_209 : memref<40000xf32, #tpu.memory_space<hbm>>)
      tpu.yield
    }) : () -> ()
    %convert_element_type3A_84 = arith.extui %lt3A_1 : i1 to i32
    %cond3A_85 = arith.constant 0 : i32
    %cond3A_86 = arith.cmpi ne, %convert_element_type3A_84, %cond3A_85 : i32
    scf.if %cond3A_86 {
      "tpu.region"() ({
        %run_scoped3A = tpu.sem_alloc : memref<!tpu.dma_semaphore, #tpu.memory_space<semaphore_mem>>
        %dma_start3A_199 = arith.constant 0 : i32
        %dma_start3A_200 = tpu.memref_slice %arg14[%add3A, %dma_start3A_199] : memref<16x10000xf32, #tpu.memory_space<hbm>> -> memref<1x10000xf32, #tpu.memory_space<hbm>>
        %dma_start3A_201 = tpu.memref_squeeze %dma_start3A_200 : memref<1x10000xf32, #tpu.memory_space<hbm>> -> memref<10000xf32, #tpu.memory_space<hbm>>
        %dma_start3A_202 = arith.constant 0 : i32
        %dma_start3A_203 = tpu.memref_slice %arg14[%add3A, %dma_start3A_202] : memref<16x10000xf32, #tpu.memory_space<hbm>> -> memref<1x10000xf32, #tpu.memory_space<hbm>>
        %dma_start3A_204 = tpu.memref_squeeze %dma_start3A_203 : memref<1x10000xf32, #tpu.memory_space<hbm>> -> memref<10000xf32, #tpu.memory_space<hbm>>
        tpu.enqueue_dma source(%arg20 : memref<10000xf32, #tpu.memory_space<vmem>>) target(%dma_start3A_204 : memref<10000xf32, #tpu.memory_space<hbm>>) target_semaphore(%run_scoped3A : memref<!tpu.dma_semaphore, #tpu.memory_space<semaphore_mem>>)
        %dma_wait3A = arith.constant 0 : i32
        %dma_wait3A_205 = tpu.memref_slice %arg14[%add3A, %dma_wait3A] : memref<16x10000xf32, #tpu.memory_space<hbm>> -> memref<1x10000xf32, #tpu.memory_space<hbm>>
        %dma_wait3A_206 = tpu.memref_squeeze %dma_wait3A_205 : memref<1x10000xf32, #tpu.memory_space<hbm>> -> memref<10000xf32, #tpu.memory_space<hbm>>
        %dma_wait3A_207 = arith.constant 0 : i32
        %dma_wait3A_208 = tpu.memref_slice %arg14[%add3A, %dma_wait3A_207] : memref<16x10000xf32, #tpu.memory_space<hbm>> -> memref<1x10000xf32, #tpu.memory_space<hbm>>
        %dma_wait3A_209 = tpu.memref_squeeze %dma_wait3A_208 : memref<1x10000xf32, #tpu.memory_space<hbm>> -> memref<10000xf32, #tpu.memory_space<hbm>>
        tpu.wait_dma2 semaphore(%run_scoped3A : memref<!tpu.dma_semaphore, #tpu.memory_space<semaphore_mem>>) src(%arg20 : memref<10000xf32, #tpu.memory_space<vmem>>) dst(%dma_wait3A_209 : memref<10000xf32, #tpu.memory_space<hbm>>)
        tpu.yield
      }) : () -> ()
    } else {
    }
    %convert_element_type3A_87 = arith.extui %eq3A_2 : i1 to i32
    %cond3A_88 = arith.constant 0 : i32
    %cond3A_89 = arith.cmpi ne, %convert_element_type3A_87, %cond3A_88 : i32
    scf.if %cond3A_89 {
      %run_scoped3A = arith.constant 0 : i32
      "tpu.region"() ({
        %run_scoped3A_199 = tpu.sem_alloc : memref<!tpu.dma_semaphore, #tpu.memory_space<semaphore_mem>>
        %dma_start3A_200 = arith.constant 0 : i32
        %dma_start3A_201 = tpu.memref_slice %arg17[%run_scoped3A, %dma_start3A_200] : memref<2x10000xf32, #tpu.memory_space<hbm>> -> memref<1x10000xf32, #tpu.memory_space<hbm>>
        %dma_start3A_202 = tpu.memref_squeeze %dma_start3A_201 : memref<1x10000xf32, #tpu.memory_space<hbm>> -> memref<10000xf32, #tpu.memory_space<hbm>>
        %dma_start3A_203 = arith.constant 0 : i32
        %dma_start3A_204 = tpu.memref_slice %arg17[%run_scoped3A, %dma_start3A_203] : memref<2x10000xf32, #tpu.memory_space<hbm>> -> memref<1x10000xf32, #tpu.memory_space<hbm>>
        %dma_start3A_205 = tpu.memref_squeeze %dma_start3A_204 : memref<1x10000xf32, #tpu.memory_space<hbm>> -> memref<10000xf32, #tpu.memory_space<hbm>>
        tpu.enqueue_dma source(%arg20 : memref<10000xf32, #tpu.memory_space<vmem>>) target(%dma_start3A_205 : memref<10000xf32, #tpu.memory_space<hbm>>) target_semaphore(%run_scoped3A_199 : memref<!tpu.dma_semaphore, #tpu.memory_space<semaphore_mem>>)
        %dma_wait3A = arith.constant 0 : i32
        %dma_wait3A_206 = tpu.memref_slice %arg17[%run_scoped3A, %dma_wait3A] : memref<2x10000xf32, #tpu.memory_space<hbm>> -> memref<1x10000xf32, #tpu.memory_space<hbm>>
        %dma_wait3A_207 = tpu.memref_squeeze %dma_wait3A_206 : memref<1x10000xf32, #tpu.memory_space<hbm>> -> memref<10000xf32, #tpu.memory_space<hbm>>
        %dma_wait3A_208 = arith.constant 0 : i32
        %dma_wait3A_209 = tpu.memref_slice %arg17[%run_scoped3A, %dma_wait3A_208] : memref<2x10000xf32, #tpu.memory_space<hbm>> -> memref<1x10000xf32, #tpu.memory_space<hbm>>
        %dma_wait3A_210 = tpu.memref_squeeze %dma_wait3A_209 : memref<1x10000xf32, #tpu.memory_space<hbm>> -> memref<10000xf32, #tpu.memory_space<hbm>>
        tpu.wait_dma2 semaphore(%run_scoped3A_199 : memref<!tpu.dma_semaphore, #tpu.memory_space<semaphore_mem>>) src(%arg20 : memref<10000xf32, #tpu.memory_space<vmem>>) dst(%dma_wait3A_210 : memref<10000xf32, #tpu.memory_space<hbm>>)
        tpu.yield
      }) : () -> ()
    } else {
    }
    %convert_element_type3A_90 = arith.extui %and3A : i1 to i32
    %cond3A_91 = arith.constant 0 : i32
    %cond3A_92 = arith.cmpi ne, %convert_element_type3A_90, %cond3A_91 : i32
    scf.if %cond3A_92 {
      %sub3A_199 = arith.constant 17 : i32
      %sub3A_200 = arith.subi %add3A, %sub3A_199 : i32
      "tpu.region"() ({
        %run_scoped3A = tpu.sem_alloc : memref<!tpu.dma_semaphore, #tpu.memory_space<semaphore_mem>>
        %dma_start3A_201 = arith.constant 0 : i32
        %dma_start3A_202 = tpu.memref_slice %arg16[%sub3A_200, %dma_start3A_201] : memref<4x10000xf32, #tpu.memory_space<hbm>> -> memref<1x10000xf32, #tpu.memory_space<hbm>>
        %dma_start3A_203 = tpu.memref_squeeze %dma_start3A_202 : memref<1x10000xf32, #tpu.memory_space<hbm>> -> memref<10000xf32, #tpu.memory_space<hbm>>
        %dma_start3A_204 = arith.constant 0 : i32
        %dma_start3A_205 = tpu.memref_slice %arg16[%sub3A_200, %dma_start3A_204] : memref<4x10000xf32, #tpu.memory_space<hbm>> -> memref<1x10000xf32, #tpu.memory_space<hbm>>
        %dma_start3A_206 = tpu.memref_squeeze %dma_start3A_205 : memref<1x10000xf32, #tpu.memory_space<hbm>> -> memref<10000xf32, #tpu.memory_space<hbm>>
        tpu.enqueue_dma source(%arg20 : memref<10000xf32, #tpu.memory_space<vmem>>) target(%dma_start3A_206 : memref<10000xf32, #tpu.memory_space<hbm>>) target_semaphore(%run_scoped3A : memref<!tpu.dma_semaphore, #tpu.memory_space<semaphore_mem>>)
        %dma_wait3A = arith.constant 0 : i32
        %dma_wait3A_207 = tpu.memref_slice %arg16[%sub3A_200, %dma_wait3A] : memref<4x10000xf32, #tpu.memory_space<hbm>> -> memref<1x10000xf32, #tpu.memory_space<hbm>>
        %dma_wait3A_208 = tpu.memref_squeeze %dma_wait3A_207 : memref<1x10000xf32, #tpu.memory_space<hbm>> -> memref<10000xf32, #tpu.memory_space<hbm>>
        %dma_wait3A_209 = arith.constant 0 : i32
        %dma_wait3A_210 = tpu.memref_slice %arg16[%sub3A_200, %dma_wait3A_209] : memref<4x10000xf32, #tpu.memory_space<hbm>> -> memref<1x10000xf32, #tpu.memory_space<hbm>>
        %dma_wait3A_211 = tpu.memref_squeeze %dma_wait3A_210 : memref<1x10000xf32, #tpu.memory_space<hbm>> -> memref<10000xf32, #tpu.memory_space<hbm>>
        tpu.wait_dma2 semaphore(%run_scoped3A : memref<!tpu.dma_semaphore, #tpu.memory_space<semaphore_mem>>) src(%arg20 : memref<10000xf32, #tpu.memory_space<vmem>>) dst(%dma_wait3A_211 : memref<10000xf32, #tpu.memory_space<hbm>>)
        tpu.yield
      }) : () -> ()
    } else {
    }
    %lt3A_93 = arith.constant 16 : i32
    %lt3A_94 = arith.cmpi slt, %add3A, %lt3A_93 : i32
    %eq3A_95 = arith.constant 16 : i32
    %eq3A_96 = arith.cmpi eq, %add3A, %eq3A_95 : i32
    %ge3A_97 = arith.constant 17 : i32
    %ge3A_98 = arith.cmpi sge, %add3A, %ge3A_97 : i32
    %lt3A_99 = arith.constant 21 : i32
    %lt3A_100 = arith.cmpi slt, %add3A, %lt3A_99 : i32
    %and3A_101 = arith.andi %ge3A_98, %lt3A_100 : i1
    %or3A_102 = arith.ori %eq3A_96, %and3A_101 : i1
    %or3A_103 = arith.ori %lt3A_94, %or3A_102 : i1
    %not3A_104 = arith.constant true
    %not3A_105 = arith.xori %eq3A_96, %not3A_104 : i1
    %and3A_106 = arith.andi %or3A_103, %not3A_105 : i1
    %mul3A_107 = arith.constant 160000 : i32
    %mul3A_108 = arith.muli %add3A, %mul3A_107 : i32
    %sub3A_109 = arith.constant 17 : i32
    %sub3A_110 = arith.subi %add3A, %sub3A_109 : i32
    %mul3A_111 = arith.constant 160000 : i32
    %mul3A_112 = arith.muli %sub3A_110, %mul3A_111 : i32
    %add3A_113 = arith.constant 2560000 : i32
    %add3A_114 = arith.addi %add3A_113, %mul3A_112 : i32
    %jit3A_115 = arith.constant 0 : i32
    %select_n3A_116 = arith.select %and3A_101, %add3A_114, %jit3A_115 : i32
    %select_n3A_117 = arith.select %lt3A_94, %mul3A_108, %select_n3A_116 : i32
    "tpu.region"() ({
      %run_scoped3A = tpu.sem_alloc : memref<!tpu.dma_semaphore, #tpu.memory_space<semaphore_mem>>
      %dma_start3A_199 = arith.constant 0 : i32
      %dma_start3A_200 = tpu.memref_slice %arg11[%add3A, %dma_start3A_199] : memref<32x20000xi32, #tpu.memory_space<hbm>> -> memref<1x20000xi32, #tpu.memory_space<hbm>>
      %dma_start3A_201 = tpu.memref_squeeze %dma_start3A_200 : memref<1x20000xi32, #tpu.memory_space<hbm>> -> memref<20000xi32, #tpu.memory_space<hbm>>
      %dma_start3A_202 = arith.constant 0 : i32
      %dma_start3A_203 = tpu.memref_slice %arg11[%add3A, %dma_start3A_202] : memref<32x20000xi32, #tpu.memory_space<hbm>> -> memref<1x20000xi32, #tpu.memory_space<hbm>>
      %dma_start3A_204 = tpu.memref_squeeze %dma_start3A_203 : memref<1x20000xi32, #tpu.memory_space<hbm>> -> memref<20000xi32, #tpu.memory_space<hbm>>
      tpu.enqueue_dma source(%dma_start3A_204 : memref<20000xi32, #tpu.memory_space<hbm>>) target(%arg18 : memref<20000xi32, #tpu.memory_space<vmem>>) target_semaphore(%run_scoped3A : memref<!tpu.dma_semaphore, #tpu.memory_space<semaphore_mem>>)
      %dma_wait3A = arith.constant 0 : i32
      %dma_wait3A_205 = tpu.memref_slice %arg11[%add3A, %dma_wait3A] : memref<32x20000xi32, #tpu.memory_space<hbm>> -> memref<1x20000xi32, #tpu.memory_space<hbm>>
      %dma_wait3A_206 = tpu.memref_squeeze %dma_wait3A_205 : memref<1x20000xi32, #tpu.memory_space<hbm>> -> memref<20000xi32, #tpu.memory_space<hbm>>
      %dma_wait3A_207 = arith.constant 0 : i32
      %dma_wait3A_208 = tpu.memref_slice %arg11[%add3A, %dma_wait3A_207] : memref<32x20000xi32, #tpu.memory_space<hbm>> -> memref<1x20000xi32, #tpu.memory_space<hbm>>
      %dma_wait3A_209 = tpu.memref_squeeze %dma_wait3A_208 : memref<1x20000xi32, #tpu.memory_space<hbm>> -> memref<20000xi32, #tpu.memory_space<hbm>>
      tpu.wait_dma2 semaphore(%run_scoped3A : memref<!tpu.dma_semaphore, #tpu.memory_space<semaphore_mem>>) src(%dma_wait3A_209 : memref<20000xi32, #tpu.memory_space<hbm>>) dst(%arg18 : memref<20000xi32, #tpu.memory_space<vmem>>)
      tpu.yield
    }) : () -> ()
    %broadcast_in_dim3A_118 = arith.constant 0.000000e+00 : f32
    %broadcast_in_dim3A_119 = vector.broadcast %broadcast_in_dim3A_118 : f32 to vector<16xf32>
    %scan3A_120 = arith.constant 0 : i32
    %scan3A_121 = arith.constant 0 : i32
    %scan3A_122 = arith.constant 2500 : i32
    %scan3A_123 = arith.addi %scan3A_121, %scan3A_122 : i32
    %scan3A_124 = arith.constant 1 : i32
    %scan3A_125 = scf.for %scan3A_199 = %scan3A_121 to %scan3A_123 step %scan3A_124 iter_args(%scan3A_200 = %scan3A_120) -> (i32)  : i32 {
      %mul3A_201 = arith.constant 16 : i32
      %mul3A_202 = arith.muli %scan3A_199, %mul3A_201 : i32
      %swap3A = arith.index_cast %mul3A_202 : i32 to index
      %swap3A_203 = tpu.vector_load %arg19[%swap3A] {strides = array<i32>} : memref<40000xf32, #tpu.memory_space<vmem>>, vector<16xf32>,
      tpu.vector_store %arg19[%swap3A], %broadcast_in_dim3A_119 {strides = array<i32>} : memref<40000xf32, #tpu.memory_space<vmem>>, vector<16xf32>,
      %scan3A_204 = arith.constant 0 : i32
      scf.yield %scan3A_204 : i32
    }
    %scan3A_126 = arith.constant 2500 : i32
    %broadcast_in_dim3A_127 = arith.constant 0.000000e+00 : f32
    %broadcast_in_dim3A_128 = vector.broadcast %broadcast_in_dim3A_127 : f32 to vector<16xf32>
    %scan3A_129 = arith.constant 0 : i32
    %scan3A_130 = arith.constant 0 : i32
    %scan3A_131 = arith.constant 625 : i32
    %scan3A_132 = arith.addi %scan3A_130, %scan3A_131 : i32
    %scan3A_133 = arith.constant 1 : i32
    %scan3A_134 = scf.for %scan3A_199 = %scan3A_130 to %scan3A_132 step %scan3A_133 iter_args(%scan3A_200 = %scan3A_129) -> (i32)  : i32 {
      %mul3A_201 = arith.constant 16 : i32
      %mul3A_202 = arith.muli %scan3A_199, %mul3A_201 : i32
      %swap3A = arith.index_cast %mul3A_202 : i32 to index
      %swap3A_203 = tpu.vector_load %arg20[%swap3A] {strides = array<i32>} : memref<10000xf32, #tpu.memory_space<vmem>>, vector<16xf32>,
      tpu.vector_store %arg20[%swap3A], %broadcast_in_dim3A_128 {strides = array<i32>} : memref<10000xf32, #tpu.memory_space<vmem>>, vector<16xf32>,
      %scan3A_204 = arith.constant 0 : i32
      scf.yield %scan3A_204 : i32
    }
    %scan3A_135 = arith.constant 625 : i32
    %broadcast_in_dim3A_136 = vector.broadcast %eq3A_96 : i1 to vector<16xi1>
    %broadcast_in_dim3A_137 = vector.broadcast %or3A_103 : i1 to vector<16xi1>
    %broadcast_in_dim3A_138 = arith.constant 1.000000e+00 : f32
    %broadcast_in_dim3A_139 = vector.broadcast %broadcast_in_dim3A_138 : f32 to vector<16xf32>
    %add3A_140 = arith.constant 0 : i32
    %add3A_141 = arith.addi %select_n3A_117, %add3A_140 : i32
    %dma_start3A_142 = arith.constant 0 : i32
    %dma_start3A_143 = arith.constant 0 : i32
    %dma_start3A_144 = arith.constant 0 : i32
    %dma_start3A_145 = tpu.memref_slice %arg21[%dma_start3A_144] : memref<8000xi32, #tpu.memory_space<vmem>> -> memref<4000xi32, #tpu.memory_space<vmem>>
    %dma_start3A_146 = arith.constant 0 : i32
    %dma_start3A_147 = tpu.memref_slice %arg7[%dma_start3A_146] : memref<160000xi32, #tpu.memory_space<hbm>> -> memref<4000xi32, #tpu.memory_space<hbm>>
    %dma_start3A_148 = tpu.memref_slice %arg25[%dma_start3A_142, %dma_start3A_143] : memref<4x2x!tpu.dma_semaphore, #tpu.memory_space<semaphore_mem>> -> memref<1x1x!tpu.dma_semaphore, #tpu.memory_space<semaphore_mem>>
    %dma_start3A_149 = tpu.memref_squeeze %dma_start3A_148 : memref<1x1x!tpu.dma_semaphore, #tpu.memory_space<semaphore_mem>> -> memref<!tpu.dma_semaphore, #tpu.memory_space<semaphore_mem>>
    %dma_start3A_150 = arith.constant 0 : i32
    %dma_start3A_151 = tpu.memref_slice %arg21[%dma_start3A_150] : memref<8000xi32, #tpu.memory_space<vmem>> -> memref<4000xi32, #tpu.memory_space<vmem>>
    %dma_start3A_152 = arith.constant 0 : i32
    %dma_start3A_153 = tpu.memref_slice %arg7[%dma_start3A_152] : memref<160000xi32, #tpu.memory_space<hbm>> -> memref<4000xi32, #tpu.memory_space<hbm>>
    tpu.enqueue_dma source(%dma_start3A_153 : memref<4000xi32, #tpu.memory_space<hbm>>) target(%dma_start3A_151 : memref<4000xi32, #tpu.memory_space<vmem>>) target_semaphore(%dma_start3A_149 : memref<!tpu.dma_semaphore, #tpu.memory_space<semaphore_mem>>)
    %dma_start3A_154 = arith.constant 1 : i32
    %dma_start3A_155 = arith.constant 0 : i32
    %dma_start3A_156 = arith.constant 0 : i32
    %dma_start3A_157 = tpu.memref_slice %arg22[%dma_start3A_156] : memref<8000xi32, #tpu.memory_space<vmem>> -> memref<4000xi32, #tpu.memory_space<vmem>>
    %dma_start3A_158 = arith.constant 0 : i32
    %dma_start3A_159 = tpu.memref_slice %arg8[%dma_start3A_158] : memref<160000xi32, #tpu.memory_space<hbm>> -> memref<4000xi32, #tpu.memory_space<hbm>>
    %dma_start3A_160 = tpu.memref_slice %arg25[%dma_start3A_154, %dma_start3A_155] : memref<4x2x!tpu.dma_semaphore, #tpu.memory_space<semaphore_mem>> -> memref<1x1x!tpu.dma_semaphore, #tpu.memory_space<semaphore_mem>>
    %dma_start3A_161 = tpu.memref_squeeze %dma_start3A_160 : memref<1x1x!tpu.dma_semaphore, #tpu.memory_space<semaphore_mem>> -> memref<!tpu.dma_semaphore, #tpu.memory_space<semaphore_mem>>
    %dma_start3A_162 = arith.constant 0 : i32
    %dma_start3A_163 = tpu.memref_slice %arg22[%dma_start3A_162] : memref<8000xi32, #tpu.memory_space<vmem>> -> memref<4000xi32, #tpu.memory_space<vmem>>
    %dma_start3A_164 = arith.constant 0 : i32
    %dma_start3A_165 = tpu.memref_slice %arg8[%dma_start3A_164] : memref<160000xi32, #tpu.memory_space<hbm>> -> memref<4000xi32, #tpu.memory_space<hbm>>
    tpu.enqueue_dma source(%dma_start3A_165 : memref<4000xi32, #tpu.memory_space<hbm>>) target(%dma_start3A_163 : memref<4000xi32, #tpu.memory_space<vmem>>) target_semaphore(%dma_start3A_161 : memref<!tpu.dma_semaphore, #tpu.memory_space<semaphore_mem>>)
    %dma_start3A_166 = arith.constant 2 : i32
    %dma_start3A_167 = arith.constant 0 : i32
    %dma_start3A_168 = arith.constant 0 : i32
    %dma_start3A_169 = tpu.memref_slice %arg23[%dma_start3A_168] : memref<8000xf32, #tpu.memory_space<vmem>> -> memref<4000xf32, #tpu.memory_space<vmem>>
    %dma_start3A_170 = arith.constant 0 : i32
    %dma_start3A_171 = tpu.memref_slice %arg9[%dma_start3A_170] : memref<160000xf32, #tpu.memory_space<hbm>> -> memref<4000xf32, #tpu.memory_space<hbm>>
    %dma_start3A_172 = tpu.memref_slice %arg25[%dma_start3A_166, %dma_start3A_167] : memref<4x2x!tpu.dma_semaphore, #tpu.memory_space<semaphore_mem>> -> memref<1x1x!tpu.dma_semaphore, #tpu.memory_space<semaphore_mem>>
    %dma_start3A_173 = tpu.memref_squeeze %dma_start3A_172 : memref<1x1x!tpu.dma_semaphore, #tpu.memory_space<semaphore_mem>> -> memref<!tpu.dma_semaphore, #tpu.memory_space<semaphore_mem>>
    %dma_start3A_174 = arith.constant 0 : i32
    %dma_start3A_175 = tpu.memref_slice %arg23[%dma_start3A_174] : memref<8000xf32, #tpu.memory_space<vmem>> -> memref<4000xf32, #tpu.memory_space<vmem>>
    %dma_start3A_176 = arith.constant 0 : i32
    %dma_start3A_177 = tpu.memref_slice %arg9[%dma_start3A_176] : memref<160000xf32, #tpu.memory_space<hbm>> -> memref<4000xf32, #tpu.memory_space<hbm>>
    tpu.enqueue_dma source(%dma_start3A_177 : memref<4000xf32, #tpu.memory_space<hbm>>) target(%dma_start3A_175 : memref<4000xf32, #tpu.memory_space<vmem>>) target_semaphore(%dma_start3A_173 : memref<!tpu.dma_semaphore, #tpu.memory_space<semaphore_mem>>)
    %convert_element_type3A_178 = arith.extui %and3A_106 : i1 to i32
    %cond3A_179 = arith.constant 3 : i32
    %cond3A_180 = arith.constant 0 : i32
    %cond3A_181 = arith.constant 0 : i32
    %cond3A_182 = arith.cmpi ne, %convert_element_type3A_178, %cond3A_181 : i32
    scf.if %cond3A_182 {
      %dma_start3A_199 = arith.constant 0 : i32
      %dma_start3A_200 = tpu.memref_slice %arg24[%dma_start3A_199] : memref<8000xf32, #tpu.memory_space<vmem>> -> memref<4000xf32, #tpu.memory_space<vmem>>
      %dma_start3A_201 = tpu.memref_slice %arg10[%add3A_141] : memref<3200000xf32, #tpu.memory_space<hbm>> -> memref<4000xf32, #tpu.memory_space<hbm>>
      %dma_start3A_202 = tpu.memref_slice %arg25[%cond3A_179, %cond3A_180] : memref<4x2x!tpu.dma_semaphore, #tpu.memory_space<semaphore_mem>> -> memref<1x1x!tpu.dma_semaphore, #tpu.memory_space<semaphore_mem>>
      %dma_start3A_203 = tpu.memref_squeeze %dma_start3A_202 : memref<1x1x!tpu.dma_semaphore, #tpu.memory_space<semaphore_mem>> -> memref<!tpu.dma_semaphore, #tpu.memory_space<semaphore_mem>>
      %dma_start3A_204 = arith.constant 0 : i32
      %dma_start3A_205 = tpu.memref_slice %arg24[%dma_start3A_204] : memref<8000xf32, #tpu.memory_space<vmem>> -> memref<4000xf32, #tpu.memory_space<vmem>>
      %dma_start3A_206 = tpu.memref_slice %arg10[%add3A_141] : memref<3200000xf32, #tpu.memory_space<hbm>> -> memref<4000xf32, #tpu.memory_space<hbm>>
      tpu.enqueue_dma source(%dma_start3A_206 : memref<4000xf32, #tpu.memory_space<hbm>>) target(%dma_start3A_205 : memref<4000xf32, #tpu.memory_space<vmem>>) target_semaphore(%dma_start3A_203 : memref<!tpu.dma_semaphore, #tpu.memory_space<semaphore_mem>>)
    } else {
    }
    %scan3A_183 = arith.constant 0 : i32
    %scan3A_184 = arith.constant 0 : i32
    %scan3A_185 = arith.constant 20 : i32
    %scan3A_186 = arith.addi %scan3A_184, %scan3A_185 : i32
    %scan3A_187 = arith.constant 1 : i32
    %scan3A_188 = scf.for %scan3A_199 = %scan3A_184 to %scan3A_186 step %scan3A_187 iter_args(%scan3A_200 = %scan3A_183) -> (i32)  : i32 {
      %mul3A_201 = arith.constant 2 : i32
      %mul3A_202 = arith.muli %mul3A_201, %scan3A_199 : i32
      %mul3A_203 = arith.constant 4000 : i32
      %mul3A_204 = arith.muli %mul3A_202, %mul3A_203 : i32
      %add3A_205 = arith.addi %select_n3A_117, %mul3A_204 : i32
      %dma_wait3A = arith.constant 0 : i32
      %dma_wait3A_206 = arith.constant 0 : i32
      %dma_wait3A_207 = arith.constant 0 : i32
      %dma_wait3A_208 = tpu.memref_slice %arg21[%dma_wait3A_207] : memref<8000xi32, #tpu.memory_space<vmem>> -> memref<4000xi32, #tpu.memory_space<vmem>>
      %dma_wait3A_209 = tpu.memref_slice %arg7[%mul3A_204] : memref<160000xi32, #tpu.memory_space<hbm>> -> memref<4000xi32, #tpu.memory_space<hbm>>
      %dma_wait3A_210 = tpu.memref_slice %arg25[%dma_wait3A, %dma_wait3A_206] : memref<4x2x!tpu.dma_semaphore, #tpu.memory_space<semaphore_mem>> -> memref<1x1x!tpu.dma_semaphore, #tpu.memory_space<semaphore_mem>>
      %dma_wait3A_211 = tpu.memref_squeeze %dma_wait3A_210 : memref<1x1x!tpu.dma_semaphore, #tpu.memory_space<semaphore_mem>> -> memref<!tpu.dma_semaphore, #tpu.memory_space<semaphore_mem>>
      %dma_wait3A_212 = arith.constant 0 : i32
      %dma_wait3A_213 = tpu.memref_slice %arg21[%dma_wait3A_212] : memref<8000xi32, #tpu.memory_space<vmem>> -> memref<4000xi32, #tpu.memory_space<vmem>>
      %dma_wait3A_214 = tpu.memref_slice %arg7[%mul3A_204] : memref<160000xi32, #tpu.memory_space<hbm>> -> memref<4000xi32, #tpu.memory_space<hbm>>
      tpu.wait_dma2 semaphore(%dma_wait3A_211 : memref<!tpu.dma_semaphore, #tpu.memory_space<semaphore_mem>>) src(%dma_wait3A_214 : memref<4000xi32, #tpu.memory_space<hbm>>) dst(%dma_wait3A_213 : memref<4000xi32, #tpu.memory_space<vmem>>)
      %dma_wait3A_215 = arith.constant 1 : i32
      %dma_wait3A_216 = arith.constant 0 : i32
      %dma_wait3A_217 = arith.constant 0 : i32
      %dma_wait3A_218 = tpu.memref_slice %arg22[%dma_wait3A_217] : memref<8000xi32, #tpu.memory_space<vmem>> -> memref<4000xi32, #tpu.memory_space<vmem>>
      %dma_wait3A_219 = tpu.memref_slice %arg8[%mul3A_204] : memref<160000xi32, #tpu.memory_space<hbm>> -> memref<4000xi32, #tpu.memory_space<hbm>>
      %dma_wait3A_220 = tpu.memref_slice %arg25[%dma_wait3A_215, %dma_wait3A_216] : memref<4x2x!tpu.dma_semaphore, #tpu.memory_space<semaphore_mem>> -> memref<1x1x!tpu.dma_semaphore, #tpu.memory_space<semaphore_mem>>
      %dma_wait3A_221 = tpu.memref_squeeze %dma_wait3A_220 : memref<1x1x!tpu.dma_semaphore, #tpu.memory_space<semaphore_mem>> -> memref<!tpu.dma_semaphore, #tpu.memory_space<semaphore_mem>>
      %dma_wait3A_222 = arith.constant 0 : i32
      %dma_wait3A_223 = tpu.memref_slice %arg22[%dma_wait3A_222] : memref<8000xi32, #tpu.memory_space<vmem>> -> memref<4000xi32, #tpu.memory_space<vmem>>
      %dma_wait3A_224 = tpu.memref_slice %arg8[%mul3A_204] : memref<160000xi32, #tpu.memory_space<hbm>> -> memref<4000xi32, #tpu.memory_space<hbm>>
      tpu.wait_dma2 semaphore(%dma_wait3A_221 : memref<!tpu.dma_semaphore, #tpu.memory_space<semaphore_mem>>) src(%dma_wait3A_224 : memref<4000xi32, #tpu.memory_space<hbm>>) dst(%dma_wait3A_223 : memref<4000xi32, #tpu.memory_space<vmem>>)
      %dma_wait3A_225 = arith.constant 2 : i32
      %dma_wait3A_226 = arith.constant 0 : i32
      %dma_wait3A_227 = arith.constant 0 : i32
      %dma_wait3A_228 = tpu.memref_slice %arg23[%dma_wait3A_227] : memref<8000xf32, #tpu.memory_space<vmem>> -> memref<4000xf32, #tpu.memory_space<vmem>>
      %dma_wait3A_229 = tpu.memref_slice %arg9[%mul3A_204] : memref<160000xf32, #tpu.memory_space<hbm>> -> memref<4000xf32, #tpu.memory_space<hbm>>
      %dma_wait3A_230 = tpu.memref_slice %arg25[%dma_wait3A_225, %dma_wait3A_226] : memref<4x2x!tpu.dma_semaphore, #tpu.memory_space<semaphore_mem>> -> memref<1x1x!tpu.dma_semaphore, #tpu.memory_space<semaphore_mem>>
      %dma_wait3A_231 = tpu.memref_squeeze %dma_wait3A_230 : memref<1x1x!tpu.dma_semaphore, #tpu.memory_space<semaphore_mem>> -> memref<!tpu.dma_semaphore, #tpu.memory_space<semaphore_mem>>
      %dma_wait3A_232 = arith.constant 0 : i32
      %dma_wait3A_233 = tpu.memref_slice %arg23[%dma_wait3A_232] : memref<8000xf32, #tpu.memory_space<vmem>> -> memref<4000xf32, #tpu.memory_space<vmem>>
      %dma_wait3A_234 = tpu.memref_slice %arg9[%mul3A_204] : memref<160000xf32, #tpu.memory_space<hbm>> -> memref<4000xf32, #tpu.memory_space<hbm>>
      tpu.wait_dma2 semaphore(%dma_wait3A_231 : memref<!tpu.dma_semaphore, #tpu.memory_space<semaphore_mem>>) src(%dma_wait3A_234 : memref<4000xf32, #tpu.memory_space<hbm>>) dst(%dma_wait3A_233 : memref<4000xf32, #tpu.memory_space<vmem>>)
      %convert_element_type3A_235 = arith.extui %and3A_106 : i1 to i32
      %cond3A_236 = arith.constant 3 : i32
      %cond3A_237 = arith.constant 0 : i32
      %cond3A_238 = arith.constant 0 : i32
      %cond3A_239 = arith.cmpi ne, %convert_element_type3A_235, %cond3A_238 : i32
      scf.if %cond3A_239 {
        %dma_wait3A_342 = arith.constant 0 : i32
        %dma_wait3A_343 = tpu.memref_slice %arg24[%dma_wait3A_342] : memref<8000xf32, #tpu.memory_space<vmem>> -> memref<4000xf32, #tpu.memory_space<vmem>>
        %dma_wait3A_344 = tpu.memref_slice %arg10[%add3A_205] : memref<3200000xf32, #tpu.memory_space<hbm>> -> memref<4000xf32, #tpu.memory_space<hbm>>
        %dma_wait3A_345 = tpu.memref_slice %arg25[%cond3A_236, %cond3A_237] : memref<4x2x!tpu.dma_semaphore, #tpu.memory_space<semaphore_mem>> -> memref<1x1x!tpu.dma_semaphore, #tpu.memory_space<semaphore_mem>>
        %dma_wait3A_346 = tpu.memref_squeeze %dma_wait3A_345 : memref<1x1x!tpu.dma_semaphore, #tpu.memory_space<semaphore_mem>> -> memref<!tpu.dma_semaphore, #tpu.memory_space<semaphore_mem>>
        %dma_wait3A_347 = arith.constant 0 : i32
        %dma_wait3A_348 = tpu.memref_slice %arg24[%dma_wait3A_347] : memref<8000xf32, #tpu.memory_space<vmem>> -> memref<4000xf32, #tpu.memory_space<vmem>>
        %dma_wait3A_349 = tpu.memref_slice %arg10[%add3A_205] : memref<3200000xf32, #tpu.memory_space<hbm>> -> memref<4000xf32, #tpu.memory_space<hbm>>
        tpu.wait_dma2 semaphore(%dma_wait3A_346 : memref<!tpu.dma_semaphore, #tpu.memory_space<semaphore_mem>>) src(%dma_wait3A_349 : memref<4000xf32, #tpu.memory_space<hbm>>) dst(%dma_wait3A_348 : memref<4000xf32, #tpu.memory_space<vmem>>)
      } else {
      }
      %add3A_240 = arith.constant 1 : i32
      %add3A_241 = arith.addi %mul3A_202, %add3A_240 : i32
      %mul3A_242 = arith.constant 4000 : i32
      %mul3A_243 = arith.muli %add3A_241, %mul3A_242 : i32
      %add3A_244 = arith.addi %select_n3A_117, %mul3A_243 : i32
      %dma_start3A_245 = arith.constant 0 : i32
      %dma_start3A_246 = arith.constant 1 : i32
      %dma_start3A_247 = arith.constant 4000 : i32
      %dma_start3A_248 = tpu.memref_slice %arg21[%dma_start3A_247] : memref<8000xi32, #tpu.memory_space<vmem>> -> memref<4000xi32, #tpu.memory_space<vmem>>
      %dma_start3A_249 = tpu.memref_slice %arg7[%mul3A_243] : memref<160000xi32, #tpu.memory_space<hbm>> -> memref<4000xi32, #tpu.memory_space<hbm>>
      %dma_start3A_250 = tpu.memref_slice %arg25[%dma_start3A_245, %dma_start3A_246] : memref<4x2x!tpu.dma_semaphore, #tpu.memory_space<semaphore_mem>> -> memref<1x1x!tpu.dma_semaphore, #tpu.memory_space<semaphore_mem>>
      %dma_start3A_251 = tpu.memref_squeeze %dma_start3A_250 : memref<1x1x!tpu.dma_semaphore, #tpu.memory_space<semaphore_mem>> -> memref<!tpu.dma_semaphore, #tpu.memory_space<semaphore_mem>>
      %dma_start3A_252 = arith.constant 4000 : i32
      %dma_start3A_253 = tpu.memref_slice %arg21[%dma_start3A_252] : memref<8000xi32, #tpu.memory_space<vmem>> -> memref<4000xi32, #tpu.memory_space<vmem>>
      %dma_start3A_254 = tpu.memref_slice %arg7[%mul3A_243] : memref<160000xi32, #tpu.memory_space<hbm>> -> memref<4000xi32, #tpu.memory_space<hbm>>
      tpu.enqueue_dma source(%dma_start3A_254 : memref<4000xi32, #tpu.memory_space<hbm>>) target(%dma_start3A_253 : memref<4000xi32, #tpu.memory_space<vmem>>) target_semaphore(%dma_start3A_251 : memref<!tpu.dma_semaphore, #tpu.memory_space<semaphore_mem>>)
      %dma_start3A_255 = arith.constant 1 : i32
      %dma_start3A_256 = arith.constant 1 : i32
      %dma_start3A_257 = arith.constant 4000 : i32
      %dma_start3A_258 = tpu.memref_slice %arg22[%dma_start3A_257] : memref<8000xi32, #tpu.memory_space<vmem>> -> memref<4000xi32, #tpu.memory_space<vmem>>
      %dma_start3A_259 = tpu.memref_slice %arg8[%mul3A_243] : memref<160000xi32, #tpu.memory_space<hbm>> -> memref<4000xi32, #tpu.memory_space<hbm>>
      %dma_start3A_260 = tpu.memref_slice %arg25[%dma_start3A_255, %dma_start3A_256] : memref<4x2x!tpu.dma_semaphore, #tpu.memory_space<semaphore_mem>> -> memref<1x1x!tpu.dma_semaphore, #tpu.memory_space<semaphore_mem>>
      %dma_start3A_261 = tpu.memref_squeeze %dma_start3A_260 : memref<1x1x!tpu.dma_semaphore, #tpu.memory_space<semaphore_mem>> -> memref<!tpu.dma_semaphore, #tpu.memory_space<semaphore_mem>>
      %dma_start3A_262 = arith.constant 4000 : i32
      %dma_start3A_263 = tpu.memref_slice %arg22[%dma_start3A_262] : memref<8000xi32, #tpu.memory_space<vmem>> -> memref<4000xi32, #tpu.memory_space<vmem>>
      %dma_start3A_264 = tpu.memref_slice %arg8[%mul3A_243] : memref<160000xi32, #tpu.memory_space<hbm>> -> memref<4000xi32, #tpu.memory_space<hbm>>
      tpu.enqueue_dma source(%dma_start3A_264 : memref<4000xi32, #tpu.memory_space<hbm>>) target(%dma_start3A_263 : memref<4000xi32, #tpu.memory_space<vmem>>) target_semaphore(%dma_start3A_261 : memref<!tpu.dma_semaphore, #tpu.memory_space<semaphore_mem>>)
      %dma_start3A_265 = arith.constant 2 : i32
      %dma_start3A_266 = arith.constant 1 : i32
      %dma_start3A_267 = arith.constant 4000 : i32
      %dma_start3A_268 = tpu.memref_slice %arg23[%dma_start3A_267] : memref<8000xf32, #tpu.memory_space<vmem>> -> memref<4000xf32, #tpu.memory_space<vmem>>
      %dma_start3A_269 = tpu.memref_slice %arg9[%mul3A_243] : memref<160000xf32, #tpu.memory_space<hbm>> -> memref<4000xf32, #tpu.memory_space<hbm>>
      %dma_start3A_270 = tpu.memref_slice %arg25[%dma_start3A_265, %dma_start3A_266] : memref<4x2x!tpu.dma_semaphore, #tpu.memory_space<semaphore_mem>> -> memref<1x1x!tpu.dma_semaphore, #tpu.memory_space<semaphore_mem>>
      %dma_start3A_271 = tpu.memref_squeeze %dma_start3A_270 : memref<1x1x!tpu.dma_semaphore, #tpu.memory_space<semaphore_mem>> -> memref<!tpu.dma_semaphore, #tpu.memory_space<semaphore_mem>>
      %dma_start3A_272 = arith.constant 4000 : i32
      %dma_start3A_273 = tpu.memref_slice %arg23[%dma_start3A_272] : memref<8000xf32, #tpu.memory_space<vmem>> -> memref<4000xf32, #tpu.memory_space<vmem>>
      %dma_start3A_274 = tpu.memref_slice %arg9[%mul3A_243] : memref<160000xf32, #tpu.memory_space<hbm>> -> memref<4000xf32, #tpu.memory_space<hbm>>
      tpu.enqueue_dma source(%dma_start3A_274 : memref<4000xf32, #tpu.memory_space<hbm>>) target(%dma_start3A_273 : memref<4000xf32, #tpu.memory_space<vmem>>) target_semaphore(%dma_start3A_271 : memref<!tpu.dma_semaphore, #tpu.memory_space<semaphore_mem>>)
      %convert_element_type3A_275 = arith.extui %and3A_106 : i1 to i32
      %cond3A_276 = arith.constant 3 : i32
      %cond3A_277 = arith.constant 1 : i32
      %cond3A_278 = arith.constant 0 : i32
      %cond3A_279 = arith.cmpi ne, %convert_element_type3A_275, %cond3A_278 : i32
      scf.if %cond3A_279 {
        %dma_start3A_342 = arith.constant 4000 : i32
        %dma_start3A_343 = tpu.memref_slice %arg24[%dma_start3A_342] : memref<8000xf32, #tpu.memory_space<vmem>> -> memref<4000xf32, #tpu.memory_space<vmem>>
        %dma_start3A_344 = tpu.memref_slice %arg10[%add3A_244] : memref<3200000xf32, #tpu.memory_space<hbm>> -> memref<4000xf32, #tpu.memory_space<hbm>>
        %dma_start3A_345 = tpu.memref_slice %arg25[%cond3A_276, %cond3A_277] : memref<4x2x!tpu.dma_semaphore, #tpu.memory_space<semaphore_mem>> -> memref<1x1x!tpu.dma_semaphore, #tpu.memory_space<semaphore_mem>>
        %dma_start3A_346 = tpu.memref_squeeze %dma_start3A_345 : memref<1x1x!tpu.dma_semaphore, #tpu.memory_space<semaphore_mem>> -> memref<!tpu.dma_semaphore, #tpu.memory_space<semaphore_mem>>
        %dma_start3A_347 = arith.constant 4000 : i32
        %dma_start3A_348 = tpu.memref_slice %arg24[%dma_start3A_347] : memref<8000xf32, #tpu.memory_space<vmem>> -> memref<4000xf32, #tpu.memory_space<vmem>>
        %dma_start3A_349 = tpu.memref_slice %arg10[%add3A_244] : memref<3200000xf32, #tpu.memory_space<hbm>> -> memref<4000xf32, #tpu.memory_space<hbm>>
        tpu.enqueue_dma source(%dma_start3A_349 : memref<4000xf32, #tpu.memory_space<hbm>>) target(%dma_start3A_348 : memref<4000xf32, #tpu.memory_space<vmem>>) target_semaphore(%dma_start3A_346 : memref<!tpu.dma_semaphore, #tpu.memory_space<semaphore_mem>>)
      } else {
      }
      %scan3A_280 = arith.constant 0 : i32
      %scan3A_281 = arith.constant 0 : i32
      %scan3A_282 = arith.constant 50 : i32
      %scan3A_283 = arith.addi %scan3A_281, %scan3A_282 : i32
      %scan3A_284 = arith.constant 1 : i32
      %scan3A_285 = scf.for %scan3A_342 = %scan3A_281 to %scan3A_283 step %scan3A_284 iter_args(%scan3A_343 = %scan3A_280) -> (i32)  : i32 {
        %mul3A_344 = arith.constant 80 : i32
        %mul3A_345 = arith.muli %scan3A_342, %mul3A_344 : i32
        %add3A_346 = arith.constant 0 : i32
        %add3A_347 = arith.addi %add3A_346, %mul3A_345 : i32
        %add3A_348 = arith.constant 0 : i32
        %add3A_349 = arith.addi %add3A_347, %add3A_348 : i32
        %get3A = arith.index_cast %add3A_349 : i32 to index
        %get3A_350 = tpu.vector_load %arg21[%get3A] {strides = array<i32>} : memref<8000xi32, #tpu.memory_space<vmem>>, vector<16xi32>,
        %get3A_351 = arith.index_cast %add3A_349 : i32 to index
        %get3A_352 = tpu.vector_load %arg22[%get3A_351] {strides = array<i32>} : memref<8000xi32, #tpu.memory_space<vmem>>, vector<16xi32>,
        %get3A_353 = arith.index_cast %add3A_349 : i32 to index
        %get3A_354 = tpu.vector_load %arg23[%get3A_353] {strides = array<i32>} : memref<8000xf32, #tpu.memory_space<vmem>>, vector<16xf32>,
        %add3A_355 = arith.constant 0 : i32
        %add3A_356 = vector.broadcast %add3A_355 : i32 to vector<16xi32>
        %add3A_357 = arith.addi %get3A_352, %add3A_356 : vector<16xi32>
        %gather3A = tpu.vector_load_idx %arg18[%add3A_357] : memref<20000xi32, #tpu.memory_space<vmem>>[vector<16xi32>], vector<16xi32>,
        %bitcast3A = vector.bitcast %gather3A : vector<16xi32> to vector<32xbf16>
        %unpack3A = tpu.unpack_subelements %bitcast3A, 0 {pack_format = #tpu.pack_format<interleaved>} : vector<32xbf16> -> vector<16xf32>
        %unpack3A_358 = tpu.unpack_subelements %bitcast3A, 1 {pack_format = #tpu.pack_format<interleaved>} : vector<32xbf16> -> vector<16xf32>
        %add3A_359 = arith.constant 0 : i32
        %add3A_360 = vector.broadcast %add3A_359 : i32 to vector<16xi32>
        %add3A_361 = arith.addi %get3A_350, %add3A_360 : vector<16xi32>
        %mul3A_362 = arith.mulf %get3A_354, %unpack3A : vector<16xf32>
        tpu.vector_store_idx %arg19[%add3A_361], %mul3A_362 {add = true} : memref<40000xf32, #tpu.memory_space<vmem>>[vector<16xi32>], vector<16xf32>,
        %add3A_363 = arith.constant 10000 : i32
        %add3A_364 = vector.broadcast %add3A_363 : i32 to vector<16xi32>
        %add3A_365 = arith.addi %get3A_350, %add3A_364 : vector<16xi32>
        %mul3A_366 = arith.mulf %get3A_354, %unpack3A_358 : vector<16xf32>
        tpu.vector_store_idx %arg19[%add3A_365], %mul3A_366 {add = true} : memref<40000xf32, #tpu.memory_space<vmem>>[vector<16xi32>], vector<16xf32>,
        %add3A_367 = arith.constant 10000 : i32
        %add3A_368 = vector.broadcast %add3A_367 : i32 to vector<16xi32>
        %add3A_369 = arith.addi %get3A_352, %add3A_368 : vector<16xi32>
        %gather3A_370 = tpu.vector_load_idx %arg18[%add3A_369] : memref<20000xi32, #tpu.memory_space<vmem>>[vector<16xi32>], vector<16xi32>,
        %bitcast3A_371 = vector.bitcast %gather3A_370 : vector<16xi32> to vector<32xbf16>
        %unpack3A_372 = tpu.unpack_subelements %bitcast3A_371, 0 {pack_format = #tpu.pack_format<interleaved>} : vector<32xbf16> -> vector<16xf32>
        %unpack3A_373 = tpu.unpack_subelements %bitcast3A_371, 1 {pack_format = #tpu.pack_format<interleaved>} : vector<32xbf16> -> vector<16xf32>
        %add3A_374 = arith.constant 20000 : i32
        %add3A_375 = vector.broadcast %add3A_374 : i32 to vector<16xi32>
        %add3A_376 = arith.addi %get3A_350, %add3A_375 : vector<16xi32>
        %mul3A_377 = arith.mulf %get3A_354, %unpack3A_372 : vector<16xf32>
        tpu.vector_store_idx %arg19[%add3A_376], %mul3A_377 {add = true} : memref<40000xf32, #tpu.memory_space<vmem>>[vector<16xi32>], vector<16xf32>,
        %add3A_378 = arith.constant 30000 : i32
        %add3A_379 = vector.broadcast %add3A_378 : i32 to vector<16xi32>
        %add3A_380 = arith.addi %get3A_350, %add3A_379 : vector<16xi32>
        %mul3A_381 = arith.mulf %get3A_354, %unpack3A_373 : vector<16xf32>
        tpu.vector_store_idx %arg19[%add3A_380], %mul3A_381 {add = true} : memref<40000xf32, #tpu.memory_space<vmem>>[vector<16xi32>], vector<16xf32>,
        %get3A_382 = arith.index_cast %add3A_349 : i32 to index
        %get3A_383 = tpu.vector_load %arg24[%get3A_382] {strides = array<i32>} : memref<8000xf32, #tpu.memory_space<vmem>>, vector<16xf32>,
        %select_n3A_384 = arith.select %broadcast_in_dim3A_136, %broadcast_in_dim3A_139, %get3A_383 : vector<16xi1>, vector<16xf32>
        %mul3A_385 = arith.mulf %get3A_354, %select_n3A_384 : vector<16xf32>
        tpu.vector_store_idx %arg20[%get3A_350], %mul3A_385 masked %broadcast_in_dim3A_137 {add = true} : memref<10000xf32, #tpu.memory_space<vmem>>[vector<16xi32>], vector<16xf32>, vector<16xi1>
        %mul3A_386 = arith.constant 80 : i32
        %mul3A_387 = arith.muli %scan3A_342, %mul3A_386 : i32
        %add3A_388 = arith.constant 0 : i32
        %add3A_389 = arith.addi %add3A_388, %mul3A_387 : i32
        %add3A_390 = arith.constant 16 : i32
        %add3A_391 = arith.addi %add3A_389, %add3A_390 : i32
        %get3A_392 = arith.index_cast %add3A_391 : i32 to index
        %get3A_393 = tpu.vector_load %arg21[%get3A_392] {strides = array<i32>} : memref<8000xi32, #tpu.memory_space<vmem>>, vector<16xi32>,
        %get3A_394 = arith.index_cast %add3A_391 : i32 to index
        %get3A_395 = tpu.vector_load %arg22[%get3A_394] {strides = array<i32>} : memref<8000xi32, #tpu.memory_space<vmem>>, vector<16xi32>,
        %get3A_396 = arith.index_cast %add3A_391 : i32 to index
        %get3A_397 = tpu.vector_load %arg23[%get3A_396] {strides = array<i32>} : memref<8000xf32, #tpu.memory_space<vmem>>, vector<16xf32>,
        %add3A_398 = arith.constant 0 : i32
        %add3A_399 = vector.broadcast %add3A_398 : i32 to vector<16xi32>
        %add3A_400 = arith.addi %get3A_395, %add3A_399 : vector<16xi32>
        %gather3A_401 = tpu.vector_load_idx %arg18[%add3A_400] : memref<20000xi32, #tpu.memory_space<vmem>>[vector<16xi32>], vector<16xi32>,
        %bitcast3A_402 = vector.bitcast %gather3A_401 : vector<16xi32> to vector<32xbf16>
        %unpack3A_403 = tpu.unpack_subelements %bitcast3A_402, 0 {pack_format = #tpu.pack_format<interleaved>} : vector<32xbf16> -> vector<16xf32>
        %unpack3A_404 = tpu.unpack_subelements %bitcast3A_402, 1 {pack_format = #tpu.pack_format<interleaved>} : vector<32xbf16> -> vector<16xf32>
        %add3A_405 = arith.constant 0 : i32
        %add3A_406 = vector.broadcast %add3A_405 : i32 to vector<16xi32>
        %add3A_407 = arith.addi %get3A_393, %add3A_406 : vector<16xi32>
        %mul3A_408 = arith.mulf %get3A_397, %unpack3A_403 : vector<16xf32>
        tpu.vector_store_idx %arg19[%add3A_407], %mul3A_408 {add = true} : memref<40000xf32, #tpu.memory_space<vmem>>[vector<16xi32>], vector<16xf32>,
        %add3A_409 = arith.constant 10000 : i32
        %add3A_410 = vector.broadcast %add3A_409 : i32 to vector<16xi32>
        %add3A_411 = arith.addi %get3A_393, %add3A_410 : vector<16xi32>
        %mul3A_412 = arith.mulf %get3A_397, %unpack3A_404 : vector<16xf32>
        tpu.vector_store_idx %arg19[%add3A_411], %mul3A_412 {add = true} : memref<40000xf32, #tpu.memory_space<vmem>>[vector<16xi32>], vector<16xf32>,
        %add3A_413 = arith.constant 10000 : i32
        %add3A_414 = vector.broadcast %add3A_413 : i32 to vector<16xi32>
        %add3A_415 = arith.addi %get3A_395, %add3A_414 : vector<16xi32>
        %gather3A_416 = tpu.vector_load_idx %arg18[%add3A_415] : memref<20000xi32, #tpu.memory_space<vmem>>[vector<16xi32>], vector<16xi32>,
        %bitcast3A_417 = vector.bitcast %gather3A_416 : vector<16xi32> to vector<32xbf16>
        %unpack3A_418 = tpu.unpack_subelements %bitcast3A_417, 0 {pack_format = #tpu.pack_format<interleaved>} : vector<32xbf16> -> vector<16xf32>
        %unpack3A_419 = tpu.unpack_subelements %bitcast3A_417, 1 {pack_format = #tpu.pack_format<interleaved>} : vector<32xbf16> -> vector<16xf32>
        %add3A_420 = arith.constant 20000 : i32
        %add3A_421 = vector.broadcast %add3A_420 : i32 to vector<16xi32>
        %add3A_422 = arith.addi %get3A_393, %add3A_421 : vector<16xi32>
        %mul3A_423 = arith.mulf %get3A_397, %unpack3A_418 : vector<16xf32>
        tpu.vector_store_idx %arg19[%add3A_422], %mul3A_423 {add = true} : memref<40000xf32, #tpu.memory_space<vmem>>[vector<16xi32>], vector<16xf32>,
        %add3A_424 = arith.constant 30000 : i32
        %add3A_425 = vector.broadcast %add3A_424 : i32 to vector<16xi32>
        %add3A_426 = arith.addi %get3A_393, %add3A_425 : vector<16xi32>
        %mul3A_427 = arith.mulf %get3A_397, %unpack3A_419 : vector<16xf32>
        tpu.vector_store_idx %arg19[%add3A_426], %mul3A_427 {add = true} : memref<40000xf32, #tpu.memory_space<vmem>>[vector<16xi32>], vector<16xf32>,
        %get3A_428 = arith.index_cast %add3A_391 : i32 to index
        %get3A_429 = tpu.vector_load %arg24[%get3A_428] {strides = array<i32>} : memref<8000xf32, #tpu.memory_space<vmem>>, vector<16xf32>,
        %select_n3A_430 = arith.select %broadcast_in_dim3A_136, %broadcast_in_dim3A_139, %get3A_429 : vector<16xi1>, vector<16xf32>
        %mul3A_431 = arith.mulf %get3A_397, %select_n3A_430 : vector<16xf32>
        tpu.vector_store_idx %arg20[%get3A_393], %mul3A_431 masked %broadcast_in_dim3A_137 {add = true} : memref<10000xf32, #tpu.memory_space<vmem>>[vector<16xi32>], vector<16xf32>, vector<16xi1>
        %mul3A_432 = arith.constant 80 : i32
        %mul3A_433 = arith.muli %scan3A_342, %mul3A_432 : i32
        %add3A_434 = arith.constant 0 : i32
        %add3A_435 = arith.addi %add3A_434, %mul3A_433 : i32
        %add3A_436 = arith.constant 32 : i32
        %add3A_437 = arith.addi %add3A_435, %add3A_436 : i32
        %get3A_438 = arith.index_cast %add3A_437 : i32 to index
        %get3A_439 = tpu.vector_load %arg21[%get3A_438] {strides = array<i32>} : memref<8000xi32, #tpu.memory_space<vmem>>, vector<16xi32>,
        %get3A_440 = arith.index_cast %add3A_437 : i32 to index
        %get3A_441 = tpu.vector_load %arg22[%get3A_440] {strides = array<i32>} : memref<8000xi32, #tpu.memory_space<vmem>>, vector<16xi32>,
        %get3A_442 = arith.index_cast %add3A_437 : i32 to index
        %get3A_443 = tpu.vector_load %arg23[%get3A_442] {strides = array<i32>} : memref<8000xf32, #tpu.memory_space<vmem>>, vector<16xf32>,
        %add3A_444 = arith.constant 0 : i32
        %add3A_445 = vector.broadcast %add3A_444 : i32 to vector<16xi32>
        %add3A_446 = arith.addi %get3A_441, %add3A_445 : vector<16xi32>
        %gather3A_447 = tpu.vector_load_idx %arg18[%add3A_446] : memref<20000xi32, #tpu.memory_space<vmem>>[vector<16xi32>], vector<16xi32>,
        %bitcast3A_448 = vector.bitcast %gather3A_447 : vector<16xi32> to vector<32xbf16>
        %unpack3A_449 = tpu.unpack_subelements %bitcast3A_448, 0 {pack_format = #tpu.pack_format<interleaved>} : vector<32xbf16> -> vector<16xf32>
        %unpack3A_450 = tpu.unpack_subelements %bitcast3A_448, 1 {pack_format = #tpu.pack_format<interleaved>} : vector<32xbf16> -> vector<16xf32>
        %add3A_451 = arith.constant 0 : i32
        %add3A_452 = vector.broadcast %add3A_451 : i32 to vector<16xi32>
        %add3A_453 = arith.addi %get3A_439, %add3A_452 : vector<16xi32>
        %mul3A_454 = arith.mulf %get3A_443, %unpack3A_449 : vector<16xf32>
        tpu.vector_store_idx %arg19[%add3A_453], %mul3A_454 {add = true} : memref<40000xf32, #tpu.memory_space<vmem>>[vector<16xi32>], vector<16xf32>,
        %add3A_455 = arith.constant 10000 : i32
        %add3A_456 = vector.broadcast %add3A_455 : i32 to vector<16xi32>
        %add3A_457 = arith.addi %get3A_439, %add3A_456 : vector<16xi32>
        %mul3A_458 = arith.mulf %get3A_443, %unpack3A_450 : vector<16xf32>
        tpu.vector_store_idx %arg19[%add3A_457], %mul3A_458 {add = true} : memref<40000xf32, #tpu.memory_space<vmem>>[vector<16xi32>], vector<16xf32>,
        %add3A_459 = arith.constant 10000 : i32
        %add3A_460 = vector.broadcast %add3A_459 : i32 to vector<16xi32>
        %add3A_461 = arith.addi %get3A_441, %add3A_460 : vector<16xi32>
        %gather3A_462 = tpu.vector_load_idx %arg18[%add3A_461] : memref<20000xi32, #tpu.memory_space<vmem>>[vector<16xi32>], vector<16xi32>,
        %bitcast3A_463 = vector.bitcast %gather3A_462 : vector<16xi32> to vector<32xbf16>
        %unpack3A_464 = tpu.unpack_subelements %bitcast3A_463, 0 {pack_format = #tpu.pack_format<interleaved>} : vector<32xbf16> -> vector<16xf32>
        %unpack3A_465 = tpu.unpack_subelements %bitcast3A_463, 1 {pack_format = #tpu.pack_format<interleaved>} : vector<32xbf16> -> vector<16xf32>
        %add3A_466 = arith.constant 20000 : i32
        %add3A_467 = vector.broadcast %add3A_466 : i32 to vector<16xi32>
        %add3A_468 = arith.addi %get3A_439, %add3A_467 : vector<16xi32>
        %mul3A_469 = arith.mulf %get3A_443, %unpack3A_464 : vector<16xf32>
        tpu.vector_store_idx %arg19[%add3A_468], %mul3A_469 {add = true} : memref<40000xf32, #tpu.memory_space<vmem>>[vector<16xi32>], vector<16xf32>,
        %add3A_470 = arith.constant 30000 : i32
        %add3A_471 = vector.broadcast %add3A_470 : i32 to vector<16xi32>
        %add3A_472 = arith.addi %get3A_439, %add3A_471 : vector<16xi32>
        %mul3A_473 = arith.mulf %get3A_443, %unpack3A_465 : vector<16xf32>
        tpu.vector_store_idx %arg19[%add3A_472], %mul3A_473 {add = true} : memref<40000xf32, #tpu.memory_space<vmem>>[vector<16xi32>], vector<16xf32>,
        %get3A_474 = arith.index_cast %add3A_437 : i32 to index
        %get3A_475 = tpu.vector_load %arg24[%get3A_474] {strides = array<i32>} : memref<8000xf32, #tpu.memory_space<vmem>>, vector<16xf32>,
        %select_n3A_476 = arith.select %broadcast_in_dim3A_136, %broadcast_in_dim3A_139, %get3A_475 : vector<16xi1>, vector<16xf32>
        %mul3A_477 = arith.mulf %get3A_443, %select_n3A_476 : vector<16xf32>
        tpu.vector_store_idx %arg20[%get3A_439], %mul3A_477 masked %broadcast_in_dim3A_137 {add = true} : memref<10000xf32, #tpu.memory_space<vmem>>[vector<16xi32>], vector<16xf32>, vector<16xi1>
        %mul3A_478 = arith.constant 80 : i32
        %mul3A_479 = arith.muli %scan3A_342, %mul3A_478 : i32
        %add3A_480 = arith.constant 0 : i32
        %add3A_481 = arith.addi %add3A_480, %mul3A_479 : i32
        %add3A_482 = arith.constant 48 : i32
        %add3A_483 = arith.addi %add3A_481, %add3A_482 : i32
        %get3A_484 = arith.index_cast %add3A_483 : i32 to index
        %get3A_485 = tpu.vector_load %arg21[%get3A_484] {strides = array<i32>} : memref<8000xi32, #tpu.memory_space<vmem>>, vector<16xi32>,
        %get3A_486 = arith.index_cast %add3A_483 : i32 to index
        %get3A_487 = tpu.vector_load %arg22[%get3A_486] {strides = array<i32>} : memref<8000xi32, #tpu.memory_space<vmem>>, vector<16xi32>,
        %get3A_488 = arith.index_cast %add3A_483 : i32 to index
        %get3A_489 = tpu.vector_load %arg23[%get3A_488] {strides = array<i32>} : memref<8000xf32, #tpu.memory_space<vmem>>, vector<16xf32>,
        %add3A_490 = arith.constant 0 : i32
        %add3A_491 = vector.broadcast %add3A_490 : i32 to vector<16xi32>
        %add3A_492 = arith.addi %get3A_487, %add3A_491 : vector<16xi32>
        %gather3A_493 = tpu.vector_load_idx %arg18[%add3A_492] : memref<20000xi32, #tpu.memory_space<vmem>>[vector<16xi32>], vector<16xi32>,
        %bitcast3A_494 = vector.bitcast %gather3A_493 : vector<16xi32> to vector<32xbf16>
        %unpack3A_495 = tpu.unpack_subelements %bitcast3A_494, 0 {pack_format = #tpu.pack_format<interleaved>} : vector<32xbf16> -> vector<16xf32>
        %unpack3A_496 = tpu.unpack_subelements %bitcast3A_494, 1 {pack_format = #tpu.pack_format<interleaved>} : vector<32xbf16> -> vector<16xf32>
        %add3A_497 = arith.constant 0 : i32
        %add3A_498 = vector.broadcast %add3A_497 : i32 to vector<16xi32>
        %add3A_499 = arith.addi %get3A_485, %add3A_498 : vector<16xi32>
        %mul3A_500 = arith.mulf %get3A_489, %unpack3A_495 : vector<16xf32>
        tpu.vector_store_idx %arg19[%add3A_499], %mul3A_500 {add = true} : memref<40000xf32, #tpu.memory_space<vmem>>[vector<16xi32>], vector<16xf32>,
        %add3A_501 = arith.constant 10000 : i32
        %add3A_502 = vector.broadcast %add3A_501 : i32 to vector<16xi32>
        %add3A_503 = arith.addi %get3A_485, %add3A_502 : vector<16xi32>
        %mul3A_504 = arith.mulf %get3A_489, %unpack3A_496 : vector<16xf32>
        tpu.vector_store_idx %arg19[%add3A_503], %mul3A_504 {add = true} : memref<40000xf32, #tpu.memory_space<vmem>>[vector<16xi32>], vector<16xf32>,
        %add3A_505 = arith.constant 10000 : i32
        %add3A_506 = vector.broadcast %add3A_505 : i32 to vector<16xi32>
        %add3A_507 = arith.addi %get3A_487, %add3A_506 : vector<16xi32>
        %gather3A_508 = tpu.vector_load_idx %arg18[%add3A_507] : memref<20000xi32, #tpu.memory_space<vmem>>[vector<16xi32>], vector<16xi32>,
        %bitcast3A_509 = vector.bitcast %gather3A_508 : vector<16xi32> to vector<32xbf16>
        %unpack3A_510 = tpu.unpack_subelements %bitcast3A_509, 0 {pack_format = #tpu.pack_format<interleaved>} : vector<32xbf16> -> vector<16xf32>
        %unpack3A_511 = tpu.unpack_subelements %bitcast3A_509, 1 {pack_format = #tpu.pack_format<interleaved>} : vector<32xbf16> -> vector<16xf32>
        %add3A_512 = arith.constant 20000 : i32
        %add3A_513 = vector.broadcast %add3A_512 : i32 to vector<16xi32>
        %add3A_514 = arith.addi %get3A_485, %add3A_513 : vector<16xi32>
        %mul3A_515 = arith.mulf %get3A_489, %unpack3A_510 : vector<16xf32>
        tpu.vector_store_idx %arg19[%add3A_514], %mul3A_515 {add = true} : memref<40000xf32, #tpu.memory_space<vmem>>[vector<16xi32>], vector<16xf32>,
        %add3A_516 = arith.constant 30000 : i32
        %add3A_517 = vector.broadcast %add3A_516 : i32 to vector<16xi32>
        %add3A_518 = arith.addi %get3A_485, %add3A_517 : vector<16xi32>
        %mul3A_519 = arith.mulf %get3A_489, %unpack3A_511 : vector<16xf32>
        tpu.vector_store_idx %arg19[%add3A_518], %mul3A_519 {add = true} : memref<40000xf32, #tpu.memory_space<vmem>>[vector<16xi32>], vector<16xf32>,
        %get3A_520 = arith.index_cast %add3A_483 : i32 to index
        %get3A_521 = tpu.vector_load %arg24[%get3A_520] {strides = array<i32>} : memref<8000xf32, #tpu.memory_space<vmem>>, vector<16xf32>,
        %select_n3A_522 = arith.select %broadcast_in_dim3A_136, %broadcast_in_dim3A_139, %get3A_521 : vector<16xi1>, vector<16xf32>
        %mul3A_523 = arith.mulf %get3A_489, %select_n3A_522 : vector<16xf32>
        tpu.vector_store_idx %arg20[%get3A_485], %mul3A_523 masked %broadcast_in_dim3A_137 {add = true} : memref<10000xf32, #tpu.memory_space<vmem>>[vector<16xi32>], vector<16xf32>, vector<16xi1>
        %mul3A_524 = arith.constant 80 : i32
        %mul3A_525 = arith.muli %scan3A_342, %mul3A_524 : i32
        %add3A_526 = arith.constant 0 : i32
        %add3A_527 = arith.addi %add3A_526, %mul3A_525 : i32
        %add3A_528 = arith.constant 64 : i32
        %add3A_529 = arith.addi %add3A_527, %add3A_528 : i32
        %get3A_530 = arith.index_cast %add3A_529 : i32 to index
        %get3A_531 = tpu.vector_load %arg21[%get3A_530] {strides = array<i32>} : memref<8000xi32, #tpu.memory_space<vmem>>, vector<16xi32>,
        %get3A_532 = arith.index_cast %add3A_529 : i32 to index
        %get3A_533 = tpu.vector_load %arg22[%get3A_532] {strides = array<i32>} : memref<8000xi32, #tpu.memory_space<vmem>>, vector<16xi32>,
        %get3A_534 = arith.index_cast %add3A_529 : i32 to index
        %get3A_535 = tpu.vector_load %arg23[%get3A_534] {strides = array<i32>} : memref<8000xf32, #tpu.memory_space<vmem>>, vector<16xf32>,
        %add3A_536 = arith.constant 0 : i32
        %add3A_537 = vector.broadcast %add3A_536 : i32 to vector<16xi32>
        %add3A_538 = arith.addi %get3A_533, %add3A_537 : vector<16xi32>
        %gather3A_539 = tpu.vector_load_idx %arg18[%add3A_538] : memref<20000xi32, #tpu.memory_space<vmem>>[vector<16xi32>], vector<16xi32>,
        %bitcast3A_540 = vector.bitcast %gather3A_539 : vector<16xi32> to vector<32xbf16>
        %unpack3A_541 = tpu.unpack_subelements %bitcast3A_540, 0 {pack_format = #tpu.pack_format<interleaved>} : vector<32xbf16> -> vector<16xf32>
        %unpack3A_542 = tpu.unpack_subelements %bitcast3A_540, 1 {pack_format = #tpu.pack_format<interleaved>} : vector<32xbf16> -> vector<16xf32>
        %add3A_543 = arith.constant 0 : i32
        %add3A_544 = vector.broadcast %add3A_543 : i32 to vector<16xi32>
        %add3A_545 = arith.addi %get3A_531, %add3A_544 : vector<16xi32>
        %mul3A_546 = arith.mulf %get3A_535, %unpack3A_541 : vector<16xf32>
        tpu.vector_store_idx %arg19[%add3A_545], %mul3A_546 {add = true} : memref<40000xf32, #tpu.memory_space<vmem>>[vector<16xi32>], vector<16xf32>,
        %add3A_547 = arith.constant 10000 : i32
        %add3A_548 = vector.broadcast %add3A_547 : i32 to vector<16xi32>
        %add3A_549 = arith.addi %get3A_531, %add3A_548 : vector<16xi32>
        %mul3A_550 = arith.mulf %get3A_535, %unpack3A_542 : vector<16xf32>
        tpu.vector_store_idx %arg19[%add3A_549], %mul3A_550 {add = true} : memref<40000xf32, #tpu.memory_space<vmem>>[vector<16xi32>], vector<16xf32>,
        %add3A_551 = arith.constant 10000 : i32
        %add3A_552 = vector.broadcast %add3A_551 : i32 to vector<16xi32>
        %add3A_553 = arith.addi %get3A_533, %add3A_552 : vector<16xi32>
        %gather3A_554 = tpu.vector_load_idx %arg18[%add3A_553] : memref<20000xi32, #tpu.memory_space<vmem>>[vector<16xi32>], vector<16xi32>,
        %bitcast3A_555 = vector.bitcast %gather3A_554 : vector<16xi32> to vector<32xbf16>
        %unpack3A_556 = tpu.unpack_subelements %bitcast3A_555, 0 {pack_format = #tpu.pack_format<interleaved>} : vector<32xbf16> -> vector<16xf32>
        %unpack3A_557 = tpu.unpack_subelements %bitcast3A_555, 1 {pack_format = #tpu.pack_format<interleaved>} : vector<32xbf16> -> vector<16xf32>
        %add3A_558 = arith.constant 20000 : i32
        %add3A_559 = vector.broadcast %add3A_558 : i32 to vector<16xi32>
        %add3A_560 = arith.addi %get3A_531, %add3A_559 : vector<16xi32>
        %mul3A_561 = arith.mulf %get3A_535, %unpack3A_556 : vector<16xf32>
        tpu.vector_store_idx %arg19[%add3A_560], %mul3A_561 {add = true} : memref<40000xf32, #tpu.memory_space<vmem>>[vector<16xi32>], vector<16xf32>,
        %add3A_562 = arith.constant 30000 : i32
        %add3A_563 = vector.broadcast %add3A_562 : i32 to vector<16xi32>
        %add3A_564 = arith.addi %get3A_531, %add3A_563 : vector<16xi32>
        %mul3A_565 = arith.mulf %get3A_535, %unpack3A_557 : vector<16xf32>
        tpu.vector_store_idx %arg19[%add3A_564], %mul3A_565 {add = true} : memref<40000xf32, #tpu.memory_space<vmem>>[vector<16xi32>], vector<16xf32>,
        %get3A_566 = arith.index_cast %add3A_529 : i32 to index
        %get3A_567 = tpu.vector_load %arg24[%get3A_566] {strides = array<i32>} : memref<8000xf32, #tpu.memory_space<vmem>>, vector<16xf32>,
        %select_n3A_568 = arith.select %broadcast_in_dim3A_136, %broadcast_in_dim3A_139, %get3A_567 : vector<16xi1>, vector<16xf32>
        %mul3A_569 = arith.mulf %get3A_535, %select_n3A_568 : vector<16xf32>
        tpu.vector_store_idx %arg20[%get3A_531], %mul3A_569 masked %broadcast_in_dim3A_137 {add = true} : memref<10000xf32, #tpu.memory_space<vmem>>[vector<16xi32>], vector<16xf32>, vector<16xi1>
        %scan3A_570 = arith.constant 0 : i32
        scf.yield %scan3A_570 : i32
      }
      %scan3A_286 = arith.constant 50 : i32
      %add3A_287 = arith.constant 1 : i32
      %add3A_288 = arith.addi %mul3A_202, %add3A_287 : i32
      %mul3A_289 = arith.constant 4000 : i32
      %mul3A_290 = arith.muli %add3A_288, %mul3A_289 : i32
      %add3A_291 = arith.addi %select_n3A_117, %mul3A_290 : i32
      %dma_wait3A_292 = arith.constant 0 : i32
      %dma_wait3A_293 = arith.constant 1 : i32
      %dma_wait3A_294 = arith.constant 4000 : i32
      %dma_wait3A_295 = tpu.memref_slice %arg21[%dma_wait3A_294] : memref<8000xi32, #tpu.memory_space<vmem>> -> memref<4000xi32, #tpu.memory_space<vmem>>
      %dma_wait3A_296 = tpu.memref_slice %arg7[%mul3A_290] : memref<160000xi32, #tpu.memory_space<hbm>> -> memref<4000xi32, #tpu.memory_space<hbm>>
      %dma_wait3A_297 = tpu.memref_slice %arg25[%dma_wait3A_292, %dma_wait3A_293] : memref<4x2x!tpu.dma_semaphore, #tpu.memory_space<semaphore_mem>> -> memref<1x1x!tpu.dma_semaphore, #tpu.memory_space<semaphore_mem>>
      %dma_wait3A_298 = tpu.memref_squeeze %dma_wait3A_297 : memref<1x1x!tpu.dma_semaphore, #tpu.memory_space<semaphore_mem>> -> memref<!tpu.dma_semaphore, #tpu.memory_space<semaphore_mem>>
      %dma_wait3A_299 = arith.constant 4000 : i32
      %dma_wait3A_300 = tpu.memref_slice %arg21[%dma_wait3A_299] : memref<8000xi32, #tpu.memory_space<vmem>> -> memref<4000xi32, #tpu.memory_space<vmem>>
      %dma_wait3A_301 = tpu.memref_slice %arg7[%mul3A_290] : memref<160000xi32, #tpu.memory_space<hbm>> -> memref<4000xi32, #tpu.memory_space<hbm>>
      tpu.wait_dma2 semaphore(%dma_wait3A_298 : memref<!tpu.dma_semaphore, #tpu.memory_space<semaphore_mem>>) src(%dma_wait3A_301 : memref<4000xi32, #tpu.memory_space<hbm>>) dst(%dma_wait3A_300 : memref<4000xi32, #tpu.memory_space<vmem>>)
      %dma_wait3A_302 = arith.constant 1 : i32
      %dma_wait3A_303 = arith.constant 1 : i32
      %dma_wait3A_304 = arith.constant 4000 : i32
      %dma_wait3A_305 = tpu.memref_slice %arg22[%dma_wait3A_304] : memref<8000xi32, #tpu.memory_space<vmem>> -> memref<4000xi32, #tpu.memory_space<vmem>>
      %dma_wait3A_306 = tpu.memref_slice %arg8[%mul3A_290] : memref<160000xi32, #tpu.memory_space<hbm>> -> memref<4000xi32, #tpu.memory_space<hbm>>
      %dma_wait3A_307 = tpu.memref_slice %arg25[%dma_wait3A_302, %dma_wait3A_303] : memref<4x2x!tpu.dma_semaphore, #tpu.memory_space<semaphore_mem>> -> memref<1x1x!tpu.dma_semaphore, #tpu.memory_space<semaphore_mem>>
      %dma_wait3A_308 = tpu.memref_squeeze %dma_wait3A_307 : memref<1x1x!tpu.dma_semaphore, #tpu.memory_space<semaphore_mem>> -> memref<!tpu.dma_semaphore, #tpu.memory_space<semaphore_mem>>
      %dma_wait3A_309 = arith.constant 4000 : i32
      %dma_wait3A_310 = tpu.memref_slice %arg22[%dma_wait3A_309] : memref<8000xi32, #tpu.memory_space<vmem>> -> memref<4000xi32, #tpu.memory_space<vmem>>
      %dma_wait3A_311 = tpu.memref_slice %arg8[%mul3A_290] : memref<160000xi32, #tpu.memory_space<hbm>> -> memref<4000xi32, #tpu.memory_space<hbm>>
      tpu.wait_dma2 semaphore(%dma_wait3A_308 : memref<!tpu.dma_semaphore, #tpu.memory_space<semaphore_mem>>) src(%dma_wait3A_311 : memref<4000xi32, #tpu.memory_space<hbm>>) dst(%dma_wait3A_310 : memref<4000xi32, #tpu.memory_space<vmem>>)
      %dma_wait3A_312 = arith.constant 2 : i32
      %dma_wait3A_313 = arith.constant 1 : i32
      %dma_wait3A_314 = arith.constant 4000 : i32
      %dma_wait3A_315 = tpu.memref_slice %arg23[%dma_wait3A_314] : memref<8000xf32, #tpu.memory_space<vmem>> -> memref<4000xf32, #tpu.memory_space<vmem>>
      %dma_wait3A_316 = tpu.memref_slice %arg9[%mul3A_290] : memref<160000xf32, #tpu.memory_space<hbm>> -> memref<4000xf32, #tpu.memory_space<hbm>>
      %dma_wait3A_317 = tpu.memref_slice %arg25[%dma_wait3A_312, %dma_wait3A_313] : memref<4x2x!tpu.dma_semaphore, #tpu.memory_space<semaphore_mem>> -> memref<1x1x!tpu.dma_semaphore, #tpu.memory_space<semaphore_mem>>
      %dma_wait3A_318 = tpu.memref_squeeze %dma_wait3A_317 : memref<1x1x!tpu.dma_semaphore, #tpu.memory_space<semaphore_mem>> -> memref<!tpu.dma_semaphore, #tpu.memory_space<semaphore_mem>>
      %dma_wait3A_319 = arith.constant 4000 : i32
      %dma_wait3A_320 = tpu.memref_slice %arg23[%dma_wait3A_319] : memref<8000xf32, #tpu.memory_space<vmem>> -> memref<4000xf32, #tpu.memory_space<vmem>>
      %dma_wait3A_321 = tpu.memref_slice %arg9[%mul3A_290] : memref<160000xf32, #tpu.memory_space<hbm>> -> memref<4000xf32, #tpu.memory_space<hbm>>
      tpu.wait_dma2 semaphore(%dma_wait3A_318 : memref<!tpu.dma_semaphore, #tpu.memory_space<semaphore_mem>>) src(%dma_wait3A_321 : memref<4000xf32, #tpu.memory_space<hbm>>) dst(%dma_wait3A_320 : memref<4000xf32, #tpu.memory_space<vmem>>)
      %convert_element_type3A_322 = arith.extui %and3A_106 : i1 to i32
      %cond3A_323 = arith.constant 3 : i32
      %cond3A_324 = arith.constant 1 : i32
      %cond3A_325 = arith.constant 0 : i32
      %cond3A_326 = arith.cmpi ne, %convert_element_type3A_322, %cond3A_325 : i32
      scf.if %cond3A_326 {
        %dma_wait3A_342 = arith.constant 4000 : i32
        %dma_wait3A_343 = tpu.memref_slice %arg24[%dma_wait3A_342] : memref<8000xf32, #tpu.memory_space<vmem>> -> memref<4000xf32, #tpu.memory_space<vmem>>
        %dma_wait3A_344 = tpu.memref_slice %arg10[%add3A_291] : memref<3200000xf32, #tpu.memory_space<hbm>> -> memref<4000xf32, #tpu.memory_space<hbm>>
        %dma_wait3A_345 = tpu.memref_slice %arg25[%cond3A_323, %cond3A_324] : memref<4x2x!tpu.dma_semaphore, #tpu.memory_space<semaphore_mem>> -> memref<1x1x!tpu.dma_semaphore, #tpu.memory_space<semaphore_mem>>
        %dma_wait3A_346 = tpu.memref_squeeze %dma_wait3A_345 : memref<1x1x!tpu.dma_semaphore, #tpu.memory_space<semaphore_mem>> -> memref<!tpu.dma_semaphore, #tpu.memory_space<semaphore_mem>>
        %dma_wait3A_347 = arith.constant 4000 : i32
        %dma_wait3A_348 = tpu.memref_slice %arg24[%dma_wait3A_347] : memref<8000xf32, #tpu.memory_space<vmem>> -> memref<4000xf32, #tpu.memory_space<vmem>>
        %dma_wait3A_349 = tpu.memref_slice %arg10[%add3A_291] : memref<3200000xf32, #tpu.memory_space<hbm>> -> memref<4000xf32, #tpu.memory_space<hbm>>
        tpu.wait_dma2 semaphore(%dma_wait3A_346 : memref<!tpu.dma_semaphore, #tpu.memory_space<semaphore_mem>>) src(%dma_wait3A_349 : memref<4000xf32, #tpu.memory_space<hbm>>) dst(%dma_wait3A_348 : memref<4000xf32, #tpu.memory_space<vmem>>)
      } else {
      }
      %add3A_327 = arith.constant 2 : i32
      %add3A_328 = arith.addi %mul3A_202, %add3A_327 : i32
      %lt3A_329 = arith.constant 40 : i32
      %lt3A_330 = arith.cmpi slt, %add3A_328, %lt3A_329 : i32
      %convert_element_type3A_331 = arith.extui %lt3A_330 : i1 to i32
      %cond3A_332 = arith.constant 0 : i32
      %cond3A_333 = arith.cmpi ne, %convert_element_type3A_331, %cond3A_332 : i32
      scf.if %cond3A_333 {
        %add3A_342 = arith.constant 2 : i32
        %add3A_343 = arith.addi %mul3A_202, %add3A_342 : i32
        %mul3A_344 = arith.constant 4000 : i32
        %mul3A_345 = arith.muli %add3A_343, %mul3A_344 : i32
        %add3A_346 = arith.addi %select_n3A_117, %mul3A_345 : i32
        %dma_start3A_347 = arith.constant 0 : i32
        %dma_start3A_348 = arith.constant 0 : i32
        %dma_start3A_349 = arith.constant 0 : i32
        %dma_start3A_350 = tpu.memref_slice %arg21[%dma_start3A_349] : memref<8000xi32, #tpu.memory_space<vmem>> -> memref<4000xi32, #tpu.memory_space<vmem>>
        %dma_start3A_351 = tpu.memref_slice %arg7[%mul3A_345] : memref<160000xi32, #tpu.memory_space<hbm>> -> memref<4000xi32, #tpu.memory_space<hbm>>
        %dma_start3A_352 = tpu.memref_slice %arg25[%dma_start3A_347, %dma_start3A_348] : memref<4x2x!tpu.dma_semaphore, #tpu.memory_space<semaphore_mem>> -> memref<1x1x!tpu.dma_semaphore, #tpu.memory_space<semaphore_mem>>
        %dma_start3A_353 = tpu.memref_squeeze %dma_start3A_352 : memref<1x1x!tpu.dma_semaphore, #tpu.memory_space<semaphore_mem>> -> memref<!tpu.dma_semaphore, #tpu.memory_space<semaphore_mem>>
        %dma_start3A_354 = arith.constant 0 : i32
        %dma_start3A_355 = tpu.memref_slice %arg21[%dma_start3A_354] : memref<8000xi32, #tpu.memory_space<vmem>> -> memref<4000xi32, #tpu.memory_space<vmem>>
        %dma_start3A_356 = tpu.memref_slice %arg7[%mul3A_345] : memref<160000xi32, #tpu.memory_space<hbm>> -> memref<4000xi32, #tpu.memory_space<hbm>>
        tpu.enqueue_dma source(%dma_start3A_356 : memref<4000xi32, #tpu.memory_space<hbm>>) target(%dma_start3A_355 : memref<4000xi32, #tpu.memory_space<vmem>>) target_semaphore(%dma_start3A_353 : memref<!tpu.dma_semaphore, #tpu.memory_space<semaphore_mem>>)
        %dma_start3A_357 = arith.constant 1 : i32
        %dma_start3A_358 = arith.constant 0 : i32
        %dma_start3A_359 = arith.constant 0 : i32
        %dma_start3A_360 = tpu.memref_slice %arg22[%dma_start3A_359] : memref<8000xi32, #tpu.memory_space<vmem>> -> memref<4000xi32, #tpu.memory_space<vmem>>
        %dma_start3A_361 = tpu.memref_slice %arg8[%mul3A_345] : memref<160000xi32, #tpu.memory_space<hbm>> -> memref<4000xi32, #tpu.memory_space<hbm>>
        %dma_start3A_362 = tpu.memref_slice %arg25[%dma_start3A_357, %dma_start3A_358] : memref<4x2x!tpu.dma_semaphore, #tpu.memory_space<semaphore_mem>> -> memref<1x1x!tpu.dma_semaphore, #tpu.memory_space<semaphore_mem>>
        %dma_start3A_363 = tpu.memref_squeeze %dma_start3A_362 : memref<1x1x!tpu.dma_semaphore, #tpu.memory_space<semaphore_mem>> -> memref<!tpu.dma_semaphore, #tpu.memory_space<semaphore_mem>>
        %dma_start3A_364 = arith.constant 0 : i32
        %dma_start3A_365 = tpu.memref_slice %arg22[%dma_start3A_364] : memref<8000xi32, #tpu.memory_space<vmem>> -> memref<4000xi32, #tpu.memory_space<vmem>>
        %dma_start3A_366 = tpu.memref_slice %arg8[%mul3A_345] : memref<160000xi32, #tpu.memory_space<hbm>> -> memref<4000xi32, #tpu.memory_space<hbm>>
        tpu.enqueue_dma source(%dma_start3A_366 : memref<4000xi32, #tpu.memory_space<hbm>>) target(%dma_start3A_365 : memref<4000xi32, #tpu.memory_space<vmem>>) target_semaphore(%dma_start3A_363 : memref<!tpu.dma_semaphore, #tpu.memory_space<semaphore_mem>>)
        %dma_start3A_367 = arith.constant 2 : i32
        %dma_start3A_368 = arith.constant 0 : i32
        %dma_start3A_369 = arith.constant 0 : i32
        %dma_start3A_370 = tpu.memref_slice %arg23[%dma_start3A_369] : memref<8000xf32, #tpu.memory_space<vmem>> -> memref<4000xf32, #tpu.memory_space<vmem>>
        %dma_start3A_371 = tpu.memref_slice %arg9[%mul3A_345] : memref<160000xf32, #tpu.memory_space<hbm>> -> memref<4000xf32, #tpu.memory_space<hbm>>
        %dma_start3A_372 = tpu.memref_slice %arg25[%dma_start3A_367, %dma_start3A_368] : memref<4x2x!tpu.dma_semaphore, #tpu.memory_space<semaphore_mem>> -> memref<1x1x!tpu.dma_semaphore, #tpu.memory_space<semaphore_mem>>
        %dma_start3A_373 = tpu.memref_squeeze %dma_start3A_372 : memref<1x1x!tpu.dma_semaphore, #tpu.memory_space<semaphore_mem>> -> memref<!tpu.dma_semaphore, #tpu.memory_space<semaphore_mem>>
        %dma_start3A_374 = arith.constant 0 : i32
        %dma_start3A_375 = tpu.memref_slice %arg23[%dma_start3A_374] : memref<8000xf32, #tpu.memory_space<vmem>> -> memref<4000xf32, #tpu.memory_space<vmem>>
        %dma_start3A_376 = tpu.memref_slice %arg9[%mul3A_345] : memref<160000xf32, #tpu.memory_space<hbm>> -> memref<4000xf32, #tpu.memory_space<hbm>>
        tpu.enqueue_dma source(%dma_start3A_376 : memref<4000xf32, #tpu.memory_space<hbm>>) target(%dma_start3A_375 : memref<4000xf32, #tpu.memory_space<vmem>>) target_semaphore(%dma_start3A_373 : memref<!tpu.dma_semaphore, #tpu.memory_space<semaphore_mem>>)
        %convert_element_type3A_377 = arith.extui %and3A_106 : i1 to i32
        %cond3A_378 = arith.constant 3 : i32
        %cond3A_379 = arith.constant 0 : i32
        %cond3A_380 = arith.constant 0 : i32
        %cond3A_381 = arith.cmpi ne, %convert_element_type3A_377, %cond3A_380 : i32
        scf.if %cond3A_381 {
          %dma_start3A_382 = arith.constant 0 : i32
          %dma_start3A_383 = tpu.memref_slice %arg24[%dma_start3A_382] : memref<8000xf32, #tpu.memory_space<vmem>> -> memref<4000xf32, #tpu.memory_space<vmem>>
          %dma_start3A_384 = tpu.memref_slice %arg10[%add3A_346] : memref<3200000xf32, #tpu.memory_space<hbm>> -> memref<4000xf32, #tpu.memory_space<hbm>>
          %dma_start3A_385 = tpu.memref_slice %arg25[%cond3A_378, %cond3A_379] : memref<4x2x!tpu.dma_semaphore, #tpu.memory_space<semaphore_mem>> -> memref<1x1x!tpu.dma_semaphore, #tpu.memory_space<semaphore_mem>>
          %dma_start3A_386 = tpu.memref_squeeze %dma_start3A_385 : memref<1x1x!tpu.dma_semaphore, #tpu.memory_space<semaphore_mem>> -> memref<!tpu.dma_semaphore, #tpu.memory_space<semaphore_mem>>
          %dma_start3A_387 = arith.constant 0 : i32
          %dma_start3A_388 = tpu.memref_slice %arg24[%dma_start3A_387] : memref<8000xf32, #tpu.memory_space<vmem>> -> memref<4000xf32, #tpu.memory_space<vmem>>
          %dma_start3A_389 = tpu.memref_slice %arg10[%add3A_346] : memref<3200000xf32, #tpu.memory_space<hbm>> -> memref<4000xf32, #tpu.memory_space<hbm>>
          tpu.enqueue_dma source(%dma_start3A_389 : memref<4000xf32, #tpu.memory_space<hbm>>) target(%dma_start3A_388 : memref<4000xf32, #tpu.memory_space<vmem>>) target_semaphore(%dma_start3A_386 : memref<!tpu.dma_semaphore, #tpu.memory_space<semaphore_mem>>)
        } else {
        }
      } else {
      }
      %scan3A_334 = arith.constant 0 : i32
      %scan3A_335 = arith.constant 0 : i32
      %scan3A_336 = arith.constant 50 : i32
      %scan3A_337 = arith.addi %scan3A_335, %scan3A_336 : i32
      %scan3A_338 = arith.constant 1 : i32
      %scan3A_339 = scf.for %scan3A_342 = %scan3A_335 to %scan3A_337 step %scan3A_338 iter_args(%scan3A_343 = %scan3A_334) -> (i32)  : i32 {
        %mul3A_344 = arith.constant 80 : i32
        %mul3A_345 = arith.muli %scan3A_342, %mul3A_344 : i32
        %add3A_346 = arith.constant 4000 : i32
        %add3A_347 = arith.addi %add3A_346, %mul3A_345 : i32
        %add3A_348 = arith.constant 0 : i32
        %add3A_349 = arith.addi %add3A_347, %add3A_348 : i32
        %get3A = arith.index_cast %add3A_349 : i32 to index
        %get3A_350 = tpu.vector_load %arg21[%get3A] {strides = array<i32>} : memref<8000xi32, #tpu.memory_space<vmem>>, vector<16xi32>,
        %get3A_351 = arith.index_cast %add3A_349 : i32 to index
        %get3A_352 = tpu.vector_load %arg22[%get3A_351] {strides = array<i32>} : memref<8000xi32, #tpu.memory_space<vmem>>, vector<16xi32>,
        %get3A_353 = arith.index_cast %add3A_349 : i32 to index
        %get3A_354 = tpu.vector_load %arg23[%get3A_353] {strides = array<i32>} : memref<8000xf32, #tpu.memory_space<vmem>>, vector<16xf32>,
        %add3A_355 = arith.constant 0 : i32
        %add3A_356 = vector.broadcast %add3A_355 : i32 to vector<16xi32>
        %add3A_357 = arith.addi %get3A_352, %add3A_356 : vector<16xi32>
        %gather3A = tpu.vector_load_idx %arg18[%add3A_357] : memref<20000xi32, #tpu.memory_space<vmem>>[vector<16xi32>], vector<16xi32>,
        %bitcast3A = vector.bitcast %gather3A : vector<16xi32> to vector<32xbf16>
        %unpack3A = tpu.unpack_subelements %bitcast3A, 0 {pack_format = #tpu.pack_format<interleaved>} : vector<32xbf16> -> vector<16xf32>
        %unpack3A_358 = tpu.unpack_subelements %bitcast3A, 1 {pack_format = #tpu.pack_format<interleaved>} : vector<32xbf16> -> vector<16xf32>
        %add3A_359 = arith.constant 0 : i32
        %add3A_360 = vector.broadcast %add3A_359 : i32 to vector<16xi32>
        %add3A_361 = arith.addi %get3A_350, %add3A_360 : vector<16xi32>
        %mul3A_362 = arith.mulf %get3A_354, %unpack3A : vector<16xf32>
        tpu.vector_store_idx %arg19[%add3A_361], %mul3A_362 {add = true} : memref<40000xf32, #tpu.memory_space<vmem>>[vector<16xi32>], vector<16xf32>,
        %add3A_363 = arith.constant 10000 : i32
        %add3A_364 = vector.broadcast %add3A_363 : i32 to vector<16xi32>
        %add3A_365 = arith.addi %get3A_350, %add3A_364 : vector<16xi32>
        %mul3A_366 = arith.mulf %get3A_354, %unpack3A_358 : vector<16xf32>
        tpu.vector_store_idx %arg19[%add3A_365], %mul3A_366 {add = true} : memref<40000xf32, #tpu.memory_space<vmem>>[vector<16xi32>], vector<16xf32>,
        %add3A_367 = arith.constant 10000 : i32
        %add3A_368 = vector.broadcast %add3A_367 : i32 to vector<16xi32>
        %add3A_369 = arith.addi %get3A_352, %add3A_368 : vector<16xi32>
        %gather3A_370 = tpu.vector_load_idx %arg18[%add3A_369] : memref<20000xi32, #tpu.memory_space<vmem>>[vector<16xi32>], vector<16xi32>,
        %bitcast3A_371 = vector.bitcast %gather3A_370 : vector<16xi32> to vector<32xbf16>
        %unpack3A_372 = tpu.unpack_subelements %bitcast3A_371, 0 {pack_format = #tpu.pack_format<interleaved>} : vector<32xbf16> -> vector<16xf32>
        %unpack3A_373 = tpu.unpack_subelements %bitcast3A_371, 1 {pack_format = #tpu.pack_format<interleaved>} : vector<32xbf16> -> vector<16xf32>
        %add3A_374 = arith.constant 20000 : i32
        %add3A_375 = vector.broadcast %add3A_374 : i32 to vector<16xi32>
        %add3A_376 = arith.addi %get3A_350, %add3A_375 : vector<16xi32>
        %mul3A_377 = arith.mulf %get3A_354, %unpack3A_372 : vector<16xf32>
        tpu.vector_store_idx %arg19[%add3A_376], %mul3A_377 {add = true} : memref<40000xf32, #tpu.memory_space<vmem>>[vector<16xi32>], vector<16xf32>,
        %add3A_378 = arith.constant 30000 : i32
        %add3A_379 = vector.broadcast %add3A_378 : i32 to vector<16xi32>
        %add3A_380 = arith.addi %get3A_350, %add3A_379 : vector<16xi32>
        %mul3A_381 = arith.mulf %get3A_354, %unpack3A_373 : vector<16xf32>
        tpu.vector_store_idx %arg19[%add3A_380], %mul3A_381 {add = true} : memref<40000xf32, #tpu.memory_space<vmem>>[vector<16xi32>], vector<16xf32>,
        %get3A_382 = arith.index_cast %add3A_349 : i32 to index
        %get3A_383 = tpu.vector_load %arg24[%get3A_382] {strides = array<i32>} : memref<8000xf32, #tpu.memory_space<vmem>>, vector<16xf32>,
        %select_n3A_384 = arith.select %broadcast_in_dim3A_136, %broadcast_in_dim3A_139, %get3A_383 : vector<16xi1>, vector<16xf32>
        %mul3A_385 = arith.mulf %get3A_354, %select_n3A_384 : vector<16xf32>
        tpu.vector_store_idx %arg20[%get3A_350], %mul3A_385 masked %broadcast_in_dim3A_137 {add = true} : memref<10000xf32, #tpu.memory_space<vmem>>[vector<16xi32>], vector<16xf32>, vector<16xi1>
        %mul3A_386 = arith.constant 80 : i32
        %mul3A_387 = arith.muli %scan3A_342, %mul3A_386 : i32
        %add3A_388 = arith.constant 4000 : i32
        %add3A_389 = arith.addi %add3A_388, %mul3A_387 : i32
        %add3A_390 = arith.constant 16 : i32
        %add3A_391 = arith.addi %add3A_389, %add3A_390 : i32
        %get3A_392 = arith.index_cast %add3A_391 : i32 to index
        %get3A_393 = tpu.vector_load %arg21[%get3A_392] {strides = array<i32>} : memref<8000xi32, #tpu.memory_space<vmem>>, vector<16xi32>,
        %get3A_394 = arith.index_cast %add3A_391 : i32 to index
        %get3A_395 = tpu.vector_load %arg22[%get3A_394] {strides = array<i32>} : memref<8000xi32, #tpu.memory_space<vmem>>, vector<16xi32>,
        %get3A_396 = arith.index_cast %add3A_391 : i32 to index
        %get3A_397 = tpu.vector_load %arg23[%get3A_396] {strides = array<i32>} : memref<8000xf32, #tpu.memory_space<vmem>>, vector<16xf32>,
        %add3A_398 = arith.constant 0 : i32
        %add3A_399 = vector.broadcast %add3A_398 : i32 to vector<16xi32>
        %add3A_400 = arith.addi %get3A_395, %add3A_399 : vector<16xi32>
        %gather3A_401 = tpu.vector_load_idx %arg18[%add3A_400] : memref<20000xi32, #tpu.memory_space<vmem>>[vector<16xi32>], vector<16xi32>,
        %bitcast3A_402 = vector.bitcast %gather3A_401 : vector<16xi32> to vector<32xbf16>
        %unpack3A_403 = tpu.unpack_subelements %bitcast3A_402, 0 {pack_format = #tpu.pack_format<interleaved>} : vector<32xbf16> -> vector<16xf32>
        %unpack3A_404 = tpu.unpack_subelements %bitcast3A_402, 1 {pack_format = #tpu.pack_format<interleaved>} : vector<32xbf16> -> vector<16xf32>
        %add3A_405 = arith.constant 0 : i32
        %add3A_406 = vector.broadcast %add3A_405 : i32 to vector<16xi32>
        %add3A_407 = arith.addi %get3A_393, %add3A_406 : vector<16xi32>
        %mul3A_408 = arith.mulf %get3A_397, %unpack3A_403 : vector<16xf32>
        tpu.vector_store_idx %arg19[%add3A_407], %mul3A_408 {add = true} : memref<40000xf32, #tpu.memory_space<vmem>>[vector<16xi32>], vector<16xf32>,
        %add3A_409 = arith.constant 10000 : i32
        %add3A_410 = vector.broadcast %add3A_409 : i32 to vector<16xi32>
        %add3A_411 = arith.addi %get3A_393, %add3A_410 : vector<16xi32>
        %mul3A_412 = arith.mulf %get3A_397, %unpack3A_404 : vector<16xf32>
        tpu.vector_store_idx %arg19[%add3A_411], %mul3A_412 {add = true} : memref<40000xf32, #tpu.memory_space<vmem>>[vector<16xi32>], vector<16xf32>,
        %add3A_413 = arith.constant 10000 : i32
        %add3A_414 = vector.broadcast %add3A_413 : i32 to vector<16xi32>
        %add3A_415 = arith.addi %get3A_395, %add3A_414 : vector<16xi32>
        %gather3A_416 = tpu.vector_load_idx %arg18[%add3A_415] : memref<20000xi32, #tpu.memory_space<vmem>>[vector<16xi32>], vector<16xi32>,
        %bitcast3A_417 = vector.bitcast %gather3A_416 : vector<16xi32> to vector<32xbf16>
        %unpack3A_418 = tpu.unpack_subelements %bitcast3A_417, 0 {pack_format = #tpu.pack_format<interleaved>} : vector<32xbf16> -> vector<16xf32>
        %unpack3A_419 = tpu.unpack_subelements %bitcast3A_417, 1 {pack_format = #tpu.pack_format<interleaved>} : vector<32xbf16> -> vector<16xf32>
        %add3A_420 = arith.constant 20000 : i32
        %add3A_421 = vector.broadcast %add3A_420 : i32 to vector<16xi32>
        %add3A_422 = arith.addi %get3A_393, %add3A_421 : vector<16xi32>
        %mul3A_423 = arith.mulf %get3A_397, %unpack3A_418 : vector<16xf32>
        tpu.vector_store_idx %arg19[%add3A_422], %mul3A_423 {add = true} : memref<40000xf32, #tpu.memory_space<vmem>>[vector<16xi32>], vector<16xf32>,
        %add3A_424 = arith.constant 30000 : i32
        %add3A_425 = vector.broadcast %add3A_424 : i32 to vector<16xi32>
        %add3A_426 = arith.addi %get3A_393, %add3A_425 : vector<16xi32>
        %mul3A_427 = arith.mulf %get3A_397, %unpack3A_419 : vector<16xf32>
        tpu.vector_store_idx %arg19[%add3A_426], %mul3A_427 {add = true} : memref<40000xf32, #tpu.memory_space<vmem>>[vector<16xi32>], vector<16xf32>,
        %get3A_428 = arith.index_cast %add3A_391 : i32 to index
        %get3A_429 = tpu.vector_load %arg24[%get3A_428] {strides = array<i32>} : memref<8000xf32, #tpu.memory_space<vmem>>, vector<16xf32>,
        %select_n3A_430 = arith.select %broadcast_in_dim3A_136, %broadcast_in_dim3A_139, %get3A_429 : vector<16xi1>, vector<16xf32>
        %mul3A_431 = arith.mulf %get3A_397, %select_n3A_430 : vector<16xf32>
        tpu.vector_store_idx %arg20[%get3A_393], %mul3A_431 masked %broadcast_in_dim3A_137 {add = true} : memref<10000xf32, #tpu.memory_space<vmem>>[vector<16xi32>], vector<16xf32>, vector<16xi1>
        %mul3A_432 = arith.constant 80 : i32
        %mul3A_433 = arith.muli %scan3A_342, %mul3A_432 : i32
        %add3A_434 = arith.constant 4000 : i32
        %add3A_435 = arith.addi %add3A_434, %mul3A_433 : i32
        %add3A_436 = arith.constant 32 : i32
        %add3A_437 = arith.addi %add3A_435, %add3A_436 : i32
        %get3A_438 = arith.index_cast %add3A_437 : i32 to index
        %get3A_439 = tpu.vector_load %arg21[%get3A_438] {strides = array<i32>} : memref<8000xi32, #tpu.memory_space<vmem>>, vector<16xi32>,
        %get3A_440 = arith.index_cast %add3A_437 : i32 to index
        %get3A_441 = tpu.vector_load %arg22[%get3A_440] {strides = array<i32>} : memref<8000xi32, #tpu.memory_space<vmem>>, vector<16xi32>,
        %get3A_442 = arith.index_cast %add3A_437 : i32 to index
        %get3A_443 = tpu.vector_load %arg23[%get3A_442] {strides = array<i32>} : memref<8000xf32, #tpu.memory_space<vmem>>, vector<16xf32>,
        %add3A_444 = arith.constant 0 : i32
        %add3A_445 = vector.broadcast %add3A_444 : i32 to vector<16xi32>
        %add3A_446 = arith.addi %get3A_441, %add3A_445 : vector<16xi32>
        %gather3A_447 = tpu.vector_load_idx %arg18[%add3A_446] : memref<20000xi32, #tpu.memory_space<vmem>>[vector<16xi32>], vector<16xi32>,
        %bitcast3A_448 = vector.bitcast %gather3A_447 : vector<16xi32> to vector<32xbf16>
        %unpack3A_449 = tpu.unpack_subelements %bitcast3A_448, 0 {pack_format = #tpu.pack_format<interleaved>} : vector<32xbf16> -> vector<16xf32>
        %unpack3A_450 = tpu.unpack_subelements %bitcast3A_448, 1 {pack_format = #tpu.pack_format<interleaved>} : vector<32xbf16> -> vector<16xf32>
        %add3A_451 = arith.constant 0 : i32
        %add3A_452 = vector.broadcast %add3A_451 : i32 to vector<16xi32>
        %add3A_453 = arith.addi %get3A_439, %add3A_452 : vector<16xi32>
        %mul3A_454 = arith.mulf %get3A_443, %unpack3A_449 : vector<16xf32>
        tpu.vector_store_idx %arg19[%add3A_453], %mul3A_454 {add = true} : memref<40000xf32, #tpu.memory_space<vmem>>[vector<16xi32>], vector<16xf32>,
        %add3A_455 = arith.constant 10000 : i32
        %add3A_456 = vector.broadcast %add3A_455 : i32 to vector<16xi32>
        %add3A_457 = arith.addi %get3A_439, %add3A_456 : vector<16xi32>
        %mul3A_458 = arith.mulf %get3A_443, %unpack3A_450 : vector<16xf32>
        tpu.vector_store_idx %arg19[%add3A_457], %mul3A_458 {add = true} : memref<40000xf32, #tpu.memory_space<vmem>>[vector<16xi32>], vector<16xf32>,
        %add3A_459 = arith.constant 10000 : i32
        %add3A_460 = vector.broadcast %add3A_459 : i32 to vector<16xi32>
        %add3A_461 = arith.addi %get3A_441, %add3A_460 : vector<16xi32>
        %gather3A_462 = tpu.vector_load_idx %arg18[%add3A_461] : memref<20000xi32, #tpu.memory_space<vmem>>[vector<16xi32>], vector<16xi32>,
        %bitcast3A_463 = vector.bitcast %gather3A_462 : vector<16xi32> to vector<32xbf16>
        %unpack3A_464 = tpu.unpack_subelements %bitcast3A_463, 0 {pack_format = #tpu.pack_format<interleaved>} : vector<32xbf16> -> vector<16xf32>
        %unpack3A_465 = tpu.unpack_subelements %bitcast3A_463, 1 {pack_format = #tpu.pack_format<interleaved>} : vector<32xbf16> -> vector<16xf32>
        %add3A_466 = arith.constant 20000 : i32
        %add3A_467 = vector.broadcast %add3A_466 : i32 to vector<16xi32>
        %add3A_468 = arith.addi %get3A_439, %add3A_467 : vector<16xi32>
        %mul3A_469 = arith.mulf %get3A_443, %unpack3A_464 : vector<16xf32>
        tpu.vector_store_idx %arg19[%add3A_468], %mul3A_469 {add = true} : memref<40000xf32, #tpu.memory_space<vmem>>[vector<16xi32>], vector<16xf32>,
        %add3A_470 = arith.constant 30000 : i32
        %add3A_471 = vector.broadcast %add3A_470 : i32 to vector<16xi32>
        %add3A_472 = arith.addi %get3A_439, %add3A_471 : vector<16xi32>
        %mul3A_473 = arith.mulf %get3A_443, %unpack3A_465 : vector<16xf32>
        tpu.vector_store_idx %arg19[%add3A_472], %mul3A_473 {add = true} : memref<40000xf32, #tpu.memory_space<vmem>>[vector<16xi32>], vector<16xf32>,
        %get3A_474 = arith.index_cast %add3A_437 : i32 to index
        %get3A_475 = tpu.vector_load %arg24[%get3A_474] {strides = array<i32>} : memref<8000xf32, #tpu.memory_space<vmem>>, vector<16xf32>,
        %select_n3A_476 = arith.select %broadcast_in_dim3A_136, %broadcast_in_dim3A_139, %get3A_475 : vector<16xi1>, vector<16xf32>
        %mul3A_477 = arith.mulf %get3A_443, %select_n3A_476 : vector<16xf32>
        tpu.vector_store_idx %arg20[%get3A_439], %mul3A_477 masked %broadcast_in_dim3A_137 {add = true} : memref<10000xf32, #tpu.memory_space<vmem>>[vector<16xi32>], vector<16xf32>, vector<16xi1>
        %mul3A_478 = arith.constant 80 : i32
        %mul3A_479 = arith.muli %scan3A_342, %mul3A_478 : i32
        %add3A_480 = arith.constant 4000 : i32
        %add3A_481 = arith.addi %add3A_480, %mul3A_479 : i32
        %add3A_482 = arith.constant 48 : i32
        %add3A_483 = arith.addi %add3A_481, %add3A_482 : i32
        %get3A_484 = arith.index_cast %add3A_483 : i32 to index
        %get3A_485 = tpu.vector_load %arg21[%get3A_484] {strides = array<i32>} : memref<8000xi32, #tpu.memory_space<vmem>>, vector<16xi32>,
        %get3A_486 = arith.index_cast %add3A_483 : i32 to index
        %get3A_487 = tpu.vector_load %arg22[%get3A_486] {strides = array<i32>} : memref<8000xi32, #tpu.memory_space<vmem>>, vector<16xi32>,
        %get3A_488 = arith.index_cast %add3A_483 : i32 to index
        %get3A_489 = tpu.vector_load %arg23[%get3A_488] {strides = array<i32>} : memref<8000xf32, #tpu.memory_space<vmem>>, vector<16xf32>,
        %add3A_490 = arith.constant 0 : i32
        %add3A_491 = vector.broadcast %add3A_490 : i32 to vector<16xi32>
        %add3A_492 = arith.addi %get3A_487, %add3A_491 : vector<16xi32>
        %gather3A_493 = tpu.vector_load_idx %arg18[%add3A_492] : memref<20000xi32, #tpu.memory_space<vmem>>[vector<16xi32>], vector<16xi32>,
        %bitcast3A_494 = vector.bitcast %gather3A_493 : vector<16xi32> to vector<32xbf16>
        %unpack3A_495 = tpu.unpack_subelements %bitcast3A_494, 0 {pack_format = #tpu.pack_format<interleaved>} : vector<32xbf16> -> vector<16xf32>
        %unpack3A_496 = tpu.unpack_subelements %bitcast3A_494, 1 {pack_format = #tpu.pack_format<interleaved>} : vector<32xbf16> -> vector<16xf32>
        %add3A_497 = arith.constant 0 : i32
        %add3A_498 = vector.broadcast %add3A_497 : i32 to vector<16xi32>
        %add3A_499 = arith.addi %get3A_485, %add3A_498 : vector<16xi32>
        %mul3A_500 = arith.mulf %get3A_489, %unpack3A_495 : vector<16xf32>
        tpu.vector_store_idx %arg19[%add3A_499], %mul3A_500 {add = true} : memref<40000xf32, #tpu.memory_space<vmem>>[vector<16xi32>], vector<16xf32>,
        %add3A_501 = arith.constant 10000 : i32
        %add3A_502 = vector.broadcast %add3A_501 : i32 to vector<16xi32>
        %add3A_503 = arith.addi %get3A_485, %add3A_502 : vector<16xi32>
        %mul3A_504 = arith.mulf %get3A_489, %unpack3A_496 : vector<16xf32>
        tpu.vector_store_idx %arg19[%add3A_503], %mul3A_504 {add = true} : memref<40000xf32, #tpu.memory_space<vmem>>[vector<16xi32>], vector<16xf32>,
        %add3A_505 = arith.constant 10000 : i32
        %add3A_506 = vector.broadcast %add3A_505 : i32 to vector<16xi32>
        %add3A_507 = arith.addi %get3A_487, %add3A_506 : vector<16xi32>
        %gather3A_508 = tpu.vector_load_idx %arg18[%add3A_507] : memref<20000xi32, #tpu.memory_space<vmem>>[vector<16xi32>], vector<16xi32>,
        %bitcast3A_509 = vector.bitcast %gather3A_508 : vector<16xi32> to vector<32xbf16>
        %unpack3A_510 = tpu.unpack_subelements %bitcast3A_509, 0 {pack_format = #tpu.pack_format<interleaved>} : vector<32xbf16> -> vector<16xf32>
        %unpack3A_511 = tpu.unpack_subelements %bitcast3A_509, 1 {pack_format = #tpu.pack_format<interleaved>} : vector<32xbf16> -> vector<16xf32>
        %add3A_512 = arith.constant 20000 : i32
        %add3A_513 = vector.broadcast %add3A_512 : i32 to vector<16xi32>
        %add3A_514 = arith.addi %get3A_485, %add3A_513 : vector<16xi32>
        %mul3A_515 = arith.mulf %get3A_489, %unpack3A_510 : vector<16xf32>
        tpu.vector_store_idx %arg19[%add3A_514], %mul3A_515 {add = true} : memref<40000xf32, #tpu.memory_space<vmem>>[vector<16xi32>], vector<16xf32>,
        %add3A_516 = arith.constant 30000 : i32
        %add3A_517 = vector.broadcast %add3A_516 : i32 to vector<16xi32>
        %add3A_518 = arith.addi %get3A_485, %add3A_517 : vector<16xi32>
        %mul3A_519 = arith.mulf %get3A_489, %unpack3A_511 : vector<16xf32>
        tpu.vector_store_idx %arg19[%add3A_518], %mul3A_519 {add = true} : memref<40000xf32, #tpu.memory_space<vmem>>[vector<16xi32>], vector<16xf32>,
        %get3A_520 = arith.index_cast %add3A_483 : i32 to index
        %get3A_521 = tpu.vector_load %arg24[%get3A_520] {strides = array<i32>} : memref<8000xf32, #tpu.memory_space<vmem>>, vector<16xf32>,
        %select_n3A_522 = arith.select %broadcast_in_dim3A_136, %broadcast_in_dim3A_139, %get3A_521 : vector<16xi1>, vector<16xf32>
        %mul3A_523 = arith.mulf %get3A_489, %select_n3A_522 : vector<16xf32>
        tpu.vector_store_idx %arg20[%get3A_485], %mul3A_523 masked %broadcast_in_dim3A_137 {add = true} : memref<10000xf32, #tpu.memory_space<vmem>>[vector<16xi32>], vector<16xf32>, vector<16xi1>
        %mul3A_524 = arith.constant 80 : i32
        %mul3A_525 = arith.muli %scan3A_342, %mul3A_524 : i32
        %add3A_526 = arith.constant 4000 : i32
        %add3A_527 = arith.addi %add3A_526, %mul3A_525 : i32
        %add3A_528 = arith.constant 64 : i32
        %add3A_529 = arith.addi %add3A_527, %add3A_528 : i32
        %get3A_530 = arith.index_cast %add3A_529 : i32 to index
        %get3A_531 = tpu.vector_load %arg21[%get3A_530] {strides = array<i32>} : memref<8000xi32, #tpu.memory_space<vmem>>, vector<16xi32>,
        %get3A_532 = arith.index_cast %add3A_529 : i32 to index
        %get3A_533 = tpu.vector_load %arg22[%get3A_532] {strides = array<i32>} : memref<8000xi32, #tpu.memory_space<vmem>>, vector<16xi32>,
        %get3A_534 = arith.index_cast %add3A_529 : i32 to index
        %get3A_535 = tpu.vector_load %arg23[%get3A_534] {strides = array<i32>} : memref<8000xf32, #tpu.memory_space<vmem>>, vector<16xf32>,
        %add3A_536 = arith.constant 0 : i32
        %add3A_537 = vector.broadcast %add3A_536 : i32 to vector<16xi32>
        %add3A_538 = arith.addi %get3A_533, %add3A_537 : vector<16xi32>
        %gather3A_539 = tpu.vector_load_idx %arg18[%add3A_538] : memref<20000xi32, #tpu.memory_space<vmem>>[vector<16xi32>], vector<16xi32>,
        %bitcast3A_540 = vector.bitcast %gather3A_539 : vector<16xi32> to vector<32xbf16>
        %unpack3A_541 = tpu.unpack_subelements %bitcast3A_540, 0 {pack_format = #tpu.pack_format<interleaved>} : vector<32xbf16> -> vector<16xf32>
        %unpack3A_542 = tpu.unpack_subelements %bitcast3A_540, 1 {pack_format = #tpu.pack_format<interleaved>} : vector<32xbf16> -> vector<16xf32>
        %add3A_543 = arith.constant 0 : i32
        %add3A_544 = vector.broadcast %add3A_543 : i32 to vector<16xi32>
        %add3A_545 = arith.addi %get3A_531, %add3A_544 : vector<16xi32>
        %mul3A_546 = arith.mulf %get3A_535, %unpack3A_541 : vector<16xf32>
        tpu.vector_store_idx %arg19[%add3A_545], %mul3A_546 {add = true} : memref<40000xf32, #tpu.memory_space<vmem>>[vector<16xi32>], vector<16xf32>,
        %add3A_547 = arith.constant 10000 : i32
        %add3A_548 = vector.broadcast %add3A_547 : i32 to vector<16xi32>
        %add3A_549 = arith.addi %get3A_531, %add3A_548 : vector<16xi32>
        %mul3A_550 = arith.mulf %get3A_535, %unpack3A_542 : vector<16xf32>
        tpu.vector_store_idx %arg19[%add3A_549], %mul3A_550 {add = true} : memref<40000xf32, #tpu.memory_space<vmem>>[vector<16xi32>], vector<16xf32>,
        %add3A_551 = arith.constant 10000 : i32
        %add3A_552 = vector.broadcast %add3A_551 : i32 to vector<16xi32>
        %add3A_553 = arith.addi %get3A_533, %add3A_552 : vector<16xi32>
        %gather3A_554 = tpu.vector_load_idx %arg18[%add3A_553] : memref<20000xi32, #tpu.memory_space<vmem>>[vector<16xi32>], vector<16xi32>,
        %bitcast3A_555 = vector.bitcast %gather3A_554 : vector<16xi32> to vector<32xbf16>
        %unpack3A_556 = tpu.unpack_subelements %bitcast3A_555, 0 {pack_format = #tpu.pack_format<interleaved>} : vector<32xbf16> -> vector<16xf32>
        %unpack3A_557 = tpu.unpack_subelements %bitcast3A_555, 1 {pack_format = #tpu.pack_format<interleaved>} : vector<32xbf16> -> vector<16xf32>
        %add3A_558 = arith.constant 20000 : i32
        %add3A_559 = vector.broadcast %add3A_558 : i32 to vector<16xi32>
        %add3A_560 = arith.addi %get3A_531, %add3A_559 : vector<16xi32>
        %mul3A_561 = arith.mulf %get3A_535, %unpack3A_556 : vector<16xf32>
        tpu.vector_store_idx %arg19[%add3A_560], %mul3A_561 {add = true} : memref<40000xf32, #tpu.memory_space<vmem>>[vector<16xi32>], vector<16xf32>,
        %add3A_562 = arith.constant 30000 : i32
        %add3A_563 = vector.broadcast %add3A_562 : i32 to vector<16xi32>
        %add3A_564 = arith.addi %get3A_531, %add3A_563 : vector<16xi32>
        %mul3A_565 = arith.mulf %get3A_535, %unpack3A_557 : vector<16xf32>
        tpu.vector_store_idx %arg19[%add3A_564], %mul3A_565 {add = true} : memref<40000xf32, #tpu.memory_space<vmem>>[vector<16xi32>], vector<16xf32>,
        %get3A_566 = arith.index_cast %add3A_529 : i32 to index
        %get3A_567 = tpu.vector_load %arg24[%get3A_566] {strides = array<i32>} : memref<8000xf32, #tpu.memory_space<vmem>>, vector<16xf32>,
        %select_n3A_568 = arith.select %broadcast_in_dim3A_136, %broadcast_in_dim3A_139, %get3A_567 : vector<16xi1>, vector<16xf32>
        %mul3A_569 = arith.mulf %get3A_535, %select_n3A_568 : vector<16xf32>
        tpu.vector_store_idx %arg20[%get3A_531], %mul3A_569 masked %broadcast_in_dim3A_137 {add = true} : memref<10000xf32, #tpu.memory_space<vmem>>[vector<16xi32>], vector<16xf32>, vector<16xi1>
        %scan3A_570 = arith.constant 0 : i32
        scf.yield %scan3A_570 : i32
      }
      %scan3A_340 = arith.constant 50 : i32
      %scan3A_341 = arith.constant 0 : i32
      scf.yield %scan3A_341 : i32
    }
    %scan3A_189 = arith.constant 20 : i32
    "tpu.region"() ({
      %run_scoped3A = tpu.sem_alloc : memref<!tpu.dma_semaphore, #tpu.memory_space<semaphore_mem>>
      %dma_start3A_199 = arith.constant 0 : i32
      %dma_start3A_200 = tpu.memref_slice %arg13[%add3A, %dma_start3A_199] : memref<32x40000xf32, #tpu.memory_space<hbm>> -> memref<1x40000xf32, #tpu.memory_space<hbm>>
      %dma_start3A_201 = tpu.memref_squeeze %dma_start3A_200 : memref<1x40000xf32, #tpu.memory_space<hbm>> -> memref<40000xf32, #tpu.memory_space<hbm>>
      %dma_start3A_202 = arith.constant 0 : i32
      %dma_start3A_203 = tpu.memref_slice %arg13[%add3A, %dma_start3A_202] : memref<32x40000xf32, #tpu.memory_space<hbm>> -> memref<1x40000xf32, #tpu.memory_space<hbm>>
      %dma_start3A_204 = tpu.memref_squeeze %dma_start3A_203 : memref<1x40000xf32, #tpu.memory_space<hbm>> -> memref<40000xf32, #tpu.memory_space<hbm>>
      tpu.enqueue_dma source(%arg19 : memref<40000xf32, #tpu.memory_space<vmem>>) target(%dma_start3A_204 : memref<40000xf32, #tpu.memory_space<hbm>>) target_semaphore(%run_scoped3A : memref<!tpu.dma_semaphore, #tpu.memory_space<semaphore_mem>>)
      %dma_wait3A = arith.constant 0 : i32
      %dma_wait3A_205 = tpu.memref_slice %arg13[%add3A, %dma_wait3A] : memref<32x40000xf32, #tpu.memory_space<hbm>> -> memref<1x40000xf32, #tpu.memory_space<hbm>>
      %dma_wait3A_206 = tpu.memref_squeeze %dma_wait3A_205 : memref<1x40000xf32, #tpu.memory_space<hbm>> -> memref<40000xf32, #tpu.memory_space<hbm>>
      %dma_wait3A_207 = arith.constant 0 : i32
      %dma_wait3A_208 = tpu.memref_slice %arg13[%add3A, %dma_wait3A_207] : memref<32x40000xf32, #tpu.memory_space<hbm>> -> memref<1x40000xf32, #tpu.memory_space<hbm>>
      %dma_wait3A_209 = tpu.memref_squeeze %dma_wait3A_208 : memref<1x40000xf32, #tpu.memory_space<hbm>> -> memref<40000xf32, #tpu.memory_space<hbm>>
      tpu.wait_dma2 semaphore(%run_scoped3A : memref<!tpu.dma_semaphore, #tpu.memory_space<semaphore_mem>>) src(%arg19 : memref<40000xf32, #tpu.memory_space<vmem>>) dst(%dma_wait3A_209 : memref<40000xf32, #tpu.memory_space<hbm>>)
      tpu.yield
    }) : () -> ()
    %convert_element_type3A_190 = arith.extui %lt3A_94 : i1 to i32
    %cond3A_191 = arith.constant 0 : i32
    %cond3A_192 = arith.cmpi ne, %convert_element_type3A_190, %cond3A_191 : i32
    scf.if %cond3A_192 {
      "tpu.region"() ({
        %run_scoped3A = tpu.sem_alloc : memref<!tpu.dma_semaphore, #tpu.memory_space<semaphore_mem>>
        %dma_start3A_199 = arith.constant 0 : i32
        %dma_start3A_200 = tpu.memref_slice %arg15[%add3A, %dma_start3A_199] : memref<16x10000xf32, #tpu.memory_space<hbm>> -> memref<1x10000xf32, #tpu.memory_space<hbm>>
        %dma_start3A_201 = tpu.memref_squeeze %dma_start3A_200 : memref<1x10000xf32, #tpu.memory_space<hbm>> -> memref<10000xf32, #tpu.memory_space<hbm>>
        %dma_start3A_202 = arith.constant 0 : i32
        %dma_start3A_203 = tpu.memref_slice %arg15[%add3A, %dma_start3A_202] : memref<16x10000xf32, #tpu.memory_space<hbm>> -> memref<1x10000xf32, #tpu.memory_space<hbm>>
        %dma_start3A_204 = tpu.memref_squeeze %dma_start3A_203 : memref<1x10000xf32, #tpu.memory_space<hbm>> -> memref<10000xf32, #tpu.memory_space<hbm>>
        tpu.enqueue_dma source(%arg20 : memref<10000xf32, #tpu.memory_space<vmem>>) target(%dma_start3A_204 : memref<10000xf32, #tpu.memory_space<hbm>>) target_semaphore(%run_scoped3A : memref<!tpu.dma_semaphore, #tpu.memory_space<semaphore_mem>>)
        %dma_wait3A = arith.constant 0 : i32
        %dma_wait3A_205 = tpu.memref_slice %arg15[%add3A, %dma_wait3A] : memref<16x10000xf32, #tpu.memory_space<hbm>> -> memref<1x10000xf32, #tpu.memory_space<hbm>>
        %dma_wait3A_206 = tpu.memref_squeeze %dma_wait3A_205 : memref<1x10000xf32, #tpu.memory_space<hbm>> -> memref<10000xf32, #tpu.memory_space<hbm>>
        %dma_wait3A_207 = arith.constant 0 : i32
        %dma_wait3A_208 = tpu.memref_slice %arg15[%add3A, %dma_wait3A_207] : memref<16x10000xf32, #tpu.memory_space<hbm>> -> memref<1x10000xf32, #tpu.memory_space<hbm>>
        %dma_wait3A_209 = tpu.memref_squeeze %dma_wait3A_208 : memref<1x10000xf32, #tpu.memory_space<hbm>> -> memref<10000xf32, #tpu.memory_space<hbm>>
        tpu.wait_dma2 semaphore(%run_scoped3A : memref<!tpu.dma_semaphore, #tpu.memory_space<semaphore_mem>>) src(%arg20 : memref<10000xf32, #tpu.memory_space<vmem>>) dst(%dma_wait3A_209 : memref<10000xf32, #tpu.memory_space<hbm>>)
        tpu.yield
      }) : () -> ()
    } else {
    }
    %convert_element_type3A_193 = arith.extui %eq3A_96 : i1 to i32
    %cond3A_194 = arith.constant 0 : i32
    %cond3A_195 = arith.cmpi ne, %convert_element_type3A_193, %cond3A_194 : i32
    scf.if %cond3A_195 {
      %run_scoped3A = arith.constant 1 : i32
      "tpu.region"() ({
        %run_scoped3A_199 = tpu.sem_alloc : memref<!tpu.dma_semaphore, #tpu.memory_space<semaphore_mem>>
        %dma_start3A_200 = arith.constant 0 : i32
        %dma_start3A_201 = tpu.memref_slice %arg17[%run_scoped3A, %dma_start3A_200] : memref<2x10000xf32, #tpu.memory_space<hbm>> -> memref<1x10000xf32, #tpu.memory_space<hbm>>
        %dma_start3A_202 = tpu.memref_squeeze %dma_start3A_201 : memref<1x10000xf32, #tpu.memory_space<hbm>> -> memref<10000xf32, #tpu.memory_space<hbm>>
        %dma_start3A_203 = arith.constant 0 : i32
        %dma_start3A_204 = tpu.memref_slice %arg17[%run_scoped3A, %dma_start3A_203] : memref<2x10000xf32, #tpu.memory_space<hbm>> -> memref<1x10000xf32, #tpu.memory_space<hbm>>
        %dma_start3A_205 = tpu.memref_squeeze %dma_start3A_204 : memref<1x10000xf32, #tpu.memory_space<hbm>> -> memref<10000xf32, #tpu.memory_space<hbm>>
        tpu.enqueue_dma source(%arg20 : memref<10000xf32, #tpu.memory_space<vmem>>) target(%dma_start3A_205 : memref<10000xf32, #tpu.memory_space<hbm>>) target_semaphore(%run_scoped3A_199 : memref<!tpu.dma_semaphore, #tpu.memory_space<semaphore_mem>>)
        %dma_wait3A = arith.constant 0 : i32
        %dma_wait3A_206 = tpu.memref_slice %arg17[%run_scoped3A, %dma_wait3A] : memref<2x10000xf32, #tpu.memory_space<hbm>> -> memref<1x10000xf32, #tpu.memory_space<hbm>>
        %dma_wait3A_207 = tpu.memref_squeeze %dma_wait3A_206 : memref<1x10000xf32, #tpu.memory_space<hbm>> -> memref<10000xf32, #tpu.memory_space<hbm>>
        %dma_wait3A_208 = arith.constant 0 : i32
        %dma_wait3A_209 = tpu.memref_slice %arg17[%run_scoped3A, %dma_wait3A_208] : memref<2x10000xf32, #tpu.memory_space<hbm>> -> memref<1x10000xf32, #tpu.memory_space<hbm>>
        %dma_wait3A_210 = tpu.memref_squeeze %dma_wait3A_209 : memref<1x10000xf32, #tpu.memory_space<hbm>> -> memref<10000xf32, #tpu.memory_space<hbm>>
        tpu.wait_dma2 semaphore(%run_scoped3A_199 : memref<!tpu.dma_semaphore, #tpu.memory_space<semaphore_mem>>) src(%arg20 : memref<10000xf32, #tpu.memory_space<vmem>>) dst(%dma_wait3A_210 : memref<10000xf32, #tpu.memory_space<hbm>>)
        tpu.yield
      }) : () -> ()
    } else {
    }
    %convert_element_type3A_196 = arith.extui %and3A_101 : i1 to i32
    %cond3A_197 = arith.constant 0 : i32
    %cond3A_198 = arith.cmpi ne, %convert_element_type3A_196, %cond3A_197 : i32
    scf.if %cond3A_198 {
      %sub3A_199 = arith.constant 17 : i32
      %sub3A_200 = arith.subi %add3A, %sub3A_199 : i32
      "tpu.region"() ({
        %run_scoped3A = tpu.sem_alloc : memref<!tpu.dma_semaphore, #tpu.memory_space<semaphore_mem>>
        %dma_start3A_201 = arith.constant 0 : i32
        %dma_start3A_202 = tpu.memref_slice %arg16[%sub3A_200, %dma_start3A_201] : memref<4x10000xf32, #tpu.memory_space<hbm>> -> memref<1x10000xf32, #tpu.memory_space<hbm>>
        %dma_start3A_203 = tpu.memref_squeeze %dma_start3A_202 : memref<1x10000xf32, #tpu.memory_space<hbm>> -> memref<10000xf32, #tpu.memory_space<hbm>>
        %dma_start3A_204 = arith.constant 0 : i32
        %dma_start3A_205 = tpu.memref_slice %arg16[%sub3A_200, %dma_start3A_204] : memref<4x10000xf32, #tpu.memory_space<hbm>> -> memref<1x10000xf32, #tpu.memory_space<hbm>>
        %dma_start3A_206 = tpu.memref_squeeze %dma_start3A_205 : memref<1x10000xf32, #tpu.memory_space<hbm>> -> memref<10000xf32, #tpu.memory_space<hbm>>
        tpu.enqueue_dma source(%arg20 : memref<10000xf32, #tpu.memory_space<vmem>>) target(%dma_start3A_206 : memref<10000xf32, #tpu.memory_space<hbm>>) target_semaphore(%run_scoped3A : memref<!tpu.dma_semaphore, #tpu.memory_space<semaphore_mem>>)
        %dma_wait3A = arith.constant 0 : i32
        %dma_wait3A_207 = tpu.memref_slice %arg16[%sub3A_200, %dma_wait3A] : memref<4x10000xf32, #tpu.memory_space<hbm>> -> memref<1x10000xf32, #tpu.memory_space<hbm>>
        %dma_wait3A_208 = tpu.memref_squeeze %dma_wait3A_207 : memref<1x10000xf32, #tpu.memory_space<hbm>> -> memref<10000xf32, #tpu.memory_space<hbm>>
        %dma_wait3A_209 = arith.constant 0 : i32
        %dma_wait3A_210 = tpu.memref_slice %arg16[%sub3A_200, %dma_wait3A_209] : memref<4x10000xf32, #tpu.memory_space<hbm>> -> memref<1x10000xf32, #tpu.memory_space<hbm>>
        %dma_wait3A_211 = tpu.memref_squeeze %dma_wait3A_210 : memref<1x10000xf32, #tpu.memory_space<hbm>> -> memref<10000xf32, #tpu.memory_space<hbm>>
        tpu.wait_dma2 semaphore(%run_scoped3A : memref<!tpu.dma_semaphore, #tpu.memory_space<semaphore_mem>>) src(%arg20 : memref<10000xf32, #tpu.memory_space<vmem>>) dst(%dma_wait3A_211 : memref<10000xf32, #tpu.memory_space<hbm>>)
        tpu.yield
      }) : () -> ()
    } else {
    }
    return
  }
}

module attributes {stable_mosaic.version = 14 : i64} {
  func.func @_prep_body(%arg0: i32, %arg1: memref<1000x128xf32, #tpu.memory_space<vmem>>, %arg2: memref<128x128xf32, #tpu.memory_space<vmem>>, %arg3: memref<128x128xf32, #tpu.memory_space<vmem>>, %arg4: memref<128x128xf32, #tpu.memory_space<vmem>>, %arg5: memref<128x128xf32, #tpu.memory_space<vmem>>, %arg6: memref<128x1xf32, #tpu.memory_space<vmem>>, %arg7: memref<128x1xf32, #tpu.memory_space<vmem>>, %arg8: memref<1000x128xf32, #tpu.memory_space<vmem>>, %arg9: memref<1000x128xf32, #tpu.memory_space<vmem>>, %arg10: memref<1000x128xf32, #tpu.memory_space<vmem>>, %arg11: memref<1000x128xf32, #tpu.memory_space<vmem>>, %arg12: memref<1000x1xf32, #tpu.memory_space<vmem>>, %arg13: memref<1000x1xf32, #tpu.memory_space<vmem>>, %arg14: memref<1000x1xf32, #tpu.memory_space<vmem>>, %arg15: memref<1000x1xf32, #tpu.memory_space<vmem>>) attributes {dimension_semantics = [#tpu.dimension_semantics<arbitrary>], iteration_bounds = array<i64: 10>, scalar_prefetch = 0 : i64, scratch_operands = 0 : i64, tpu.core_type = #tpu.core_type<tc>, window_params = [{transform_indices = @transform_0, window_bounds = array<i64: 1000, 128>}, {pipeline_mode = #tpu.pipeline_mode<synchronous>, transform_indices = @transform_1, window_bounds = array<i64: 128, 128>}, {pipeline_mode = #tpu.pipeline_mode<synchronous>, transform_indices = @transform_2, window_bounds = array<i64: 128, 128>}, {pipeline_mode = #tpu.pipeline_mode<synchronous>, transform_indices = @transform_3, window_bounds = array<i64: 128, 128>}, {pipeline_mode = #tpu.pipeline_mode<synchronous>, transform_indices = @transform_4, window_bounds = array<i64: 128, 128>}, {pipeline_mode = #tpu.pipeline_mode<synchronous>, transform_indices = @transform_5, window_bounds = array<i64: 128, 1>}, {pipeline_mode = #tpu.pipeline_mode<synchronous>, transform_indices = @transform_6, window_bounds = array<i64: 128, 1>}, {transform_indices = @transform_7, window_bounds = array<i64: 1000, 128>}, {transform_indices = @transform_8, window_bounds = array<i64: 1000, 128>}, {transform_indices = @transform_9, window_bounds = array<i64: 1000, 128>}, {transform_indices = @transform_10, window_bounds = array<i64: 1000, 128>}, {transform_indices = @transform_11, window_bounds = array<i64: 1000, 1>}, {transform_indices = @transform_12, window_bounds = array<i64: 1000, 1>}, {transform_indices = @transform_13, window_bounds = array<i64: 1000, 1>}, {transform_indices = @transform_14, window_bounds = array<i64: 1000, 1>}]} {
    %get3A = arith.constant 0 : index
    %get3A_0 = arith.constant 0 : index
    %get3A_1 = vector.load %arg1[%get3A, %get3A_0] : memref<1000x128xf32, #tpu.memory_space<vmem>>, vector<1000x128xf32>
    %get3A_2 = arith.constant 0 : index
    %get3A_3 = arith.constant 0 : index
    %get3A_4 = vector.load %arg2[%get3A_2, %get3A_3] : memref<128x128xf32, #tpu.memory_space<vmem>>, vector<128x128xf32>
    %dot_general3A = arith.constant dense<0.000000e+00> : vector<1000x128xf32>
    %dot_general3A_5 = tpu.matmul %get3A_1, %get3A_4, %dot_general3A {dimension_numbers = #tpu.dot_dimension_numbers<[1], [0], [0], [1], [0, 0, 1, 1], [], []>, transpose_lhs_hint = false} : vector<1000x128xf32>, vector<128x128xf32>, vector<1000x128xf32> -> vector<1000x128xf32>
    %get3A_6 = arith.constant 0 : index
    %get3A_7 = arith.constant 0 : index
    %get3A_8 = vector.load %arg3[%get3A_6, %get3A_7] : memref<128x128xf32, #tpu.memory_space<vmem>>, vector<128x128xf32>
    %dot_general3A_9 = arith.constant dense<0.000000e+00> : vector<1000x128xf32>
    %dot_general3A_10 = tpu.matmul %get3A_1, %get3A_8, %dot_general3A_9 {dimension_numbers = #tpu.dot_dimension_numbers<[1], [0], [0], [1], [0, 0, 1, 1], [], []>, transpose_lhs_hint = false} : vector<1000x128xf32>, vector<128x128xf32>, vector<1000x128xf32> -> vector<1000x128xf32>
    %get3A_11 = arith.constant 0 : index
    %get3A_12 = arith.constant 0 : index
    %get3A_13 = vector.load %arg4[%get3A_11, %get3A_12] : memref<128x128xf32, #tpu.memory_space<vmem>>, vector<128x128xf32>
    %dot_general3A_14 = arith.constant dense<0.000000e+00> : vector<1000x128xf32>
    %dot_general3A_15 = tpu.matmul %get3A_1, %get3A_13, %dot_general3A_14 {dimension_numbers = #tpu.dot_dimension_numbers<[1], [0], [0], [1], [0, 0, 1, 1], [], []>, transpose_lhs_hint = false} : vector<1000x128xf32>, vector<128x128xf32>, vector<1000x128xf32> -> vector<1000x128xf32>
    %get3A_16 = arith.constant 0 : index
    %get3A_17 = arith.constant 0 : index
    %get3A_18 = vector.load %arg5[%get3A_16, %get3A_17] : memref<128x128xf32, #tpu.memory_space<vmem>>, vector<128x128xf32>
    %dot_general3A_19 = arith.constant dense<0.000000e+00> : vector<1000x128xf32>
    %dot_general3A_20 = tpu.matmul %get3A_1, %get3A_18, %dot_general3A_19 {dimension_numbers = #tpu.dot_dimension_numbers<[1], [0], [0], [1], [0, 0, 1, 1], [], []>, transpose_lhs_hint = false} : vector<1000x128xf32>, vector<128x128xf32>, vector<1000x128xf32> -> vector<1000x128xf32>
    %swap3A = arith.constant 0 : index
    %swap3A_21 = arith.constant 0 : index
    %swap3A_22 = vector.load %arg8[%swap3A, %swap3A_21] : memref<1000x128xf32, #tpu.memory_space<vmem>>, vector<1000x128xf32>
    tpu.vector_store %arg8[%swap3A, %swap3A_21], %dot_general3A_5 {strides = array<i32>} : memref<1000x128xf32, #tpu.memory_space<vmem>>, vector<1000x128xf32>,
    %swap3A_23 = arith.constant 0 : index
    %swap3A_24 = arith.constant 0 : index
    %swap3A_25 = vector.load %arg9[%swap3A_23, %swap3A_24] : memref<1000x128xf32, #tpu.memory_space<vmem>>, vector<1000x128xf32>
    tpu.vector_store %arg9[%swap3A_23, %swap3A_24], %dot_general3A_10 {strides = array<i32>} : memref<1000x128xf32, #tpu.memory_space<vmem>>, vector<1000x128xf32>,
    %swap3A_26 = arith.constant 0 : index
    %swap3A_27 = arith.constant 0 : index
    %swap3A_28 = vector.load %arg10[%swap3A_26, %swap3A_27] : memref<1000x128xf32, #tpu.memory_space<vmem>>, vector<1000x128xf32>
    tpu.vector_store %arg10[%swap3A_26, %swap3A_27], %dot_general3A_15 {strides = array<i32>} : memref<1000x128xf32, #tpu.memory_space<vmem>>, vector<1000x128xf32>,
    %swap3A_29 = arith.constant 0 : index
    %swap3A_30 = arith.constant 0 : index
    %swap3A_31 = vector.load %arg11[%swap3A_29, %swap3A_30] : memref<1000x128xf32, #tpu.memory_space<vmem>>, vector<1000x128xf32>
    tpu.vector_store %arg11[%swap3A_29, %swap3A_30], %dot_general3A_20 {strides = array<i32>} : memref<1000x128xf32, #tpu.memory_space<vmem>>, vector<1000x128xf32>,
    %get3A_32 = arith.constant 0 : index
    %get3A_33 = arith.constant 0 : index
    %get3A_34 = vector.load %arg6[%get3A_32, %get3A_33] : memref<128x1xf32, #tpu.memory_space<vmem>>, vector<128x1xf32>
    %dot_general3A_35 = arith.constant dense<0.000000e+00> : vector<1000x1xf32>
    %dot_general3A_36 = tpu.matmul %dot_general3A_5, %get3A_34, %dot_general3A_35 {dimension_numbers = #tpu.dot_dimension_numbers<[1], [0], [0], [1], [0, 0, 1, 1], [], []>, transpose_lhs_hint = false} : vector<1000x128xf32>, vector<128x1xf32>, vector<1000x1xf32> -> vector<1000x1xf32>
    %swap3A_37 = arith.constant 0 : index
    %swap3A_38 = arith.constant 0 : index
    %swap3A_39 = vector.load %arg12[%swap3A_37, %swap3A_38] : memref<1000x1xf32, #tpu.memory_space<vmem>>, vector<1000x1xf32>
    tpu.vector_store %arg12[%swap3A_37, %swap3A_38], %dot_general3A_36 {strides = array<i32>} : memref<1000x1xf32, #tpu.memory_space<vmem>>, vector<1000x1xf32>,
    %get3A_40 = arith.constant 0 : index
    %get3A_41 = arith.constant 0 : index
    %get3A_42 = vector.load %arg6[%get3A_40, %get3A_41] : memref<128x1xf32, #tpu.memory_space<vmem>>, vector<128x1xf32>
    %dot_general3A_43 = arith.constant dense<0.000000e+00> : vector<1000x1xf32>
    %dot_general3A_44 = tpu.matmul %dot_general3A_10, %get3A_42, %dot_general3A_43 {dimension_numbers = #tpu.dot_dimension_numbers<[1], [0], [0], [1], [0, 0, 1, 1], [], []>, transpose_lhs_hint = false} : vector<1000x128xf32>, vector<128x1xf32>, vector<1000x1xf32> -> vector<1000x1xf32>
    %swap3A_45 = arith.constant 0 : index
    %swap3A_46 = arith.constant 0 : index
    %swap3A_47 = vector.load %arg13[%swap3A_45, %swap3A_46] : memref<1000x1xf32, #tpu.memory_space<vmem>>, vector<1000x1xf32>
    tpu.vector_store %arg13[%swap3A_45, %swap3A_46], %dot_general3A_44 {strides = array<i32>} : memref<1000x1xf32, #tpu.memory_space<vmem>>, vector<1000x1xf32>,
    %get3A_48 = arith.constant 0 : index
    %get3A_49 = arith.constant 0 : index
    %get3A_50 = vector.load %arg7[%get3A_48, %get3A_49] : memref<128x1xf32, #tpu.memory_space<vmem>>, vector<128x1xf32>
    %dot_general3A_51 = arith.constant dense<0.000000e+00> : vector<1000x1xf32>
    %dot_general3A_52 = tpu.matmul %dot_general3A_15, %get3A_50, %dot_general3A_51 {dimension_numbers = #tpu.dot_dimension_numbers<[1], [0], [0], [1], [0, 0, 1, 1], [], []>, transpose_lhs_hint = false} : vector<1000x128xf32>, vector<128x1xf32>, vector<1000x1xf32> -> vector<1000x1xf32>
    %swap3A_53 = arith.constant 0 : index
    %swap3A_54 = arith.constant 0 : index
    %swap3A_55 = vector.load %arg14[%swap3A_53, %swap3A_54] : memref<1000x1xf32, #tpu.memory_space<vmem>>, vector<1000x1xf32>
    tpu.vector_store %arg14[%swap3A_53, %swap3A_54], %dot_general3A_52 {strides = array<i32>} : memref<1000x1xf32, #tpu.memory_space<vmem>>, vector<1000x1xf32>,
    %get3A_56 = arith.constant 0 : index
    %get3A_57 = arith.constant 0 : index
    %get3A_58 = vector.load %arg7[%get3A_56, %get3A_57] : memref<128x1xf32, #tpu.memory_space<vmem>>, vector<128x1xf32>
    %dot_general3A_59 = arith.constant dense<0.000000e+00> : vector<1000x1xf32>
    %dot_general3A_60 = tpu.matmul %dot_general3A_20, %get3A_58, %dot_general3A_59 {dimension_numbers = #tpu.dot_dimension_numbers<[1], [0], [0], [1], [0, 0, 1, 1], [], []>, transpose_lhs_hint = false} : vector<1000x128xf32>, vector<128x1xf32>, vector<1000x1xf32> -> vector<1000x1xf32>
    %swap3A_61 = arith.constant 0 : index
    %swap3A_62 = arith.constant 0 : index
    %swap3A_63 = vector.load %arg15[%swap3A_61, %swap3A_62] : memref<1000x1xf32, #tpu.memory_space<vmem>>, vector<1000x1xf32>
    tpu.vector_store %arg15[%swap3A_61, %swap3A_62], %dot_general3A_60 {strides = array<i32>} : memref<1000x1xf32, #tpu.memory_space<vmem>>, vector<1000x1xf32>,
    return
  }
  func.func @transform_0(%arg0: i32) -> (i32, i32) {
    %c0_i32 = arith.constant 0 : i32
    %c0_i32_0 = arith.constant 0 : i32
    return %arg0, %c0_i32 : i32, i32
  }
  func.func @transform_1(%arg0: i32) -> (i32, i32) {
    %c0_i32 = arith.constant 0 : i32
    %c0_i32_0 = arith.constant 0 : i32
    %c0_i32_1 = arith.constant 0 : i32
    return %c0_i32, %c0_i32_0 : i32, i32
  }
  func.func @transform_2(%arg0: i32) -> (i32, i32) {
    %c0_i32 = arith.constant 0 : i32
    %c0_i32_0 = arith.constant 0 : i32
    %c0_i32_1 = arith.constant 0 : i32
    return %c0_i32, %c0_i32_0 : i32, i32
  }
  func.func @transform_3(%arg0: i32) -> (i32, i32) {
    %c0_i32 = arith.constant 0 : i32
    %c0_i32_0 = arith.constant 0 : i32
    %c0_i32_1 = arith.constant 0 : i32
    return %c0_i32, %c0_i32_0 : i32, i32
  }
  func.func @transform_4(%arg0: i32) -> (i32, i32) {
    %c0_i32 = arith.constant 0 : i32
    %c0_i32_0 = arith.constant 0 : i32
    %c0_i32_1 = arith.constant 0 : i32
    return %c0_i32, %c0_i32_0 : i32, i32
  }
  func.func @transform_5(%arg0: i32) -> (i32, i32) {
    %c0_i32 = arith.constant 0 : i32
    %c0_i32_0 = arith.constant 0 : i32
    %c0_i32_1 = arith.constant 0 : i32
    return %c0_i32, %c0_i32_0 : i32, i32
  }
  func.func @transform_6(%arg0: i32) -> (i32, i32) {
    %c0_i32 = arith.constant 0 : i32
    %c0_i32_0 = arith.constant 0 : i32
    %c0_i32_1 = arith.constant 0 : i32
    return %c0_i32, %c0_i32_0 : i32, i32
  }
  func.func @transform_7(%arg0: i32) -> (i32, i32) {
    %c0_i32 = arith.constant 0 : i32
    %c0_i32_0 = arith.constant 0 : i32
    return %arg0, %c0_i32 : i32, i32
  }
  func.func @transform_8(%arg0: i32) -> (i32, i32) {
    %c0_i32 = arith.constant 0 : i32
    %c0_i32_0 = arith.constant 0 : i32
    return %arg0, %c0_i32 : i32, i32
  }
  func.func @transform_9(%arg0: i32) -> (i32, i32) {
    %c0_i32 = arith.constant 0 : i32
    %c0_i32_0 = arith.constant 0 : i32
    return %arg0, %c0_i32 : i32, i32
  }
  func.func @transform_10(%arg0: i32) -> (i32, i32) {
    %c0_i32 = arith.constant 0 : i32
    %c0_i32_0 = arith.constant 0 : i32
    return %arg0, %c0_i32 : i32, i32
  }
  func.func @transform_11(%arg0: i32) -> (i32, i32) {
    %c0_i32 = arith.constant 0 : i32
    %c0_i32_0 = arith.constant 0 : i32
    return %arg0, %c0_i32 : i32, i32
  }
  func.func @transform_12(%arg0: i32) -> (i32, i32) {
    %c0_i32 = arith.constant 0 : i32
    %c0_i32_0 = arith.constant 0 : i32
    return %arg0, %c0_i32 : i32, i32
  }
  func.func @transform_13(%arg0: i32) -> (i32, i32) {
    %c0_i32 = arith.constant 0 : i32
    %c0_i32_0 = arith.constant 0 : i32
    return %arg0, %c0_i32 : i32, i32
  }
  func.func @transform_14(%arg0: i32) -> (i32, i32) {
    %c0_i32 = arith.constant 0 : i32
    %c0_i32_0 = arith.constant 0 : i32
    return %arg0, %c0_i32 : i32, i32
  }
}

module attributes {stable_mosaic.version = 14 : i64} {
  func.func @_r2_body(%arg0: i32, %arg1: memref<16x16000xf32, #tpu.memory_space<vmem>>, %arg2: memref<4x16000xf32, #tpu.memory_space<vmem>>, %arg3: memref<128x16xf32, #tpu.memory_space<vmem>>, %arg4: memref<128x4xf32, #tpu.memory_space<vmem>>, %arg5: memref<1x128xf32, #tpu.memory_space<vmem>>, %arg6: memref<1x16000xf32, #tpu.memory_space<vmem>>) attributes {dimension_semantics = [#tpu.dimension_semantics<arbitrary>], iteration_bounds = array<i64: 10>, scalar_prefetch = 0 : i64, scratch_operands = 0 : i64, tpu.core_type = #tpu.core_type<tc>, window_params = [{transform_indices = @transform_0, window_bounds = array<i64: 16, 16000>}, {transform_indices = @transform_1, window_bounds = array<i64: 4, 16000>}, {pipeline_mode = #tpu.pipeline_mode<synchronous>, transform_indices = @transform_2, window_bounds = array<i64: 128, 16>}, {pipeline_mode = #tpu.pipeline_mode<synchronous>, transform_indices = @transform_3, window_bounds = array<i64: 128, 4>}, {pipeline_mode = #tpu.pipeline_mode<synchronous>, transform_indices = @transform_4, window_bounds = array<i64: 1, 128>}, {transform_indices = @transform_5, window_bounds = array<i64: 1, 16000>}]} {
    %get3A = arith.constant 0 : index
    %get3A_0 = arith.constant 0 : index
    %get3A_1 = vector.load %arg5[%get3A, %get3A_0] : memref<1x128xf32, #tpu.memory_space<vmem>>, vector<1x128xf32>
    %get3A_2 = arith.constant 0 : index
    %get3A_3 = arith.constant 0 : index
    %get3A_4 = vector.load %arg3[%get3A_2, %get3A_3] : memref<128x16xf32, #tpu.memory_space<vmem>>, vector<128x16xf32>
    %dot_general3A = arith.constant dense<0.000000e+00> : vector<1x16xf32>
    %dot_general3A_5 = tpu.matmul %get3A_1, %get3A_4, %dot_general3A {dimension_numbers = #tpu.dot_dimension_numbers<[1], [0], [0], [1], [0, 0, 1, 1], [], []>, transpose_lhs_hint = false} : vector<1x128xf32>, vector<128x16xf32>, vector<1x16xf32> -> vector<1x16xf32>
    %get3A_6 = arith.constant 0 : index
    %get3A_7 = arith.constant 0 : index
    %get3A_8 = vector.load %arg5[%get3A_6, %get3A_7] : memref<1x128xf32, #tpu.memory_space<vmem>>, vector<1x128xf32>
    %get3A_9 = arith.constant 0 : index
    %get3A_10 = arith.constant 0 : index
    %get3A_11 = vector.load %arg4[%get3A_9, %get3A_10] : memref<128x4xf32, #tpu.memory_space<vmem>>, vector<128x4xf32>
    %dot_general3A_12 = arith.constant dense<0.000000e+00> : vector<1x4xf32>
    %dot_general3A_13 = tpu.matmul %get3A_8, %get3A_11, %dot_general3A_12 {dimension_numbers = #tpu.dot_dimension_numbers<[1], [0], [0], [1], [0, 0, 1, 1], [], []>, transpose_lhs_hint = false} : vector<1x128xf32>, vector<128x4xf32>, vector<1x4xf32> -> vector<1x4xf32>
    %get3A_14 = arith.constant 0 : index
    %get3A_15 = arith.constant 0 : index
    %get3A_16 = vector.load %arg1[%get3A_14, %get3A_15] : memref<16x16000xf32, #tpu.memory_space<vmem>>, vector<16x16000xf32>
    %dot_general3A_17 = arith.constant dense<0.000000e+00> : vector<1x16000xf32>
    %dot_general3A_18 = tpu.matmul %dot_general3A_5, %get3A_16, %dot_general3A_17 {dimension_numbers = #tpu.dot_dimension_numbers<[1], [0], [0], [1], [0, 0, 1, 1], [], []>, transpose_lhs_hint = false} : vector<1x16xf32>, vector<16x16000xf32>, vector<1x16000xf32> -> vector<1x16000xf32>
    %get3A_19 = arith.constant 0 : index
    %get3A_20 = arith.constant 0 : index
    %get3A_21 = vector.load %arg2[%get3A_19, %get3A_20] : memref<4x16000xf32, #tpu.memory_space<vmem>>, vector<4x16000xf32>
    %dot_general3A_22 = arith.constant dense<0.000000e+00> : vector<1x16000xf32>
    %dot_general3A_23 = tpu.matmul %dot_general3A_13, %get3A_21, %dot_general3A_22 {dimension_numbers = #tpu.dot_dimension_numbers<[1], [0], [0], [1], [0, 0, 1, 1], [], []>, transpose_lhs_hint = false} : vector<1x4xf32>, vector<4x16000xf32>, vector<1x16000xf32> -> vector<1x16000xf32>
    %add3A = arith.addf %dot_general3A_18, %dot_general3A_23 : vector<1x16000xf32>
    %swap3A = arith.constant 0 : index
    %swap3A_24 = arith.constant 0 : index
    %swap3A_25 = vector.load %arg6[%swap3A, %swap3A_24] : memref<1x16000xf32, #tpu.memory_space<vmem>>, vector<1x16000xf32>
    tpu.vector_store %arg6[%swap3A, %swap3A_24], %add3A {strides = array<i32>} : memref<1x16000xf32, #tpu.memory_space<vmem>>, vector<1x16000xf32>,
    return
  }
  func.func @transform_0(%arg0: i32) -> (i32, i32) {
    %c0_i32 = arith.constant 0 : i32
    %c0_i32_0 = arith.constant 0 : i32
    return %c0_i32, %arg0 : i32, i32
  }
  func.func @transform_1(%arg0: i32) -> (i32, i32) {
    %c0_i32 = arith.constant 0 : i32
    %c0_i32_0 = arith.constant 0 : i32
    return %c0_i32, %arg0 : i32, i32
  }
  func.func @transform_2(%arg0: i32) -> (i32, i32) {
    %c0_i32 = arith.constant 0 : i32
    %c0_i32_0 = arith.constant 0 : i32
    %c0_i32_1 = arith.constant 0 : i32
    return %c0_i32, %c0_i32_0 : i32, i32
  }
  func.func @transform_3(%arg0: i32) -> (i32, i32) {
    %c0_i32 = arith.constant 0 : i32
    %c0_i32_0 = arith.constant 0 : i32
    %c0_i32_1 = arith.constant 0 : i32
    return %c0_i32, %c0_i32_0 : i32, i32
  }
  func.func @transform_4(%arg0: i32) -> (i32, i32) {
    %c0_i32 = arith.constant 0 : i32
    %c0_i32_0 = arith.constant 0 : i32
    %c0_i32_1 = arith.constant 0 : i32
    return %c0_i32, %c0_i32_0 : i32, i32
  }
  func.func @transform_5(%arg0: i32) -> (i32, i32) {
    %c0_i32 = arith.constant 0 : i32
    %c0_i32_0 = arith.constant 0 : i32
    return %c0_i32, %arg0 : i32, i32
  }
}

module attributes {stable_mosaic.version = 14 : i64} {
  func.func @_r1_body(%arg0: i32, %arg1: memref<16x16000xf32, #tpu.memory_space<vmem>>, %arg2: memref<128x16xf32, #tpu.memory_space<vmem>>, %arg3: memref<1x128xf32, #tpu.memory_space<vmem>>, %arg4: memref<1x16000xf32, #tpu.memory_space<vmem>>) attributes {dimension_semantics = [#tpu.dimension_semantics<arbitrary>], iteration_bounds = array<i64: 25>, scalar_prefetch = 0 : i64, scratch_operands = 0 : i64, tpu.core_type = #tpu.core_type<tc>, window_params = [{transform_indices = @transform_0, window_bounds = array<i64: 16, 16000>}, {pipeline_mode = #tpu.pipeline_mode<synchronous>, transform_indices = @transform_1, window_bounds = array<i64: 128, 16>}, {pipeline_mode = #tpu.pipeline_mode<synchronous>, transform_indices = @transform_2, window_bounds = array<i64: 1, 128>}, {transform_indices = @transform_3, window_bounds = array<i64: 1, 16000>}]} {
    %get3A = arith.constant 0 : index
    %get3A_0 = arith.constant 0 : index
    %get3A_1 = vector.load %arg3[%get3A, %get3A_0] : memref<1x128xf32, #tpu.memory_space<vmem>>, vector<1x128xf32>
    %get3A_2 = arith.constant 0 : index
    %get3A_3 = arith.constant 0 : index
    %get3A_4 = vector.load %arg2[%get3A_2, %get3A_3] : memref<128x16xf32, #tpu.memory_space<vmem>>, vector<128x16xf32>
    %dot_general3A = arith.constant dense<0.000000e+00> : vector<1x16xf32>
    %dot_general3A_5 = tpu.matmul %get3A_1, %get3A_4, %dot_general3A {dimension_numbers = #tpu.dot_dimension_numbers<[1], [0], [0], [1], [0, 0, 1, 1], [], []>, transpose_lhs_hint = false} : vector<1x128xf32>, vector<128x16xf32>, vector<1x16xf32> -> vector<1x16xf32>
    %get3A_6 = arith.constant 0 : index
    %get3A_7 = arith.constant 0 : index
    %get3A_8 = vector.load %arg1[%get3A_6, %get3A_7] : memref<16x16000xf32, #tpu.memory_space<vmem>>, vector<16x16000xf32>
    %dot_general3A_9 = arith.constant dense<0.000000e+00> : vector<1x16000xf32>
    %dot_general3A_10 = tpu.matmul %dot_general3A_5, %get3A_8, %dot_general3A_9 {dimension_numbers = #tpu.dot_dimension_numbers<[1], [0], [0], [1], [0, 0, 1, 1], [], []>, transpose_lhs_hint = false} : vector<1x16xf32>, vector<16x16000xf32>, vector<1x16000xf32> -> vector<1x16000xf32>
    %swap3A = arith.constant 0 : index
    %swap3A_11 = arith.constant 0 : index
    %swap3A_12 = vector.load %arg4[%swap3A, %swap3A_11] : memref<1x16000xf32, #tpu.memory_space<vmem>>, vector<1x16000xf32>
    tpu.vector_store %arg4[%swap3A, %swap3A_11], %dot_general3A_10 {strides = array<i32>} : memref<1x16000xf32, #tpu.memory_space<vmem>>, vector<1x16000xf32>,
    return
  }
  func.func @transform_0(%arg0: i32) -> (i32, i32) {
    %c0_i32 = arith.constant 0 : i32
    %c0_i32_0 = arith.constant 0 : i32
    return %c0_i32, %arg0 : i32, i32
  }
  func.func @transform_1(%arg0: i32) -> (i32, i32) {
    %c0_i32 = arith.constant 0 : i32
    %c0_i32_0 = arith.constant 0 : i32
    %c0_i32_1 = arith.constant 0 : i32
    return %c0_i32, %c0_i32_0 : i32, i32
  }
  func.func @transform_2(%arg0: i32) -> (i32, i32) {
    %c0_i32 = arith.constant 0 : i32
    %c0_i32_0 = arith.constant 0 : i32
    %c0_i32_1 = arith.constant 0 : i32
    return %c0_i32, %c0_i32_0 : i32, i32
  }
  func.func @transform_3(%arg0: i32) -> (i32, i32) {
    %c0_i32 = arith.constant 0 : i32
    %c0_i32_0 = arith.constant 0 : i32
    return %c0_i32, %arg0 : i32, i32
  }
}

module attributes {stable_mosaic.version = 14 : i64} {
  func.func @_final_body(%arg0: i32, %arg1: memref<1000x128xf32, #tpu.memory_space<vmem>>, %arg2: memref<1000x128xf32, #tpu.memory_space<vmem>>, %arg3: memref<1000x16xf32, #tpu.memory_space<vmem>>, %arg4: memref<1000x1xf32, #tpu.memory_space<vmem>>, %arg5: memref<16x128xf32, #tpu.memory_space<vmem>>, %arg6: memref<1000x128xf32, #tpu.memory_space<vmem>>, %arg7: memref<1000x128xf32, #tpu.memory_space<vmem>>, %arg8: memref<1000x16xf32, #tpu.memory_space<vmem>>, %arg9: memref<1000x4xf32, #tpu.memory_space<vmem>>, %arg10: memref<1000x1xf32, #tpu.memory_space<vmem>>, %arg11: memref<16x128xf32, #tpu.memory_space<vmem>>, %arg12: memref<4x128xf32, #tpu.memory_space<vmem>>, %arg13: memref<1000x128xf32, #tpu.memory_space<vmem>>, %arg14: memref<1000x128xf32, #tpu.memory_space<vmem>>) attributes {dimension_semantics = [#tpu.dimension_semantics<arbitrary>], iteration_bounds = array<i64: 10>, scalar_prefetch = 0 : i64, scratch_operands = 0 : i64, tpu.core_type = #tpu.core_type<tc>, window_params = [{transform_indices = @transform_0, window_bounds = array<i64: 1000, 128>}, {transform_indices = @transform_1, window_bounds = array<i64: 1000, 128>}, {transform_indices = @transform_2, window_bounds = array<i64: 1000, 16>}, {transform_indices = @transform_3, window_bounds = array<i64: 1000, 1>}, {pipeline_mode = #tpu.pipeline_mode<synchronous>, transform_indices = @transform_4, window_bounds = array<i64: 16, 128>}, {transform_indices = @transform_5, window_bounds = array<i64: 1000, 128>}, {transform_indices = @transform_6, window_bounds = array<i64: 1000, 128>}, {transform_indices = @transform_7, window_bounds = array<i64: 1000, 16>}, {transform_indices = @transform_8, window_bounds = array<i64: 1000, 4>}, {transform_indices = @transform_9, window_bounds = array<i64: 1000, 1>}, {pipeline_mode = #tpu.pipeline_mode<synchronous>, transform_indices = @transform_10, window_bounds = array<i64: 16, 128>}, {pipeline_mode = #tpu.pipeline_mode<synchronous>, transform_indices = @transform_11, window_bounds = array<i64: 4, 128>}, {transform_indices = @transform_12, window_bounds = array<i64: 1000, 128>}, {transform_indices = @transform_13, window_bounds = array<i64: 1000, 128>}]} {
    %get3A = arith.constant 0 : index
    %get3A_0 = arith.constant 0 : index
    %get3A_1 = vector.load %arg4[%get3A, %get3A_0] : memref<1000x1xf32, #tpu.memory_space<vmem>>, vector<1000x1xf32>
    %get3A_2 = arith.constant 0 : index
    %get3A_3 = arith.constant 0 : index
    %get3A_4 = vector.load %arg1[%get3A_2, %get3A_3] : memref<1000x128xf32, #tpu.memory_space<vmem>>, vector<1000x128xf32>
    %mul3A = vector.broadcast %get3A_1 : vector<1000x1xf32> to vector<1000x128xf32>
    %mul3A_5 = arith.mulf %mul3A, %get3A_4 : vector<1000x128xf32>
    %get3A_6 = arith.constant 0 : index
    %get3A_7 = arith.constant 0 : index
    %get3A_8 = vector.load %arg2[%get3A_6, %get3A_7] : memref<1000x128xf32, #tpu.memory_space<vmem>>, vector<1000x128xf32>
    %add3A = arith.addf %mul3A_5, %get3A_8 : vector<1000x128xf32>
    %get3A_9 = arith.constant 0 : index
    %get3A_10 = arith.constant 0 : index
    %get3A_11 = vector.load %arg3[%get3A_9, %get3A_10] : memref<1000x16xf32, #tpu.memory_space<vmem>>, vector<1000x16xf32>
    %get3A_12 = arith.constant 0 : index
    %get3A_13 = arith.constant 0 : index
    %get3A_14 = vector.load %arg5[%get3A_12, %get3A_13] : memref<16x128xf32, #tpu.memory_space<vmem>>, vector<16x128xf32>
    %dot_general3A = arith.constant dense<0.000000e+00> : vector<1000x128xf32>
    %dot_general3A_15 = tpu.matmul %get3A_11, %get3A_14, %dot_general3A {dimension_numbers = #tpu.dot_dimension_numbers<[1], [0], [0], [1], [0, 0, 1, 1], [], []>, transpose_lhs_hint = false} : vector<1000x16xf32>, vector<16x128xf32>, vector<1000x128xf32> -> vector<1000x128xf32>
    %add3A_16 = arith.addf %add3A, %dot_general3A_15 : vector<1000x128xf32>
    %eq3A = arith.constant 0.000000e+00 : f32
    %eq3A_17 = vector.broadcast %eq3A : f32 to vector<1000x1xf32>
    %eq3A_18 = arith.cmpf oeq, %get3A_1, %eq3A_17 : vector<1000x1xf32>
    %jit3A = arith.constant 9.99999996E-13 : f32
    %broadcast_in_dim3A = vector.broadcast %jit3A : f32 to vector<1000x1xf32>
    %select_n3A = arith.select %eq3A_18, %broadcast_in_dim3A, %get3A_1 : vector<1000x1xi1>, vector<1000x1xf32>
    %div3A = vector.broadcast %select_n3A : vector<1000x1xf32> to vector<1000x128xf32>
    %div3A_19 = arith.divf %add3A_16, %div3A : vector<1000x128xf32>
    %gt3A = arith.constant 0.000000e+00 : f32
    %gt3A_20 = vector.broadcast %gt3A : f32 to vector<1000x128xf32>
    %gt3A_21 = arith.cmpf ogt, %div3A_19, %gt3A_20 : vector<1000x128xf32>
    %exp3A = math.exp %div3A_19 : vector<1000x128xf32>
    %sub3A = arith.constant 1.000000e+00 : f32
    %sub3A_22 = vector.broadcast %sub3A : f32 to vector<1000x128xf32>
    %sub3A_23 = arith.subf %exp3A, %sub3A_22 : vector<1000x128xf32>
    %select_n3A_24 = arith.select %gt3A_21, %div3A_19, %sub3A_23 : vector<1000x128xi1>, vector<1000x128xf32>
    %swap3A = arith.constant 0 : index
    %swap3A_25 = arith.constant 0 : index
    %swap3A_26 = vector.load %arg13[%swap3A, %swap3A_25] : memref<1000x128xf32, #tpu.memory_space<vmem>>, vector<1000x128xf32>
    tpu.vector_store %arg13[%swap3A, %swap3A_25], %select_n3A_24 {strides = array<i32>} : memref<1000x128xf32, #tpu.memory_space<vmem>>, vector<1000x128xf32>,
    %get3A_27 = arith.constant 0 : index
    %get3A_28 = arith.constant 0 : index
    %get3A_29 = vector.load %arg10[%get3A_27, %get3A_28] : memref<1000x1xf32, #tpu.memory_space<vmem>>, vector<1000x1xf32>
    %get3A_30 = arith.constant 0 : index
    %get3A_31 = arith.constant 0 : index
    %get3A_32 = vector.load %arg6[%get3A_30, %get3A_31] : memref<1000x128xf32, #tpu.memory_space<vmem>>, vector<1000x128xf32>
    %mul3A_33 = vector.broadcast %get3A_29 : vector<1000x1xf32> to vector<1000x128xf32>
    %mul3A_34 = arith.mulf %mul3A_33, %get3A_32 : vector<1000x128xf32>
    %get3A_35 = arith.constant 0 : index
    %get3A_36 = arith.constant 0 : index
    %get3A_37 = vector.load %arg7[%get3A_35, %get3A_36] : memref<1000x128xf32, #tpu.memory_space<vmem>>, vector<1000x128xf32>
    %add3A_38 = arith.addf %mul3A_34, %get3A_37 : vector<1000x128xf32>
    %get3A_39 = arith.constant 0 : index
    %get3A_40 = arith.constant 0 : index
    %get3A_41 = vector.load %arg8[%get3A_39, %get3A_40] : memref<1000x16xf32, #tpu.memory_space<vmem>>, vector<1000x16xf32>
    %get3A_42 = arith.constant 0 : index
    %get3A_43 = arith.constant 0 : index
    %get3A_44 = vector.load %arg11[%get3A_42, %get3A_43] : memref<16x128xf32, #tpu.memory_space<vmem>>, vector<16x128xf32>
    %dot_general3A_45 = arith.constant dense<0.000000e+00> : vector<1000x128xf32>
    %dot_general3A_46 = tpu.matmul %get3A_41, %get3A_44, %dot_general3A_45 {dimension_numbers = #tpu.dot_dimension_numbers<[1], [0], [0], [1], [0, 0, 1, 1], [], []>, transpose_lhs_hint = false} : vector<1000x16xf32>, vector<16x128xf32>, vector<1000x128xf32> -> vector<1000x128xf32>
    %add3A_47 = arith.addf %add3A_38, %dot_general3A_46 : vector<1000x128xf32>
    %get3A_48 = arith.constant 0 : index
    %get3A_49 = arith.constant 0 : index
    %get3A_50 = vector.load %arg9[%get3A_48, %get3A_49] : memref<1000x4xf32, #tpu.memory_space<vmem>>, vector<1000x4xf32>
    %get3A_51 = arith.constant 0 : index
    %get3A_52 = arith.constant 0 : index
    %get3A_53 = vector.load %arg12[%get3A_51, %get3A_52] : memref<4x128xf32, #tpu.memory_space<vmem>>, vector<4x128xf32>
    %dot_general3A_54 = arith.constant dense<0.000000e+00> : vector<1000x128xf32>
    %dot_general3A_55 = tpu.matmul %get3A_50, %get3A_53, %dot_general3A_54 {dimension_numbers = #tpu.dot_dimension_numbers<[1], [0], [0], [1], [0, 0, 1, 1], [], []>, transpose_lhs_hint = false} : vector<1000x4xf32>, vector<4x128xf32>, vector<1000x128xf32> -> vector<1000x128xf32>
    %add3A_56 = arith.addf %add3A_47, %dot_general3A_55 : vector<1000x128xf32>
    %eq3A_57 = arith.constant 0.000000e+00 : f32
    %eq3A_58 = vector.broadcast %eq3A_57 : f32 to vector<1000x1xf32>
    %eq3A_59 = arith.cmpf oeq, %get3A_29, %eq3A_58 : vector<1000x1xf32>
    %jit3A_60 = arith.constant 9.99999996E-13 : f32
    %broadcast_in_dim3A_61 = vector.broadcast %jit3A_60 : f32 to vector<1000x1xf32>
    %select_n3A_62 = arith.select %eq3A_59, %broadcast_in_dim3A_61, %get3A_29 : vector<1000x1xi1>, vector<1000x1xf32>
    %div3A_63 = vector.broadcast %select_n3A_62 : vector<1000x1xf32> to vector<1000x128xf32>
    %div3A_64 = arith.divf %add3A_56, %div3A_63 : vector<1000x128xf32>
    %gt3A_65 = arith.constant 0.000000e+00 : f32
    %gt3A_66 = vector.broadcast %gt3A_65 : f32 to vector<1000x128xf32>
    %gt3A_67 = arith.cmpf ogt, %div3A_64, %gt3A_66 : vector<1000x128xf32>
    %exp3A_68 = math.exp %div3A_64 : vector<1000x128xf32>
    %sub3A_69 = arith.constant 1.000000e+00 : f32
    %sub3A_70 = vector.broadcast %sub3A_69 : f32 to vector<1000x128xf32>
    %sub3A_71 = arith.subf %exp3A_68, %sub3A_70 : vector<1000x128xf32>
    %select_n3A_72 = arith.select %gt3A_67, %div3A_64, %sub3A_71 : vector<1000x128xi1>, vector<1000x128xf32>
    %swap3A_73 = arith.constant 0 : index
    %swap3A_74 = arith.constant 0 : index
    %swap3A_75 = vector.load %arg14[%swap3A_73, %swap3A_74] : memref<1000x128xf32, #tpu.memory_space<vmem>>, vector<1000x128xf32>
    tpu.vector_store %arg14[%swap3A_73, %swap3A_74], %select_n3A_72 {strides = array<i32>} : memref<1000x128xf32, #tpu.memory_space<vmem>>, vector<1000x128xf32>,
    return
  }
  func.func @transform_0(%arg0: i32) -> (i32, i32) {
    %c0_i32 = arith.constant 0 : i32
    %c0_i32_0 = arith.constant 0 : i32
    return %arg0, %c0_i32 : i32, i32
  }
  func.func @transform_1(%arg0: i32) -> (i32, i32) {
    %c0_i32 = arith.constant 0 : i32
    %c0_i32_0 = arith.constant 0 : i32
    return %arg0, %c0_i32 : i32, i32
  }
  func.func @transform_2(%arg0: i32) -> (i32, i32) {
    %c0_i32 = arith.constant 0 : i32
    %c0_i32_0 = arith.constant 0 : i32
    return %arg0, %c0_i32 : i32, i32
  }
  func.func @transform_3(%arg0: i32) -> (i32, i32) {
    %c0_i32 = arith.constant 0 : i32
    %c0_i32_0 = arith.constant 0 : i32
    return %arg0, %c0_i32 : i32, i32
  }
  func.func @transform_4(%arg0: i32) -> (i32, i32) {
    %c0_i32 = arith.constant 0 : i32
    %c0_i32_0 = arith.constant 0 : i32
    %c0_i32_1 = arith.constant 0 : i32
    return %c0_i32, %c0_i32_0 : i32, i32
  }
  func.func @transform_5(%arg0: i32) -> (i32, i32) {
    %c0_i32 = arith.constant 0 : i32
    %c0_i32_0 = arith.constant 0 : i32
    return %arg0, %c0_i32 : i32, i32
  }
  func.func @transform_6(%arg0: i32) -> (i32, i32) {
    %c0_i32 = arith.constant 0 : i32
    %c0_i32_0 = arith.constant 0 : i32
    return %arg0, %c0_i32 : i32, i32
  }
  func.func @transform_7(%arg0: i32) -> (i32, i32) {
    %c0_i32 = arith.constant 0 : i32
    %c0_i32_0 = arith.constant 0 : i32
    return %arg0, %c0_i32 : i32, i32
  }
  func.func @transform_8(%arg0: i32) -> (i32, i32) {
    %c0_i32 = arith.constant 0 : i32
    %c0_i32_0 = arith.constant 0 : i32
    return %arg0, %c0_i32 : i32, i32
  }
  func.func @transform_9(%arg0: i32) -> (i32, i32) {
    %c0_i32 = arith.constant 0 : i32
    %c0_i32_0 = arith.constant 0 : i32
    return %arg0, %c0_i32 : i32, i32
  }
  func.func @transform_10(%arg0: i32) -> (i32, i32) {
    %c0_i32 = arith.constant 0 : i32
    %c0_i32_0 = arith.constant 0 : i32
    %c0_i32_1 = arith.constant 0 : i32
    return %c0_i32, %c0_i32_0 : i32, i32
  }
  func.func @transform_11(%arg0: i32) -> (i32, i32) {
    %c0_i32 = arith.constant 0 : i32
    %c0_i32_0 = arith.constant 0 : i32
    %c0_i32_1 = arith.constant 0 : i32
    return %c0_i32, %c0_i32_0 : i32, i32
  }
  func.func @transform_12(%arg0: i32) -> (i32, i32) {
    %c0_i32 = arith.constant 0 : i32
    %c0_i32_0 = arith.constant 0 : i32
    return %arg0, %c0_i32 : i32, i32
  }
  func.func @transform_13(%arg0: i32) -> (i32, i32) {
    %c0_i32 = arith.constant 0 : i32
    %c0_i32_0 = arith.constant 0 : i32
    return %arg0, %c0_i32 : i32, i32
  }
}

</mosaic_0001>

<sc_bundles>
// kernel: kernel.11.cloned.1.call-start
scs
__scs_entry_jumppad:
0x0: {  	(pc) =	sbr.rel $0x88, $3  }
0x1: {  	(tag) =	ssettag $0x0;
	lr =	simm.s32 $0x1  }
0x2: {  	[smem:$0x3F95] =	sst lr;
	_ =	strace $0xD0000000  }
0x3: {  	_ = 	snop  }
0x4: {  	_ = 	snop  }
0x5: {  	_ = 	snop  }
0x6: {  	_ = 	snop  }
0x7: {  	_ = 	snop  }
__scs_overlays_trampoline_lowered:
0x8: {  	[smem:$0x3FA4] =	sst s0  }
0x9: {  	[smem:$0x3FA5] =	sst s1  }
0xa: {  	[smem:$0x3FA6] =	sst s2  }
0xb: {  	[smem:$0x3FA7] =	sst s3  }
0xc: {  	[smem:$0x3FA8] =	sst s4  }
0xd: {  	[smem:$0x3FA9] =	sst s5  }
0xe: {  	[smem:$0x3FAA] =	sst s6  }
0xf: {  	[smem:$0x3FAB] =	sst s7  }
0x10: {  	[smem:$0x3FAC] =	sst s8  }
0x11: {  	[smem:$0x3FAD] =	sst s9;
	s0 =	simm.s32 @!p0 $0x0  }
0x12: {  	s1 =	sld [smem:$0x3F93];
	s0 =	simm.s32 @p0 $0x1  }
0x13: {  	[smem:$0x3FAE] =	sst s0;
	s0 =	simm.s32 @!p1 $0x0  }
0x14: {  	s2 =	sld [smem:$0x3F92];
	s0 =	simm.s32 @p1 $0x1  }
0x15: {  	[smem:$0x3FAF] =	sst s0;
	s0 =	simm.s32 @!p2 $0x0  }
0x16: {  	s3 =	sld [smem:$0x3FDB];
	s0 =	simm.s32 @p2 $0x1  }
0x17: {  	s4 =	simm.s32 $0x1BF5;
	[smem:$0x3FB1] =	sst s0  }
0x18: {  	s0 =	sld [smem:$0x3F94];
	_ =	swait.ge [sflag:s4], $0x0  }
0x19: {  	s7 =	sld [smem:$0x3F95]  }
0x1a: {  	s8 =	sadd.s32 $0xFFFFE003, lr  }
0x1b: {  	s9 =	sadd.s32 $0xFFFFFEF7, lr;
	s5 =	simm.s32 $0xFFFFFFFF;
	p2 =	slt.u32 s8, $0xFFFFF086  }
0x1c: {  	p1 =	slt.u32 s9, $0xF7A;
	s5 =	simm.s32 @!p2 $0x0  }
0x1d: {  	s5 =	simm.s32 @p1 $0x1;
	p0 =	seq.s32 s7, s2  }
0x1e: {  	s7 =	smul.u32 @!p0 $0xF7A, s2;
	p2 =	seq.s32 @!p0 s5, $0x0  }
0x1f: {  	s9 =	smul.u32 $0xF7A, s1;
	s8 =	simm.s32 @!p0 $0x1BF5;
	p2 =	por !p2, p0  }
0x20: {  	[sflag:s8] =	ssyncset.s32 @!p0 $0xFFFFF086;
	s6 =	sadd.s32 @!p0 s3, s7;
	s7 =	simm.s32 @!p0 $0x108  }
0x21: {  	s3 =	sadd.s32 s3, s9;
	s6 =	sadd.s32 @!p0 $0x88, s6;
	s7 =	simm.s32 @p2 $0x1082  }
0x22: {  	[simem:s7], [sflag:s8] =	dma.local @!p0 [hbm:s6], $0xF7A  }
0x23: {  	s9 =	sor.u32 $0xD0000000, s2;
	s6 =	simm.s32 $0x108;
	_ =	swait.ge @!p0 [sflag:s8], $0x0  }
0x24: {  	s3 =	sadd.s32 $0x88, s3;
	s6 =	simm.s32 @!p1 $0x1082;
	[sflag:s4] =	ssyncset.s32 $0xFFFFF086  }
0x25: {  	[simem:s6], [sflag:s4] =	dma.local [hbm:s3], $0xF7A  }
0x26: {  	[smem:$0x3F95] =	sst s1;
	(tag) =	ssettag s2;
	_ =	strace s9  }
0x27: {  	s1 =	sld [smem:$0x3FA5]  }
0x28: {  	s2 =	sld [smem:$0x3FA6]  }
0x29: {  	s4 =	sld [smem:$0x3FA8]  }
0x2a: {  	p0 =	seq.s32 s5, $0x0;
	s5 =	sld [smem:$0x3FA9]  }
0x2b: {  	s6 =	sld [smem:$0x3FAA]  }
0x2c: {  	s7 =	sld [smem:$0x3FAB]  }
0x2d: {  	s3 =	simm.s32 $0x108;
	s8 =	sld [smem:$0x3FAC]  }
0x2e: {  	s3 =	simm.s32 @!p0 $0x1082;
	s9 =	sld [smem:$0x3FAD]  }
0x2f: {  	lr =	sadd.s32 s0, s3;
	s0 =	sld [smem:$0x3FA4]  }
0x30: {  	s3 =	sld [smem:$0x3FA7]  }
0x31: {  	[smem:$0x3FB0] =	sst s10  }
0x32: {  	s10 =	sld [smem:$0x3FAE];
	_ =	sdelay $0x3  }
0x33: {  	p0 =	seq.s32 s10, $0x1;
	s10 =	sld [smem:$0x3FB0];
	_ =	sdelay $0x3  }
0x34: {  	[smem:$0x3FB0] =	sst s10  }
0x35: {  	s10 =	sld [smem:$0x3FAF];
	_ =	sdelay $0x3  }
0x36: {  	p1 =	seq.s32 s10, $0x1;
	s10 =	sld [smem:$0x3FB0];
	_ =	sdelay $0x3  }
0x37: {  	[smem:$0x3FB0] =	sst s10  }
0x38: {  	s10 =	sld [smem:$0x3FB1]  }
0x39: {  	_ = 	snop;
	(pc) =	sbr.ind lr, $3  }
0x3a: {  	_ = 	snop  }
0x3b: {  	_ = 	snop  }
0x3c: {  	p2 =	seq.s32 s10, $0x1;
	s10 =	sld [smem:$0x3FB0]  }
0x3d: {  	_ =	shalt  }
0x3e: {  	_ =	shalt  }
0x3f: {  	_ =	shalt  }
0x40: {  	_ =	shalt  }
0x41: {  	_ =	shalt  }
0x42: {  	_ =	shalt  }
0x43: {  	_ =	shalt  }
0x44: {  	_ =	shalt  }
0x45: {  	_ =	shalt  }
0x46: {  	_ =	shalt  }
0x47: {  	_ =	shalt  }
0x48: {  	_ =	shalt  }
0x49: {  	_ =	shalt  }
0x4a: {  	_ =	shalt  }
0x4b: {  	_ =	shalt  }
0x4c: {  	_ =	shalt  }
0x4d: {  	_ =	shalt  }
0x4e: {  	_ =	shalt  }
0x4f: {  	_ =	shalt  }
0x50: {  	_ =	shalt  }
0x51: {  	_ =	shalt  }
0x52: {  	_ =	shalt  }
0x53: {  	_ =	shalt  }
0x54: {  	_ =	shalt  }
0x55: {  	_ =	shalt  }
0x56: {  	_ =	shalt  }
0x57: {  	_ =	shalt  }
0x58: {  	_ =	shalt  }
0x59: {  	_ =	shalt  }
0x5a: {  	_ =	shalt  }
0x5b: {  	_ =	shalt  }
0x5c: {  	_ =	shalt  }
0x5d: {  	_ =	shalt  }
0x5e: {  	_ =	shalt  }
0x5f: {  	_ =	shalt  }
0x60: {  	_ =	shalt  }
0x61: {  	_ =	shalt  }
0x62: {  	_ =	shalt  }
0x63: {  	_ =	shalt  }
0x64: {  	_ =	shalt  }
0x65: {  	_ =	shalt  }
0x66: {  	_ =	shalt  }
0x67: {  	_ =	shalt  }
0x68: {  	_ =	shalt  }
0x69: {  	_ =	shalt  }
0x6a: {  	_ =	shalt  }
0x6b: {  	_ =	shalt  }
0x6c: {  	_ =	shalt  }
0x6d: {  	_ =	shalt  }
0x6e: {  	_ =	shalt  }
0x6f: {  	_ =	shalt  }
0x70: {  	_ =	shalt  }
0x71: {  	_ =	shalt  }
0x72: {  	_ =	shalt  }
0x73: {  	_ =	shalt  }
0x74: {  	_ =	shalt  }
0x75: {  	_ =	shalt  }
0x76: {  	_ =	shalt  }
0x77: {  	_ =	shalt  }
0x78: {  	_ =	shalt  }
0x79: {  	_ =	shalt  }
0x7a: {  	_ =	shalt  }
0x7b: {  	_ =	shalt  }
0x7c: {  	_ =	shalt  }
0x7d: {  	_ =	shalt  }
0x7e: {  	_ =	shalt  }
0x7f: {  	_ =	shalt  }
0x80: {  	_ =	shalt  }
0x81: {  	_ =	shalt  }
0x82: {  	_ =	shalt  }
0x83: {  	_ =	shalt  }
0x84: {  	_ =	shalt  }
0x85: {  	_ =	shalt  }
0x86: {  	_ =	shalt  }
0x87: {  	_ =	shalt  }
.Lfunc_end0:
.L_simem_size_0:
called_computation.1_lowered:
.L_overlay_start_0:
0x88: {  	s2 =	sld [smem:$0x3FD9]  }
0x89: {  	s3 =	sld [smem:$0x3FFE];
	_ =	sdelay $0x1  }
0x8a: {  	s1 =	srdreg.scid  }
0x8b: {  	s0 =	sand.u32 $0x1, s1  }
0x8c: {  	s14 =	sshll.u32 s0, $0xA;
	s2 =	sadd.s32 s3, s2  }
0x8d: {  	s2 =	sadd.s32 s2, s14  }
0x8e: {  	[smem:$0x3FBC] =	sst s2  }
0x8f: {  	_ = 	snop  }
0x90: {  	s2 =	sld [smem:$0x3FD0];
	_ =	sdelay $0x2  }
0x91: {  	s15 =	simm.s32 $0xA;
	s4 =	simm.s32 $0x10  }
0x92: {  	[smem:s4], [sflag:s15] =	dma.local [hbm:s2], $0x1  }
0x93: {  	_ =	swait.eq [sflag:s15], $0x1  }
0x94: {  	[sflag:s15] =	ssyncset.done $0x0  }
0x95: {  	s16 =	sld [smem:$0x10];
	[sflag:s15] =	ssyncadd.s32 $0xFFFFFFFF  }
0x96: {  	s17 =	sld [smem:$0x11];
	(tm) =	ssettm $0x1  }
0x97: {  	s18 =	sld [smem:$0x3FFB];
	_ =	sdelay $0x3  }
0x98: {  	_ =	strace s18  }
0x99: {  	s4 =	sld [smem:$0x3FFC];
	_ =	sdelay $0x3  }
0x9a: {  	_ =	strace s4  }
0x9b: {  	s4 =	sld [smem:$0x3FFD];
	_ =	sdelay $0x3  }
0x9c: {  	_ =	strace s4  }
0x9d: {  	_ =	strace $0x8FFFFFFF  }
0x9e: {  	s19 =	sld [smem:$0x3FDB];
	_ =	sdelay $0x1  }
0x9f: {  	s5 =	simm.s32 $_scs_section_size  }
0xa0: {  	s6 =	simm.s32 $_size__tile_overlayer_lowered;
	s7 =	simm.s32 $_tile_overlayer_lowered  }
0xa1: {  	s22 =	simm.s32 $0x1BFF;
	s21 =	sshll.u32 s7, $0x1;
	s4 =	sadd.s32 s5, s19  }
0xa2: {  	s8 =	simm.s32 $0x0;
	s20 =	sshll.u32 s6, $0x1;
	s6 =	sadd.s32 s21, s4  }
0xa3: {  	[timem:s8], [sflag:s22] =	dma.local [hbm:s6], s20  }
0xa4: {  	_ =	swait.ge [sflag:s22], s20  }
0xa5: {  	s5 =	ssub.s32 $0x0, s20;
	[sflag:s22] =	ssyncset.done $0x0  }
0xa6: {  	[sflag:s22] =	ssyncadd.s32 s5;
	_ =	sdelay $0x1  }
0xa7: {  	s23 =	simm.s32 $0x1B8B  }
0xa8: {  	_ =	swait.ge [sflag:s23], $0x1  }
0xa9: {  	[sflag:s23] =	ssyncset.done $0x0  }
0xaa: {  	s25 =	simm.s32 $0x1B8E;
	s24 =	sld [smem:$0x3FFE];
	[sflag:s23] =	ssyncadd.s32 $0xFFFFFFFF  }
0xab: {  	s26 =	simm.s32 $execute0_lowered;
	[smem:$0x3FD2] =	sst s25  }
0xac: {  	s6 =	sshll.u32 s26, $0x1;
	_ =	strace $0x80000049;
	[dreg:$0x1] =	wrdreg $0xFFFFFFFF  }
0xad: {  	s28 =	simm.s32 $_size_execute0_lowered;
	s4 =	sadd.s32 s4, s6;
	[dreg:$0x0] =	wrdreg $0x0  }
0xae: {  	s6 =	sshll.u32 s28, $0x1;
	[dreg:$0x2] =	wrdreg s4  }
0xaf: {  	[dreg:$0x3] =	wrdreg s6  }
0xb0: {  	[dreg:$0x4] =	wrdreg $0xC0  }
0xb1: {  	_ =	task [dreg:s8], $0x5FFFF  }
0xb2: {  	[dreg:$0x1] =	wrdreg $0xFFFFFFFF  }
0xb3: {  	[dreg:$0x0] =	wrdreg $0x60  }
0xb4: {  	[dreg:$0x2] =	wrdreg s24  }
0xb5: {  	[dreg:$0x3] =	wrdreg s17  }
0xb6: {  	[dreg:$0x4] =	wrdreg s16  }
0xb7: {  	[dreg:$0x5] =	wrdreg $0x9  }
0xb8: {  	_ =	task.clear_ibuf [dreg:s8], $0x6FFFF;
	_ =	strace $0x90000049  }
0xb9: {  	s29 =	simm.s32 $0x9;
	_ =	strace $0x8000004B  }
0xba: {  	_ =	swait.ge [sflag:s29], $0x1  }
0xbb: {  	[sflag:s29] =	ssyncadd.s32 $0xFFFFFFFF  }
0xbc: {  	_ =	strace $0x9000004B  }
0xbd: {  	_ =	sfence  }
0xbe: {  	s30 =	sld [smem:$0x0];
	_ =	sdelay $0x2  }
0xbf: {  	s31 =	sshll.u32 s1, $0xD;
	s1 =	sshrl.u32 s1, $0x2  }
0xc0: {  	s3 =	sand.u32 $0x4000, s31;
	s1 =	sadd.s32 s1, s30  }
0xc1: {  	s0 =	sor.u32 s3, s0;
	s1 =	sshll.u32 s1, $0x11  }
0xc2: {  	s0 =	sor.u32 s1, s0  }
0xc3: {  	s0 =	sadd.s32 $0x8F2B, s0  }
0xc4: {  	[sflag:s0] =	ssyncadd.remote.s32 $0x1  }
0xc5: {  	_ =	sfence.sel $0xFFFF  }
0xc6: {  	[dreg:$0x0] =	wrdreg $0xFFFFFFFF;
	(pc) =	sbr.abs _section_cstart, $3  }
0xc7: {  	[dreg:$0x1] =	wrdreg $0xFFFFFFFF  }
0xc8: {  	_ =	task.clear_ibuf [dreg:s8], $0x2FFFF;
	_ =	strace $0x9FFFFFFF  }
0xc9: {  	(tm) =	ssettm $0x7FFFFFFF  }
tec
execute0_lowered:
.L_overlay_start_1:
0x0: {  	(tag) =	ssettag $0x1  }
0x1: {  	s0 =	rddreg [dreg:$0x0]  }
0x2: {  	s11 =	rddreg [dreg:$0x1]  }
0x3: {  	s14 =	rddreg [dreg:$0x2];
	s1 =	simm.s32 $0x0  }
0x4: {  	s6 =	srdreg.scid;
	s2 =	stileid.u32;
	s29 =	simm.s32 $0x2  }
0x5: {  	s30 =	simm.s32 $0x6;
	s31 =	simm.s32 $0x0;
	[smem:$0x7FF] =	sst s1  }
0x6: {  	s3 =	sadd.s32 $0x1E000, s0;
	s4 =	sadd.s32 $0x2A400, s0;
	s5 =	sadd.s32 $0x36800, s0  }
0x7: {  	s12 =	sand.u32 $0x1, s6;
	s7 =	sshll.u32 s2, $0x1;
	s6 =	sadd.s32 $0x161E00, s0  }
0x8: {  	s13 =	sshrl.u32 s2, $0x2;
	s8 =	sadd.s32 $0x14000, s0;
	s10 =	sadd.s32 $0x9E800, s0  }
0x9: {  	s21 =	sadd.s32 $0x47C00, s0;
	p2 =	slt.u32 s2, $0x8;
	_ =	strace $0x8000004A  }
0xa: {  	s15 =	sor.u32 s12, s7;
	s7 =	sadd.s32 $0x19000, s0;
	s16 =	smul.u32 $0x4E400, s13  }
0xb: {  	s18 =	smul.u32 $0x13C00, s13;
	s12 =	ssub.s32 $0x2, s12;
	[dreg:$0x4] =	wrdreg s21  }
0xc: {  	s13 =	smul.u32 $0x27400, s13;
	s9 =	sshll.u32 s15, $0x7;
	s19 =	sadd.s32 $0xFFFFFFEF, s15  }
0xd: {  	s26 =	sshrl.u32 s12, $0x1;
	p0 =	seq.s32 s15, $0x10;
	p5 =	slt.u32 s15, $0x11  }
0xe: {  	p1 =	sne.s32 s15, $0x10;
	p6 =	slt.u32 s15, $0x15;
	s17 =	sand.u32 $0x380, s9  }
0xf: {  	s9 =	sadd.s32 $0x42C00, s0;
	s20 =	sshll.u32 s19, $0x4;
	s21 =	ssub.s32 s12, s26  }
0x10: {  	s12 =	smul.u32 $0x61A80, s15;
	p3 =	slt.u32 s19, $0x4;
	p4 =	por !p6, !p1  }
0x11: {  	s16 =	sor.u32 s16, s17;
	s18 =	sor.u32 s18, s17;
	s20 =	sadd.s32 s20, s0  }
0x12: {  	s13 =	sor.u32 s13, s17;
	s17 =	smul.u32 $0x27100, s15;
	s16 =	sshrl.u32 s16, $0x3  }
0x13: {  	s18 =	sshrl.u32 s18, $0x3;
	s22 =	sshrl.u32 s13, $0x3;
	s23 =	sshrl.u32 s12, $0x3  }
0x14: {  	s26 =	sadd.s32 $0x4D600, s20;
	s16 =	sadd.s32 s16, s0;
	s18 =	sadd.s32 s18, s0  }
0x15: {  	s13 =	sadd.s32 $0xFFFD8F00, s17;
	s11 =	sadd.s32 s11, s22;
	[dreg:$0xd] =	wrdreg s26  }
0x16: {  	s28 =	sadd.s32 s6, s23;
	s0 =	sadd.s32 $0x47C10, s0;
	[dreg:$0x5] =	wrdreg s11  }
0x17: {  	[dreg:$0x6] =	wrdreg s28;
	s13 =	simm.s32 @!p3 $0x0;
	s15 =	sadd.s32 $0x100400, s16  }
0x18: {  	s23 =	sadd.s32 $0x48600, s18;
	s24 =	sadd.s32 $0x127600, s16;
	[dreg:$0xe] =	wrdreg s0  }
0x19: {  	s25 =	sadd.s32 $0x1A00, s18;
	s28 =	smax.u32 s21, $0x1;
	[dreg:$0x7] =	wrdreg s15  }
0x1a: {  	p3 =	sgt.u32 s19, $0x3;
	s0 =	simm.s32 $0x1;
	[dreg:$0x9] =	wrdreg s23  }
0x1b: {  	s16 =	simm.s32 $0x4E80;
	s18 =	simm.s32 $0x4;
	[dreg:$0xb] =	wrdreg s24  }
0x1c: {  	s13 =	smov.u32 @p2 s17;
	s17 =	sadd.s32 s14, s22;
	[dreg:$0xc] =	wrdreg s25  }
.Ltmp0:
0x1d: {  	p2 =	por !p4, !p4;
	[dreg:$0xf] =	wrdreg s28;
	(pc) =	sbr.rel .LBB2_1-.Ltmp0, $4  }
0x1e: {  	s25 =	simm.s32 $0x80;
	p4 =	sgt.u32 s2, $0x7;
	s23 =	simm.s32 $0x5  }
0x1f: {  	vm0 =	vmxor vm0, vm0;
	s14 =	simm.s32 $0x141A0;
	s15 =	simm.s32 $0x16120;
	s22 =	sshrl.u32 s13, $0x3  }
0x20: {  	vm1 =	vmmov vm0;
	[dreg:$0x8] =	wrdreg s17;
	s17 =	simm.s32 $0xEB00;
	s11 =	sadd.s32 s10, s22  }
0x21: {  	v0 =	vimm.f32 $0.0e+00;
	vm1 =	vmneg @p5 vm1;
	vm0 =	vmneg @p6 vm0;
	s22 =	simm.s32 $0x3;
	[dreg:$0xa] =	wrdreg s11;
	s11 =	simm.s32 $0x12220  }
.LBB2_22:
0x22: {  	s19 =	rddreg [dreg:$0xe];
	s20 =	simm.s32 $0x100  }
0x23: {  	[hbm4b:s19+s25] =	stream.strided.scatter [tilespmem:s17], [sflag:$0x9], $0x2780, s20, s25, $0x38;
	[tilespmem:$0x19080] =	vst v63  }
.LBB2_25:
0x24: {  	s19 =	simm.s32 $0x9  }
0x25: {  	_ =	swait.ge [sflag:s19], $0x2780  }
0x26: {  	[sflag:s19] =	ssyncset.done $0x0  }
0x27: {  	[sflag:s19] =	ssyncadd.s32 $0xFFFFD880  }
.LBB2_26:
0x28: {  	s31 =	sadd.s32 $0x1, s31;
	s19 =	rddreg [dreg:$0xf]  }
0x29: {  	p5 =	sne.s32 s31, s19  }
.Ltmp1:
0x2a: {  	_ = 	snop;
	(pc) =	sbr.rel @!p5 .LBB2_27-.Ltmp1, $1  }
0x2b: {  	_ =	sdelay $0x3  }
.LBB2_1:
0x2c: {  	s19 =	rddreg [dreg:$0x5];
	s20 =	simm.s32 $0x400;
	s28 =	simm.s32 $0x9  }
0x2d: {  	[tilespmem:s1], [sflag:$0x9] =	stream.strided.gather [hbm4b:s19+s25], $0x4E80, s20, s25, $0x38;
	[tilespmem:$0x19080] =	vst v63  }
0x2e: {  	_ =	swait.ge [sflag:s28], $0x4E80  }
0x2f: {  	[sflag:s28] =	ssyncset.done $0x0  }
0x30: {  	s19 =	simm.s32 $0x0;
	[sflag:s28] =	ssyncadd.s32 $0xFFFFB180  }
.LBB2_2:
0x31: {  	p5 =	sne.s32 s19, $0x270C0  }
.Ltmp2:
0x32: {  	_ = 	snop;
	(pc) =	sbr.rel @p5 .LBB2_2-.Ltmp2, $3  }
0x33: {  	_ =	sdelay $0x1  }
0x34: {  	s20 =	sshra.s32 s19, $0x2  }
0x35: {  	s19 =	sadd.s32 $0x40, s19;
	[tilespmem:s20+$0x4E80] =	vst v0  }
0x36: {  	s19 =	simm.s32 $0x40;
	s20 =	simm.s32 $0x0  }
.LBB2_4:
0x37: {  	p5 =	sne.s32 s19, $0x9C00;
	[tilespmem:s20+$0xEB00] =	vst v0;
	s20 =	smov.u32 s19;
	s19 =	sadd.s32 $0x40, s19  }
.Ltmp3:
0x38: {  	(pc) =	sbr.rel @p5 .LBB2_4-.Ltmp3, $2  }
0x39: {  	_ =	sdelay $0x2  }
0x3a: {  	s20 =	sshra.s32 s20, $0x2  }
0x3b: {  	[tilespmem:s20+$0xEB00] =	vst v0;
	s19 =	simm.s32 $0x11280  }
0x3c: {  	[tilespmem:s19], [sflag:$0x1] =	stream.linear.gather [hbm4b:s3+s1], $0xFA0, $0x38;
	[tilespmem:$0x19080] =	vst v63  }
0x3d: {  	s26 =	simm.s32 $0x13200  }
0x3e: {  	[tilespmem:s26], [sflag:$0x3] =	stream.linear.gather [hbm4b:s4+s1], $0xFA0, $0x38;
	[tilespmem:$0x19080] =	vst v63  }
0x3f: {  	s28 =	simm.s32 $0x15180  }
0x40: {  	[tilespmem:s28], [sflag:$0x5] =	stream.linear.gather [hbm4b:s5+s1], $0xFA0, $0x38;
	[tilespmem:$0x19080] =	vst v63  }
0x41: {  	s20 =	simm.s32 @!p4 $0x17100;
	s21 =	rddreg [dreg:$0x6];
	s19 =	simm.s32 @!p4 $0x0  }
0x42: {  	[tilespmem:s20], [sflag:$0x7] =	stream.linear.gather @!p4 [hbm4b:s21+s19], $0xFA0, $0x38;
	[tilespmem:$0x19080] =	vst v63  }
0x43: {  	s20 =	simm.s32 $0x0  }
.LBB2_6:
0x44: {  	_ =	swait.ge [sflag:s0], $0xFA0  }
0x45: {  	[sflag:s0] =	ssyncset.done $0x0  }
0x46: {  	[sflag:s0] =	ssyncadd.s32 $0xFFFFF060  }
0x47: {  	_ =	swait.ge [sflag:s22], $0xFA0  }
0x48: {  	[sflag:s22] =	ssyncset.done $0x0  }
0x49: {  	[sflag:s22] =	ssyncadd.s32 $0xFFFFF060  }
0x4a: {  	_ =	swait.ge [sflag:s23], $0xFA0  }
0x4b: {  	s21 =	smul.u32 $0x1F40, s20;
	[sflag:s23] =	ssyncset.done $0x0  }
0x4c: {  	s24 =	simm.s32 @!p4 $0x7;
	[sflag:s23] =	ssyncadd.s32 $0xFFFFF060  }
0x4d: {  	s26 =	sadd.s32 $0xFA0, s21;
	_ =	swait.ge @!p4 [sflag:s24], $0xFA0  }
0x4e: {  	s25 =	sshrl.u32 s26, $0x3;
	[sflag:s24] =	ssyncset.done @!p4 $0x0  }
0x4f: {  	s28 =	sadd.s32 s3, s25;
	[sflag:s24] =	ssyncadd.s32 @!p4 $0xFFFFF060  }
0x50: {  	[tilespmem:s11], [sflag:$0x2] =	stream.linear.gather [hbm4b:s28+s1], $0xFA0, $0x38;
	[tilespmem:$0x19080] =	vst v63  }
0x51: {  	s24 =	sadd.s32 @!p4 s12, s26;
	s28 =	sadd.s32 s4, s25  }
0x52: {  	[tilespmem:s14], [sflag:$0x4] =	stream.linear.gather [hbm4b:s28+s1], $0xFA0, $0x38;
	[tilespmem:$0x19080] =	vst v63  }
0x53: {  	s24 =	sshrl.u32 @!p4 s24, $0x3;
	s28 =	sadd.s32 s5, s25  }
0x54: {  	[tilespmem:s15], [sflag:$0x6] =	stream.linear.gather [hbm4b:s28+s1], $0xFA0, $0x38;
	[tilespmem:$0x19080] =	vst v63  }
0x55: {  	s24 =	sadd.s32 @!p4 s6, s24;
	s25 =	simm.s32 @!p4 $0x180A0  }
0x56: {  	[tilespmem:s25], [sflag:$0x8] =	stream.linear.gather @!p4 [hbm4b:s24+s19], $0xFA0, $0x38;
	[tilespmem:$0x19080] =	vst v63  }
0x57: {  	s24 =	simm.s32 $0x0  }
.LBB2_7:
0x58: {  	s26 =	sshra.s32 s24, $0x2  }
0x59: {  	v1 =	vld [tilespmem:s26+$0x13200];
	_ =	sdelay $0x6  }
0x5a: {  	v2 =	vld [tilespmem:s26+$0x11280]  }
0x5b: {  	v3 =	vld.idx.msk [tilespmem:v1+s1+$0x0], $0xffff  }
0x5c: {  	v4 =	vld [tilespmem:s26+$0x15180];
	_ =	sdelay $0x2  }
0x5d: {  	v5 =	vadd.s32 $0x2710, v2  }
0x5e: {  	v1 =	vadd.s32 $0x2710, v1;
	v6 =	vunpack.i.l.bf16.f32 v3  }
0x5f: {  	v3 =	vunpack.i.u.bf16.f32 v3;
	v6 =	vmul.f32 v6, v4  }
0x60: {  	v3 =	vmul.f32 v3, v4  }
0x61: {  	[tilespmem:v2+s16+$0x0] =	vst.idx.add.f32.msk $0xffff, v6  }
0x62: {  	[tilespmem:v5+s16+$0x0] =	vst.idx.add.f32.msk $0xffff, v3  }
0x63: {  	v1 =	vld.idx.msk [tilespmem:v1+s1+$0x0], $0xffff;
	_ =	sdelay $0x2  }
0x64: {  	v3 =	vadd.s32 $0x4E20, v2  }
0x65: {  	v42 =	vadd.s32 $0x7530, v2  }
0x66: {  	v43 =	vunpack.i.l.bf16.f32 v1  }
0x67: {  	v1 =	vunpack.i.u.bf16.f32 v1;
	v6 =	vmul.f32 v43, v4  }
0x68: {  	v1 =	vmul.f32 v1, v4  }
0x69: {  	[tilespmem:v3+s16+$0x0] =	vst.idx.add.f32.msk $0xffff, v6  }
0x6a: {  	[tilespmem:v42+s16+$0x0] =	vst.idx.add.f32.msk $0xffff, v1  }
0x6b: {  	v1 =	vld [tilespmem:s26+$0x17100];
	_ =	sdelay $0x4  }
0x6c: {  	v1 =	vpsel p0, $0x3F800000, v1  }
0x6d: {  	v1 =	vmul.f32 v1, v4;
	_ =	sdelay $0x1  }
0x6e: {  	[tilespmem:v2+s17+$0x0] =	vst.idx.add.f32.msk vm1, v1  }
0x6f: {  	v1 =	vld [tilespmem:s26+$0x13210];
	_ =	sdelay $0x6  }
0x70: {  	v2 =	vld [tilespmem:s26+$0x11290]  }
0x71: {  	v3 =	vld.idx.msk [tilespmem:v1+s1+$0x0], $0xffff  }
0x72: {  	v44 =	vld [tilespmem:s26+$0x15190];
	_ =	sdelay $0x2  }
0x73: {  	v45 =	vadd.s32 $0x2710, v2  }
0x74: {  	v1 =	vadd.s32 $0x2710, v1;
	v46 =	vunpack.i.l.bf16.f32 v3  }
0x75: {  	v3 =	vunpack.i.u.bf16.f32 v3;
	v6 =	vmul.f32 v46, v44  }
0x76: {  	v3 =	vmul.f32 v3, v44  }
0x77: {  	[tilespmem:v2+s16+$0x0] =	vst.idx.add.f32.msk $0xffff, v6  }
0x78: {  	[tilespmem:v45+s16+$0x0] =	vst.idx.add.f32.msk $0xffff, v3  }
0x79: {  	v1 =	vld.idx.msk [tilespmem:v1+s1+$0x0], $0xffff;
	_ =	sdelay $0x2  }
0x7a: {  	v3 =	vadd.s32 $0x4E20, v2  }
0x7b: {  	v47 =	vadd.s32 $0x7530, v2  }
0x7c: {  	v48 =	vunpack.i.l.bf16.f32 v1  }
0x7d: {  	v1 =	vunpack.i.u.bf16.f32 v1;
	v6 =	vmul.f32 v48, v44  }
0x7e: {  	v1 =	vmul.f32 v1, v44  }
0x7f: {  	[tilespmem:v3+s16+$0x0] =	vst.idx.add.f32.msk $0xffff, v6  }
0x80: {  	[tilespmem:v47+s16+$0x0] =	vst.idx.add.f32.msk $0xffff, v1  }
0x81: {  	v1 =	vld [tilespmem:s26+$0x17110];
	_ =	sdelay $0x4  }
0x82: {  	v1 =	vpsel p0, $0x3F800000, v1  }
0x83: {  	v1 =	vmul.f32 v1, v44;
	_ =	sdelay $0x1  }
0x84: {  	[tilespmem:v2+s17+$0x0] =	vst.idx.add.f32.msk vm1, v1  }
0x85: {  	v1 =	vld [tilespmem:s26+$0x13220];
	_ =	sdelay $0x6  }
0x86: {  	v2 =	vld [tilespmem:s26+$0x112A0]  }
0x87: {  	v3 =	vld.idx.msk [tilespmem:v1+s1+$0x0], $0xffff  }
0x88: {  	v49 =	vld [tilespmem:s26+$0x151A0];
	_ =	sdelay $0x2  }
0x89: {  	v50 =	vadd.s32 $0x2710, v2  }
0x8a: {  	v1 =	vadd.s32 $0x2710, v1;
	v51 =	vunpack.i.l.bf16.f32 v3  }
0x8b: {  	v3 =	vunpack.i.u.bf16.f32 v3;
	v6 =	vmul.f32 v51, v49  }
0x8c: {  	v3 =	vmul.f32 v3, v49  }
0x8d: {  	[tilespmem:v2+s16+$0x0] =	vst.idx.add.f32.msk $0xffff, v6  }
0x8e: {  	[tilespmem:v50+s16+$0x0] =	vst.idx.add.f32.msk $0xffff, v3  }
0x8f: {  	v1 =	vld.idx.msk [tilespmem:v1+s1+$0x0], $0xffff;
	_ =	sdelay $0x2  }
0x90: {  	v3 =	vadd.s32 $0x4E20, v2  }
0x91: {  	v52 =	vadd.s32 $0x7530, v2  }
0x92: {  	v53 =	vunpack.i.l.bf16.f32 v1  }
0x93: {  	v1 =	vunpack.i.u.bf16.f32 v1;
	v6 =	vmul.f32 v53, v49  }
0x94: {  	v1 =	vmul.f32 v1, v49  }
0x95: {  	[tilespmem:v3+s16+$0x0] =	vst.idx.add.f32.msk $0xffff, v6  }
0x96: {  	[tilespmem:v52+s16+$0x0] =	vst.idx.add.f32.msk $0xffff, v1  }
0x97: {  	v1 =	vld [tilespmem:s26+$0x17120];
	_ =	sdelay $0x4  }
0x98: {  	v1 =	vpsel p0, $0x3F800000, v1  }
0x99: {  	v1 =	vmul.f32 v1, v49;
	_ =	sdelay $0x1  }
0x9a: {  	[tilespmem:v2+s17+$0x0] =	vst.idx.add.f32.msk vm1, v1  }
0x9b: {  	v1 =	vld [tilespmem:s26+$0x13230];
	_ =	sdelay $0x6  }
0x9c: {  	v2 =	vld [tilespmem:s26+$0x112B0]  }
0x9d: {  	v3 =	vld.idx.msk [tilespmem:v1+s1+$0x0], $0xffff  }
0x9e: {  	v54 =	vld [tilespmem:s26+$0x151B0];
	_ =	sdelay $0x2  }
0x9f: {  	v55 =	vadd.s32 $0x2710, v2  }
0xa0: {  	v1 =	vadd.s32 $0x2710, v1;
	v56 =	vunpack.i.l.bf16.f32 v3  }
0xa1: {  	v3 =	vunpack.i.u.bf16.f32 v3;
	v6 =	vmul.f32 v56, v54  }
0xa2: {  	v3 =	vmul.f32 v3, v54  }
0xa3: {  	[tilespmem:v2+s16+$0x0] =	vst.idx.add.f32.msk $0xffff, v6  }
0xa4: {  	[tilespmem:v55+s16+$0x0] =	vst.idx.add.f32.msk $0xffff, v3  }
0xa5: {  	v1 =	vld.idx.msk [tilespmem:v1+s1+$0x0], $0xffff;
	_ =	sdelay $0x2  }
0xa6: {  	v3 =	vadd.s32 $0x4E20, v2  }
0xa7: {  	v57 =	vadd.s32 $0x7530, v2  }
0xa8: {  	v58 =	vunpack.i.l.bf16.f32 v1  }
0xa9: {  	v1 =	vunpack.i.u.bf16.f32 v1;
	v6 =	vmul.f32 v58, v54  }
0xaa: {  	v1 =	vmul.f32 v1, v54  }
0xab: {  	[tilespmem:v3+s16+$0x0] =	vst.idx.add.f32.msk $0xffff, v6  }
0xac: {  	[tilespmem:v57+s16+$0x0] =	vst.idx.add.f32.msk $0xffff, v1  }
0xad: {  	v1 =	vld [tilespmem:s26+$0x17130];
	_ =	sdelay $0x4  }
0xae: {  	v1 =	vpsel p0, $0x3F800000, v1  }
0xaf: {  	v1 =	vmul.f32 v1, v54;
	_ =	sdelay $0x1  }
0xb0: {  	[tilespmem:v2+s17+$0x0] =	vst.idx.add.f32.msk vm1, v1  }
0xb1: {  	v1 =	vld [tilespmem:s26+$0x13240];
	_ =	sdelay $0x6  }
0xb2: {  	v2 =	vld [tilespmem:s26+$0x112C0]  }
0xb3: {  	v3 =	vld.idx.msk [tilespmem:v1+s1+$0x0], $0xffff  }
0xb4: {  	v59 =	vld [tilespmem:s26+$0x151C0];
	_ =	sdelay $0x2  }
0xb5: {  	v60 =	vadd.s32 $0x2710, v2  }
0xb6: {  	v1 =	vadd.s32 $0x2710, v1;
	v61 =	vunpack.i.l.bf16.f32 v3  }
0xb7: {  	v3 =	vunpack.i.u.bf16.f32 v3;
	v6 =	vmul.f32 v61, v59  }
0xb8: {  	v3 =	vmul.f32 v3, v59  }
0xb9: {  	[tilespmem:v2+s16+$0x0] =	vst.idx.add.f32.msk $0xffff, v6  }
0xba: {  	[tilespmem:v60+s16+$0x0] =	vst.idx.add.f32.msk $0xffff, v3  }
0xbb: {  	v1 =	vld.idx.msk [tilespmem:v1+s1+$0x0], $0xffff;
	_ =	sdelay $0x2  }
0xbc: {  	v3 =	vadd.s32 $0x4E20, v2  }
0xbd: {  	v62 =	vadd.s32 $0x7530, v2  }
0xbe: {  	v63 =	vunpack.i.l.bf16.f32 v1  }
0xbf: {  	v1 =	vunpack.i.u.bf16.f32 v1;
	v6 =	vmul.f32 v63, v59  }
0xc0: {  	v1 =	vmul.f32 v1, v59  }
0xc1: {  	[tilespmem:v3+s16+$0x0] =	vst.idx.add.f32.msk $0xffff, v6  }
0xc2: {  	[tilespmem:v62+s16+$0x0] =	vst.idx.add.f32.msk $0xffff, v1  }
0xc3: {  	v1 =	vld [tilespmem:s26+$0x17140];
	_ =	sdelay $0x2  }
0xc4: {  	p5 =	sne.s32 s24, $0x3D40  }
.Ltmp4:
0xc5: {  	_ = 	snop;
	(pc) =	sbr.rel @p5 .LBB2_7-.Ltmp4, $3  }
0xc6: {  	v1 =	vpsel p0, $0x3F800000, v1  }
0xc7: {  	v1 =	vmul.f32 v1, v59;
	_ =	sdelay $0x1  }
0xc8: {  	s24 =	sadd.s32 $0x140, s24;
	[tilespmem:v2+s17+$0x0] =	vst.idx.add.f32.msk vm1, v1  }
0xc9: {  	_ =	swait.ge [sflag:s29], $0xFA0  }
0xca: {  	[sflag:s29] =	ssyncset.done $0x0  }
0xcb: {  	[sflag:s29] =	ssyncadd.s32 $0xFFFFF060  }
0xcc: {  	_ =	swait.ge [sflag:s18], $0xFA0  }
0xcd: {  	[sflag:s18] =	ssyncset.done $0x0  }
0xce: {  	[sflag:s18] =	ssyncadd.s32 $0xFFFFF060  }
0xcf: {  	_ =	swait.ge [sflag:s30], $0xFA0  }
0xd0: {  	[sflag:s30] =	ssyncset.done $0x0  }
0xd1: {  	s24 =	simm.s32 @!p4 $0x8;
	[sflag:s30] =	ssyncadd.s32 $0xFFFFF060  }
0xd2: {  	p5 =	seq.s32 s20, $0x31;
	_ =	swait.ge @!p4 [sflag:s24], $0xFA0  }
0xd3: {  	s21 =	sadd.s32 @!p5 $0x1F40, s21;
	[sflag:s24] =	ssyncset.done @!p4 $0x0  }
0xd4: {  	[sflag:s24] =	ssyncadd.s32 @!p4 $0xFFFFF060;
	s24 =	sshrl.u32 @!p5 s21, $0x3  }
0xd5: {  	s26 =	simm.s32 @!p5 $0x0;
	s28 =	simm.s32 @!p5 $0x11280;
	s25 =	sadd.s32 @!p5 s3, s24  }
0xd6: {  	[tilespmem:s28], [sflag:$0x1] =	stream.linear.gather @!p5 [hbm4b:s25+s26], $0xFA0, $0x38;
	[tilespmem:$0x19080] =	vst v63  }
0xd7: {  	s25 =	sadd.s32 @!p5 s4, s24;
	s28 =	simm.s32 @!p5 $0x13200  }
0xd8: {  	[tilespmem:s28], [sflag:$0x3] =	stream.linear.gather @!p5 [hbm4b:s25+s26], $0xFA0, $0x38;
	[tilespmem:$0x19080] =	vst v63  }
0xd9: {  	p6 =	sgt.u32 @!p5 s2, $0x7;
	s24 =	sadd.s32 @!p5 s5, s24;
	s25 =	simm.s32 @!p5 $0x15180  }
0xda: {  	[tilespmem:s25], [sflag:$0x5] =	stream.linear.gather @!p5 [hbm4b:s24+s26], $0xFA0, $0x38;
	[tilespmem:$0x19080] =	vst v63  }
0xdb: {  	p5 =	por p6, p5  }
0xdc: {  	s21 =	sadd.s32 @!p5 s12, s21  }
0xdd: {  	s21 =	sshrl.u32 @!p5 s21, $0x3  }
0xde: {  	s24 =	simm.s32 @!p5 $0x0;
	s25 =	simm.s32 @!p5 $0x17100;
	s21 =	sadd.s32 @!p5 s6, s21  }
0xdf: {  	[tilespmem:s25], [sflag:$0x7] =	stream.linear.gather @!p5 [hbm4b:s21+s24], $0xFA0, $0x38;
	[tilespmem:$0x19080] =	vst v63  }
0xe0: {  	s21 =	simm.s32 $0x0  }
.LBB2_9:
0xe1: {  	s24 =	sshra.s32 s21, $0x2  }
0xe2: {  	v1 =	vld [tilespmem:s24+$0x141A0];
	_ =	sdelay $0x6  }
0xe3: {  	v2 =	vld [tilespmem:s24+$0x12220]  }
0xe4: {  	v3 =	vld.idx.msk [tilespmem:v1+s1+$0x0], $0xffff  }
0xe5: {  	v4 =	vld [tilespmem:s24+$0x16120];
	_ =	sdelay $0x2  }
0xe6: {  	v5 =	vadd.s32 $0x2710, v2  }
0xe7: {  	v1 =	vadd.s32 $0x2710, v1;
	v6 =	vunpack.i.l.bf16.f32 v3  }
0xe8: {  	v3 =	vunpack.i.u.bf16.f32 v3;
	v6 =	vmul.f32 v6, v4  }
0xe9: {  	v3 =	vmul.f32 v3, v4  }
0xea: {  	[tilespmem:v2+s16+$0x0] =	vst.idx.add.f32.msk $0xffff, v6  }
0xeb: {  	[tilespmem:v5+s16+$0x0] =	vst.idx.add.f32.msk $0xffff, v3  }
0xec: {  	v1 =	vld.idx.msk [tilespmem:v1+s1+$0x0], $0xffff;
	_ =	sdelay $0x2  }
0xed: {  	v3 =	vadd.s32 $0x4E20, v2  }
0xee: {  	v42 =	vadd.s32 $0x7530, v2  }
0xef: {  	v43 =	vunpack.i.l.bf16.f32 v1  }
0xf0: {  	v1 =	vunpack.i.u.bf16.f32 v1;
	v6 =	vmul.f32 v43, v4  }
0xf1: {  	v1 =	vmul.f32 v1, v4  }
0xf2: {  	[tilespmem:v3+s16+$0x0] =	vst.idx.add.f32.msk $0xffff, v6  }
0xf3: {  	[tilespmem:v42+s16+$0x0] =	vst.idx.add.f32.msk $0xffff, v1  }
0xf4: {  	v1 =	vld [tilespmem:s24+$0x180A0];
	_ =	sdelay $0x4  }
0xf5: {  	v1 =	vpsel p0, $0x3F800000, v1  }
0xf6: {  	v1 =	vmul.f32 v1, v4;
	_ =	sdelay $0x1  }
0xf7: {  	[tilespmem:v2+s17+$0x0] =	vst.idx.add.f32.msk vm1, v1  }
0xf8: {  	v1 =	vld [tilespmem:s24+$0x141B0];
	_ =	sdelay $0x6  }
0xf9: {  	v2 =	vld [tilespmem:s24+$0x12230]  }
0xfa: {  	v3 =	vld.idx.msk [tilespmem:v1+s1+$0x0], $0xffff  }
0xfb: {  	v44 =	vld [tilespmem:s24+$0x16130];
	_ =	sdelay $0x2  }
0xfc: {  	v45 =	vadd.s32 $0x2710, v2  }
0xfd: {  	v1 =	vadd.s32 $0x2710, v1;
	v46 =	vunpack.i.l.bf16.f32 v3  }
0xfe: {  	v3 =	vunpack.i.u.bf16.f32 v3;
	v6 =	vmul.f32 v46, v44  }
0xff: {  	v3 =	vmul.f32 v3, v44  }
0x100: {  	[tilespmem:v2+s16+$0x0] =	vst.idx.add.f32.msk $0xffff, v6  }
0x101: {  	[tilespmem:v45+s16+$0x0] =	vst.idx.add.f32.msk $0xffff, v3  }
0x102: {  	v1 =	vld.idx.msk [tilespmem:v1+s1+$0x0], $0xffff;
	_ =	sdelay $0x2  }
0x103: {  	v3 =	vadd.s32 $0x4E20, v2  }
0x104: {  	v47 =	vadd.s32 $0x7530, v2  }
0x105: {  	v48 =	vunpack.i.l.bf16.f32 v1  }
0x106: {  	v1 =	vunpack.i.u.bf16.f32 v1;
	v6 =	vmul.f32 v48, v44  }
0x107: {  	v1 =	vmul.f32 v1, v44  }
0x108: {  	[tilespmem:v3+s16+$0x0] =	vst.idx.add.f32.msk $0xffff, v6  }
0x109: {  	[tilespmem:v47+s16+$0x0] =	vst.idx.add.f32.msk $0xffff, v1  }
0x10a: {  	v1 =	vld [tilespmem:s24+$0x180B0];
	_ =	sdelay $0x4  }
0x10b: {  	v1 =	vpsel p0, $0x3F800000, v1  }
0x10c: {  	v1 =	vmul.f32 v1, v44;
	_ =	sdelay $0x1  }
0x10d: {  	[tilespmem:v2+s17+$0x0] =	vst.idx.add.f32.msk vm1, v1  }
0x10e: {  	v1 =	vld [tilespmem:s24+$0x141C0];
	_ =	sdelay $0x6  }
0x10f: {  	v2 =	vld [tilespmem:s24+$0x12240]  }
0x110: {  	v3 =	vld.idx.msk [tilespmem:v1+s1+$0x0], $0xffff  }
0x111: {  	v49 =	vld [tilespmem:s24+$0x16140];
	_ =	sdelay $0x2  }
0x112: {  	v50 =	vadd.s32 $0x2710, v2  }
0x113: {  	v1 =	vadd.s32 $0x2710, v1;
	v51 =	vunpack.i.l.bf16.f32 v3  }
0x114: {  	v3 =	vunpack.i.u.bf16.f32 v3;
	v6 =	vmul.f32 v51, v49  }
0x115: {  	v3 =	vmul.f32 v3, v49  }
0x116: {  	[tilespmem:v2+s16+$0x0] =	vst.idx.add.f32.msk $0xffff, v6  }
0x117: {  	[tilespmem:v50+s16+$0x0] =	vst.idx.add.f32.msk $0xffff, v3  }
0x118: {  	v1 =	vld.idx.msk [tilespmem:v1+s1+$0x0], $0xffff;
	_ =	sdelay $0x2  }
0x119: {  	v3 =	vadd.s32 $0x4E20, v2  }
0x11a: {  	v52 =	vadd.s32 $0x7530, v2  }
0x11b: {  	v53 =	vunpack.i.l.bf16.f32 v1  }
0x11c: {  	v1 =	vunpack.i.u.bf16.f32 v1;
	v6 =	vmul.f32 v53, v49  }
0x11d: {  	v1 =	vmul.f32 v1, v49  }
0x11e: {  	[tilespmem:v3+s16+$0x0] =	vst.idx.add.f32.msk $0xffff, v6  }
0x11f: {  	[tilespmem:v52+s16+$0x0] =	vst.idx.add.f32.msk $0xffff, v1  }
0x120: {  	v1 =	vld [tilespmem:s24+$0x180C0];
	_ =	sdelay $0x4  }
0x121: {  	v1 =	vpsel p0, $0x3F800000, v1  }
0x122: {  	v1 =	vmul.f32 v1, v49;
	_ =	sdelay $0x1  }
0x123: {  	[tilespmem:v2+s17+$0x0] =	vst.idx.add.f32.msk vm1, v1  }
0x124: {  	v1 =	vld [tilespmem:s24+$0x141D0];
	_ =	sdelay $0x6  }
0x125: {  	v2 =	vld [tilespmem:s24+$0x12250]  }
0x126: {  	v3 =	vld.idx.msk [tilespmem:v1+s1+$0x0], $0xffff  }
0x127: {  	v54 =	vld [tilespmem:s24+$0x16150];
	_ =	sdelay $0x2  }
0x128: {  	v55 =	vadd.s32 $0x2710, v2  }
0x129: {  	v1 =	vadd.s32 $0x2710, v1;
	v56 =	vunpack.i.l.bf16.f32 v3  }
0x12a: {  	v3 =	vunpack.i.u.bf16.f32 v3;
	v6 =	vmul.f32 v56, v54  }
0x12b: {  	v3 =	vmul.f32 v3, v54  }
0x12c: {  	[tilespmem:v2+s16+$0x0] =	vst.idx.add.f32.msk $0xffff, v6  }
0x12d: {  	[tilespmem:v55+s16+$0x0] =	vst.idx.add.f32.msk $0xffff, v3  }
0x12e: {  	v1 =	vld.idx.msk [tilespmem:v1+s1+$0x0], $0xffff;
	_ =	sdelay $0x2  }
0x12f: {  	v3 =	vadd.s32 $0x4E20, v2  }
0x130: {  	v57 =	vadd.s32 $0x7530, v2  }
0x131: {  	v58 =	vunpack.i.l.bf16.f32 v1  }
0x132: {  	v1 =	vunpack.i.u.bf16.f32 v1;
	v6 =	vmul.f32 v58, v54  }
0x133: {  	v1 =	vmul.f32 v1, v54  }
0x134: {  	[tilespmem:v3+s16+$0x0] =	vst.idx.add.f32.msk $0xffff, v6  }
0x135: {  	[tilespmem:v57+s16+$0x0] =	vst.idx.add.f32.msk $0xffff, v1  }
0x136: {  	v1 =	vld [tilespmem:s24+$0x180D0];
	_ =	sdelay $0x4  }
0x137: {  	v1 =	vpsel p0, $0x3F800000, v1  }
0x138: {  	v1 =	vmul.f32 v1, v54;
	_ =	sdelay $0x1  }
0x139: {  	[tilespmem:v2+s17+$0x0] =	vst.idx.add.f32.msk vm1, v1  }
0x13a: {  	v1 =	vld [tilespmem:s24+$0x141E0];
	_ =	sdelay $0x6  }
0x13b: {  	v2 =	vld [tilespmem:s24+$0x12260]  }
0x13c: {  	v3 =	vld.idx.msk [tilespmem:v1+s1+$0x0], $0xffff  }
0x13d: {  	v59 =	vld [tilespmem:s24+$0x16160];
	_ =	sdelay $0x2  }
0x13e: {  	v60 =	vadd.s32 $0x2710, v2  }
0x13f: {  	v1 =	vadd.s32 $0x2710, v1;
	v61 =	vunpack.i.l.bf16.f32 v3  }
0x140: {  	v3 =	vunpack.i.u.bf16.f32 v3;
	v6 =	vmul.f32 v61, v59  }
0x141: {  	v3 =	vmul.f32 v3, v59  }
0x142: {  	[tilespmem:v2+s16+$0x0] =	vst.idx.add.f32.msk $0xffff, v6  }
0x143: {  	[tilespmem:v60+s16+$0x0] =	vst.idx.add.f32.msk $0xffff, v3  }
0x144: {  	v1 =	vld.idx.msk [tilespmem:v1+s1+$0x0], $0xffff;
	_ =	sdelay $0x2  }
0x145: {  	v3 =	vadd.s32 $0x4E20, v2  }
0x146: {  	v62 =	vadd.s32 $0x7530, v2  }
0x147: {  	v63 =	vunpack.i.l.bf16.f32 v1  }
0x148: {  	v1 =	vunpack.i.u.bf16.f32 v1;
	v6 =	vmul.f32 v63, v59  }
0x149: {  	v1 =	vmul.f32 v1, v59  }
0x14a: {  	[tilespmem:v3+s16+$0x0] =	vst.idx.add.f32.msk $0xffff, v6  }
0x14b: {  	[tilespmem:v62+s16+$0x0] =	vst.idx.add.f32.msk $0xffff, v1  }
0x14c: {  	v1 =	vld [tilespmem:s24+$0x180E0];
	_ =	sdelay $0x2  }
0x14d: {  	p5 =	sne.s32 s21, $0x3D40  }
.Ltmp5:
0x14e: {  	_ = 	snop;
	(pc) =	sbr.rel @p5 .LBB2_9-.Ltmp5, $3  }
0x14f: {  	v1 =	vpsel p0, $0x3F800000, v1  }
0x150: {  	v1 =	vmul.f32 v1, v59;
	_ =	sdelay $0x1  }
0x151: {  	s21 =	sadd.s32 $0x140, s21;
	[tilespmem:v2+s17+$0x0] =	vst.idx.add.f32.msk vm1, v1  }
0x152: {  	s20 =	sadd.s32 $0x1, s20  }
0x153: {  	p5 =	sne.s32 s20, $0x32  }
.Ltmp6:
0x154: {  	_ = 	snop;
	(pc) =	sbr.rel @p5 .LBB2_6-.Ltmp6, $1  }
0x155: {  	_ =	sdelay $0x3  }
0x156: {  	s19 =	rddreg [dreg:$0x7]  }
0x157: {  	s25 =	simm.s32 $0x80;
	s26 =	simm.s32 $0x400;
	s28 =	simm.s32 $0x9  }
0x158: {  	[hbm4b:s19+s25] =	stream.strided.scatter [tilespmem:s16], [sflag:$0x9], $0x9C80, s26, s25, $0x38;
	[tilespmem:$0x19080] =	vst v63  }
0x159: {  	_ =	swait.ge [sflag:s28], $0x9C80  }
0x15a: {  	s20 =	simm.s32 @!p4 $0x400;
	s21 =	simm.s32 @!p4 $0xEB00;
	[sflag:s28] =	ssyncset.done $0x0  }
0x15b: {  	s19 =	simm.s32 @!p4 $0x80;
	s24 =	rddreg [dreg:$0x9];
	[sflag:s28] =	ssyncadd.s32 $0xFFFF6380  }
0x15c: {  	[hbm4b:s24+s19] =	stream.strided.scatter @!p4 [tilespmem:s21], [sflag:$0x9], $0x2780, s20, s19, $0x38;
	[tilespmem:$0x19080] =	vst v63  }
0x15d: {  	s19 =	simm.s32 @!p4 $0x9  }
0x15e: {  	_ =	swait.ge @!p4 [sflag:s19], $0x2780  }
0x15f: {  	s20 =	simm.s32 @!p1 $0x100;
	s21 =	simm.s32 @!p1 $0xEB00;
	[sflag:s19] =	ssyncset.done @!p4 $0x0  }
0x160: {  	s24 =	rddreg [dreg:$0x4];
	[sflag:s19] =	ssyncadd.s32 @!p4 $0xFFFFD880;
	s19 =	simm.s32 @!p1 $0x80  }
0x161: {  	[hbm4b:s24+s19] =	stream.strided.scatter @!p1 [tilespmem:s21], [sflag:$0x9], $0x2780, s20, s19, $0x38;
	[tilespmem:$0x19080] =	vst v63  }
0x162: {  	s19 =	simm.s32 @!p1 $0x9  }
0x163: {  	_ =	swait.ge @!p1 [sflag:s19], $0x2780  }
0x164: {  	[sflag:s19] =	ssyncset.done @!p1 $0x0  }
0x165: {  	s21 =	simm.s32 $0x0;
	s24 =	rddreg [dreg:$0x8];
	[sflag:s19] =	ssyncadd.s32 @!p1 $0xFFFFD880  }
0x166: {  	[tilespmem:s21], [sflag:$0x9] =	stream.strided.gather [hbm4b:s24+s25], $0x4E80, s26, s25, $0x38;
	[tilespmem:$0x19080] =	vst v63  }
0x167: {  	_ =	swait.ge [sflag:s28], $0x4E80  }
0x168: {  	[sflag:s28] =	ssyncset.done $0x0  }
0x169: {  	s20 =	simm.s32 $0x0;
	s19 =	simm.s32 $0x40;
	[sflag:s28] =	ssyncadd.s32 $0xFFFFB180  }
.LBB2_12:
0x16a: {  	p5 =	sne.s32 s19, $0x270C0;
	[tilespmem:s20+$0x4E80] =	vst v0;
	s20 =	smov.u32 s19;
	s19 =	sadd.s32 $0x40, s19  }
.Ltmp7:
0x16b: {  	(pc) =	sbr.rel @p5 .LBB2_12-.Ltmp7, $2  }
0x16c: {  	_ =	sdelay $0x2  }
0x16d: {  	s20 =	sshra.s32 s20, $0x2  }
0x16e: {  	[tilespmem:s20+$0x4E80] =	vst v0;
	s19 =	simm.s32 $0x40;
	s20 =	simm.s32 $0x0  }
.LBB2_14:
0x16f: {  	p5 =	sne.s32 s19, $0x9C00;
	[tilespmem:s20+$0xEB00] =	vst v0;
	s20 =	smov.u32 s19;
	s19 =	sadd.s32 $0x40, s19  }
.Ltmp8:
0x170: {  	(pc) =	sbr.rel @p5 .LBB2_14-.Ltmp8, $2  }
0x171: {  	_ =	sdelay $0x2  }
0x172: {  	s20 =	sshra.s32 s20, $0x2  }
0x173: {  	[tilespmem:s20+$0xEB00] =	vst v0;
	s19 =	simm.s32 $0x11280  }
0x174: {  	[tilespmem:s19], [sflag:$0x1] =	stream.linear.gather [hbm4b:s7+s1], $0xFA0, $0x38;
	[tilespmem:$0x19080] =	vst v63  }
0x175: {  	s26 =	simm.s32 $0x13200  }
0x176: {  	[tilespmem:s26], [sflag:$0x3] =	stream.linear.gather [hbm4b:s8+s1], $0xFA0, $0x38;
	[tilespmem:$0x19080] =	vst v63  }
0x177: {  	s28 =	simm.s32 $0x15180  }
0x178: {  	[tilespmem:s28], [sflag:$0x5] =	stream.linear.gather [hbm4b:s9+s1], $0xFA0, $0x38;
	[tilespmem:$0x19080] =	vst v63  }
0x179: {  	s20 =	simm.s32 @p2 $0x17100;
	s21 =	rddreg [dreg:$0xa];
	s19 =	simm.s32 @p2 $0x0  }
0x17a: {  	[tilespmem:s20], [sflag:$0x7] =	stream.linear.gather @p2 [hbm4b:s21+s19], $0xFA0, $0x38;
	[tilespmem:$0x19080] =	vst v63  }
0x17b: {  	s20 =	simm.s32 $0x0  }
.LBB2_16:
0x17c: {  	_ =	swait.ge [sflag:s0], $0xFA0  }
0x17d: {  	[sflag:s0] =	ssyncset.done $0x0  }
0x17e: {  	[sflag:s0] =	ssyncadd.s32 $0xFFFFF060  }
0x17f: {  	_ =	swait.ge [sflag:s22], $0xFA0  }
0x180: {  	[sflag:s22] =	ssyncset.done $0x0  }
0x181: {  	[sflag:s22] =	ssyncadd.s32 $0xFFFFF060  }
0x182: {  	_ =	swait.ge [sflag:s23], $0xFA0  }
0x183: {  	s21 =	smul.u32 $0x1F40, s20;
	[sflag:s23] =	ssyncset.done $0x0  }
0x184: {  	s24 =	simm.s32 @p2 $0x7;
	[sflag:s23] =	ssyncadd.s32 $0xFFFFF060  }
0x185: {  	s25 =	sadd.s32 $0xFA0, s21;
	_ =	swait.ge @p2 [sflag:s24], $0xFA0  }
0x186: {  	s26 =	sshrl.u32 s25, $0x3;
	[sflag:s24] =	ssyncset.done @p2 $0x0  }
0x187: {  	s28 =	sadd.s32 s7, s26;
	[sflag:s24] =	ssyncadd.s32 @p2 $0xFFFFF060  }
0x188: {  	[tilespmem:s11], [sflag:$0x2] =	stream.linear.gather [hbm4b:s28+s1], $0xFA0, $0x38;
	[tilespmem:$0x19080] =	vst v63  }
0x189: {  	s24 =	sadd.s32 @p2 s13, s25;
	s28 =	sadd.s32 s8, s26  }
0x18a: {  	[tilespmem:s14], [sflag:$0x4] =	stream.linear.gather [hbm4b:s28+s1], $0xFA0, $0x38;
	[tilespmem:$0x19080] =	vst v63  }
0x18b: {  	s24 =	sshrl.u32 @p2 s24, $0x3;
	s28 =	sadd.s32 s9, s26  }
0x18c: {  	[tilespmem:s15], [sflag:$0x6] =	stream.linear.gather [hbm4b:s28+s1], $0xFA0, $0x38;
	[tilespmem:$0x19080] =	vst v63  }
0x18d: {  	s25 =	simm.s32 @p2 $0x180A0;
	s24 =	sadd.s32 @p2 s10, s24  }
0x18e: {  	[tilespmem:s25], [sflag:$0x8] =	stream.linear.gather @p2 [hbm4b:s24+s19], $0xFA0, $0x38;
	[tilespmem:$0x19080] =	vst v63  }
0x18f: {  	s24 =	simm.s32 $0x0  }
.LBB2_17:
0x190: {  	s26 =	sshra.s32 s24, $0x2  }
0x191: {  	v1 =	vld [tilespmem:s26+$0x13200];
	_ =	sdelay $0x6  }
0x192: {  	v2 =	vld [tilespmem:s26+$0x11280]  }
0x193: {  	v3 =	vld.idx.msk [tilespmem:v1+s1+$0x0], $0xffff  }
0x194: {  	v4 =	vld [tilespmem:s26+$0x15180];
	_ =	sdelay $0x2  }
0x195: {  	v5 =	vadd.s32 $0x2710, v2  }
0x196: {  	v1 =	vadd.s32 $0x2710, v1;
	v6 =	vunpack.i.l.bf16.f32 v3  }
0x197: {  	v3 =	vunpack.i.u.bf16.f32 v3;
	v6 =	vmul.f32 v6, v4  }
0x198: {  	v3 =	vmul.f32 v3, v4  }
0x199: {  	[tilespmem:v2+s16+$0x0] =	vst.idx.add.f32.msk $0xffff, v6  }
0x19a: {  	[tilespmem:v5+s16+$0x0] =	vst.idx.add.f32.msk $0xffff, v3  }
0x19b: {  	v1 =	vld.idx.msk [tilespmem:v1+s1+$0x0], $0xffff;
	_ =	sdelay $0x2  }
0x19c: {  	v3 =	vadd.s32 $0x4E20, v2  }
0x19d: {  	v42 =	vadd.s32 $0x7530, v2  }
0x19e: {  	v43 =	vunpack.i.l.bf16.f32 v1  }
0x19f: {  	v1 =	vunpack.i.u.bf16.f32 v1;
	v6 =	vmul.f32 v43, v4  }
0x1a0: {  	v1 =	vmul.f32 v1, v4  }
0x1a1: {  	[tilespmem:v3+s16+$0x0] =	vst.idx.add.f32.msk $0xffff, v6  }
0x1a2: {  	[tilespmem:v42+s16+$0x0] =	vst.idx.add.f32.msk $0xffff, v1  }
0x1a3: {  	v1 =	vld [tilespmem:s26+$0x17100];
	_ =	sdelay $0x4  }
0x1a4: {  	v1 =	vpsel p0, $0x3F800000, v1  }
0x1a5: {  	v1 =	vmul.f32 v1, v4;
	_ =	sdelay $0x1  }
0x1a6: {  	[tilespmem:v2+s17+$0x0] =	vst.idx.add.f32.msk vm0, v1  }
0x1a7: {  	v1 =	vld [tilespmem:s26+$0x13210];
	_ =	sdelay $0x6  }
0x1a8: {  	v2 =	vld [tilespmem:s26+$0x11290]  }
0x1a9: {  	v3 =	vld.idx.msk [tilespmem:v1+s1+$0x0], $0xffff  }
0x1aa: {  	v44 =	vld [tilespmem:s26+$0x15190];
	_ =	sdelay $0x2  }
0x1ab: {  	v45 =	vadd.s32 $0x2710, v2  }
0x1ac: {  	v1 =	vadd.s32 $0x2710, v1;
	v46 =	vunpack.i.l.bf16.f32 v3  }
0x1ad: {  	v3 =	vunpack.i.u.bf16.f32 v3;
	v6 =	vmul.f32 v46, v44  }
0x1ae: {  	v3 =	vmul.f32 v3, v44  }
0x1af: {  	[tilespmem:v2+s16+$0x0] =	vst.idx.add.f32.msk $0xffff, v6  }
0x1b0: {  	[tilespmem:v45+s16+$0x0] =	vst.idx.add.f32.msk $0xffff, v3  }
0x1b1: {  	v1 =	vld.idx.msk [tilespmem:v1+s1+$0x0], $0xffff;
	_ =	sdelay $0x2  }
0x1b2: {  	v3 =	vadd.s32 $0x4E20, v2  }
0x1b3: {  	v47 =	vadd.s32 $0x7530, v2  }
0x1b4: {  	v48 =	vunpack.i.l.bf16.f32 v1  }
0x1b5: {  	v1 =	vunpack.i.u.bf16.f32 v1;
	v6 =	vmul.f32 v48, v44  }
0x1b6: {  	v1 =	vmul.f32 v1, v44  }
0x1b7: {  	[tilespmem:v3+s16+$0x0] =	vst.idx.add.f32.msk $0xffff, v6  }
0x1b8: {  	[tilespmem:v47+s16+$0x0] =	vst.idx.add.f32.msk $0xffff, v1  }
0x1b9: {  	v1 =	vld [tilespmem:s26+$0x17110];
	_ =	sdelay $0x4  }
0x1ba: {  	v1 =	vpsel p0, $0x3F800000, v1  }
0x1bb: {  	v1 =	vmul.f32 v1, v44;
	_ =	sdelay $0x1  }
0x1bc: {  	[tilespmem:v2+s17+$0x0] =	vst.idx.add.f32.msk vm0, v1  }
0x1bd: {  	v1 =	vld [tilespmem:s26+$0x13220];
	_ =	sdelay $0x6  }
0x1be: {  	v2 =	vld [tilespmem:s26+$0x112A0]  }
0x1bf: {  	v3 =	vld.idx.msk [tilespmem:v1+s1+$0x0], $0xffff  }
0x1c0: {  	v49 =	vld [tilespmem:s26+$0x151A0];
	_ =	sdelay $0x2  }
0x1c1: {  	v50 =	vadd.s32 $0x2710, v2  }
0x1c2: {  	v1 =	vadd.s32 $0x2710, v1;
	v51 =	vunpack.i.l.bf16.f32 v3  }
0x1c3: {  	v3 =	vunpack.i.u.bf16.f32 v3;
	v6 =	vmul.f32 v51, v49  }
0x1c4: {  	v3 =	vmul.f32 v3, v49  }
0x1c5: {  	[tilespmem:v2+s16+$0x0] =	vst.idx.add.f32.msk $0xffff, v6  }
0x1c6: {  	[tilespmem:v50+s16+$0x0] =	vst.idx.add.f32.msk $0xffff, v3  }
0x1c7: {  	v1 =	vld.idx.msk [tilespmem:v1+s1+$0x0], $0xffff;
	_ =	sdelay $0x2  }
0x1c8: {  	v3 =	vadd.s32 $0x4E20, v2  }
0x1c9: {  	v52 =	vadd.s32 $0x7530, v2  }
0x1ca: {  	v53 =	vunpack.i.l.bf16.f32 v1  }
0x1cb: {  	v1 =	vunpack.i.u.bf16.f32 v1;
	v6 =	vmul.f32 v53, v49  }
0x1cc: {  	v1 =	vmul.f32 v1, v49  }
0x1cd: {  	[tilespmem:v3+s16+$0x0] =	vst.idx.add.f32.msk $0xffff, v6  }
0x1ce: {  	[tilespmem:v52+s16+$0x0] =	vst.idx.add.f32.msk $0xffff, v1  }
0x1cf: {  	v1 =	vld [tilespmem:s26+$0x17120];
	_ =	sdelay $0x4  }
0x1d0: {  	v1 =	vpsel p0, $0x3F800000, v1  }
0x1d1: {  	v1 =	vmul.f32 v1, v49;
	_ =	sdelay $0x1  }
0x1d2: {  	[tilespmem:v2+s17+$0x0] =	vst.idx.add.f32.msk vm0, v1  }
0x1d3: {  	v1 =	vld [tilespmem:s26+$0x13230];
	_ =	sdelay $0x6  }
0x1d4: {  	v2 =	vld [tilespmem:s26+$0x112B0]  }
0x1d5: {  	v3 =	vld.idx.msk [tilespmem:v1+s1+$0x0], $0xffff  }
0x1d6: {  	v54 =	vld [tilespmem:s26+$0x151B0];
	_ =	sdelay $0x2  }
0x1d7: {  	v55 =	vadd.s32 $0x2710, v2  }
0x1d8: {  	v1 =	vadd.s32 $0x2710, v1;
	v56 =	vunpack.i.l.bf16.f32 v3  }
0x1d9: {  	v3 =	vunpack.i.u.bf16.f32 v3;
	v6 =	vmul.f32 v56, v54  }
0x1da: {  	v3 =	vmul.f32 v3, v54  }
0x1db: {  	[tilespmem:v2+s16+$0x0] =	vst.idx.add.f32.msk $0xffff, v6  }
0x1dc: {  	[tilespmem:v55+s16+$0x0] =	vst.idx.add.f32.msk $0xffff, v3  }
0x1dd: {  	v1 =	vld.idx.msk [tilespmem:v1+s1+$0x0], $0xffff;
	_ =	sdelay $0x2  }
0x1de: {  	v3 =	vadd.s32 $0x4E20, v2  }
0x1df: {  	v57 =	vadd.s32 $0x7530, v2  }
0x1e0: {  	v58 =	vunpack.i.l.bf16.f32 v1  }
0x1e1: {  	v1 =	vunpack.i.u.bf16.f32 v1;
	v6 =	vmul.f32 v58, v54  }
0x1e2: {  	v1 =	vmul.f32 v1, v54  }
0x1e3: {  	[tilespmem:v3+s16+$0x0] =	vst.idx.add.f32.msk $0xffff, v6  }
0x1e4: {  	[tilespmem:v57+s16+$0x0] =	vst.idx.add.f32.msk $0xffff, v1  }
0x1e5: {  	v1 =	vld [tilespmem:s26+$0x17130];
	_ =	sdelay $0x4  }
0x1e6: {  	v1 =	vpsel p0, $0x3F800000, v1  }
0x1e7: {  	v1 =	vmul.f32 v1, v54;
	_ =	sdelay $0x1  }
0x1e8: {  	[tilespmem:v2+s17+$0x0] =	vst.idx.add.f32.msk vm0, v1  }
0x1e9: {  	v1 =	vld [tilespmem:s26+$0x13240];
	_ =	sdelay $0x6  }
0x1ea: {  	v2 =	vld [tilespmem:s26+$0x112C0]  }
0x1eb: {  	v3 =	vld.idx.msk [tilespmem:v1+s1+$0x0], $0xffff  }
0x1ec: {  	v59 =	vld [tilespmem:s26+$0x151C0];
	_ =	sdelay $0x2  }
0x1ed: {  	v60 =	vadd.s32 $0x2710, v2  }
0x1ee: {  	v1 =	vadd.s32 $0x2710, v1;
	v61 =	vunpack.i.l.bf16.f32 v3  }
0x1ef: {  	v3 =	vunpack.i.u.bf16.f32 v3;
	v6 =	vmul.f32 v61, v59  }
0x1f0: {  	v3 =	vmul.f32 v3, v59  }
0x1f1: {  	[tilespmem:v2+s16+$0x0] =	vst.idx.add.f32.msk $0xffff, v6  }
0x1f2: {  	[tilespmem:v60+s16+$0x0] =	vst.idx.add.f32.msk $0xffff, v3  }
0x1f3: {  	v1 =	vld.idx.msk [tilespmem:v1+s1+$0x0], $0xffff;
	_ =	sdelay $0x2  }
0x1f4: {  	v3 =	vadd.s32 $0x4E20, v2  }
0x1f5: {  	v62 =	vadd.s32 $0x7530, v2  }
0x1f6: {  	v63 =	vunpack.i.l.bf16.f32 v1  }
0x1f7: {  	v1 =	vunpack.i.u.bf16.f32 v1;
	v6 =	vmul.f32 v63, v59  }
0x1f8: {  	v1 =	vmul.f32 v1, v59  }
0x1f9: {  	[tilespmem:v3+s16+$0x0] =	vst.idx.add.f32.msk $0xffff, v6  }
0x1fa: {  	[tilespmem:v62+s16+$0x0] =	vst.idx.add.f32.msk $0xffff, v1  }
0x1fb: {  	v1 =	vld [tilespmem:s26+$0x17140];
	_ =	sdelay $0x2  }
0x1fc: {  	p5 =	sne.s32 s24, $0x3D40  }
.Ltmp9:
0x1fd: {  	_ = 	snop;
	(pc) =	sbr.rel @p5 .LBB2_17-.Ltmp9, $3  }
0x1fe: {  	v1 =	vpsel p0, $0x3F800000, v1  }
0x1ff: {  	v1 =	vmul.f32 v1, v59;
	_ =	sdelay $0x1  }
0x200: {  	s24 =	sadd.s32 $0x140, s24;
	[tilespmem:v2+s17+$0x0] =	vst.idx.add.f32.msk vm0, v1  }
0x201: {  	_ =	swait.ge [sflag:s29], $0xFA0  }
0x202: {  	[sflag:s29] =	ssyncset.done $0x0  }
0x203: {  	[sflag:s29] =	ssyncadd.s32 $0xFFFFF060  }
0x204: {  	_ =	swait.ge [sflag:s18], $0xFA0  }
0x205: {  	[sflag:s18] =	ssyncset.done $0x0  }
0x206: {  	[sflag:s18] =	ssyncadd.s32 $0xFFFFF060  }
0x207: {  	_ =	swait.ge [sflag:s30], $0xFA0  }
0x208: {  	[sflag:s30] =	ssyncset.done $0x0  }
0x209: {  	s24 =	simm.s32 @p2 $0x8;
	[sflag:s30] =	ssyncadd.s32 $0xFFFFF060  }
0x20a: {  	p5 =	seq.s32 s20, $0x13;
	_ =	swait.ge @p2 [sflag:s24], $0xFA0  }
0x20b: {  	s21 =	sadd.s32 @!p5 $0x1F40, s21;
	[sflag:s24] =	ssyncset.done @p2 $0x0  }
0x20c: {  	[sflag:s24] =	ssyncadd.s32 @p2 $0xFFFFF060;
	s24 =	sshrl.u32 @!p5 s21, $0x3  }
0x20d: {  	s26 =	simm.s32 @!p5 $0x0;
	s28 =	simm.s32 @!p5 $0x11280;
	s25 =	sadd.s32 @!p5 s7, s24  }
0x20e: {  	[tilespmem:s28], [sflag:$0x1] =	stream.linear.gather @!p5 [hbm4b:s25+s26], $0xFA0, $0x38;
	[tilespmem:$0x19080] =	vst v63  }
0x20f: {  	s25 =	sadd.s32 @!p5 s8, s24;
	s28 =	simm.s32 @!p5 $0x13200  }
0x210: {  	[tilespmem:s28], [sflag:$0x3] =	stream.linear.gather @!p5 [hbm4b:s25+s26], $0xFA0, $0x38;
	[tilespmem:$0x19080] =	vst v63  }
0x211: {  	s24 =	sadd.s32 @!p5 s9, s24;
	s25 =	simm.s32 @!p5 $0x15180  }
0x212: {  	[tilespmem:s25], [sflag:$0x5] =	stream.linear.gather @!p5 [hbm4b:s24+s26], $0xFA0, $0x38;
	[tilespmem:$0x19080] =	vst v63  }
0x213: {  	p5 =	por !p2, p5  }
0x214: {  	s21 =	sadd.s32 @!p5 s13, s21  }
0x215: {  	s21 =	sshrl.u32 @!p5 s21, $0x3  }
0x216: {  	s24 =	simm.s32 @!p5 $0x0;
	s25 =	simm.s32 @!p5 $0x17100;
	s21 =	sadd.s32 @!p5 s10, s21  }
0x217: {  	[tilespmem:s25], [sflag:$0x7] =	stream.linear.gather @!p5 [hbm4b:s21+s24], $0xFA0, $0x38;
	[tilespmem:$0x19080] =	vst v63  }
0x218: {  	s21 =	simm.s32 $0x0  }
.LBB2_19:
0x219: {  	s24 =	sshra.s32 s21, $0x2  }
0x21a: {  	v1 =	vld [tilespmem:s24+$0x141A0];
	_ =	sdelay $0x6  }
0x21b: {  	v2 =	vld [tilespmem:s24+$0x12220]  }
0x21c: {  	v3 =	vld.idx.msk [tilespmem:v1+s1+$0x0], $0xffff  }
0x21d: {  	v4 =	vld [tilespmem:s24+$0x16120];
	_ =	sdelay $0x2  }
0x21e: {  	v5 =	vadd.s32 $0x2710, v2  }
0x21f: {  	v1 =	vadd.s32 $0x2710, v1;
	v6 =	vunpack.i.l.bf16.f32 v3  }
0x220: {  	v3 =	vunpack.i.u.bf16.f32 v3;
	v6 =	vmul.f32 v6, v4  }
0x221: {  	v3 =	vmul.f32 v3, v4  }
0x222: {  	[tilespmem:v2+s16+$0x0] =	vst.idx.add.f32.msk $0xffff, v6  }
0x223: {  	[tilespmem:v5+s16+$0x0] =	vst.idx.add.f32.msk $0xffff, v3  }
0x224: {  	v1 =	vld.idx.msk [tilespmem:v1+s1+$0x0], $0xffff;
	_ =	sdelay $0x2  }
0x225: {  	v3 =	vadd.s32 $0x4E20, v2  }
0x226: {  	v42 =	vadd.s32 $0x7530, v2  }
0x227: {  	v43 =	vunpack.i.l.bf16.f32 v1  }
0x228: {  	v1 =	vunpack.i.u.bf16.f32 v1;
	v6 =	vmul.f32 v43, v4  }
0x229: {  	v1 =	vmul.f32 v1, v4  }
0x22a: {  	[tilespmem:v3+s16+$0x0] =	vst.idx.add.f32.msk $0xffff, v6  }
0x22b: {  	[tilespmem:v42+s16+$0x0] =	vst.idx.add.f32.msk $0xffff, v1  }
0x22c: {  	v1 =	vld [tilespmem:s24+$0x180A0];
	_ =	sdelay $0x4  }
0x22d: {  	v1 =	vpsel p0, $0x3F800000, v1  }
0x22e: {  	v1 =	vmul.f32 v1, v4;
	_ =	sdelay $0x1  }
0x22f: {  	[tilespmem:v2+s17+$0x0] =	vst.idx.add.f32.msk vm0, v1  }
0x230: {  	v1 =	vld [tilespmem:s24+$0x141B0];
	_ =	sdelay $0x6  }
0x231: {  	v2 =	vld [tilespmem:s24+$0x12230]  }
0x232: {  	v3 =	vld.idx.msk [tilespmem:v1+s1+$0x0], $0xffff  }
0x233: {  	v44 =	vld [tilespmem:s24+$0x16130];
	_ =	sdelay $0x2  }
0x234: {  	v45 =	vadd.s32 $0x2710, v2  }
0x235: {  	v1 =	vadd.s32 $0x2710, v1;
	v46 =	vunpack.i.l.bf16.f32 v3  }
0x236: {  	v3 =	vunpack.i.u.bf16.f32 v3;
	v6 =	vmul.f32 v46, v44  }
0x237: {  	v3 =	vmul.f32 v3, v44  }
0x238: {  	[tilespmem:v2+s16+$0x0] =	vst.idx.add.f32.msk $0xffff, v6  }
0x239: {  	[tilespmem:v45+s16+$0x0] =	vst.idx.add.f32.msk $0xffff, v3  }
0x23a: {  	v1 =	vld.idx.msk [tilespmem:v1+s1+$0x0], $0xffff;
	_ =	sdelay $0x2  }
0x23b: {  	v3 =	vadd.s32 $0x4E20, v2  }
0x23c: {  	v47 =	vadd.s32 $0x7530, v2  }
0x23d: {  	v48 =	vunpack.i.l.bf16.f32 v1  }
0x23e: {  	v1 =	vunpack.i.u.bf16.f32 v1;
	v6 =	vmul.f32 v48, v44  }
0x23f: {  	v1 =	vmul.f32 v1, v44  }
0x240: {  	[tilespmem:v3+s16+$0x0] =	vst.idx.add.f32.msk $0xffff, v6  }
0x241: {  	[tilespmem:v47+s16+$0x0] =	vst.idx.add.f32.msk $0xffff, v1  }
0x242: {  	v1 =	vld [tilespmem:s24+$0x180B0];
	_ =	sdelay $0x4  }
0x243: {  	v1 =	vpsel p0, $0x3F800000, v1  }
0x244: {  	v1 =	vmul.f32 v1, v44;
	_ =	sdelay $0x1  }
0x245: {  	[tilespmem:v2+s17+$0x0] =	vst.idx.add.f32.msk vm0, v1  }
0x246: {  	v1 =	vld [tilespmem:s24+$0x141C0];
	_ =	sdelay $0x6  }
0x247: {  	v2 =	vld [tilespmem:s24+$0x12240]  }
0x248: {  	v3 =	vld.idx.msk [tilespmem:v1+s1+$0x0], $0xffff  }
0x249: {  	v49 =	vld [tilespmem:s24+$0x16140];
	_ =	sdelay $0x2  }
0x24a: {  	v50 =	vadd.s32 $0x2710, v2  }
0x24b: {  	v1 =	vadd.s32 $0x2710, v1;
	v51 =	vunpack.i.l.bf16.f32 v3  }
0x24c: {  	v3 =	vunpack.i.u.bf16.f32 v3;
	v6 =	vmul.f32 v51, v49  }
0x24d: {  	v3 =	vmul.f32 v3, v49  }
0x24e: {  	[tilespmem:v2+s16+$0x0] =	vst.idx.add.f32.msk $0xffff, v6  }
0x24f: {  	[tilespmem:v50+s16+$0x0] =	vst.idx.add.f32.msk $0xffff, v3  }
0x250: {  	v1 =	vld.idx.msk [tilespmem:v1+s1+$0x0], $0xffff;
	_ =	sdelay $0x2  }
0x251: {  	v3 =	vadd.s32 $0x4E20, v2  }
0x252: {  	v52 =	vadd.s32 $0x7530, v2  }
0x253: {  	v53 =	vunpack.i.l.bf16.f32 v1  }
0x254: {  	v1 =	vunpack.i.u.bf16.f32 v1;
	v6 =	vmul.f32 v53, v49  }
0x255: {  	v1 =	vmul.f32 v1, v49  }
0x256: {  	[tilespmem:v3+s16+$0x0] =	vst.idx.add.f32.msk $0xffff, v6  }
0x257: {  	[tilespmem:v52+s16+$0x0] =	vst.idx.add.f32.msk $0xffff, v1  }
0x258: {  	v1 =	vld [tilespmem:s24+$0x180C0];
	_ =	sdelay $0x4  }
0x259: {  	v1 =	vpsel p0, $0x3F800000, v1  }
0x25a: {  	v1 =	vmul.f32 v1, v49;
	_ =	sdelay $0x1  }
0x25b: {  	[tilespmem:v2+s17+$0x0] =	vst.idx.add.f32.msk vm0, v1  }
0x25c: {  	v1 =	vld [tilespmem:s24+$0x141D0];
	_ =	sdelay $0x6  }
0x25d: {  	v2 =	vld [tilespmem:s24+$0x12250]  }
0x25e: {  	v3 =	vld.idx.msk [tilespmem:v1+s1+$0x0], $0xffff  }
0x25f: {  	v54 =	vld [tilespmem:s24+$0x16150];
	_ =	sdelay $0x2  }
0x260: {  	v55 =	vadd.s32 $0x2710, v2  }
0x261: {  	v1 =	vadd.s32 $0x2710, v1;
	v56 =	vunpack.i.l.bf16.f32 v3  }
0x262: {  	v3 =	vunpack.i.u.bf16.f32 v3;
	v6 =	vmul.f32 v56, v54  }
0x263: {  	v3 =	vmul.f32 v3, v54  }
0x264: {  	[tilespmem:v2+s16+$0x0] =	vst.idx.add.f32.msk $0xffff, v6  }
0x265: {  	[tilespmem:v55+s16+$0x0] =	vst.idx.add.f32.msk $0xffff, v3  }
0x266: {  	v1 =	vld.idx.msk [tilespmem:v1+s1+$0x0], $0xffff;
	_ =	sdelay $0x2  }
0x267: {  	v3 =	vadd.s32 $0x4E20, v2  }
0x268: {  	v57 =	vadd.s32 $0x7530, v2  }
0x269: {  	v58 =	vunpack.i.l.bf16.f32 v1  }
0x26a: {  	v1 =	vunpack.i.u.bf16.f32 v1;
	v6 =	vmul.f32 v58, v54  }
0x26b: {  	v1 =	vmul.f32 v1, v54  }
0x26c: {  	[tilespmem:v3+s16+$0x0] =	vst.idx.add.f32.msk $0xffff, v6  }
0x26d: {  	[tilespmem:v57+s16+$0x0] =	vst.idx.add.f32.msk $0xffff, v1  }
0x26e: {  	v1 =	vld [tilespmem:s24+$0x180D0];
	_ =	sdelay $0x4  }
0x26f: {  	v1 =	vpsel p0, $0x3F800000, v1  }
0x270: {  	v1 =	vmul.f32 v1, v54;
	_ =	sdelay $0x1  }
0x271: {  	[tilespmem:v2+s17+$0x0] =	vst.idx.add.f32.msk vm0, v1  }
0x272: {  	v1 =	vld [tilespmem:s24+$0x141E0];
	_ =	sdelay $0x6  }
0x273: {  	v2 =	vld [tilespmem:s24+$0x12260]  }
0x274: {  	v3 =	vld.idx.msk [tilespmem:v1+s1+$0x0], $0xffff  }
0x275: {  	v59 =	vld [tilespmem:s24+$0x16160];
	_ =	sdelay $0x2  }
0x276: {  	v60 =	vadd.s32 $0x2710, v2  }
0x277: {  	v1 =	vadd.s32 $0x2710, v1;
	v61 =	vunpack.i.l.bf16.f32 v3  }
0x278: {  	v3 =	vunpack.i.u.bf16.f32 v3;
	v6 =	vmul.f32 v61, v59  }
0x279: {  	v3 =	vmul.f32 v3, v59  }
0x27a: {  	[tilespmem:v2+s16+$0x0] =	vst.idx.add.f32.msk $0xffff, v6  }
0x27b: {  	[tilespmem:v60+s16+$0x0] =	vst.idx.add.f32.msk $0xffff, v3  }
0x27c: {  	v1 =	vld.idx.msk [tilespmem:v1+s1+$0x0], $0xffff;
	_ =	sdelay $0x2  }
0x27d: {  	v3 =	vadd.s32 $0x4E20, v2  }
0x27e: {  	v62 =	vadd.s32 $0x7530, v2  }
0x27f: {  	v63 =	vunpack.i.l.bf16.f32 v1  }
0x280: {  	v1 =	vunpack.i.u.bf16.f32 v1;
	v6 =	vmul.f32 v63, v59  }
0x281: {  	v1 =	vmul.f32 v1, v59  }
0x282: {  	[tilespmem:v3+s16+$0x0] =	vst.idx.add.f32.msk $0xffff, v6  }
0x283: {  	[tilespmem:v62+s16+$0x0] =	vst.idx.add.f32.msk $0xffff, v1  }
0x284: {  	v1 =	vld [tilespmem:s24+$0x180E0];
	_ =	sdelay $0x2  }
0x285: {  	p5 =	sne.s32 s21, $0x3D40  }
.Ltmp10:
0x286: {  	_ = 	snop;
	(pc) =	sbr.rel @p5 .LBB2_19-.Ltmp10, $3  }
0x287: {  	v1 =	vpsel p0, $0x3F800000, v1  }
0x288: {  	v1 =	vmul.f32 v1, v59;
	_ =	sdelay $0x1  }
0x289: {  	s21 =	sadd.s32 $0x140, s21;
	[tilespmem:v2+s17+$0x0] =	vst.idx.add.f32.msk vm0, v1  }
0x28a: {  	s20 =	sadd.s32 $0x1, s20  }
0x28b: {  	p5 =	sne.s32 s20, $0x14  }
.Ltmp11:
0x28c: {  	_ = 	snop;
	(pc) =	sbr.rel @p5 .LBB2_16-.Ltmp11, $1  }
0x28d: {  	_ =	sdelay $0x3  }
0x28e: {  	s19 =	rddreg [dreg:$0xb]  }
0x28f: {  	s25 =	simm.s32 $0x80;
	s20 =	simm.s32 $0x400;
	s28 =	simm.s32 $0x9  }
0x290: {  	[hbm4b:s19+s25] =	stream.strided.scatter [tilespmem:s16], [sflag:$0x9], $0x9C80, s20, s25, $0x38;
	[tilespmem:$0x19080] =	vst v63  }
0x291: {  	_ =	swait.ge [sflag:s28], $0x9C80  }
0x292: {  	s21 =	simm.s32 @!p4 $0xEB00;
	s19 =	simm.s32 @!p4 $0x80;
	[sflag:s28] =	ssyncset.done $0x0  }
0x293: {  	s20 =	simm.s32 @!p4 $0x400;
	s24 =	rddreg [dreg:$0xc];
	[sflag:s28] =	ssyncadd.s32 $0xFFFF6380  }
0x294: {  	[hbm4b:s24+s19] =	stream.strided.scatter @!p4 [tilespmem:s21], [sflag:$0x9], $0x2780, s20, s19, $0x38;
	[tilespmem:$0x19080] =	vst v63  }
.Ltmp12:
0x295: {  	_ = 	snop;
	(pc) =	sbr.rel @!p1 .LBB2_22-.Ltmp12, $4  }
0x296: {  	s19 =	simm.s32 @!p4 $0x9  }
0x297: {  	_ =	swait.ge @!p4 [sflag:s19], $0x2780  }
0x298: {  	[sflag:s19] =	ssyncset.done @!p4 $0x0  }
0x299: {  	[sflag:s19] =	ssyncadd.s32 @!p4 $0xFFFFD880  }
.Ltmp13:
0x29a: {  	(pc) =	sbr.rel @p3 .LBB2_26-.Ltmp13, $1  }
0x29b: {  	_ =	sdelay $0x3  }
.Ltmp14:
0x29c: {  	(pc) =	sbr.rel .LBB2_25-.Ltmp14, $3  }
0x29d: {  	_ =	sdelay $0x1  }
0x29e: {  	s19 =	rddreg [dreg:$0xd];
	s20 =	simm.s32 $0x200  }
0x29f: {  	[hbm4b:s19+s25] =	stream.strided.scatter [tilespmem:s17], [sflag:$0x9], $0x2780, s20, s25, $0x38;
	[tilespmem:$0x19080] =	vst v63  }
.LBB2_27:
0x2a0: {  	_ =	sfence.sel $0x180000  }
0x2a1: {  	[bflag:$0x0] =	sbarrier.arrive $0xFFFF  }
0x2a2: {  	_ =	strace $0x9000004A  }
0x2a3: {  	[bflag:$0x2] =	sbarrier.arrive $0xFFFF  }
0x2a4: {  	p0 =	sne.s32 s2, $0x0;
	s0 =	rddreg [dreg:$0x3]  }
0x2a5: {  	s0 =	sadd.s32 @!p0 $0x100000, s0  }
0x2a6: {  	[sflag:s0] =	ssyncadd.tile.s32 @!p0 $0x1;
	_ =	shalt  }
.Lfunc_end2:
_tile_overlayer_lowered:
.L_overlay_start_2:
0x2a7: {  	(tag) =	ssettag $0x2  }
0x2a8: {  	s0 =	rddreg [dreg:$0x0];
	s2 =	stileid.u32  }
0x2a9: {  	s1 =	rddreg [dreg:$0x1];
	p0 =	sne.s32 s2, $0x0  }
0x2aa: {  	s3 =	rddreg [dreg:$0x2];
	[bflag:$0x3] =	sbarrier.arrive $0xFFFF;
	s2 =	simm.s32 @!p0 $0x1C09  }
0x2ab: {  	[timem:s3], [sflag:s2] =	dma.local @!p0 [hbm:s0], s1  }
0x2ac: {  	s0 =	simm.s32 @!p0 $0x9  }
0x2ad: {  	_ =	swait.ge @!p0 [sflag:s0], s1  }
0x2ae: {  	s1 =	ssub.s32 @!p0 $0x0, s1;
	[sflag:s0] =	ssyncset.done @!p0 $0x0  }
0x2af: {  	[sflag:s0] =	ssyncadd.s32 @!p0 s1  }
0x2b0: {  	[bflag:$0x3] =	sbarrier.arrive $0xFFFF  }
0x2b1: {  	_ =	shalt  }

// kernel: kernel.8.cloned.1.call-start
scs
__scs_entry_jumppad:
0x0: {  	(pc) =	sbr.rel $0x88, $3  }
0x1: {  	(tag) =	ssettag $0x0;
	lr =	simm.s32 $0x1  }
0x2: {  	[smem:$0x3F95] =	sst lr;
	_ =	strace $0xD0000000  }
0x3: {  	_ = 	snop  }
0x4: {  	_ = 	snop  }
0x5: {  	_ = 	snop  }
0x6: {  	_ = 	snop  }
0x7: {  	_ = 	snop  }
__scs_overlays_trampoline_lowered:
0x8: {  	[smem:$0x3FA4] =	sst s0  }
0x9: {  	[smem:$0x3FA5] =	sst s1  }
0xa: {  	[smem:$0x3FA6] =	sst s2  }
0xb: {  	[smem:$0x3FA7] =	sst s3  }
0xc: {  	[smem:$0x3FA8] =	sst s4  }
0xd: {  	[smem:$0x3FA9] =	sst s5  }
0xe: {  	[smem:$0x3FAA] =	sst s6  }
0xf: {  	[smem:$0x3FAB] =	sst s7  }
0x10: {  	[smem:$0x3FAC] =	sst s8  }
0x11: {  	[smem:$0x3FAD] =	sst s9;
	s0 =	simm.s32 @!p0 $0x0  }
0x12: {  	s1 =	sld [smem:$0x3F93];
	s0 =	simm.s32 @p0 $0x1  }
0x13: {  	[smem:$0x3FAE] =	sst s0;
	s0 =	simm.s32 @!p1 $0x0  }
0x14: {  	s2 =	sld [smem:$0x3F92];
	s0 =	simm.s32 @p1 $0x1  }
0x15: {  	[smem:$0x3FAF] =	sst s0;
	s0 =	simm.s32 @!p2 $0x0  }
0x16: {  	s3 =	sld [smem:$0x3FDB];
	s0 =	simm.s32 @p2 $0x1  }
0x17: {  	s4 =	simm.s32 $0x1BF5;
	[smem:$0x3FB1] =	sst s0  }
0x18: {  	s0 =	sld [smem:$0x3F94];
	_ =	swait.ge [sflag:s4], $0x0  }
0x19: {  	s7 =	sld [smem:$0x3F95]  }
0x1a: {  	s8 =	sadd.s32 $0xFFFFE003, lr  }
0x1b: {  	s9 =	sadd.s32 $0xFFFFFEF7, lr;
	s5 =	simm.s32 $0xFFFFFFFF;
	p2 =	slt.u32 s8, $0xFFFFF086  }
0x1c: {  	p1 =	slt.u32 s9, $0xF7A;
	s5 =	simm.s32 @!p2 $0x0  }
0x1d: {  	s5 =	simm.s32 @p1 $0x1;
	p0 =	seq.s32 s7, s2  }
0x1e: {  	s7 =	smul.u32 @!p0 $0xF7A, s2;
	p2 =	seq.s32 @!p0 s5, $0x0  }
0x1f: {  	s9 =	smul.u32 $0xF7A, s1;
	s8 =	simm.s32 @!p0 $0x1BF5;
	p2 =	por !p2, p0  }
0x20: {  	[sflag:s8] =	ssyncset.s32 @!p0 $0xFFFFF086;
	s6 =	sadd.s32 @!p0 s3, s7;
	s7 =	simm.s32 @!p0 $0x108  }
0x21: {  	s3 =	sadd.s32 s3, s9;
	s6 =	sadd.s32 @!p0 $0x88, s6;
	s7 =	simm.s32 @p2 $0x1082  }
0x22: {  	[simem:s7], [sflag:s8] =	dma.local @!p0 [hbm:s6], $0xF7A  }
0x23: {  	s9 =	sor.u32 $0xD0000000, s2;
	s6 =	simm.s32 $0x108;
	_ =	swait.ge @!p0 [sflag:s8], $0x0  }
0x24: {  	s3 =	sadd.s32 $0x88, s3;
	s6 =	simm.s32 @!p1 $0x1082;
	[sflag:s4] =	ssyncset.s32 $0xFFFFF086  }
0x25: {  	[simem:s6], [sflag:s4] =	dma.local [hbm:s3], $0xF7A  }
0x26: {  	[smem:$0x3F95] =	sst s1;
	(tag) =	ssettag s2;
	_ =	strace s9  }
0x27: {  	s1 =	sld [smem:$0x3FA5]  }
0x28: {  	s2 =	sld [smem:$0x3FA6]  }
0x29: {  	s4 =	sld [smem:$0x3FA8]  }
0x2a: {  	p0 =	seq.s32 s5, $0x0;
	s5 =	sld [smem:$0x3FA9]  }
0x2b: {  	s6 =	sld [smem:$0x3FAA]  }
0x2c: {  	s7 =	sld [smem:$0x3FAB]  }
0x2d: {  	s3 =	simm.s32 $0x108;
	s8 =	sld [smem:$0x3FAC]  }
0x2e: {  	s3 =	simm.s32 @!p0 $0x1082;
	s9 =	sld [smem:$0x3FAD]  }
0x2f: {  	lr =	sadd.s32 s0, s3;
	s0 =	sld [smem:$0x3FA4]  }
0x30: {  	s3 =	sld [smem:$0x3FA7]  }
0x31: {  	[smem:$0x3FB0] =	sst s10  }
0x32: {  	s10 =	sld [smem:$0x3FAE];
	_ =	sdelay $0x3  }
0x33: {  	p0 =	seq.s32 s10, $0x1;
	s10 =	sld [smem:$0x3FB0];
	_ =	sdelay $0x3  }
0x34: {  	[smem:$0x3FB0] =	sst s10  }
0x35: {  	s10 =	sld [smem:$0x3FAF];
	_ =	sdelay $0x3  }
0x36: {  	p1 =	seq.s32 s10, $0x1;
	s10 =	sld [smem:$0x3FB0];
	_ =	sdelay $0x3  }
0x37: {  	[smem:$0x3FB0] =	sst s10  }
0x38: {  	s10 =	sld [smem:$0x3FB1]  }
0x39: {  	_ = 	snop;
	(pc) =	sbr.ind lr, $3  }
0x3a: {  	_ = 	snop  }
0x3b: {  	_ = 	snop  }
0x3c: {  	p2 =	seq.s32 s10, $0x1;
	s10 =	sld [smem:$0x3FB0]  }
0x3d: {  	_ =	shalt  }
0x3e: {  	_ =	shalt  }
0x3f: {  	_ =	shalt  }
0x40: {  	_ =	shalt  }
0x41: {  	_ =	shalt  }
0x42: {  	_ =	shalt  }
0x43: {  	_ =	shalt  }
0x44: {  	_ =	shalt  }
0x45: {  	_ =	shalt  }
0x46: {  	_ =	shalt  }
0x47: {  	_ =	shalt  }
0x48: {  	_ =	shalt  }
0x49: {  	_ =	shalt  }
0x4a: {  	_ =	shalt  }
0x4b: {  	_ =	shalt  }
0x4c: {  	_ =	shalt  }
0x4d: {  	_ =	shalt  }
0x4e: {  	_ =	shalt  }
0x4f: {  	_ =	shalt  }
0x50: {  	_ =	shalt  }
0x51: {  	_ =	shalt  }
0x52: {  	_ =	shalt  }
0x53: {  	_ =	shalt  }
0x54: {  	_ =	shalt  }
0x55: {  	_ =	shalt  }
0x56: {  	_ =	shalt  }
0x57: {  	_ =	shalt  }
0x58: {  	_ =	shalt  }
0x59: {  	_ =	shalt  }
0x5a: {  	_ =	shalt  }
0x5b: {  	_ =	shalt  }
0x5c: {  	_ =	shalt  }
0x5d: {  	_ =	shalt  }
0x5e: {  	_ =	shalt  }
0x5f: {  	_ =	shalt  }
0x60: {  	_ =	shalt  }
0x61: {  	_ =	shalt  }
0x62: {  	_ =	shalt  }
0x63: {  	_ =	shalt  }
0x64: {  	_ =	shalt  }
0x65: {  	_ =	shalt  }
0x66: {  	_ =	shalt  }
0x67: {  	_ =	shalt  }
0x68: {  	_ =	shalt  }
0x69: {  	_ =	shalt  }
0x6a: {  	_ =	shalt  }
0x6b: {  	_ =	shalt  }
0x6c: {  	_ =	shalt  }
0x6d: {  	_ =	shalt  }
0x6e: {  	_ =	shalt  }
0x6f: {  	_ =	shalt  }
0x70: {  	_ =	shalt  }
0x71: {  	_ =	shalt  }
0x72: {  	_ =	shalt  }
0x73: {  	_ =	shalt  }
0x74: {  	_ =	shalt  }
0x75: {  	_ =	shalt  }
0x76: {  	_ =	shalt  }
0x77: {  	_ =	shalt  }
0x78: {  	_ =	shalt  }
0x79: {  	_ =	shalt  }
0x7a: {  	_ =	shalt  }
0x7b: {  	_ =	shalt  }
0x7c: {  	_ =	shalt  }
0x7d: {  	_ =	shalt  }
0x7e: {  	_ =	shalt  }
0x7f: {  	_ =	shalt  }
0x80: {  	_ =	shalt  }
0x81: {  	_ =	shalt  }
0x82: {  	_ =	shalt  }
0x83: {  	_ =	shalt  }
0x84: {  	_ =	shalt  }
0x85: {  	_ =	shalt  }
0x86: {  	_ =	shalt  }
0x87: {  	_ =	shalt  }
.Lfunc_end0:
.L_simem_size_0:
called_computation_lowered:
.L_overlay_start_0:
0x88: {  	s2 =	sld [smem:$0x3FD9]  }
0x89: {  	s3 =	sld [smem:$0x3FFE];
	_ =	sdelay $0x1  }
0x8a: {  	s1 =	srdreg.scid  }
0x8b: {  	s0 =	sand.u32 $0x1, s1  }
0x8c: {  	s16 =	sshll.u32 s0, $0xA;
	s2 =	sadd.s32 s3, s2  }
0x8d: {  	s2 =	sadd.s32 s2, s16  }
0x8e: {  	[smem:$0x3FBC] =	sst s2  }
0x8f: {  	_ = 	snop  }
0x90: {  	(tm) =	ssettm $0x1  }
0x91: {  	s17 =	sld [smem:$0x3FFB];
	_ =	sdelay $0x3  }
0x92: {  	_ =	strace s17  }
0x93: {  	s2 =	sld [smem:$0x3FFC];
	_ =	sdelay $0x3  }
0x94: {  	_ =	strace s2  }
0x95: {  	s2 =	sld [smem:$0x3FFD];
	_ =	sdelay $0x3  }
0x96: {  	_ =	strace s2  }
0x97: {  	_ =	strace $0x8FFFFFFF  }
0x98: {  	s18 =	sld [smem:$0x3FDB];
	_ =	sdelay $0x1  }
0x99: {  	s19 =	simm.s32 $_scs_section_size  }
0x9a: {  	s4 =	simm.s32 $_size__tile_overlayer_lowered;
	s5 =	simm.s32 $_tile_overlayer_lowered  }
0x9b: {  	s22 =	simm.s32 $0x1BFF;
	s21 =	sshll.u32 s5, $0x1;
	s2 =	sadd.s32 s19, s18  }
0x9c: {  	s6 =	simm.s32 $0x0;
	s20 =	sshll.u32 s4, $0x1;
	s4 =	sadd.s32 s21, s2  }
0x9d: {  	[timem:s6], [sflag:s22] =	dma.local [hbm:s4], s20  }
0x9e: {  	_ =	swait.ge [sflag:s22], s20  }
0x9f: {  	s3 =	ssub.s32 $0x0, s20;
	[sflag:s22] =	ssyncset.done $0x0  }
0xa0: {  	[sflag:s22] =	ssyncadd.s32 s3;
	_ =	sdelay $0x1  }
0xa1: {  	s23 =	simm.s32 $0x1B8B  }
0xa2: {  	_ =	swait.ge [sflag:s23], $0x1  }
0xa3: {  	[sflag:s23] =	ssyncset.done $0x0  }
0xa4: {  	s25 =	simm.s32 $0x1B8E;
	s24 =	sld [smem:$0x3FFE];
	[sflag:s23] =	ssyncadd.s32 $0xFFFFFFFF  }
0xa5: {  	s26 =	simm.s32 $execute0_lowered;
	[smem:$0x3FD2] =	sst s25  }
0xa6: {  	s4 =	sshll.u32 s26, $0x1;
	_ =	strace $0x80000046;
	[dreg:$0x1] =	wrdreg $0xFFFFFFFF  }
0xa7: {  	s28 =	simm.s32 $_size_execute0_lowered;
	s2 =	sadd.s32 s2, s4;
	[dreg:$0x0] =	wrdreg $0x0  }
0xa8: {  	s4 =	sshll.u32 s28, $0x1;
	[dreg:$0x2] =	wrdreg s2  }
0xa9: {  	[dreg:$0x3] =	wrdreg s4  }
0xaa: {  	[dreg:$0x4] =	wrdreg $0xC0  }
0xab: {  	_ =	task [dreg:s6], $0x5FFFF  }
0xac: {  	[dreg:$0x1] =	wrdreg $0xFFFFFFFF  }
0xad: {  	[dreg:$0x0] =	wrdreg $0x60  }
0xae: {  	[dreg:$0x2] =	wrdreg s24  }
0xaf: {  	[dreg:$0x3] =	wrdreg $0x9  }
0xb0: {  	_ =	task.clear_ibuf [dreg:s6], $0x4FFFF;
	_ =	strace $0x90000046  }
0xb1: {  	s29 =	simm.s32 $0x9;
	_ =	strace $0x80000048  }
0xb2: {  	_ =	swait.ge [sflag:s29], $0x1  }
0xb3: {  	[sflag:s29] =	ssyncadd.s32 $0xFFFFFFFF  }
0xb4: {  	_ =	strace $0x90000048  }
0xb5: {  	_ =	sfence  }
0xb6: {  	s30 =	sld [smem:$0x0];
	_ =	sdelay $0x2  }
0xb7: {  	s31 =	sshll.u32 s1, $0xD;
	s1 =	sshrl.u32 s1, $0x2  }
0xb8: {  	s3 =	sand.u32 $0x4000, s31;
	s1 =	sadd.s32 s1, s30  }
0xb9: {  	s0 =	sor.u32 s3, s0;
	s1 =	sshll.u32 s1, $0x11  }
0xba: {  	s0 =	sor.u32 s1, s0  }
0xbb: {  	s0 =	sadd.s32 $0x8F2B, s0  }
0xbc: {  	[sflag:s0] =	ssyncadd.remote.s32 $0x1  }
0xbd: {  	_ =	sfence.sel $0xFFFF  }
0xbe: {  	[dreg:$0x0] =	wrdreg $0xFFFFFFFF;
	(pc) =	sbr.abs _section_cstart, $3  }
0xbf: {  	[dreg:$0x1] =	wrdreg $0xFFFFFFFF  }
0xc0: {  	_ =	task.clear_ibuf [dreg:s6], $0x2FFFF;
	_ =	strace $0x9FFFFFFF  }
0xc1: {  	(tm) =	ssettm $0x7FFFFFFF  }
tec
execute0_lowered:
.L_overlay_start_1:
0x0: {  	(tag) =	ssettag $0x1  }
0x1: {  	s0 =	rddreg [dreg:$0x0];
	s1 =	simm.s32 $0x0  }
0x2: {  	s10 =	srdreg.scid;
	s17 =	stileid.u32;
	s19 =	simm.s32 $0x1  }
0x3: {  	s20 =	simm.s32 $0x2780;
	s21 =	simm.s32 $0x4F00;
	s22 =	simm.s32 $0x5700  }
0x4: {  	s23 =	simm.s32 $0x5F00;
	s24 =	simm.s32 $0x6700;
	s25 =	simm.s32 $0x0  }
0x5: {  	[smem:$0x7FF] =	sst s1;
	s2 =	sadd.s32 $0x1E000, s0;
	s3 =	sadd.s32 $0x2A400, s0  }
0x6: {  	s4 =	sadd.s32 $0x7C00, s0;
	s5 =	sadd.s32 $0x2000, s0;
	s6 =	sadd.s32 $0x2600, s0  }
0x7: {  	s7 =	sadd.s32 $0x19000, s0;
	s8 =	sadd.s32 $0x14000, s0;
	s9 =	sadd.s32 $0x2C00, s0  }
0x8: {  	s10 =	sand.u32 $0x1, s10;
	s11 =	sadd.s32 $0x9E200, s0;
	s12 =	sadd.s32 $0x1A00, s0  }
0x9: {  	s13 =	sadd.s32 $0x36800, s0;
	s14 =	sadd.s32 $0x42C00, s0;
	s15 =	ssub.s32 $0x2, s10  }
0xa: {  	s31 =	sshll.u32 s17, $0x1;
	p0 =	sgt.u32 s17, $0x3;
	s16 =	sshrl.u32 s15, $0x1  }
0xb: {  	_ =	strace $0x80000047;
	s30 =	ssub.s32 s15, s16;
	s16 =	simm.s32 $0x6  }
0xc: {  	s16 =	simm.s32 @!p0 $0x7;
	p0 =	slt.u32 s17, $0x8;
	s17 =	simm.s32 $0x3  }
0xd: {  	s15 =	sor.u32 s10, s31;
	s18 =	smax.u32 s30, $0x1;
	s17 =	simm.s32 @!p0 $0x2  }
.LBB2_1:
0xe: {  	[tilespmem:s1], [sflag:$0x1] =	stream.linear.gather [hbm4b:s5+s1], $0x2780, $0x38;
	[tilespmem:$0x6F00] =	vst v63  }
0xf: {  	_ =	swait.ge [sflag:s19], $0x2780  }
0x10: {  	[sflag:s19] =	ssyncset.done $0x0  }
0x11: {  	[sflag:s19] =	ssyncadd.s32 $0xFFFFD880  }
0x12: {  	[tilespmem:s20], [sflag:$0x1] =	stream.linear.gather [hbm4b:s6+s1], $0x2780, $0x38;
	[tilespmem:$0x6F00] =	vst v63  }
0x13: {  	_ =	swait.ge [sflag:s19], $0x2780  }
0x14: {  	[sflag:s19] =	ssyncset.done $0x0  }
0x15: {  	s26 =	simm.s32 $0x0;
	[sflag:s19] =	ssyncadd.s32 $0xFFFFD880  }
.LBB2_2:
0x16: {  	s0 =	sshll.u32 s26, $0x5  }
0x17: {  	s0 =	sor.u32 s15, s0  }
0x18: {  	s0 =	smul.u32 $0x7D0, s0;
	_ =	sdelay $0x1  }
0x19: {  	s28 =	sshrl.u32 s0, $0x3  }
0x1a: {  	s10 =	simm.s32 $0x0;
	s0 =	sadd.s32 s2, s28  }
0x1b: {  	[tilespmem:s21], [sflag:$0x1] =	stream.linear.gather [hbm4b:s0+s10], $0x7D0, $0x38;
	[tilespmem:$0x6F00] =	vst v63  }
0x1c: {  	_ =	swait.ge [sflag:s19], $0x7D0  }
0x1d: {  	[sflag:s19] =	ssyncset.done $0x0  }
0x1e: {  	s31 =	sadd.s32 s3, s28;
	[sflag:s19] =	ssyncadd.s32 $0xFFFFF830  }
0x1f: {  	[tilespmem:s22], [sflag:$0x1] =	stream.linear.gather [hbm4b:s31+s10], $0x7D0, $0x38;
	[tilespmem:$0x6F00] =	vst v63  }
0x20: {  	_ =	swait.ge [sflag:s19], $0x7D0  }
0x21: {  	[sflag:s19] =	ssyncset.done $0x0  }
0x22: {  	s31 =	sadd.s32 s4, s28;
	[sflag:s19] =	ssyncadd.s32 $0xFFFFF830  }
0x23: {  	[tilespmem:s23], [sflag:$0x1] =	stream.linear.gather [hbm4b:s31+s10], $0x7D0, $0x38;
	[tilespmem:$0x6F00] =	vst v63  }
0x24: {  	_ =	swait.ge [sflag:s19], $0x7D0  }
0x25: {  	[sflag:s19] =	ssyncset.done $0x0  }
0x26: {  	s29 =	simm.s32 $0x0;
	[sflag:s19] =	ssyncadd.s32 $0xFFFFF830  }
0x27: {  	v0 =	vld [tilespmem:s29+$0x4F00]  }
0x28: {  	v1 =	vld [tilespmem:s29+$0x5700];
	_ =	sdelay $0x6  }
0x29: {  	v0 =	vld.idx.msk [tilespmem:v0+s1+$0x0], $0xffff  }
0x2a: {  	v1 =	vld.idx.msk [tilespmem:v1+s20+$0x0], $0xffff;
	_ =	sdelay $0x1  }
0x2b: {  	v2 =	vld [tilespmem:s29+$0x5F00];
	_ =	sdelay $0x2  }
0x2c: {  	v0 =	vadd.f32 v1, v0;
	_ =	sdelay $0x1  }
0x2d: {  	v0 =	vadd.f32 v0, v2;
	_ =	sdelay $0x1  }
0x2e: {  	v1 =	vmul.f32 $2.000000030e-01, v0  }
0x2f: {  	vm0 =	vgt.f32 v0, $0.0e+00  }
0x30: {  	v0 =	vsel vm0, v0, v1  }
0x31: {  	v0 =	vsub.f32 $0.0e+00, v0;
	_ =	sdelay $0x1  }
0x32: {  	v0 =	vmul.f32 $1.442695020e+00, v0;
	_ =	sdelay $0x1  }
0x33: {  	(erf) = vpow2.f32 v0;
	_ =	sdelay $0x2  }
0x34: {  	v0 =	vld [tilespmem:s29+$0x4F10]  }
0x35: {  	v1 =	vld [tilespmem:s29+$0x5710];
	_ =	sdelay $0x4  }
0x36: {  	v2 =	vpop (erf)  }
0x37: {  	[tilespmem:s29+$0x6700] =	vst v2  }
0x38: {  	v0 =	vld.idx.msk [tilespmem:v0+s1+$0x0], $0xffff  }
0x39: {  	v1 =	vld.idx.msk [tilespmem:v1+s20+$0x0], $0xffff;
	_ =	sdelay $0x1  }
0x3a: {  	v2 =	vld [tilespmem:s29+$0x5F10];
	_ =	sdelay $0x2  }
0x3b: {  	v0 =	vadd.f32 v1, v0;
	_ =	sdelay $0x1  }
0x3c: {  	v0 =	vadd.f32 v0, v2;
	_ =	sdelay $0x1  }
0x3d: {  	v1 =	vmul.f32 $2.000000030e-01, v0  }
0x3e: {  	vm12 =	vgt.f32 v0, $0.0e+00  }
0x3f: {  	v0 =	vsel vm12, v0, v1  }
0x40: {  	v0 =	vsub.f32 $0.0e+00, v0;
	_ =	sdelay $0x1  }
0x41: {  	v0 =	vmul.f32 $1.442695020e+00, v0;
	_ =	sdelay $0x1  }
0x42: {  	(erf) = vpow2.f32 v0;
	_ =	sdelay $0x2  }
0x43: {  	v0 =	vld [tilespmem:s29+$0x4F20]  }
0x44: {  	v1 =	vld [tilespmem:s29+$0x5720];
	_ =	sdelay $0x4  }
0x45: {  	v2 =	vpop (erf)  }
0x46: {  	[tilespmem:s29+$0x6710] =	vst v2  }
0x47: {  	v0 =	vld.idx.msk [tilespmem:v0+s1+$0x0], $0xffff  }
0x48: {  	v1 =	vld.idx.msk [tilespmem:v1+s20+$0x0], $0xffff;
	_ =	sdelay $0x1  }
0x49: {  	v2 =	vld [tilespmem:s29+$0x5F20];
	_ =	sdelay $0x2  }
0x4a: {  	v0 =	vadd.f32 v1, v0;
	_ =	sdelay $0x1  }
0x4b: {  	v0 =	vadd.f32 v0, v2;
	_ =	sdelay $0x1  }
0x4c: {  	v1 =	vmul.f32 $2.000000030e-01, v0  }
0x4d: {  	vm13 =	vgt.f32 v0, $0.0e+00  }
0x4e: {  	v0 =	vsel vm13, v0, v1  }
0x4f: {  	v0 =	vsub.f32 $0.0e+00, v0;
	_ =	sdelay $0x1  }
0x50: {  	v0 =	vmul.f32 $1.442695020e+00, v0;
	_ =	sdelay $0x1  }
0x51: {  	(erf) = vpow2.f32 v0;
	_ =	sdelay $0x2  }
0x52: {  	v0 =	vld [tilespmem:s29+$0x4F30]  }
0x53: {  	v1 =	vld [tilespmem:s29+$0x5730];
	_ =	sdelay $0x4  }
0x54: {  	v2 =	vpop (erf)  }
0x55: {  	[tilespmem:s29+$0x6720] =	vst v2  }
0x56: {  	v0 =	vld.idx.msk [tilespmem:v0+s1+$0x0], $0xffff  }
0x57: {  	v1 =	vld.idx.msk [tilespmem:v1+s20+$0x0], $0xffff;
	_ =	sdelay $0x1  }
0x58: {  	v2 =	vld [tilespmem:s29+$0x5F30];
	_ =	sdelay $0x2  }
0x59: {  	v0 =	vadd.f32 v1, v0;
	_ =	sdelay $0x1  }
0x5a: {  	v0 =	vadd.f32 v0, v2;
	_ =	sdelay $0x1  }
0x5b: {  	v1 =	vmul.f32 $2.000000030e-01, v0  }
0x5c: {  	vm14 =	vgt.f32 v0, $0.0e+00  }
0x5d: {  	v0 =	vsel vm14, v0, v1  }
0x5e: {  	v0 =	vsub.f32 $0.0e+00, v0;
	_ =	sdelay $0x1  }
0x5f: {  	v0 =	vmul.f32 $1.442695020e+00, v0;
	_ =	sdelay $0x1  }
0x60: {  	(erf) = vpow2.f32 v0;
	_ =	sdelay $0x2  }
0x61: {  	v0 =	vld [tilespmem:s29+$0x4F40]  }
0x62: {  	v1 =	vld [tilespmem:s29+$0x5740];
	_ =	sdelay $0x4  }
0x63: {  	v2 =	vpop (erf)  }
0x64: {  	[tilespmem:s29+$0x6730] =	vst v2  }
0x65: {  	v0 =	vld.idx.msk [tilespmem:v0+s1+$0x0], $0xffff  }
0x66: {  	v1 =	vld.idx.msk [tilespmem:v1+s20+$0x0], $0xffff;
	_ =	sdelay $0x1  }
0x67: {  	v2 =	vld [tilespmem:s29+$0x5F40];
	_ =	sdelay $0x2  }
0x68: {  	v0 =	vadd.f32 v1, v0;
	_ =	sdelay $0x1  }
0x69: {  	v0 =	vadd.f32 v0, v2;
	_ =	sdelay $0x1  }
0x6a: {  	v1 =	vmul.f32 $2.000000030e-01, v0  }
0x6b: {  	vm15 =	vgt.f32 v0, $0.0e+00  }
0x6c: {  	v0 =	vsel vm15, v0, v1  }
0x6d: {  	v0 =	vsub.f32 $0.0e+00, v0;
	_ =	sdelay $0x1  }
0x6e: {  	v1 =	vmul.f32 $1.442695020e+00, v0;
	_ =	sdelay $0x1  }
0x6f: {  	(erf) = vpow2.f32 v1;
	_ =	sdelay $0x1  }
0x70: {  	s0 =	simm.s32 $0x50  }
0x71: {  	v0 =	vld [tilespmem:s0+$0x4F00]  }
0x72: {  	s30 =	simm.s32 $0x280;
	v1 =	vld [tilespmem:s0+$0x5700]  }
.LBB2_3:
0x73: {  	p0 =	sne.s32 s30, $0x1E00;
	s31 =	smov.u32 s30;
	s30 =	sadd.s32 $0x140, s30  }
0x74: {  	_ =	sdelay $0x2  }
0x75: {  	v2 =	vpop (erf)  }
0x76: {  	[tilespmem:s29+$0x6740] =	vst v2;
	s29 =	smov.u32 s0  }
0x77: {  	v0 =	vld.idx.msk [tilespmem:v0+s1+$0x0], $0xffff  }
0x78: {  	v1 =	vld.idx.msk [tilespmem:v1+s20+$0x0], $0xffff;
	_ =	sdelay $0x1  }
0x79: {  	v2 =	vld [tilespmem:s29+$0x5F00];
	_ =	sdelay $0x3  }
0x7a: {  	v0 =	vadd.f32 v1, v0;
	_ =	sdelay $0x1  }
0x7b: {  	v0 =	vadd.f32 v0, v2;
	_ =	sdelay $0x1  }
0x7c: {  	vm0 =	vgt.f32 v0, $0.0e+00;
	v1 =	vmul.f32 $2.000000030e-01, v0;
	_ =	sdelay $0x1  }
0x7d: {  	v0 =	vsel vm0, v0, v1  }
0x7e: {  	v0 =	vsub.f32 $0.0e+00, v0;
	_ =	sdelay $0x1  }
0x7f: {  	v0 =	vmul.f32 $1.442695020e+00, v0;
	_ =	sdelay $0x1  }
0x80: {  	(erf) = vpow2.f32 v0;
	_ =	sdelay $0x1  }
0x81: {  	v0 =	vld [tilespmem:s29+$0x5710]  }
0x82: {  	v1 =	vld [tilespmem:s29+$0x4F10];
	_ =	sdelay $0x5  }
0x83: {  	v2 =	vpop (erf)  }
0x84: {  	[tilespmem:s29+$0x6700] =	vst v2  }
0x85: {  	v1 =	vld.idx.msk [tilespmem:v1+s1+$0x0], $0xffff  }
0x86: {  	v0 =	vld.idx.msk [tilespmem:v0+s20+$0x0], $0xffff  }
0x87: {  	v2 =	vld [tilespmem:s29+$0x5F10];
	_ =	sdelay $0x4  }
0x88: {  	v0 =	vadd.f32 v0, v1;
	_ =	sdelay $0x1  }
0x89: {  	v0 =	vadd.f32 v0, v2;
	_ =	sdelay $0x1  }
0x8a: {  	vm0 =	vgt.f32 v0, $0.0e+00;
	v1 =	vmul.f32 $2.000000030e-01, v0;
	_ =	sdelay $0x1  }
0x8b: {  	v0 =	vsel vm0, v0, v1  }
0x8c: {  	v0 =	vsub.f32 $0.0e+00, v0;
	_ =	sdelay $0x1  }
0x8d: {  	v0 =	vmul.f32 $1.442695020e+00, v0;
	_ =	sdelay $0x1  }
0x8e: {  	(erf) = vpow2.f32 v0;
	_ =	sdelay $0x1  }
0x8f: {  	v0 =	vld [tilespmem:s29+$0x5720]  }
0x90: {  	v1 =	vld [tilespmem:s29+$0x4F20];
	_ =	sdelay $0x5  }
0x91: {  	v2 =	vpop (erf)  }
0x92: {  	[tilespmem:s29+$0x6710] =	vst v2;
	v2 =	vld [tilespmem:s29+$0x5F20]  }
0x93: {  	v1 =	vld.idx.msk [tilespmem:v1+s1+$0x0], $0xffff  }
0x94: {  	v0 =	vld.idx.msk [tilespmem:v0+s20+$0x0], $0xffff;
	_ =	sdelay $0x5  }
0x95: {  	v0 =	vadd.f32 v0, v1;
	_ =	sdelay $0x1  }
0x96: {  	v0 =	vadd.f32 v0, v2;
	_ =	sdelay $0x1  }
0x97: {  	vm0 =	vgt.f32 v0, $0.0e+00;
	v1 =	vmul.f32 $2.000000030e-01, v0;
	_ =	sdelay $0x1  }
0x98: {  	v0 =	vsel vm0, v0, v1  }
0x99: {  	v0 =	vsub.f32 $0.0e+00, v0;
	_ =	sdelay $0x1  }
0x9a: {  	v0 =	vmul.f32 $1.442695020e+00, v0;
	_ =	sdelay $0x1  }
0x9b: {  	(erf) = vpow2.f32 v0;
	_ =	sdelay $0x1  }
0x9c: {  	v0 =	vld [tilespmem:s29+$0x5730]  }
0x9d: {  	v1 =	vld [tilespmem:s29+$0x4F30];
	_ =	sdelay $0x5  }
0x9e: {  	v2 =	vpop (erf)  }
0x9f: {  	[tilespmem:s29+$0x6720] =	vst v2;
	v2 =	vld [tilespmem:s29+$0x5F30]  }
0xa0: {  	v1 =	vld.idx.msk [tilespmem:v1+s1+$0x0], $0xffff  }
0xa1: {  	v0 =	vld.idx.msk [tilespmem:v0+s20+$0x0], $0xffff;
	_ =	sdelay $0x5  }
0xa2: {  	v0 =	vadd.f32 v0, v1;
	_ =	sdelay $0x1  }
0xa3: {  	v0 =	vadd.f32 v0, v2;
	_ =	sdelay $0x1  }
0xa4: {  	vm0 =	vgt.f32 v0, $0.0e+00;
	v1 =	vmul.f32 $2.000000030e-01, v0;
	_ =	sdelay $0x1  }
0xa5: {  	v0 =	vsel vm0, v0, v1  }
0xa6: {  	v0 =	vsub.f32 $0.0e+00, v0;
	_ =	sdelay $0x1  }
0xa7: {  	v0 =	vmul.f32 $1.442695020e+00, v0;
	_ =	sdelay $0x1  }
0xa8: {  	(erf) = vpow2.f32 v0;
	_ =	sdelay $0x1  }
0xa9: {  	v0 =	vld [tilespmem:s29+$0x5740]  }
0xaa: {  	v1 =	vld [tilespmem:s29+$0x4F40];
	_ =	sdelay $0x5  }
0xab: {  	v2 =	vpop (erf)  }
0xac: {  	[tilespmem:s29+$0x6730] =	vst v2;
	v2 =	vld [tilespmem:s29+$0x5F40]  }
0xad: {  	v1 =	vld.idx.msk [tilespmem:v1+s1+$0x0], $0xffff  }
0xae: {  	v0 =	vld.idx.msk [tilespmem:v0+s20+$0x0], $0xffff;
	_ =	sdelay $0x5  }
0xaf: {  	v0 =	vadd.f32 v0, v1;
	_ =	sdelay $0x1  }
0xb0: {  	v0 =	vadd.f32 v0, v2;
	_ =	sdelay $0x1  }
0xb1: {  	vm0 =	vgt.f32 v0, $0.0e+00;
	v1 =	vmul.f32 $2.000000030e-01, v0;
	_ =	sdelay $0x1  }
0xb2: {  	v0 =	vsel vm0, v0, v1  }
0xb3: {  	v0 =	vsub.f32 $0.0e+00, v0;
	_ =	sdelay $0x1  }
0xb4: {  	v0 =	vmul.f32 $1.442695020e+00, v0;
	_ =	sdelay $0x1  }
.Ltmp0:
0xb5: {  	(erf) = vpow2.f32 v0;
	(pc) =	sbr.rel @p0 .LBB2_3-.Ltmp0, $4  }
0xb6: {  	_ = 	snop  }
0xb7: {  	s0 =	sshra.s32 s31, $0x2  }
0xb8: {  	v0 =	vld [tilespmem:s0+$0x4F00]  }
0xb9: {  	v1 =	vld [tilespmem:s0+$0x5700]  }
0xba: {  	_ =	sdelay $0x4  }
0xbb: {  	v2 =	vpop (erf)  }
0xbc: {  	[tilespmem:s29+$0x6740] =	vst v2  }
0xbd: {  	v0 =	vld.idx.msk [tilespmem:v0+s1+$0x0], $0xffff  }
0xbe: {  	v1 =	vld.idx.msk [tilespmem:v1+s20+$0x0], $0xffff;
	_ =	sdelay $0x1  }
0xbf: {  	v2 =	vld [tilespmem:s0+$0x5F00];
	_ =	sdelay $0x2  }
0xc0: {  	v0 =	vadd.f32 v1, v0;
	_ =	sdelay $0x1  }
0xc1: {  	v0 =	vadd.f32 v0, v2;
	_ =	sdelay $0x1  }
0xc2: {  	v43 =	vmul.f32 $2.000000030e-01, v0  }
0xc3: {  	vm0 =	vgt.f32 v0, $0.0e+00  }
0xc4: {  	v0 =	vsel vm0, v0, v43  }
0xc5: {  	v0 =	vsub.f32 $0.0e+00, v0;
	_ =	sdelay $0x1  }
0xc6: {  	v0 =	vmul.f32 $1.442695020e+00, v0;
	_ =	sdelay $0x1  }
0xc7: {  	(erf) = vpow2.f32 v0;
	_ =	sdelay $0x2  }
0xc8: {  	v44 =	vld [tilespmem:s0+$0x4F10]  }
0xc9: {  	v45 =	vld [tilespmem:s0+$0x5710];
	_ =	sdelay $0x4  }
0xca: {  	v46 =	vpop (erf)  }
0xcb: {  	[tilespmem:s0+$0x6700] =	vst v46  }
0xcc: {  	v0 =	vld.idx.msk [tilespmem:v44+s1+$0x0], $0xffff  }
0xcd: {  	v1 =	vld.idx.msk [tilespmem:v45+s20+$0x0], $0xffff;
	_ =	sdelay $0x1  }
0xce: {  	v47 =	vld [tilespmem:s0+$0x5F10];
	_ =	sdelay $0x2  }
0xcf: {  	v0 =	vadd.f32 v1, v0;
	_ =	sdelay $0x1  }
0xd0: {  	v0 =	vadd.f32 v0, v47;
	_ =	sdelay $0x1  }
0xd1: {  	v48 =	vmul.f32 $2.000000030e-01, v0  }
0xd2: {  	vm12 =	vgt.f32 v0, $0.0e+00  }
0xd3: {  	v0 =	vsel vm12, v0, v48  }
0xd4: {  	v0 =	vsub.f32 $0.0e+00, v0;
	_ =	sdelay $0x1  }
0xd5: {  	v0 =	vmul.f32 $1.442695020e+00, v0;
	_ =	sdelay $0x1  }
0xd6: {  	(erf) = vpow2.f32 v0;
	_ =	sdelay $0x2  }
0xd7: {  	v49 =	vld [tilespmem:s0+$0x4F20]  }
0xd8: {  	v50 =	vld [tilespmem:s0+$0x5720];
	_ =	sdelay $0x4  }
0xd9: {  	v51 =	vpop (erf)  }
0xda: {  	[tilespmem:s0+$0x6710] =	vst v51  }
0xdb: {  	v0 =	vld.idx.msk [tilespmem:v49+s1+$0x0], $0xffff  }
0xdc: {  	v1 =	vld.idx.msk [tilespmem:v50+s20+$0x0], $0xffff;
	_ =	sdelay $0x1  }
0xdd: {  	v52 =	vld [tilespmem:s0+$0x5F20];
	_ =	sdelay $0x2  }
0xde: {  	v0 =	vadd.f32 v1, v0;
	_ =	sdelay $0x1  }
0xdf: {  	v0 =	vadd.f32 v0, v52;
	_ =	sdelay $0x1  }
0xe0: {  	v53 =	vmul.f32 $2.000000030e-01, v0  }
0xe1: {  	vm13 =	vgt.f32 v0, $0.0e+00  }
0xe2: {  	v0 =	vsel vm13, v0, v53  }
0xe3: {  	v0 =	vsub.f32 $0.0e+00, v0;
	_ =	sdelay $0x1  }
0xe4: {  	v0 =	vmul.f32 $1.442695020e+00, v0;
	_ =	sdelay $0x1  }
0xe5: {  	(erf) = vpow2.f32 v0;
	_ =	sdelay $0x2  }
0xe6: {  	v54 =	vld [tilespmem:s0+$0x4F30]  }
0xe7: {  	v55 =	vld [tilespmem:s0+$0x5730];
	_ =	sdelay $0x4  }
0xe8: {  	v56 =	vpop (erf)  }
0xe9: {  	[tilespmem:s0+$0x6720] =	vst v56  }
0xea: {  	v0 =	vld.idx.msk [tilespmem:v54+s1+$0x0], $0xffff  }
0xeb: {  	v1 =	vld.idx.msk [tilespmem:v55+s20+$0x0], $0xffff;
	_ =	sdelay $0x1  }
0xec: {  	v57 =	vld [tilespmem:s0+$0x5F30];
	_ =	sdelay $0x2  }
0xed: {  	v0 =	vadd.f32 v1, v0;
	_ =	sdelay $0x1  }
0xee: {  	v0 =	vadd.f32 v0, v57;
	_ =	sdelay $0x1  }
0xef: {  	v58 =	vmul.f32 $2.000000030e-01, v0  }
0xf0: {  	vm14 =	vgt.f32 v0, $0.0e+00  }
0xf1: {  	v0 =	vsel vm14, v0, v58  }
0xf2: {  	v0 =	vsub.f32 $0.0e+00, v0;
	_ =	sdelay $0x1  }
0xf3: {  	v0 =	vmul.f32 $1.442695020e+00, v0;
	_ =	sdelay $0x1  }
0xf4: {  	(erf) = vpow2.f32 v0;
	_ =	sdelay $0x2  }
0xf5: {  	v59 =	vld [tilespmem:s0+$0x4F40]  }
0xf6: {  	v60 =	vld [tilespmem:s0+$0x5740];
	_ =	sdelay $0x4  }
0xf7: {  	v61 =	vpop (erf)  }
0xf8: {  	[tilespmem:s0+$0x6730] =	vst v61  }
0xf9: {  	v0 =	vld.idx.msk [tilespmem:v59+s1+$0x0], $0xffff  }
0xfa: {  	v1 =	vld.idx.msk [tilespmem:v60+s20+$0x0], $0xffff;
	_ =	sdelay $0x1  }
0xfb: {  	v62 =	vld [tilespmem:s0+$0x5F40];
	_ =	sdelay $0x2  }
0xfc: {  	v0 =	vadd.f32 v1, v0;
	_ =	sdelay $0x1  }
0xfd: {  	v0 =	vadd.f32 v0, v62;
	_ =	sdelay $0x1  }
0xfe: {  	v63 =	vmul.f32 $2.000000030e-01, v0  }
0xff: {  	vm15 =	vgt.f32 v0, $0.0e+00  }
0x100: {  	v0 =	vsel vm15, v0, v63  }
0x101: {  	v0 =	vsub.f32 $0.0e+00, v0;
	_ =	sdelay $0x1  }
0x102: {  	v0 =	vmul.f32 $1.442695020e+00, v0;
	_ =	sdelay $0x1  }
0x103: {  	(erf) = vpow2.f32 v0;
	_ =	sdelay $0x7  }
0x104: {  	s26 =	sadd.s32 $0x1, s26  }
0x105: {  	p0 =	sne.s32 s26, s16;
	v0 =	vpop (erf)  }
.Ltmp1:
0x106: {  	s31 =	sadd.s32 s13, s28;
	[tilespmem:s0+$0x6740] =	vst v0;
	(pc) =	sbr.rel @p0 .LBB2_2-.Ltmp1, $4  }
0x107: {  	[hbm4b:s31+s1] =	stream.linear.scatter [tilespmem:s24], [sflag:$0x1], $0x7D0, $0x38;
	[tilespmem:$0x6F00] =	vst v63  }
0x108: {  	_ =	swait.ge [sflag:s19], $0x7D0  }
0x109: {  	[sflag:s19] =	ssyncset.done $0x0  }
0x10a: {  	[sflag:s19] =	ssyncadd.s32 $0xFFFFF830  }
0x10b: {  	s26 =	simm.s32 $0x0  }
0x10c: {  	[tilespmem:s26], [sflag:$0x1] =	stream.linear.gather [hbm4b:s11+s26], $0x2780, $0x38;
	[tilespmem:$0x6F00] =	vst v63  }
0x10d: {  	_ =	swait.ge [sflag:s19], $0x2780  }
0x10e: {  	[sflag:s19] =	ssyncset.done $0x0  }
0x10f: {  	[sflag:s19] =	ssyncadd.s32 $0xFFFFD880  }
0x110: {  	[tilespmem:s20], [sflag:$0x1] =	stream.linear.gather [hbm4b:s12+s26], $0x2780, $0x38;
	[tilespmem:$0x6F00] =	vst v63  }
0x111: {  	_ =	swait.ge [sflag:s19], $0x2780  }
0x112: {  	[sflag:s19] =	ssyncset.done $0x0  }
0x113: {  	s28 =	simm.s32 $0x0;
	[sflag:s19] =	ssyncadd.s32 $0xFFFFD880  }
.LBB2_6:
0x114: {  	s0 =	sshll.u32 s28, $0x5  }
0x115: {  	s0 =	sor.u32 s15, s0  }
0x116: {  	s0 =	smul.u32 $0x7D0, s0;
	_ =	sdelay $0x1  }
0x117: {  	s29 =	sshrl.u32 s0, $0x3  }
0x118: {  	s0 =	sadd.s32 s7, s29  }
0x119: {  	[tilespmem:s21], [sflag:$0x1] =	stream.linear.gather [hbm4b:s0+s26], $0x7D0, $0x38;
	[tilespmem:$0x6F00] =	vst v63  }
0x11a: {  	_ =	swait.ge [sflag:s19], $0x7D0  }
0x11b: {  	[sflag:s19] =	ssyncset.done $0x0  }
0x11c: {  	s10 =	sadd.s32 s8, s29;
	[sflag:s19] =	ssyncadd.s32 $0xFFFFF830  }
0x11d: {  	[tilespmem:s22], [sflag:$0x1] =	stream.linear.gather [hbm4b:s10+s26], $0x7D0, $0x38;
	[tilespmem:$0x6F00] =	vst v63  }
0x11e: {  	_ =	swait.ge [sflag:s19], $0x7D0  }
0x11f: {  	[sflag:s19] =	ssyncset.done $0x0  }
0x120: {  	s10 =	sadd.s32 s9, s29;
	[sflag:s19] =	ssyncadd.s32 $0xFFFFF830  }
0x121: {  	[tilespmem:s23], [sflag:$0x1] =	stream.linear.gather [hbm4b:s10+s26], $0x7D0, $0x38;
	[tilespmem:$0x6F00] =	vst v63  }
0x122: {  	_ =	swait.ge [sflag:s19], $0x7D0  }
0x123: {  	[sflag:s19] =	ssyncset.done $0x0  }
0x124: {  	s30 =	simm.s32 $0x0;
	[sflag:s19] =	ssyncadd.s32 $0xFFFFF830  }
0x125: {  	v0 =	vld [tilespmem:s30+$0x4F00]  }
0x126: {  	v1 =	vld [tilespmem:s30+$0x5700];
	_ =	sdelay $0x6  }
0x127: {  	v0 =	vld.idx.msk [tilespmem:v0+s1+$0x0], $0xffff  }
0x128: {  	v1 =	vld.idx.msk [tilespmem:v1+s20+$0x0], $0xffff;
	_ =	sdelay $0x1  }
0x129: {  	v2 =	vld [tilespmem:s30+$0x5F00];
	_ =	sdelay $0x2  }
0x12a: {  	v0 =	vadd.f32 v1, v0;
	_ =	sdelay $0x1  }
0x12b: {  	v0 =	vadd.f32 v0, v2;
	_ =	sdelay $0x1  }
0x12c: {  	v1 =	vmul.f32 $2.000000030e-01, v0  }
0x12d: {  	vm0 =	vgt.f32 v0, $0.0e+00  }
0x12e: {  	v0 =	vsel vm0, v0, v1  }
0x12f: {  	v0 =	vsub.f32 $0.0e+00, v0;
	_ =	sdelay $0x1  }
0x130: {  	v0 =	vmul.f32 $1.442695020e+00, v0;
	_ =	sdelay $0x1  }
0x131: {  	(erf) = vpow2.f32 v0;
	_ =	sdelay $0x2  }
0x132: {  	v0 =	vld [tilespmem:s30+$0x4F10]  }
0x133: {  	v1 =	vld [tilespmem:s30+$0x5710];
	_ =	sdelay $0x4  }
0x134: {  	v2 =	vpop (erf)  }
0x135: {  	[tilespmem:s30+$0x6700] =	vst v2  }
0x136: {  	v0 =	vld.idx.msk [tilespmem:v0+s1+$0x0], $0xffff  }
0x137: {  	v1 =	vld.idx.msk [tilespmem:v1+s20+$0x0], $0xffff;
	_ =	sdelay $0x1  }
0x138: {  	v2 =	vld [tilespmem:s30+$0x5F10];
	_ =	sdelay $0x2  }
0x139: {  	v0 =	vadd.f32 v1, v0;
	_ =	sdelay $0x1  }
0x13a: {  	v0 =	vadd.f32 v0, v2;
	_ =	sdelay $0x1  }
0x13b: {  	v1 =	vmul.f32 $2.000000030e-01, v0  }
0x13c: {  	vm12 =	vgt.f32 v0, $0.0e+00  }
0x13d: {  	v0 =	vsel vm12, v0, v1  }
0x13e: {  	v0 =	vsub.f32 $0.0e+00, v0;
	_ =	sdelay $0x1  }
0x13f: {  	v0 =	vmul.f32 $1.442695020e+00, v0;
	_ =	sdelay $0x1  }
0x140: {  	(erf) = vpow2.f32 v0;
	_ =	sdelay $0x2  }
0x141: {  	v0 =	vld [tilespmem:s30+$0x4F20]  }
0x142: {  	v1 =	vld [tilespmem:s30+$0x5720];
	_ =	sdelay $0x4  }
0x143: {  	v2 =	vpop (erf)  }
0x144: {  	[tilespmem:s30+$0x6710] =	vst v2  }
0x145: {  	v0 =	vld.idx.msk [tilespmem:v0+s1+$0x0], $0xffff  }
0x146: {  	v1 =	vld.idx.msk [tilespmem:v1+s20+$0x0], $0xffff;
	_ =	sdelay $0x1  }
0x147: {  	v2 =	vld [tilespmem:s30+$0x5F20];
	_ =	sdelay $0x2  }
0x148: {  	v0 =	vadd.f32 v1, v0;
	_ =	sdelay $0x1  }
0x149: {  	v0 =	vadd.f32 v0, v2;
	_ =	sdelay $0x1  }
0x14a: {  	v1 =	vmul.f32 $2.000000030e-01, v0  }
0x14b: {  	vm13 =	vgt.f32 v0, $0.0e+00  }
0x14c: {  	v0 =	vsel vm13, v0, v1  }
0x14d: {  	v0 =	vsub.f32 $0.0e+00, v0;
	_ =	sdelay $0x1  }
0x14e: {  	v0 =	vmul.f32 $1.442695020e+00, v0;
	_ =	sdelay $0x1  }
0x14f: {  	(erf) = vpow2.f32 v0;
	_ =	sdelay $0x2  }
0x150: {  	v0 =	vld [tilespmem:s30+$0x4F30]  }
0x151: {  	v1 =	vld [tilespmem:s30+$0x5730];
	_ =	sdelay $0x4  }
0x152: {  	v2 =	vpop (erf)  }
0x153: {  	[tilespmem:s30+$0x6720] =	vst v2  }
0x154: {  	v0 =	vld.idx.msk [tilespmem:v0+s1+$0x0], $0xffff  }
0x155: {  	v1 =	vld.idx.msk [tilespmem:v1+s20+$0x0], $0xffff;
	_ =	sdelay $0x1  }
0x156: {  	v2 =	vld [tilespmem:s30+$0x5F30];
	_ =	sdelay $0x2  }
0x157: {  	v0 =	vadd.f32 v1, v0;
	_ =	sdelay $0x1  }
0x158: {  	v0 =	vadd.f32 v0, v2;
	_ =	sdelay $0x1  }
0x159: {  	v1 =	vmul.f32 $2.000000030e-01, v0  }
0x15a: {  	vm14 =	vgt.f32 v0, $0.0e+00  }
0x15b: {  	v0 =	vsel vm14, v0, v1  }
0x15c: {  	v0 =	vsub.f32 $0.0e+00, v0;
	_ =	sdelay $0x1  }
0x15d: {  	v0 =	vmul.f32 $1.442695020e+00, v0;
	_ =	sdelay $0x1  }
0x15e: {  	(erf) = vpow2.f32 v0;
	_ =	sdelay $0x2  }
0x15f: {  	v0 =	vld [tilespmem:s30+$0x4F40]  }
0x160: {  	v1 =	vld [tilespmem:s30+$0x5740];
	_ =	sdelay $0x4  }
0x161: {  	v2 =	vpop (erf)  }
0x162: {  	[tilespmem:s30+$0x6730] =	vst v2  }
0x163: {  	v0 =	vld.idx.msk [tilespmem:v0+s1+$0x0], $0xffff  }
0x164: {  	v1 =	vld.idx.msk [tilespmem:v1+s20+$0x0], $0xffff;
	_ =	sdelay $0x1  }
0x165: {  	v2 =	vld [tilespmem:s30+$0x5F40];
	_ =	sdelay $0x2  }
0x166: {  	v0 =	vadd.f32 v1, v0;
	_ =	sdelay $0x1  }
0x167: {  	v0 =	vadd.f32 v0, v2;
	_ =	sdelay $0x1  }
0x168: {  	v1 =	vmul.f32 $2.000000030e-01, v0  }
0x169: {  	vm15 =	vgt.f32 v0, $0.0e+00  }
0x16a: {  	v0 =	vsel vm15, v0, v1  }
0x16b: {  	v0 =	vsub.f32 $0.0e+00, v0;
	_ =	sdelay $0x1  }
0x16c: {  	v1 =	vmul.f32 $1.442695020e+00, v0;
	_ =	sdelay $0x1  }
0x16d: {  	(erf) = vpow2.f32 v1;
	_ =	sdelay $0x1  }
0x16e: {  	s10 =	simm.s32 $0x50  }
0x16f: {  	v0 =	vld [tilespmem:s10+$0x4F00]  }
0x170: {  	s31 =	simm.s32 $0x280;
	v1 =	vld [tilespmem:s10+$0x5700]  }
.LBB2_7:
0x171: {  	p0 =	sne.s32 s31, $0x1E00;
	s0 =	smov.u32 s31;
	s31 =	sadd.s32 $0x140, s31  }
0x172: {  	_ =	sdelay $0x2  }
0x173: {  	v2 =	vpop (erf)  }
0x174: {  	[tilespmem:s30+$0x6740] =	vst v2;
	s30 =	smov.u32 s10  }
0x175: {  	v0 =	vld.idx.msk [tilespmem:v0+s1+$0x0], $0xffff  }
0x176: {  	v1 =	vld.idx.msk [tilespmem:v1+s20+$0x0], $0xffff;
	_ =	sdelay $0x1  }
0x177: {  	v2 =	vld [tilespmem:s30+$0x5F00];
	_ =	sdelay $0x3  }
0x178: {  	v0 =	vadd.f32 v1, v0;
	_ =	sdelay $0x1  }
0x179: {  	v0 =	vadd.f32 v0, v2;
	_ =	sdelay $0x1  }
0x17a: {  	vm0 =	vgt.f32 v0, $0.0e+00;
	v1 =	vmul.f32 $2.000000030e-01, v0;
	_ =	sdelay $0x1  }
0x17b: {  	v0 =	vsel vm0, v0, v1  }
0x17c: {  	v0 =	vsub.f32 $0.0e+00, v0;
	_ =	sdelay $0x1  }
0x17d: {  	v0 =	vmul.f32 $1.442695020e+00, v0;
	_ =	sdelay $0x1  }
0x17e: {  	(erf) = vpow2.f32 v0;
	_ =	sdelay $0x1  }
0x17f: {  	v0 =	vld [tilespmem:s30+$0x5710]  }
0x180: {  	v1 =	vld [tilespmem:s30+$0x4F10];
	_ =	sdelay $0x5  }
0x181: {  	v2 =	vpop (erf)  }
0x182: {  	[tilespmem:s30+$0x6700] =	vst v2  }
0x183: {  	v1 =	vld.idx.msk [tilespmem:v1+s1+$0x0], $0xffff  }
0x184: {  	v0 =	vld.idx.msk [tilespmem:v0+s20+$0x0], $0xffff  }
0x185: {  	v2 =	vld [tilespmem:s30+$0x5F10];
	_ =	sdelay $0x4  }
0x186: {  	v0 =	vadd.f32 v0, v1;
	_ =	sdelay $0x1  }
0x187: {  	v0 =	vadd.f32 v0, v2;
	_ =	sdelay $0x1  }
0x188: {  	vm0 =	vgt.f32 v0, $0.0e+00;
	v1 =	vmul.f32 $2.000000030e-01, v0;
	_ =	sdelay $0x1  }
0x189: {  	v0 =	vsel vm0, v0, v1  }
0x18a: {  	v0 =	vsub.f32 $0.0e+00, v0;
	_ =	sdelay $0x1  }
0x18b: {  	v0 =	vmul.f32 $1.442695020e+00, v0;
	_ =	sdelay $0x1  }
0x18c: {  	(erf) = vpow2.f32 v0;
	_ =	sdelay $0x1  }
0x18d: {  	v0 =	vld [tilespmem:s30+$0x5720]  }
0x18e: {  	v1 =	vld [tilespmem:s30+$0x4F20];
	_ =	sdelay $0x5  }
0x18f: {  	v2 =	vpop (erf)  }
0x190: {  	[tilespmem:s30+$0x6710] =	vst v2;
	v2 =	vld [tilespmem:s30+$0x5F20]  }
0x191: {  	v1 =	vld.idx.msk [tilespmem:v1+s1+$0x0], $0xffff  }
0x192: {  	v0 =	vld.idx.msk [tilespmem:v0+s20+$0x0], $0xffff;
	_ =	sdelay $0x5  }
0x193: {  	v0 =	vadd.f32 v0, v1;
	_ =	sdelay $0x1  }
0x194: {  	v0 =	vadd.f32 v0, v2;
	_ =	sdelay $0x1  }
0x195: {  	vm0 =	vgt.f32 v0, $0.0e+00;
	v1 =	vmul.f32 $2.000000030e-01, v0;
	_ =	sdelay $0x1  }
0x196: {  	v0 =	vsel vm0, v0, v1  }
0x197: {  	v0 =	vsub.f32 $0.0e+00, v0;
	_ =	sdelay $0x1  }
0x198: {  	v0 =	vmul.f32 $1.442695020e+00, v0;
	_ =	sdelay $0x1  }
0x199: {  	(erf) = vpow2.f32 v0;
	_ =	sdelay $0x1  }
0x19a: {  	v0 =	vld [tilespmem:s30+$0x5730]  }
0x19b: {  	v1 =	vld [tilespmem:s30+$0x4F30];
	_ =	sdelay $0x5  }
0x19c: {  	v2 =	vpop (erf)  }
0x19d: {  	[tilespmem:s30+$0x6720] =	vst v2;
	v2 =	vld [tilespmem:s30+$0x5F30]  }
0x19e: {  	v1 =	vld.idx.msk [tilespmem:v1+s1+$0x0], $0xffff  }
0x19f: {  	v0 =	vld.idx.msk [tilespmem:v0+s20+$0x0], $0xffff;
	_ =	sdelay $0x5  }
0x1a0: {  	v0 =	vadd.f32 v0, v1;
	_ =	sdelay $0x1  }
0x1a1: {  	v0 =	vadd.f32 v0, v2;
	_ =	sdelay $0x1  }
0x1a2: {  	vm0 =	vgt.f32 v0, $0.0e+00;
	v1 =	vmul.f32 $2.000000030e-01, v0;
	_ =	sdelay $0x1  }
0x1a3: {  	v0 =	vsel vm0, v0, v1  }
0x1a4: {  	v0 =	vsub.f32 $0.0e+00, v0;
	_ =	sdelay $0x1  }
0x1a5: {  	v0 =	vmul.f32 $1.442695020e+00, v0;
	_ =	sdelay $0x1  }
0x1a6: {  	(erf) = vpow2.f32 v0;
	_ =	sdelay $0x1  }
0x1a7: {  	v0 =	vld [tilespmem:s30+$0x5740]  }
0x1a8: {  	v1 =	vld [tilespmem:s30+$0x4F40];
	_ =	sdelay $0x5  }
0x1a9: {  	v2 =	vpop (erf)  }
0x1aa: {  	[tilespmem:s30+$0x6730] =	vst v2;
	v2 =	vld [tilespmem:s30+$0x5F40]  }
0x1ab: {  	v1 =	vld.idx.msk [tilespmem:v1+s1+$0x0], $0xffff  }
0x1ac: {  	v0 =	vld.idx.msk [tilespmem:v0+s20+$0x0], $0xffff;
	_ =	sdelay $0x5  }
0x1ad: {  	v0 =	vadd.f32 v0, v1;
	_ =	sdelay $0x1  }
0x1ae: {  	v0 =	vadd.f32 v0, v2;
	_ =	sdelay $0x1  }
0x1af: {  	vm0 =	vgt.f32 v0, $0.0e+00;
	v1 =	vmul.f32 $2.000000030e-01, v0;
	_ =	sdelay $0x1  }
0x1b0: {  	v0 =	vsel vm0, v0, v1  }
0x1b1: {  	v0 =	vsub.f32 $0.0e+00, v0;
	_ =	sdelay $0x1  }
0x1b2: {  	v0 =	vmul.f32 $1.442695020e+00, v0;
	_ =	sdelay $0x1  }
.Ltmp2:
0x1b3: {  	(erf) = vpow2.f32 v0;
	(pc) =	sbr.rel @p0 .LBB2_7-.Ltmp2, $4  }
0x1b4: {  	_ = 	snop  }
0x1b5: {  	s10 =	sshra.s32 s0, $0x2  }
0x1b6: {  	v0 =	vld [tilespmem:s10+$0x4F00]  }
0x1b7: {  	v1 =	vld [tilespmem:s10+$0x5700]  }
0x1b8: {  	_ =	sdelay $0x4  }
0x1b9: {  	v2 =	vpop (erf)  }
0x1ba: {  	[tilespmem:s30+$0x6740] =	vst v2  }
0x1bb: {  	v0 =	vld.idx.msk [tilespmem:v0+s1+$0x0], $0xffff  }
0x1bc: {  	v1 =	vld.idx.msk [tilespmem:v1+s20+$0x0], $0xffff;
	_ =	sdelay $0x1  }
0x1bd: {  	v2 =	vld [tilespmem:s10+$0x5F00];
	_ =	sdelay $0x2  }
0x1be: {  	v0 =	vadd.f32 v1, v0;
	_ =	sdelay $0x1  }
0x1bf: {  	v0 =	vadd.f32 v0, v2;
	_ =	sdelay $0x1  }
0x1c0: {  	v43 =	vmul.f32 $2.000000030e-01, v0  }
0x1c1: {  	vm0 =	vgt.f32 v0, $0.0e+00  }
0x1c2: {  	v0 =	vsel vm0, v0, v43  }
0x1c3: {  	v0 =	vsub.f32 $0.0e+00, v0;
	_ =	sdelay $0x1  }
0x1c4: {  	v0 =	vmul.f32 $1.442695020e+00, v0;
	_ =	sdelay $0x1  }
0x1c5: {  	(erf) = vpow2.f32 v0;
	_ =	sdelay $0x2  }
0x1c6: {  	v44 =	vld [tilespmem:s10+$0x4F10]  }
0x1c7: {  	v45 =	vld [tilespmem:s10+$0x5710];
	_ =	sdelay $0x4  }
0x1c8: {  	v46 =	vpop (erf)  }
0x1c9: {  	[tilespmem:s10+$0x6700] =	vst v46  }
0x1ca: {  	v0 =	vld.idx.msk [tilespmem:v44+s1+$0x0], $0xffff  }
0x1cb: {  	v1 =	vld.idx.msk [tilespmem:v45+s20+$0x0], $0xffff;
	_ =	sdelay $0x1  }
0x1cc: {  	v47 =	vld [tilespmem:s10+$0x5F10];
	_ =	sdelay $0x2  }
0x1cd: {  	v0 =	vadd.f32 v1, v0;
	_ =	sdelay $0x1  }
0x1ce: {  	v0 =	vadd.f32 v0, v47;
	_ =	sdelay $0x1  }
0x1cf: {  	v48 =	vmul.f32 $2.000000030e-01, v0  }
0x1d0: {  	vm12 =	vgt.f32 v0, $0.0e+00  }
0x1d1: {  	v0 =	vsel vm12, v0, v48  }
0x1d2: {  	v0 =	vsub.f32 $0.0e+00, v0;
	_ =	sdelay $0x1  }
0x1d3: {  	v0 =	vmul.f32 $1.442695020e+00, v0;
	_ =	sdelay $0x1  }
0x1d4: {  	(erf) = vpow2.f32 v0;
	_ =	sdelay $0x2  }
0x1d5: {  	v49 =	vld [tilespmem:s10+$0x4F20]  }
0x1d6: {  	v50 =	vld [tilespmem:s10+$0x5720];
	_ =	sdelay $0x4  }
0x1d7: {  	v51 =	vpop (erf)  }
0x1d8: {  	[tilespmem:s10+$0x6710] =	vst v51  }
0x1d9: {  	v0 =	vld.idx.msk [tilespmem:v49+s1+$0x0], $0xffff  }
0x1da: {  	v1 =	vld.idx.msk [tilespmem:v50+s20+$0x0], $0xffff;
	_ =	sdelay $0x1  }
0x1db: {  	v52 =	vld [tilespmem:s10+$0x5F20];
	_ =	sdelay $0x2  }
0x1dc: {  	v0 =	vadd.f32 v1, v0;
	_ =	sdelay $0x1  }
0x1dd: {  	v0 =	vadd.f32 v0, v52;
	_ =	sdelay $0x1  }
0x1de: {  	v53 =	vmul.f32 $2.000000030e-01, v0  }
0x1df: {  	vm13 =	vgt.f32 v0, $0.0e+00  }
0x1e0: {  	v0 =	vsel vm13, v0, v53  }
0x1e1: {  	v0 =	vsub.f32 $0.0e+00, v0;
	_ =	sdelay $0x1  }
0x1e2: {  	v0 =	vmul.f32 $1.442695020e+00, v0;
	_ =	sdelay $0x1  }
0x1e3: {  	(erf) = vpow2.f32 v0;
	_ =	sdelay $0x2  }
0x1e4: {  	v54 =	vld [tilespmem:s10+$0x4F30]  }
0x1e5: {  	v55 =	vld [tilespmem:s10+$0x5730];
	_ =	sdelay $0x4  }
0x1e6: {  	v56 =	vpop (erf)  }
0x1e7: {  	[tilespmem:s10+$0x6720] =	vst v56  }
0x1e8: {  	v0 =	vld.idx.msk [tilespmem:v54+s1+$0x0], $0xffff  }
0x1e9: {  	v1 =	vld.idx.msk [tilespmem:v55+s20+$0x0], $0xffff;
	_ =	sdelay $0x1  }
0x1ea: {  	v57 =	vld [tilespmem:s10+$0x5F30];
	_ =	sdelay $0x2  }
0x1eb: {  	v0 =	vadd.f32 v1, v0;
	_ =	sdelay $0x1  }
0x1ec: {  	v0 =	vadd.f32 v0, v57;
	_ =	sdelay $0x1  }
0x1ed: {  	v58 =	vmul.f32 $2.000000030e-01, v0  }
0x1ee: {  	vm14 =	vgt.f32 v0, $0.0e+00  }
0x1ef: {  	v0 =	vsel vm14, v0, v58  }
0x1f0: {  	v0 =	vsub.f32 $0.0e+00, v0;
	_ =	sdelay $0x1  }
0x1f1: {  	v0 =	vmul.f32 $1.442695020e+00, v0;
	_ =	sdelay $0x1  }
0x1f2: {  	(erf) = vpow2.f32 v0;
	_ =	sdelay $0x2  }
0x1f3: {  	v59 =	vld [tilespmem:s10+$0x4F40]  }
0x1f4: {  	v60 =	vld [tilespmem:s10+$0x5740];
	_ =	sdelay $0x4  }
0x1f5: {  	v61 =	vpop (erf)  }
0x1f6: {  	[tilespmem:s10+$0x6730] =	vst v61  }
0x1f7: {  	v0 =	vld.idx.msk [tilespmem:v59+s1+$0x0], $0xffff  }
0x1f8: {  	v1 =	vld.idx.msk [tilespmem:v60+s20+$0x0], $0xffff;
	_ =	sdelay $0x1  }
0x1f9: {  	v62 =	vld [tilespmem:s10+$0x5F40];
	_ =	sdelay $0x2  }
0x1fa: {  	v0 =	vadd.f32 v1, v0;
	_ =	sdelay $0x1  }
0x1fb: {  	v0 =	vadd.f32 v0, v62;
	_ =	sdelay $0x1  }
0x1fc: {  	v63 =	vmul.f32 $2.000000030e-01, v0  }
0x1fd: {  	vm15 =	vgt.f32 v0, $0.0e+00  }
0x1fe: {  	v0 =	vsel vm15, v0, v63  }
0x1ff: {  	v0 =	vsub.f32 $0.0e+00, v0;
	_ =	sdelay $0x1  }
0x200: {  	v0 =	vmul.f32 $1.442695020e+00, v0;
	_ =	sdelay $0x1  }
0x201: {  	(erf) = vpow2.f32 v0;
	_ =	sdelay $0x7  }
0x202: {  	s28 =	sadd.s32 $0x1, s28  }
0x203: {  	p0 =	sne.s32 s28, s17;
	v0 =	vpop (erf)  }
.Ltmp3:
0x204: {  	s0 =	sadd.s32 s14, s29;
	[tilespmem:s10+$0x6740] =	vst v0;
	(pc) =	sbr.rel @p0 .LBB2_6-.Ltmp3, $4  }
0x205: {  	[hbm4b:s0+s1] =	stream.linear.scatter [tilespmem:s24], [sflag:$0x1], $0x7D0, $0x38;
	[tilespmem:$0x6F00] =	vst v63  }
0x206: {  	_ =	swait.ge [sflag:s19], $0x7D0  }
0x207: {  	[sflag:s19] =	ssyncset.done $0x0  }
0x208: {  	[sflag:s19] =	ssyncadd.s32 $0xFFFFF830  }
0x209: {  	s25 =	sadd.s32 $0x1, s25  }
0x20a: {  	p0 =	sne.s32 s25, s18  }
.Ltmp4:
0x20b: {  	_ = 	snop;
	(pc) =	sbr.rel @p0 .LBB2_1-.Ltmp4, $1  }
0x20c: {  	_ =	sdelay $0x3  }
0x20d: {  	_ =	sfence.sel $0x180000  }
0x20e: {  	[bflag:$0x0] =	sbarrier.arrive $0xFFFF  }
0x20f: {  	_ =	strace $0x90000047  }
0x210: {  	s0 =	stileid.u32;
	[bflag:$0x2] =	sbarrier.arrive $0xFFFF  }
0x211: {  	p0 =	sne.s32 s0, $0x0;
	s0 =	rddreg [dreg:$0x1]  }
0x212: {  	s0 =	sadd.s32 @!p0 $0x100000, s0  }
0x213: {  	[sflag:s0] =	ssyncadd.tile.s32 @!p0 $0x1;
	_ =	shalt  }
.Lfunc_end2:
_tile_overlayer_lowered:
.L_overlay_start_2:
0x214: {  	(tag) =	ssettag $0x2  }
0x215: {  	s0 =	rddreg [dreg:$0x0];
	s2 =	stileid.u32  }
0x216: {  	s1 =	rddreg [dreg:$0x1];
	p0 =	sne.s32 s2, $0x0  }
0x217: {  	s3 =	rddreg [dreg:$0x2];
	[bflag:$0x3] =	sbarrier.arrive $0xFFFF;
	s2 =	simm.s32 @!p0 $0x1C01  }
0x218: {  	[timem:s3], [sflag:s2] =	dma.local @!p0 [hbm:s0], s1  }
0x219: {  	s0 =	simm.s32 @!p0 $0x1  }
0x21a: {  	_ =	swait.ge @!p0 [sflag:s0], s1  }
0x21b: {  	s1 =	ssub.s32 @!p0 $0x0, s1;
	[sflag:s0] =	ssyncset.done @!p0 $0x0  }
0x21c: {  	[sflag:s0] =	ssyncadd.s32 @!p0 s1  }
0x21d: {  	[bflag:$0x3] =	sbarrier.arrive $0xFFFF  }
0x21e: {  	_ =	shalt  }

</sc_bundles>
